<compile_context>
chip_gen: v7x
topology: tpu7x:2x2x1
jax: 0.10.2.dev20260603
libtpu: 0.0.44.dev20260713+nightly
codegen_flags: <defaults>
</compile_context>

<pallas_src>
import functools

import jax
import jax.numpy as jnp
from jax import lax
from jax.experimental import pallas as pl
from jax.experimental.pallas import tpu as pltpu
from jax.experimental.pallas import tpu_sc as plsc

_N_PTS = 16384
_N_NODES = 4096
_K = 20
_THRESH = 0.00021
_P = 512
_TRUNC = -4096

_NC = 2
_NS = 16
_NW = _NC * _NS
_PPW = _N_PTS // _NW
_CH = 128
_NCH = _PPW // _CH
_GL = 128
_NG = (_CH * _K) // _GL
_L = 16


def _tc_body(ptsT_ref, vd8_ref, rt9_ref, g_ref, t_ref,
             idxT_ref, wT_ref, v0T_ref, table_ref, packed_ref):
    p0 = ptsT_ref[0:1, :]
    p1 = ptsT_ref[1:2, :]
    p2 = ptsT_ref[2:3, :]
    n0 = vd8_ref[:, 0:1]
    n1 = vd8_ref[:, 1:2]
    n2 = vd8_ref[:, 2:3]

    pp = p0 * p0 + p1 * p1 + p2 * p2
    vv = n0 * n0 + n1 * n1 + n2 * n2
    pv = lax.dot_general(vd8_ref[...], ptsT_ref[...], (((1,), (0,)), ((), ())),
                         preferred_element_type=jnp.float32)
    d2 = (pp - 2.0 * pv) + vv

    bits = lax.bitcast_convert_type(d2, jnp.int32)
    rows = lax.broadcasted_iota(jnp.int32, (_N_NODES, _P), 0)
    packed_ref[...] = lax.bitcast_convert_type((bits & _TRUNC) | rows,
                                               jnp.float32)

    vals, idxs = [], []
    m = None
    inf = jnp.float32(jnp.inf)
    for k in range(_K):
        pk = packed_ref[...]
        if k == 0:
            m = jnp.min(pk, axis=0, keepdims=True)
        else:
            m = jnp.min(jnp.where(pk > m, pk, inf), axis=0, keepdims=True)
        mb = lax.bitcast_convert_type(m, jnp.int32)
        vals.append(lax.bitcast_convert_type(mb & _TRUNC, jnp.float32))
        idxs.append(mb & 4095)

    vmax = vals[-1]
    inv_vmax = 1.0 / vmax
    w_un = [jnp.square(1.0 - v * inv_vmax) for v in vals]
    z = functools.reduce(lambda a, b: a + b, w_un)
    inv_z = 1.0 / z

    idxT_ref[...] = jnp.concatenate(idxs, axis=0)
    wT_ref[...] = jnp.concatenate([w * inv_z for w in w_un], axis=0)
    v0T_ref[...] = vals[0]

    @pl.when(pl.program_id(0) == 0)
    def _():
        rt9 = rt9_ref[...]
        s = [g_ref[:, j:j + 1] + t_ref[:, j:j + 1] for j in range(3)]
        c_cols = [
            g_ref[:, i:i + 1]
            - (rt9[:, 3 * i:3 * i + 1] * s[0]
               + rt9[:, 3 * i + 1:3 * i + 2] * s[1]
               + rt9[:, 3 * i + 2:3 * i + 3] * s[2])
            for i in range(3)
        ]
        zero = jnp.zeros((_N_NODES, 4), jnp.float32)
        table_ref[...] = jnp.concatenate([rt9] + c_cols + [zero], axis=1)


def _tc_stage(ptsT, vd8, rt9, g, t):
    grid = _N_PTS // _P
    return pl.pallas_call(
        _tc_body,
        grid=(grid,),
        in_specs=[
            pl.BlockSpec((8, _P), lambda b: (0, b)),
            pl.BlockSpec((_N_NODES, 8), lambda b: (0, 0)),
            pl.BlockSpec((_N_NODES, 9), lambda b: (0, 0)),
            pl.BlockSpec((_N_NODES, 3), lambda b: (0, 0)),
            pl.BlockSpec((_N_NODES, 3), lambda b: (0, 0)),
        ],
        out_specs=[
            pl.BlockSpec((_K, _P), lambda b: (0, b)),
            pl.BlockSpec((_K, _P), lambda b: (0, b)),
            pl.BlockSpec((1, _P), lambda b: (0, b)),
            pl.BlockSpec((_N_NODES, 16), lambda b: (0, 0)),
        ],
        out_shape=[
            jax.ShapeDtypeStruct((_K, _N_PTS), jnp.int32),
            jax.ShapeDtypeStruct((_K, _N_PTS), jnp.float32),
            jax.ShapeDtypeStruct((1, _N_PTS), jnp.float32),
            jax.ShapeDtypeStruct((_N_NODES, 16), jnp.float32),
        ],
        scratch_shapes=[
            pltpu.VMEM((_N_NODES, _P), jnp.float32),
        ],
    )(ptsT, vd8, rt9, g, t)


def _sc_body(table_hbm, idx_hbm, rows_hbm, idx_v, rows_v, sem):
    wid = lax.axis_index("c") * _NS + lax.axis_index("s")

    for c in range(_NCH):
        base = (wid * _PPW + c * _CH) * _K
        pltpu.sync_copy(idx_hbm.at[pl.ds(base, _CH * _K)], idx_v)
        copies = [
            pltpu.async_copy(
                table_hbm.at[idx_v.at[pl.ds(j * _GL, _GL)]],
                rows_v.at[pl.ds(j * _GL, _GL)], sem)
            for j in range(_NG)
        ]
        for cp in copies:
            cp.wait()
        pltpu.sync_copy(rows_v, rows_hbm.at[pl.ds(base, _CH * _K)])


def _sc_stage(table, idxf):
    mesh = plsc.VectorSubcoreMesh(core_axis_name="c", subcore_axis_name="s")
    run = functools.partial(
        pl.kernel, mesh=mesh,
        compiler_params=pltpu.CompilerParams(use_tc_tiling_on_sc=False),
        out_type=jax.ShapeDtypeStruct((_N_PTS * _K, 16), jnp.float32),
        scratch_types=[
            pltpu.VMEM((_CH * _K,), jnp.int32),
            pltpu.VMEM((_CH * _K, 16), jnp.float32),
            pltpu.SemaphoreType.DMA,
        ],
    )(_sc_body)
    return run(table, idxf)


_P3 = 512


def _blend_body(rows_ref, w_ref, v0_ref, pts_ref, pout_ref, rout_ref):
    w = w_ref[...]
    acc = None
    for k in range(_K):
        wk = w[:, k:k + 1]
        term = rows_ref[:, 16 * k:16 * k + 16] * wk
        acc = term if acc is None else acc + term
    rb = acc[:, 0:9]
    pts = pts_ref[...]
    p0 = pts[:, 0:1]
    p1 = pts[:, 1:2]
    p2 = pts[:, 2:3]
    p_out = []
    for i in range(3):
        pr = (rb[:, 3 * i:3 * i + 1] * p0
              + rb[:, 3 * i + 1:3 * i + 2] * p1
              + rb[:, 3 * i + 2:3 * i + 3] * p2)
        p_out.append(pr + acc[:, 9 + i:10 + i])
    p_out[0] = jnp.where(v0_ref[...] > _THRESH, jnp.float32(1e9), p_out[0])
    pout_ref[...] = jnp.concatenate(p_out, axis=1)
    rout_ref[...] = rb


def _blend_stage(rows2, w, v0, pts8):
    grid = _N_PTS // _P3
    return pl.pallas_call(
        _blend_body,
        grid=(grid,),
        in_specs=[
            pl.BlockSpec((_P3, 16 * _K), lambda b: (b, 0)),
            pl.BlockSpec((_P3, _K), lambda b: (b, 0)),
            pl.BlockSpec((_P3, 1), lambda b: (b, 0)),
            pl.BlockSpec((_P3, 8), lambda b: (b, 0)),
        ],
        out_specs=[
            pl.BlockSpec((_P3, 3), lambda b: (b, 0)),
            pl.BlockSpec((_P3, 9), lambda b: (b, 0)),
        ],
        out_shape=[
            jax.ShapeDtypeStruct((_N_PTS, 3), jnp.float32),
            jax.ShapeDtypeStruct((_N_PTS, 9), jnp.float32),
        ],
    )(rows2, w, v0, pts8)


def kernel(inputs, vd, R, g, t):
    pts8 = jnp.zeros((_N_PTS, 8), jnp.float32).at[:, :3].set(inputs[:, :3])
    ptsT = jnp.zeros((8, _N_PTS), jnp.float32).at[:3, :].set(inputs[:, :3].T)
    vd8 = jnp.zeros((_N_NODES, 8), jnp.float32).at[:, :3].set(vd)
    rt9 = jnp.swapaxes(R, 1, 2).reshape(_N_NODES, 9)

    idxT, wT, v0T, table = _tc_stage(ptsT, vd8, rt9, g, t)
    rows = _sc_stage(table, idxT.T.reshape(-1))
    rows2 = rows.reshape(_N_PTS, _K * 16)
    p_blend, rout = _blend_stage(rows2, wT.T, v0T.T, pts8)
    return p_blend, rout.reshape(_N_PTS, 3, 3)

# --- scband reference (transcript-rebuilt; emitter-appended) ---
"""Pipeline reference for scband-deformation-graph-61942018343649 (READ-ONLY COPY).

The authoritative reference and input builder live on the scoring server;
editing this copy changes nothing except your own understanding.
"""

import jax, jax.numpy as jnp
import numpy as np

N_PTS = 16384
N_NODES = 4096
KNN_K = 20
DIS_THRESH = 0.00021


def setup_inputs(seed: int = 0) -> dict:
    key = jax.random.key(seed)
    k1, k2, k3, k4, k5 = jax.random.split(key, 5)
    inputs = jax.random.normal(k1, (N_PTS, 51), dtype=jnp.float32)
    vd = jax.random.normal(k2, (N_NODES, 3), dtype=jnp.float32)
    # per-node rotations: near-identity 3x3 matrices (stand-in for loaded dg checkpoint)
    R = jnp.eye(3, dtype=jnp.float32)[None, :, :] + 0.1 * jax.random.normal(k3, (N_NODES, 3, 3), dtype=jnp.float32)
    g = jax.random.normal(k4, (N_NODES, 3), dtype=jnp.float32)
    t = 0.1 * jax.random.normal(k5, (N_NODES, 3), dtype=jnp.float32)
    return {"inputs": inputs, "vd": vd, "R": R, "g": g, "t": t}


def _Rx(R, x):
    # torch: (R * x.unsqueeze(-2)).sum(-1)  == batched R @ x
    return jnp.sum(R * x[..., None, :], axis=-1)


def reference(inputs, vd, R, g, t):
    pts = inputs[:, :3]
    # positional_encoding = inputs[:, 3:]  (extracted but unused downstream, as in source)
    # brute-force KNN (pytorch3d ops.knn_points returns SQUARED distances, ascending)
    d2 = (jnp.sum(pts * pts, axis=1, keepdims=True)
          - 2.0 * (pts @ vd.T)
          + jnp.sum(vd * vd, axis=1)[None, :])
    neg_d2, min_id = jax.lax.top_k(-d2, KNN_K)
    min_dis = -neg_d2  # [N, K] squared dists, ascending
    # deform_forward_K
    dis_max = jnp.max(min_dis, axis=-1, keepdims=True)
    w = jnp.square(1.0 - min_dis / dis_max)
    w = w / jnp.sum(w, axis=-1, keepdims=True)
    R_gath = R[min_id]                      # [N, K, 3, 3]
    R_inv = jnp.swapaxes(R_gath, -1, -2)    # transpose(-1, -2)
    g_gath = g[min_id]                      # [N, K, 3]
    t_gath = t[min_id]                      # [N, K, 3]
    x = pts[:, None, :] - g_gath - t_gath   # [N, K, 3]
    p = _Rx(R_inv, x) + g_gath              # [N, K, 3]
    p_blend = jnp.sum(p * w[:, :, None], axis=1)              # [N, 3]
    R_blend = jnp.sum(R_inv * w[:, :, None, None], axis=1)    # [N, 3, 3]
    # pts_deformed[:, 0][min_dis[:, 0] > 0.00021] = 1e9
    mask = min_dis[:, 0] > DIS_THRESH
    p_blend = p_blend.at[:, 0].set(jnp.where(mask, jnp.float32(1e9), p_blend[:, 0]))
    return p_blend, R_blend

if __name__ == "__main__":
    import jax
    _d = setup_inputs()
    print(jax.jit(kernel)(*tuple(_d.values())))

</pallas_src>

<mosaic_0001>
#map = affine_map<(d0, d1) -> (0, 0)>
#map1 = affine_map<(d0, d1) -> (0)>
module attributes {stable_mosaic.version = 14 : i64} {
  func.func @_sc_body(%arg0: i32, %arg1: i32, %arg2: memref<4096x16xf32, #tpu.memory_space<hbm>>, %arg3: memref<327680xi32, #tpu.memory_space<hbm>>, %arg4: memref<327680x16xf32, #tpu.memory_space<hbm>>, %arg5: memref<2560xi32, #tpu.memory_space<vmem>>, %arg6: memref<2560x16xf32, #tpu.memory_space<vmem>>, %arg7: memref<!tpu.dma_semaphore, #tpu.memory_space<semaphore_mem>>) attributes {dimension_semantics = [#tpu.dimension_semantics<core_parallel>, #tpu.dimension_semantics<subcore_parallel>], iteration_bounds = array<i64: 2, 16>, scalar_prefetch = 0 : i64, scratch_operands = 3 : i64, tpu.core_type = #tpu.core_type<sc_vector_subcore>, window_params = [{transform_indices = #map}, {transform_indices = #map1}, {transform_indices = #map}]} {
    %mul3A = arith.constant 16 : i32
    %mul3A_0 = arith.muli %arg0, %mul3A : i32
    %add3A = arith.addi %mul3A_0, %arg1 : i32
    %mul3A_1 = arith.constant 512 : i32
    %mul3A_2 = arith.muli %add3A, %mul3A_1 : i32
    %add3A_3 = arith.constant 0 : i32
    %add3A_4 = arith.addi %mul3A_2, %add3A_3 : i32
    %mul3A_5 = arith.constant 20 : i32
    %mul3A_6 = arith.muli %add3A_4, %mul3A_5 : i32
    "tpu.region"() ({
      %run_scoped3A = tpu.sem_alloc : memref<!tpu.dma_semaphore, #tpu.memory_space<semaphore_mem>>
      %dma_start3A_1303 = tpu.memref_slice %arg3[%mul3A_6] : memref<327680xi32, #tpu.memory_space<hbm>> -> memref<2560xi32, #tpu.memory_space<hbm>>
      %dma_start3A_1304 = tpu.memref_slice %arg3[%mul3A_6] : memref<327680xi32, #tpu.memory_space<hbm>> -> memref<2560xi32, #tpu.memory_space<hbm>>
      tpu.enqueue_dma source(%dma_start3A_1304 : memref<2560xi32, #tpu.memory_space<hbm>>) target(%arg5 : memref<2560xi32, #tpu.memory_space<vmem>>) target_semaphore(%run_scoped3A : memref<!tpu.dma_semaphore, #tpu.memory_space<semaphore_mem>>)
      %dma_wait3A_1305 = tpu.memref_slice %arg3[%mul3A_6] : memref<327680xi32, #tpu.memory_space<hbm>> -> memref<2560xi32, #tpu.memory_space<hbm>>
      %dma_wait3A_1306 = tpu.memref_slice %arg3[%mul3A_6] : memref<327680xi32, #tpu.memory_space<hbm>> -> memref<2560xi32, #tpu.memory_space<hbm>>
      tpu.wait_dma2 semaphore(%run_scoped3A : memref<!tpu.dma_semaphore, #tpu.memory_space<semaphore_mem>>) src(%dma_wait3A_1306 : memref<2560xi32, #tpu.memory_space<hbm>>) dst(%arg5 : memref<2560xi32, #tpu.memory_space<vmem>>)
      tpu.yield
    }) : () -> ()
    %dma_start3A = arith.constant 0 : i32
    %dma_start3A_7 = arith.constant 0 : i32
    %dma_start3A_8 = tpu.memref_slice %arg6[%dma_start3A, %dma_start3A_7] : memref<2560x16xf32, #tpu.memory_space<vmem>> -> memref<128x16xf32, #tpu.memory_space<vmem>>
    %dma_start3A_9 = arith.constant 0 : i32
    %dma_start3A_10 = tpu.memref_slice %arg5[%dma_start3A_9] : memref<2560xi32, #tpu.memory_space<vmem>> -> memref<128xi32, #tpu.memory_space<vmem>>
    %dma_start3A_11 = arith.constant 0 : i32
    %dma_start3A_12 = arith.constant 0 : i32
    %dma_start3A_13 = tpu.memref_slice %arg2[%dma_start3A_11, %dma_start3A_12] : memref<4096x16xf32, #tpu.memory_space<hbm>> -> memref<4096x16xf32, #tpu.memory_space<hbm>>
    tpu.enqueue_indirect_dma source(%dma_start3A_13 : memref<4096x16xf32, #tpu.memory_space<hbm>>) target(%dma_start3A_8 : memref<128x16xf32, #tpu.memory_space<vmem>>) offsets(%dma_start3A_10 : memref<128xi32, #tpu.memory_space<vmem>>) semaphore(%arg7 : memref<!tpu.dma_semaphore, #tpu.memory_space<semaphore_mem>>)
    %dma_start3A_14 = arith.constant 128 : i32
    %dma_start3A_15 = arith.constant 0 : i32
    %dma_start3A_16 = tpu.memref_slice %arg6[%dma_start3A_14, %dma_start3A_15] : memref<2560x16xf32, #tpu.memory_space<vmem>> -> memref<128x16xf32, #tpu.memory_space<vmem>>
    %dma_start3A_17 = arith.constant 128 : i32
    %dma_start3A_18 = tpu.memref_slice %arg5[%dma_start3A_17] : memref<2560xi32, #tpu.memory_space<vmem>> -> memref<128xi32, #tpu.memory_space<vmem>>
    %dma_start3A_19 = arith.constant 0 : i32
    %dma_start3A_20 = arith.constant 0 : i32
    %dma_start3A_21 = tpu.memref_slice %arg2[%dma_start3A_19, %dma_start3A_20] : memref<4096x16xf32, #tpu.memory_space<hbm>> -> memref<4096x16xf32, #tpu.memory_space<hbm>>
    tpu.enqueue_indirect_dma source(%dma_start3A_21 : memref<4096x16xf32, #tpu.memory_space<hbm>>) target(%dma_start3A_16 : memref<128x16xf32, #tpu.memory_space<vmem>>) offsets(%dma_start3A_18 : memref<128xi32, #tpu.memory_space<vmem>>) semaphore(%arg7 : memref<!tpu.dma_semaphore, #tpu.memory_space<semaphore_mem>>)
    %dma_start3A_22 = arith.constant 256 : i32
    %dma_start3A_23 = arith.constant 0 : i32
    %dma_start3A_24 = tpu.memref_slice %arg6[%dma_start3A_22, %dma_start3A_23] : memref<2560x16xf32, #tpu.memory_space<vmem>> -> memref<128x16xf32, #tpu.memory_space<vmem>>
    %dma_start3A_25 = arith.constant 256 : i32
    %dma_start3A_26 = tpu.memref_slice %arg5[%dma_start3A_25] : memref<2560xi32, #tpu.memory_space<vmem>> -> memref<128xi32, #tpu.memory_space<vmem>>
    %dma_start3A_27 = arith.constant 0 : i32
    %dma_start3A_28 = arith.constant 0 : i32
    %dma_start3A_29 = tpu.memref_slice %arg2[%dma_start3A_27, %dma_start3A_28] : memref<4096x16xf32, #tpu.memory_space<hbm>> -> memref<4096x16xf32, #tpu.memory_space<hbm>>
    tpu.enqueue_indirect_dma source(%dma_start3A_29 : memref<4096x16xf32, #tpu.memory_space<hbm>>) target(%dma_start3A_24 : memref<128x16xf32, #tpu.memory_space<vmem>>) offsets(%dma_start3A_26 : memref<128xi32, #tpu.memory_space<vmem>>) semaphore(%arg7 : memref<!tpu.dma_semaphore, #tpu.memory_space<semaphore_mem>>)
    %dma_start3A_30 = arith.constant 384 : i32
    %dma_start3A_31 = arith.constant 0 : i32
    %dma_start3A_32 = tpu.memref_slice %arg6[%dma_start3A_30, %dma_start3A_31] : memref<2560x16xf32, #tpu.memory_space<vmem>> -> memref<128x16xf32, #tpu.memory_space<vmem>>
    %dma_start3A_33 = arith.constant 384 : i32
    %dma_start3A_34 = tpu.memref_slice %arg5[%dma_start3A_33] : memref<2560xi32, #tpu.memory_space<vmem>> -> memref<128xi32, #tpu.memory_space<vmem>>
    %dma_start3A_35 = arith.constant 0 : i32
    %dma_start3A_36 = arith.constant 0 : i32
    %dma_start3A_37 = tpu.memref_slice %arg2[%dma_start3A_35, %dma_start3A_36] : memref<4096x16xf32, #tpu.memory_space<hbm>> -> memref<4096x16xf32, #tpu.memory_space<hbm>>
    tpu.enqueue_indirect_dma source(%dma_start3A_37 : memref<4096x16xf32, #tpu.memory_space<hbm>>) target(%dma_start3A_32 : memref<128x16xf32, #tpu.memory_space<vmem>>) offsets(%dma_start3A_34 : memref<128xi32, #tpu.memory_space<vmem>>) semaphore(%arg7 : memref<!tpu.dma_semaphore, #tpu.memory_space<semaphore_mem>>)
    %dma_start3A_38 = arith.constant 512 : i32
    %dma_start3A_39 = arith.constant 0 : i32
    %dma_start3A_40 = tpu.memref_slice %arg6[%dma_start3A_38, %dma_start3A_39] : memref<2560x16xf32, #tpu.memory_space<vmem>> -> memref<128x16xf32, #tpu.memory_space<vmem>>
    %dma_start3A_41 = arith.constant 512 : i32
    %dma_start3A_42 = tpu.memref_slice %arg5[%dma_start3A_41] : memref<2560xi32, #tpu.memory_space<vmem>> -> memref<128xi32, #tpu.memory_space<vmem>>
    %dma_start3A_43 = arith.constant 0 : i32
    %dma_start3A_44 = arith.constant 0 : i32
    %dma_start3A_45 = tpu.memref_slice %arg2[%dma_start3A_43, %dma_start3A_44] : memref<4096x16xf32, #tpu.memory_space<hbm>> -> memref<4096x16xf32, #tpu.memory_space<hbm>>
    tpu.enqueue_indirect_dma source(%dma_start3A_45 : memref<4096x16xf32, #tpu.memory_space<hbm>>) target(%dma_start3A_40 : memref<128x16xf32, #tpu.memory_space<vmem>>) offsets(%dma_start3A_42 : memref<128xi32, #tpu.memory_space<vmem>>) semaphore(%arg7 : memref<!tpu.dma_semaphore, #tpu.memory_space<semaphore_mem>>)
    %dma_start3A_46 = arith.constant 640 : i32
    %dma_start3A_47 = arith.constant 0 : i32
    %dma_start3A_48 = tpu.memref_slice %arg6[%dma_start3A_46, %dma_start3A_47] : memref<2560x16xf32, #tpu.memory_space<vmem>> -> memref<128x16xf32, #tpu.memory_space<vmem>>
    %dma_start3A_49 = arith.constant 640 : i32
    %dma_start3A_50 = tpu.memref_slice %arg5[%dma_start3A_49] : memref<2560xi32, #tpu.memory_space<vmem>> -> memref<128xi32, #tpu.memory_space<vmem>>
    %dma_start3A_51 = arith.constant 0 : i32
    %dma_start3A_52 = arith.constant 0 : i32
    %dma_start3A_53 = tpu.memref_slice %arg2[%dma_start3A_51, %dma_start3A_52] : memref<4096x16xf32, #tpu.memory_space<hbm>> -> memref<4096x16xf32, #tpu.memory_space<hbm>>
    tpu.enqueue_indirect_dma source(%dma_start3A_53 : memref<4096x16xf32, #tpu.memory_space<hbm>>) target(%dma_start3A_48 : memref<128x16xf32, #tpu.memory_space<vmem>>) offsets(%dma_start3A_50 : memref<128xi32, #tpu.memory_space<vmem>>) semaphore(%arg7 : memref<!tpu.dma_semaphore, #tpu.memory_space<semaphore_mem>>)
    %dma_start3A_54 = arith.constant 768 : i32
    %dma_start3A_55 = arith.constant 0 : i32
    %dma_start3A_56 = tpu.memref_slice %arg6[%dma_start3A_54, %dma_start3A_55] : memref<2560x16xf32, #tpu.memory_space<vmem>> -> memref<128x16xf32, #tpu.memory_space<vmem>>
    %dma_start3A_57 = arith.constant 768 : i32
    %dma_start3A_58 = tpu.memref_slice %arg5[%dma_start3A_57] : memref<2560xi32, #tpu.memory_space<vmem>> -> memref<128xi32, #tpu.memory_space<vmem>>
    %dma_start3A_59 = arith.constant 0 : i32
    %dma_start3A_60 = arith.constant 0 : i32
    %dma_start3A_61 = tpu.memref_slice %arg2[%dma_start3A_59, %dma_start3A_60] : memref<4096x16xf32, #tpu.memory_space<hbm>> -> memref<4096x16xf32, #tpu.memory_space<hbm>>
    tpu.enqueue_indirect_dma source(%dma_start3A_61 : memref<4096x16xf32, #tpu.memory_space<hbm>>) target(%dma_start3A_56 : memref<128x16xf32, #tpu.memory_space<vmem>>) offsets(%dma_start3A_58 : memref<128xi32, #tpu.memory_space<vmem>>) semaphore(%arg7 : memref<!tpu.dma_semaphore, #tpu.memory_space<semaphore_mem>>)
    %dma_start3A_62 = arith.constant 896 : i32
    %dma_start3A_63 = arith.constant 0 : i32
    %dma_start3A_64 = tpu.memref_slice %arg6[%dma_start3A_62, %dma_start3A_63] : memref<2560x16xf32, #tpu.memory_space<vmem>> -> memref<128x16xf32, #tpu.memory_space<vmem>>
    %dma_start3A_65 = arith.constant 896 : i32
    %dma_start3A_66 = tpu.memref_slice %arg5[%dma_start3A_65] : memref<2560xi32, #tpu.memory_space<vmem>> -> memref<128xi32, #tpu.memory_space<vmem>>
    %dma_start3A_67 = arith.constant 0 : i32
    %dma_start3A_68 = arith.constant 0 : i32
    %dma_start3A_69 = tpu.memref_slice %arg2[%dma_start3A_67, %dma_start3A_68] : memref<4096x16xf32, #tpu.memory_space<hbm>> -> memref<4096x16xf32, #tpu.memory_space<hbm>>
    tpu.enqueue_indirect_dma source(%dma_start3A_69 : memref<4096x16xf32, #tpu.memory_space<hbm>>) target(%dma_start3A_64 : memref<128x16xf32, #tpu.memory_space<vmem>>) offsets(%dma_start3A_66 : memref<128xi32, #tpu.memory_space<vmem>>) semaphore(%arg7 : memref<!tpu.dma_semaphore, #tpu.memory_space<semaphore_mem>>)
    %dma_start3A_70 = arith.constant 1024 : i32
    %dma_start3A_71 = arith.constant 0 : i32
    %dma_start3A_72 = tpu.memref_slice %arg6[%dma_start3A_70, %dma_start3A_71] : memref<2560x16xf32, #tpu.memory_space<vmem>> -> memref<128x16xf32, #tpu.memory_space<vmem>>
    %dma_start3A_73 = arith.constant 1024 : i32
    %dma_start3A_74 = tpu.memref_slice %arg5[%dma_start3A_73] : memref<2560xi32, #tpu.memory_space<vmem>> -> memref<128xi32, #tpu.memory_space<vmem>>
    %dma_start3A_75 = arith.constant 0 : i32
    %dma_start3A_76 = arith.constant 0 : i32
    %dma_start3A_77 = tpu.memref_slice %arg2[%dma_start3A_75, %dma_start3A_76] : memref<4096x16xf32, #tpu.memory_space<hbm>> -> memref<4096x16xf32, #tpu.memory_space<hbm>>
    tpu.enqueue_indirect_dma source(%dma_start3A_77 : memref<4096x16xf32, #tpu.memory_space<hbm>>) target(%dma_start3A_72 : memref<128x16xf32, #tpu.memory_space<vmem>>) offsets(%dma_start3A_74 : memref<128xi32, #tpu.memory_space<vmem>>) semaphore(%arg7 : memref<!tpu.dma_semaphore, #tpu.memory_space<semaphore_mem>>)
    %dma_start3A_78 = arith.constant 1152 : i32
    %dma_start3A_79 = arith.constant 0 : i32
    %dma_start3A_80 = tpu.memref_slice %arg6[%dma_start3A_78, %dma_start3A_79] : memref<2560x16xf32, #tpu.memory_space<vmem>> -> memref<128x16xf32, #tpu.memory_space<vmem>>
    %dma_start3A_81 = arith.constant 1152 : i32
    %dma_start3A_82 = tpu.memref_slice %arg5[%dma_start3A_81] : memref<2560xi32, #tpu.memory_space<vmem>> -> memref<128xi32, #tpu.memory_space<vmem>>
    %dma_start3A_83 = arith.constant 0 : i32
    %dma_start3A_84 = arith.constant 0 : i32
    %dma_start3A_85 = tpu.memref_slice %arg2[%dma_start3A_83, %dma_start3A_84] : memref<4096x16xf32, #tpu.memory_space<hbm>> -> memref<4096x16xf32, #tpu.memory_space<hbm>>
    tpu.enqueue_indirect_dma source(%dma_start3A_85 : memref<4096x16xf32, #tpu.memory_space<hbm>>) target(%dma_start3A_80 : memref<128x16xf32, #tpu.memory_space<vmem>>) offsets(%dma_start3A_82 : memref<128xi32, #tpu.memory_space<vmem>>) semaphore(%arg7 : memref<!tpu.dma_semaphore, #tpu.memory_space<semaphore_mem>>)
    %dma_start3A_86 = arith.constant 1280 : i32
    %dma_start3A_87 = arith.constant 0 : i32
    %dma_start3A_88 = tpu.memref_slice %arg6[%dma_start3A_86, %dma_start3A_87] : memref<2560x16xf32, #tpu.memory_space<vmem>> -> memref<128x16xf32, #tpu.memory_space<vmem>>
    %dma_start3A_89 = arith.constant 1280 : i32
    %dma_start3A_90 = tpu.memref_slice %arg5[%dma_start3A_89] : memref<2560xi32, #tpu.memory_space<vmem>> -> memref<128xi32, #tpu.memory_space<vmem>>
    %dma_start3A_91 = arith.constant 0 : i32
    %dma_start3A_92 = arith.constant 0 : i32
    %dma_start3A_93 = tpu.memref_slice %arg2[%dma_start3A_91, %dma_start3A_92] : memref<4096x16xf32, #tpu.memory_space<hbm>> -> memref<4096x16xf32, #tpu.memory_space<hbm>>
    tpu.enqueue_indirect_dma source(%dma_start3A_93 : memref<4096x16xf32, #tpu.memory_space<hbm>>) target(%dma_start3A_88 : memref<128x16xf32, #tpu.memory_space<vmem>>) offsets(%dma_start3A_90 : memref<128xi32, #tpu.memory_space<vmem>>) semaphore(%arg7 : memref<!tpu.dma_semaphore, #tpu.memory_space<semaphore_mem>>)
    %dma_start3A_94 = arith.constant 1408 : i32
    %dma_start3A_95 = arith.constant 0 : i32
    %dma_start3A_96 = tpu.memref_slice %arg6[%dma_start3A_94, %dma_start3A_95] : memref<2560x16xf32, #tpu.memory_space<vmem>> -> memref<128x16xf32, #tpu.memory_space<vmem>>
    %dma_start3A_97 = arith.constant 1408 : i32
    %dma_start3A_98 = tpu.memref_slice %arg5[%dma_start3A_97] : memref<2560xi32, #tpu.memory_space<vmem>> -> memref<128xi32, #tpu.memory_space<vmem>>
    %dma_start3A_99 = arith.constant 0 : i32
    %dma_start3A_100 = arith.constant 0 : i32
    %dma_start3A_101 = tpu.memref_slice %arg2[%dma_start3A_99, %dma_start3A_100] : memref<4096x16xf32, #tpu.memory_space<hbm>> -> memref<4096x16xf32, #tpu.memory_space<hbm>>
    tpu.enqueue_indirect_dma source(%dma_start3A_101 : memref<4096x16xf32, #tpu.memory_space<hbm>>) target(%dma_start3A_96 : memref<128x16xf32, #tpu.memory_space<vmem>>) offsets(%dma_start3A_98 : memref<128xi32, #tpu.memory_space<vmem>>) semaphore(%arg7 : memref<!tpu.dma_semaphore, #tpu.memory_space<semaphore_mem>>)
    %dma_start3A_102 = arith.constant 1536 : i32
    %dma_start3A_103 = arith.constant 0 : i32
    %dma_start3A_104 = tpu.memref_slice %arg6[%dma_start3A_102, %dma_start3A_103] : memref<2560x16xf32, #tpu.memory_space<vmem>> -> memref<128x16xf32, #tpu.memory_space<vmem>>
    %dma_start3A_105 = arith.constant 1536 : i32
    %dma_start3A_106 = tpu.memref_slice %arg5[%dma_start3A_105] : memref<2560xi32, #tpu.memory_space<vmem>> -> memref<128xi32, #tpu.memory_space<vmem>>
    %dma_start3A_107 = arith.constant 0 : i32
    %dma_start3A_108 = arith.constant 0 : i32
    %dma_start3A_109 = tpu.memref_slice %arg2[%dma_start3A_107, %dma_start3A_108] : memref<4096x16xf32, #tpu.memory_space<hbm>> -> memref<4096x16xf32, #tpu.memory_space<hbm>>
    tpu.enqueue_indirect_dma source(%dma_start3A_109 : memref<4096x16xf32, #tpu.memory_space<hbm>>) target(%dma_start3A_104 : memref<128x16xf32, #tpu.memory_space<vmem>>) offsets(%dma_start3A_106 : memref<128xi32, #tpu.memory_space<vmem>>) semaphore(%arg7 : memref<!tpu.dma_semaphore, #tpu.memory_space<semaphore_mem>>)
    %dma_start3A_110 = arith.constant 1664 : i32
    %dma_start3A_111 = arith.constant 0 : i32
    %dma_start3A_112 = tpu.memref_slice %arg6[%dma_start3A_110, %dma_start3A_111] : memref<2560x16xf32, #tpu.memory_space<vmem>> -> memref<128x16xf32, #tpu.memory_space<vmem>>
    %dma_start3A_113 = arith.constant 1664 : i32
    %dma_start3A_114 = tpu.memref_slice %arg5[%dma_start3A_113] : memref<2560xi32, #tpu.memory_space<vmem>> -> memref<128xi32, #tpu.memory_space<vmem>>
    %dma_start3A_115 = arith.constant 0 : i32
    %dma_start3A_116 = arith.constant 0 : i32
    %dma_start3A_117 = tpu.memref_slice %arg2[%dma_start3A_115, %dma_start3A_116] : memref<4096x16xf32, #tpu.memory_space<hbm>> -> memref<4096x16xf32, #tpu.memory_space<hbm>>
    tpu.enqueue_indirect_dma source(%dma_start3A_117 : memref<4096x16xf32, #tpu.memory_space<hbm>>) target(%dma_start3A_112 : memref<128x16xf32, #tpu.memory_space<vmem>>) offsets(%dma_start3A_114 : memref<128xi32, #tpu.memory_space<vmem>>) semaphore(%arg7 : memref<!tpu.dma_semaphore, #tpu.memory_space<semaphore_mem>>)
    %dma_start3A_118 = arith.constant 1792 : i32
    %dma_start3A_119 = arith.constant 0 : i32
    %dma_start3A_120 = tpu.memref_slice %arg6[%dma_start3A_118, %dma_start3A_119] : memref<2560x16xf32, #tpu.memory_space<vmem>> -> memref<128x16xf32, #tpu.memory_space<vmem>>
    %dma_start3A_121 = arith.constant 1792 : i32
    %dma_start3A_122 = tpu.memref_slice %arg5[%dma_start3A_121] : memref<2560xi32, #tpu.memory_space<vmem>> -> memref<128xi32, #tpu.memory_space<vmem>>
    %dma_start3A_123 = arith.constant 0 : i32
    %dma_start3A_124 = arith.constant 0 : i32
    %dma_start3A_125 = tpu.memref_slice %arg2[%dma_start3A_123, %dma_start3A_124] : memref<4096x16xf32, #tpu.memory_space<hbm>> -> memref<4096x16xf32, #tpu.memory_space<hbm>>
    tpu.enqueue_indirect_dma source(%dma_start3A_125 : memref<4096x16xf32, #tpu.memory_space<hbm>>) target(%dma_start3A_120 : memref<128x16xf32, #tpu.memory_space<vmem>>) offsets(%dma_start3A_122 : memref<128xi32, #tpu.memory_space<vmem>>) semaphore(%arg7 : memref<!tpu.dma_semaphore, #tpu.memory_space<semaphore_mem>>)
    %dma_start3A_126 = arith.constant 1920 : i32
    %dma_start3A_127 = arith.constant 0 : i32
    %dma_start3A_128 = tpu.memref_slice %arg6[%dma_start3A_126, %dma_start3A_127] : memref<2560x16xf32, #tpu.memory_space<vmem>> -> memref<128x16xf32, #tpu.memory_space<vmem>>
    %dma_start3A_129 = arith.constant 1920 : i32
    %dma_start3A_130 = tpu.memref_slice %arg5[%dma_start3A_129] : memref<2560xi32, #tpu.memory_space<vmem>> -> memref<128xi32, #tpu.memory_space<vmem>>
    %dma_start3A_131 = arith.constant 0 : i32
    %dma_start3A_132 = arith.constant 0 : i32
    %dma_start3A_133 = tpu.memref_slice %arg2[%dma_start3A_131, %dma_start3A_132] : memref<4096x16xf32, #tpu.memory_space<hbm>> -> memref<4096x16xf32, #tpu.memory_space<hbm>>
    tpu.enqueue_indirect_dma source(%dma_start3A_133 : memref<4096x16xf32, #tpu.memory_space<hbm>>) target(%dma_start3A_128 : memref<128x16xf32, #tpu.memory_space<vmem>>) offsets(%dma_start3A_130 : memref<128xi32, #tpu.memory_space<vmem>>) semaphore(%arg7 : memref<!tpu.dma_semaphore, #tpu.memory_space<semaphore_mem>>)
    %dma_start3A_134 = arith.constant 2048 : i32
    %dma_start3A_135 = arith.constant 0 : i32
    %dma_start3A_136 = tpu.memref_slice %arg6[%dma_start3A_134, %dma_start3A_135] : memref<2560x16xf32, #tpu.memory_space<vmem>> -> memref<128x16xf32, #tpu.memory_space<vmem>>
    %dma_start3A_137 = arith.constant 2048 : i32
    %dma_start3A_138 = tpu.memref_slice %arg5[%dma_start3A_137] : memref<2560xi32, #tpu.memory_space<vmem>> -> memref<128xi32, #tpu.memory_space<vmem>>
    %dma_start3A_139 = arith.constant 0 : i32
    %dma_start3A_140 = arith.constant 0 : i32
    %dma_start3A_141 = tpu.memref_slice %arg2[%dma_start3A_139, %dma_start3A_140] : memref<4096x16xf32, #tpu.memory_space<hbm>> -> memref<4096x16xf32, #tpu.memory_space<hbm>>
    tpu.enqueue_indirect_dma source(%dma_start3A_141 : memref<4096x16xf32, #tpu.memory_space<hbm>>) target(%dma_start3A_136 : memref<128x16xf32, #tpu.memory_space<vmem>>) offsets(%dma_start3A_138 : memref<128xi32, #tpu.memory_space<vmem>>) semaphore(%arg7 : memref<!tpu.dma_semaphore, #tpu.memory_space<semaphore_mem>>)
    %dma_start3A_142 = arith.constant 2176 : i32
    %dma_start3A_143 = arith.constant 0 : i32
    %dma_start3A_144 = tpu.memref_slice %arg6[%dma_start3A_142, %dma_start3A_143] : memref<2560x16xf32, #tpu.memory_space<vmem>> -> memref<128x16xf32, #tpu.memory_space<vmem>>
    %dma_start3A_145 = arith.constant 2176 : i32
    %dma_start3A_146 = tpu.memref_slice %arg5[%dma_start3A_145] : memref<2560xi32, #tpu.memory_space<vmem>> -> memref<128xi32, #tpu.memory_space<vmem>>
    %dma_start3A_147 = arith.constant 0 : i32
    %dma_start3A_148 = arith.constant 0 : i32
    %dma_start3A_149 = tpu.memref_slice %arg2[%dma_start3A_147, %dma_start3A_148] : memref<4096x16xf32, #tpu.memory_space<hbm>> -> memref<4096x16xf32, #tpu.memory_space<hbm>>
    tpu.enqueue_indirect_dma source(%dma_start3A_149 : memref<4096x16xf32, #tpu.memory_space<hbm>>) target(%dma_start3A_144 : memref<128x16xf32, #tpu.memory_space<vmem>>) offsets(%dma_start3A_146 : memref<128xi32, #tpu.memory_space<vmem>>) semaphore(%arg7 : memref<!tpu.dma_semaphore, #tpu.memory_space<semaphore_mem>>)
    %dma_start3A_150 = arith.constant 2304 : i32
    %dma_start3A_151 = arith.constant 0 : i32
    %dma_start3A_152 = tpu.memref_slice %arg6[%dma_start3A_150, %dma_start3A_151] : memref<2560x16xf32, #tpu.memory_space<vmem>> -> memref<128x16xf32, #tpu.memory_space<vmem>>
    %dma_start3A_153 = arith.constant 2304 : i32
    %dma_start3A_154 = tpu.memref_slice %arg5[%dma_start3A_153] : memref<2560xi32, #tpu.memory_space<vmem>> -> memref<128xi32, #tpu.memory_space<vmem>>
    %dma_start3A_155 = arith.constant 0 : i32
    %dma_start3A_156 = arith.constant 0 : i32
    %dma_start3A_157 = tpu.memref_slice %arg2[%dma_start3A_155, %dma_start3A_156] : memref<4096x16xf32, #tpu.memory_space<hbm>> -> memref<4096x16xf32, #tpu.memory_space<hbm>>
    tpu.enqueue_indirect_dma source(%dma_start3A_157 : memref<4096x16xf32, #tpu.memory_space<hbm>>) target(%dma_start3A_152 : memref<128x16xf32, #tpu.memory_space<vmem>>) offsets(%dma_start3A_154 : memref<128xi32, #tpu.memory_space<vmem>>) semaphore(%arg7 : memref<!tpu.dma_semaphore, #tpu.memory_space<semaphore_mem>>)
    %dma_start3A_158 = arith.constant 2432 : i32
    %dma_start3A_159 = arith.constant 0 : i32
    %dma_start3A_160 = tpu.memref_slice %arg6[%dma_start3A_158, %dma_start3A_159] : memref<2560x16xf32, #tpu.memory_space<vmem>> -> memref<128x16xf32, #tpu.memory_space<vmem>>
    %dma_start3A_161 = arith.constant 2432 : i32
    %dma_start3A_162 = tpu.memref_slice %arg5[%dma_start3A_161] : memref<2560xi32, #tpu.memory_space<vmem>> -> memref<128xi32, #tpu.memory_space<vmem>>
    %dma_start3A_163 = arith.constant 0 : i32
    %dma_start3A_164 = arith.constant 0 : i32
    %dma_start3A_165 = tpu.memref_slice %arg2[%dma_start3A_163, %dma_start3A_164] : memref<4096x16xf32, #tpu.memory_space<hbm>> -> memref<4096x16xf32, #tpu.memory_space<hbm>>
    tpu.enqueue_indirect_dma source(%dma_start3A_165 : memref<4096x16xf32, #tpu.memory_space<hbm>>) target(%dma_start3A_160 : memref<128x16xf32, #tpu.memory_space<vmem>>) offsets(%dma_start3A_162 : memref<128xi32, #tpu.memory_space<vmem>>) semaphore(%arg7 : memref<!tpu.dma_semaphore, #tpu.memory_space<semaphore_mem>>)
    %dma_wait3A = arith.constant 0 : i32
    %dma_wait3A_166 = arith.constant 0 : i32
    %dma_wait3A_167 = tpu.memref_slice %arg6[%dma_wait3A, %dma_wait3A_166] : memref<2560x16xf32, #tpu.memory_space<vmem>> -> memref<128x16xf32, #tpu.memory_space<vmem>>
    %dma_wait3A_168 = arith.constant 0 : i32
    %dma_wait3A_169 = tpu.memref_slice %arg5[%dma_wait3A_168] : memref<2560xi32, #tpu.memory_space<vmem>> -> memref<128xi32, #tpu.memory_space<vmem>>
    %dma_wait3A_170 = arith.constant 0 : i32
    %dma_wait3A_171 = arith.constant 0 : i32
    %dma_wait3A_172 = tpu.memref_slice %arg2[%dma_wait3A_170, %dma_wait3A_171] : memref<4096x16xf32, #tpu.memory_space<hbm>> -> memref<4096x16xf32, #tpu.memory_space<hbm>>
    tpu.wait_indirect_dma semaphore(%arg7 : memref<!tpu.dma_semaphore, #tpu.memory_space<semaphore_mem>>) src(%dma_wait3A_172 : memref<4096x16xf32, #tpu.memory_space<hbm>>) dst(%dma_wait3A_167 : memref<128x16xf32, #tpu.memory_space<vmem>>)
    %dma_wait3A_173 = arith.constant 128 : i32
    %dma_wait3A_174 = arith.constant 0 : i32
    %dma_wait3A_175 = tpu.memref_slice %arg6[%dma_wait3A_173, %dma_wait3A_174] : memref<2560x16xf32, #tpu.memory_space<vmem>> -> memref<128x16xf32, #tpu.memory_space<vmem>>
    %dma_wait3A_176 = arith.constant 128 : i32
    %dma_wait3A_177 = tpu.memref_slice %arg5[%dma_wait3A_176] : memref<2560xi32, #tpu.memory_space<vmem>> -> memref<128xi32, #tpu.memory_space<vmem>>
    %dma_wait3A_178 = arith.constant 0 : i32
    %dma_wait3A_179 = arith.constant 0 : i32
    %dma_wait3A_180 = tpu.memref_slice %arg2[%dma_wait3A_178, %dma_wait3A_179] : memref<4096x16xf32, #tpu.memory_space<hbm>> -> memref<4096x16xf32, #tpu.memory_space<hbm>>
    tpu.wait_indirect_dma semaphore(%arg7 : memref<!tpu.dma_semaphore, #tpu.memory_space<semaphore_mem>>) src(%dma_wait3A_180 : memref<4096x16xf32, #tpu.memory_space<hbm>>) dst(%dma_wait3A_175 : memref<128x16xf32, #tpu.memory_space<vmem>>)
    %dma_wait3A_181 = arith.constant 256 : i32
    %dma_wait3A_182 = arith.constant 0 : i32
    %dma_wait3A_183 = tpu.memref_slice %arg6[%dma_wait3A_181, %dma_wait3A_182] : memref<2560x16xf32, #tpu.memory_space<vmem>> -> memref<128x16xf32, #tpu.memory_space<vmem>>
    %dma_wait3A_184 = arith.constant 256 : i32
    %dma_wait3A_185 = tpu.memref_slice %arg5[%dma_wait3A_184] : memref<2560xi32, #tpu.memory_space<vmem>> -> memref<128xi32, #tpu.memory_space<vmem>>
    %dma_wait3A_186 = arith.constant 0 : i32
    %dma_wait3A_187 = arith.constant 0 : i32
    %dma_wait3A_188 = tpu.memref_slice %arg2[%dma_wait3A_186, %dma_wait3A_187] : memref<4096x16xf32, #tpu.memory_space<hbm>> -> memref<4096x16xf32, #tpu.memory_space<hbm>>
    tpu.wait_indirect_dma semaphore(%arg7 : memref<!tpu.dma_semaphore, #tpu.memory_space<semaphore_mem>>) src(%dma_wait3A_188 : memref<4096x16xf32, #tpu.memory_space<hbm>>) dst(%dma_wait3A_183 : memref<128x16xf32, #tpu.memory_space<vmem>>)
    %dma_wait3A_189 = arith.constant 384 : i32
    %dma_wait3A_190 = arith.constant 0 : i32
    %dma_wait3A_191 = tpu.memref_slice %arg6[%dma_wait3A_189, %dma_wait3A_190] : memref<2560x16xf32, #tpu.memory_space<vmem>> -> memref<128x16xf32, #tpu.memory_space<vmem>>
    %dma_wait3A_192 = arith.constant 384 : i32
    %dma_wait3A_193 = tpu.memref_slice %arg5[%dma_wait3A_192] : memref<2560xi32, #tpu.memory_space<vmem>> -> memref<128xi32, #tpu.memory_space<vmem>>
    %dma_wait3A_194 = arith.constant 0 : i32
    %dma_wait3A_195 = arith.constant 0 : i32
    %dma_wait3A_196 = tpu.memref_slice %arg2[%dma_wait3A_194, %dma_wait3A_195] : memref<4096x16xf32, #tpu.memory_space<hbm>> -> memref<4096x16xf32, #tpu.memory_space<hbm>>
    tpu.wait_indirect_dma semaphore(%arg7 : memref<!tpu.dma_semaphore, #tpu.memory_space<semaphore_mem>>) src(%dma_wait3A_196 : memref<4096x16xf32, #tpu.memory_space<hbm>>) dst(%dma_wait3A_191 : memref<128x16xf32, #tpu.memory_space<vmem>>)
    %dma_wait3A_197 = arith.constant 512 : i32
    %dma_wait3A_198 = arith.constant 0 : i32
    %dma_wait3A_199 = tpu.memref_slice %arg6[%dma_wait3A_197, %dma_wait3A_198] : memref<2560x16xf32, #tpu.memory_space<vmem>> -> memref<128x16xf32, #tpu.memory_space<vmem>>
    %dma_wait3A_200 = arith.constant 512 : i32
    %dma_wait3A_201 = tpu.memref_slice %arg5[%dma_wait3A_200] : memref<2560xi32, #tpu.memory_space<vmem>> -> memref<128xi32, #tpu.memory_space<vmem>>
    %dma_wait3A_202 = arith.constant 0 : i32
    %dma_wait3A_203 = arith.constant 0 : i32
    %dma_wait3A_204 = tpu.memref_slice %arg2[%dma_wait3A_202, %dma_wait3A_203] : memref<4096x16xf32, #tpu.memory_space<hbm>> -> memref<4096x16xf32, #tpu.memory_space<hbm>>
    tpu.wait_indirect_dma semaphore(%arg7 : memref<!tpu.dma_semaphore, #tpu.memory_space<semaphore_mem>>) src(%dma_wait3A_204 : memref<4096x16xf32, #tpu.memory_space<hbm>>) dst(%dma_wait3A_199 : memref<128x16xf32, #tpu.memory_space<vmem>>)
    %dma_wait3A_205 = arith.constant 640 : i32
    %dma_wait3A_206 = arith.constant 0 : i32
    %dma_wait3A_207 = tpu.memref_slice %arg6[%dma_wait3A_205, %dma_wait3A_206] : memref<2560x16xf32, #tpu.memory_space<vmem>> -> memref<128x16xf32, #tpu.memory_space<vmem>>
    %dma_wait3A_208 = arith.constant 640 : i32
    %dma_wait3A_209 = tpu.memref_slice %arg5[%dma_wait3A_208] : memref<2560xi32, #tpu.memory_space<vmem>> -> memref<128xi32, #tpu.memory_space<vmem>>
    %dma_wait3A_210 = arith.constant 0 : i32
    %dma_wait3A_211 = arith.constant 0 : i32
    %dma_wait3A_212 = tpu.memref_slice %arg2[%dma_wait3A_210, %dma_wait3A_211] : memref<4096x16xf32, #tpu.memory_space<hbm>> -> memref<4096x16xf32, #tpu.memory_space<hbm>>
    tpu.wait_indirect_dma semaphore(%arg7 : memref<!tpu.dma_semaphore, #tpu.memory_space<semaphore_mem>>) src(%dma_wait3A_212 : memref<4096x16xf32, #tpu.memory_space<hbm>>) dst(%dma_wait3A_207 : memref<128x16xf32, #tpu.memory_space<vmem>>)
    %dma_wait3A_213 = arith.constant 768 : i32
    %dma_wait3A_214 = arith.constant 0 : i32
    %dma_wait3A_215 = tpu.memref_slice %arg6[%dma_wait3A_213, %dma_wait3A_214] : memref<2560x16xf32, #tpu.memory_space<vmem>> -> memref<128x16xf32, #tpu.memory_space<vmem>>
    %dma_wait3A_216 = arith.constant 768 : i32
    %dma_wait3A_217 = tpu.memref_slice %arg5[%dma_wait3A_216] : memref<2560xi32, #tpu.memory_space<vmem>> -> memref<128xi32, #tpu.memory_space<vmem>>
    %dma_wait3A_218 = arith.constant 0 : i32
    %dma_wait3A_219 = arith.constant 0 : i32
    %dma_wait3A_220 = tpu.memref_slice %arg2[%dma_wait3A_218, %dma_wait3A_219] : memref<4096x16xf32, #tpu.memory_space<hbm>> -> memref<4096x16xf32, #tpu.memory_space<hbm>>
    tpu.wait_indirect_dma semaphore(%arg7 : memref<!tpu.dma_semaphore, #tpu.memory_space<semaphore_mem>>) src(%dma_wait3A_220 : memref<4096x16xf32, #tpu.memory_space<hbm>>) dst(%dma_wait3A_215 : memref<128x16xf32, #tpu.memory_space<vmem>>)
    %dma_wait3A_221 = arith.constant 896 : i32
    %dma_wait3A_222 = arith.constant 0 : i32
    %dma_wait3A_223 = tpu.memref_slice %arg6[%dma_wait3A_221, %dma_wait3A_222] : memref<2560x16xf32, #tpu.memory_space<vmem>> -> memref<128x16xf32, #tpu.memory_space<vmem>>
    %dma_wait3A_224 = arith.constant 896 : i32
    %dma_wait3A_225 = tpu.memref_slice %arg5[%dma_wait3A_224] : memref<2560xi32, #tpu.memory_space<vmem>> -> memref<128xi32, #tpu.memory_space<vmem>>
    %dma_wait3A_226 = arith.constant 0 : i32
    %dma_wait3A_227 = arith.constant 0 : i32
    %dma_wait3A_228 = tpu.memref_slice %arg2[%dma_wait3A_226, %dma_wait3A_227] : memref<4096x16xf32, #tpu.memory_space<hbm>> -> memref<4096x16xf32, #tpu.memory_space<hbm>>
    tpu.wait_indirect_dma semaphore(%arg7 : memref<!tpu.dma_semaphore, #tpu.memory_space<semaphore_mem>>) src(%dma_wait3A_228 : memref<4096x16xf32, #tpu.memory_space<hbm>>) dst(%dma_wait3A_223 : memref<128x16xf32, #tpu.memory_space<vmem>>)
    %dma_wait3A_229 = arith.constant 1024 : i32
    %dma_wait3A_230 = arith.constant 0 : i32
    %dma_wait3A_231 = tpu.memref_slice %arg6[%dma_wait3A_229, %dma_wait3A_230] : memref<2560x16xf32, #tpu.memory_space<vmem>> -> memref<128x16xf32, #tpu.memory_space<vmem>>
    %dma_wait3A_232 = arith.constant 1024 : i32
    %dma_wait3A_233 = tpu.memref_slice %arg5[%dma_wait3A_232] : memref<2560xi32, #tpu.memory_space<vmem>> -> memref<128xi32, #tpu.memory_space<vmem>>
    %dma_wait3A_234 = arith.constant 0 : i32
    %dma_wait3A_235 = arith.constant 0 : i32
    %dma_wait3A_236 = tpu.memref_slice %arg2[%dma_wait3A_234, %dma_wait3A_235] : memref<4096x16xf32, #tpu.memory_space<hbm>> -> memref<4096x16xf32, #tpu.memory_space<hbm>>
    tpu.wait_indirect_dma semaphore(%arg7 : memref<!tpu.dma_semaphore, #tpu.memory_space<semaphore_mem>>) src(%dma_wait3A_236 : memref<4096x16xf32, #tpu.memory_space<hbm>>) dst(%dma_wait3A_231 : memref<128x16xf32, #tpu.memory_space<vmem>>)
    %dma_wait3A_237 = arith.constant 1152 : i32
    %dma_wait3A_238 = arith.constant 0 : i32
    %dma_wait3A_239 = tpu.memref_slice %arg6[%dma_wait3A_237, %dma_wait3A_238] : memref<2560x16xf32, #tpu.memory_space<vmem>> -> memref<128x16xf32, #tpu.memory_space<vmem>>
    %dma_wait3A_240 = arith.constant 1152 : i32
    %dma_wait3A_241 = tpu.memref_slice %arg5[%dma_wait3A_240] : memref<2560xi32, #tpu.memory_space<vmem>> -> memref<128xi32, #tpu.memory_space<vmem>>
    %dma_wait3A_242 = arith.constant 0 : i32
    %dma_wait3A_243 = arith.constant 0 : i32
    %dma_wait3A_244 = tpu.memref_slice %arg2[%dma_wait3A_242, %dma_wait3A_243] : memref<4096x16xf32, #tpu.memory_space<hbm>> -> memref<4096x16xf32, #tpu.memory_space<hbm>>
    tpu.wait_indirect_dma semaphore(%arg7 : memref<!tpu.dma_semaphore, #tpu.memory_space<semaphore_mem>>) src(%dma_wait3A_244 : memref<4096x16xf32, #tpu.memory_space<hbm>>) dst(%dma_wait3A_239 : memref<128x16xf32, #tpu.memory_space<vmem>>)
    %dma_wait3A_245 = arith.constant 1280 : i32
    %dma_wait3A_246 = arith.constant 0 : i32
    %dma_wait3A_247 = tpu.memref_slice %arg6[%dma_wait3A_245, %dma_wait3A_246] : memref<2560x16xf32, #tpu.memory_space<vmem>> -> memref<128x16xf32, #tpu.memory_space<vmem>>
    %dma_wait3A_248 = arith.constant 1280 : i32
    %dma_wait3A_249 = tpu.memref_slice %arg5[%dma_wait3A_248] : memref<2560xi32, #tpu.memory_space<vmem>> -> memref<128xi32, #tpu.memory_space<vmem>>
    %dma_wait3A_250 = arith.constant 0 : i32
    %dma_wait3A_251 = arith.constant 0 : i32
    %dma_wait3A_252 = tpu.memref_slice %arg2[%dma_wait3A_250, %dma_wait3A_251] : memref<4096x16xf32, #tpu.memory_space<hbm>> -> memref<4096x16xf32, #tpu.memory_space<hbm>>
    tpu.wait_indirect_dma semaphore(%arg7 : memref<!tpu.dma_semaphore, #tpu.memory_space<semaphore_mem>>) src(%dma_wait3A_252 : memref<4096x16xf32, #tpu.memory_space<hbm>>) dst(%dma_wait3A_247 : memref<128x16xf32, #tpu.memory_space<vmem>>)
    %dma_wait3A_253 = arith.constant 1408 : i32
    %dma_wait3A_254 = arith.constant 0 : i32
    %dma_wait3A_255 = tpu.memref_slice %arg6[%dma_wait3A_253, %dma_wait3A_254] : memref<2560x16xf32, #tpu.memory_space<vmem>> -> memref<128x16xf32, #tpu.memory_space<vmem>>
    %dma_wait3A_256 = arith.constant 1408 : i32
    %dma_wait3A_257 = tpu.memref_slice %arg5[%dma_wait3A_256] : memref<2560xi32, #tpu.memory_space<vmem>> -> memref<128xi32, #tpu.memory_space<vmem>>
    %dma_wait3A_258 = arith.constant 0 : i32
    %dma_wait3A_259 = arith.constant 0 : i32
    %dma_wait3A_260 = tpu.memref_slice %arg2[%dma_wait3A_258, %dma_wait3A_259] : memref<4096x16xf32, #tpu.memory_space<hbm>> -> memref<4096x16xf32, #tpu.memory_space<hbm>>
    tpu.wait_indirect_dma semaphore(%arg7 : memref<!tpu.dma_semaphore, #tpu.memory_space<semaphore_mem>>) src(%dma_wait3A_260 : memref<4096x16xf32, #tpu.memory_space<hbm>>) dst(%dma_wait3A_255 : memref<128x16xf32, #tpu.memory_space<vmem>>)
    %dma_wait3A_261 = arith.constant 1536 : i32
    %dma_wait3A_262 = arith.constant 0 : i32
    %dma_wait3A_263 = tpu.memref_slice %arg6[%dma_wait3A_261, %dma_wait3A_262] : memref<2560x16xf32, #tpu.memory_space<vmem>> -> memref<128x16xf32, #tpu.memory_space<vmem>>
    %dma_wait3A_264 = arith.constant 1536 : i32
    %dma_wait3A_265 = tpu.memref_slice %arg5[%dma_wait3A_264] : memref<2560xi32, #tpu.memory_space<vmem>> -> memref<128xi32, #tpu.memory_space<vmem>>
    %dma_wait3A_266 = arith.constant 0 : i32
    %dma_wait3A_267 = arith.constant 0 : i32
    %dma_wait3A_268 = tpu.memref_slice %arg2[%dma_wait3A_266, %dma_wait3A_267] : memref<4096x16xf32, #tpu.memory_space<hbm>> -> memref<4096x16xf32, #tpu.memory_space<hbm>>
    tpu.wait_indirect_dma semaphore(%arg7 : memref<!tpu.dma_semaphore, #tpu.memory_space<semaphore_mem>>) src(%dma_wait3A_268 : memref<4096x16xf32, #tpu.memory_space<hbm>>) dst(%dma_wait3A_263 : memref<128x16xf32, #tpu.memory_space<vmem>>)
    %dma_wait3A_269 = arith.constant 1664 : i32
    %dma_wait3A_270 = arith.constant 0 : i32
    %dma_wait3A_271 = tpu.memref_slice %arg6[%dma_wait3A_269, %dma_wait3A_270] : memref<2560x16xf32, #tpu.memory_space<vmem>> -> memref<128x16xf32, #tpu.memory_space<vmem>>
    %dma_wait3A_272 = arith.constant 1664 : i32
    %dma_wait3A_273 = tpu.memref_slice %arg5[%dma_wait3A_272] : memref<2560xi32, #tpu.memory_space<vmem>> -> memref<128xi32, #tpu.memory_space<vmem>>
    %dma_wait3A_274 = arith.constant 0 : i32
    %dma_wait3A_275 = arith.constant 0 : i32
    %dma_wait3A_276 = tpu.memref_slice %arg2[%dma_wait3A_274, %dma_wait3A_275] : memref<4096x16xf32, #tpu.memory_space<hbm>> -> memref<4096x16xf32, #tpu.memory_space<hbm>>
    tpu.wait_indirect_dma semaphore(%arg7 : memref<!tpu.dma_semaphore, #tpu.memory_space<semaphore_mem>>) src(%dma_wait3A_276 : memref<4096x16xf32, #tpu.memory_space<hbm>>) dst(%dma_wait3A_271 : memref<128x16xf32, #tpu.memory_space<vmem>>)
    %dma_wait3A_277 = arith.constant 1792 : i32
    %dma_wait3A_278 = arith.constant 0 : i32
    %dma_wait3A_279 = tpu.memref_slice %arg6[%dma_wait3A_277, %dma_wait3A_278] : memref<2560x16xf32, #tpu.memory_space<vmem>> -> memref<128x16xf32, #tpu.memory_space<vmem>>
    %dma_wait3A_280 = arith.constant 1792 : i32
    %dma_wait3A_281 = tpu.memref_slice %arg5[%dma_wait3A_280] : memref<2560xi32, #tpu.memory_space<vmem>> -> memref<128xi32, #tpu.memory_space<vmem>>
    %dma_wait3A_282 = arith.constant 0 : i32
    %dma_wait3A_283 = arith.constant 0 : i32
    %dma_wait3A_284 = tpu.memref_slice %arg2[%dma_wait3A_282, %dma_wait3A_283] : memref<4096x16xf32, #tpu.memory_space<hbm>> -> memref<4096x16xf32, #tpu.memory_space<hbm>>
    tpu.wait_indirect_dma semaphore(%arg7 : memref<!tpu.dma_semaphore, #tpu.memory_space<semaphore_mem>>) src(%dma_wait3A_284 : memref<4096x16xf32, #tpu.memory_space<hbm>>) dst(%dma_wait3A_279 : memref<128x16xf32, #tpu.memory_space<vmem>>)
    %dma_wait3A_285 = arith.constant 1920 : i32
    %dma_wait3A_286 = arith.constant 0 : i32
    %dma_wait3A_287 = tpu.memref_slice %arg6[%dma_wait3A_285, %dma_wait3A_286] : memref<2560x16xf32, #tpu.memory_space<vmem>> -> memref<128x16xf32, #tpu.memory_space<vmem>>
    %dma_wait3A_288 = arith.constant 1920 : i32
    %dma_wait3A_289 = tpu.memref_slice %arg5[%dma_wait3A_288] : memref<2560xi32, #tpu.memory_space<vmem>> -> memref<128xi32, #tpu.memory_space<vmem>>
    %dma_wait3A_290 = arith.constant 0 : i32
    %dma_wait3A_291 = arith.constant 0 : i32
    %dma_wait3A_292 = tpu.memref_slice %arg2[%dma_wait3A_290, %dma_wait3A_291] : memref<4096x16xf32, #tpu.memory_space<hbm>> -> memref<4096x16xf32, #tpu.memory_space<hbm>>
    tpu.wait_indirect_dma semaphore(%arg7 : memref<!tpu.dma_semaphore, #tpu.memory_space<semaphore_mem>>) src(%dma_wait3A_292 : memref<4096x16xf32, #tpu.memory_space<hbm>>) dst(%dma_wait3A_287 : memref<128x16xf32, #tpu.memory_space<vmem>>)
    %dma_wait3A_293 = arith.constant 2048 : i32
    %dma_wait3A_294 = arith.constant 0 : i32
    %dma_wait3A_295 = tpu.memref_slice %arg6[%dma_wait3A_293, %dma_wait3A_294] : memref<2560x16xf32, #tpu.memory_space<vmem>> -> memref<128x16xf32, #tpu.memory_space<vmem>>
    %dma_wait3A_296 = arith.constant 2048 : i32
    %dma_wait3A_297 = tpu.memref_slice %arg5[%dma_wait3A_296] : memref<2560xi32, #tpu.memory_space<vmem>> -> memref<128xi32, #tpu.memory_space<vmem>>
    %dma_wait3A_298 = arith.constant 0 : i32
    %dma_wait3A_299 = arith.constant 0 : i32
    %dma_wait3A_300 = tpu.memref_slice %arg2[%dma_wait3A_298, %dma_wait3A_299] : memref<4096x16xf32, #tpu.memory_space<hbm>> -> memref<4096x16xf32, #tpu.memory_space<hbm>>
    tpu.wait_indirect_dma semaphore(%arg7 : memref<!tpu.dma_semaphore, #tpu.memory_space<semaphore_mem>>) src(%dma_wait3A_300 : memref<4096x16xf32, #tpu.memory_space<hbm>>) dst(%dma_wait3A_295 : memref<128x16xf32, #tpu.memory_space<vmem>>)
    %dma_wait3A_301 = arith.constant 2176 : i32
    %dma_wait3A_302 = arith.constant 0 : i32
    %dma_wait3A_303 = tpu.memref_slice %arg6[%dma_wait3A_301, %dma_wait3A_302] : memref<2560x16xf32, #tpu.memory_space<vmem>> -> memref<128x16xf32, #tpu.memory_space<vmem>>
    %dma_wait3A_304 = arith.constant 2176 : i32
    %dma_wait3A_305 = tpu.memref_slice %arg5[%dma_wait3A_304] : memref<2560xi32, #tpu.memory_space<vmem>> -> memref<128xi32, #tpu.memory_space<vmem>>
    %dma_wait3A_306 = arith.constant 0 : i32
    %dma_wait3A_307 = arith.constant 0 : i32
    %dma_wait3A_308 = tpu.memref_slice %arg2[%dma_wait3A_306, %dma_wait3A_307] : memref<4096x16xf32, #tpu.memory_space<hbm>> -> memref<4096x16xf32, #tpu.memory_space<hbm>>
    tpu.wait_indirect_dma semaphore(%arg7 : memref<!tpu.dma_semaphore, #tpu.memory_space<semaphore_mem>>) src(%dma_wait3A_308 : memref<4096x16xf32, #tpu.memory_space<hbm>>) dst(%dma_wait3A_303 : memref<128x16xf32, #tpu.memory_space<vmem>>)
    %dma_wait3A_309 = arith.constant 2304 : i32
    %dma_wait3A_310 = arith.constant 0 : i32
    %dma_wait3A_311 = tpu.memref_slice %arg6[%dma_wait3A_309, %dma_wait3A_310] : memref<2560x16xf32, #tpu.memory_space<vmem>> -> memref<128x16xf32, #tpu.memory_space<vmem>>
    %dma_wait3A_312 = arith.constant 2304 : i32
    %dma_wait3A_313 = tpu.memref_slice %arg5[%dma_wait3A_312] : memref<2560xi32, #tpu.memory_space<vmem>> -> memref<128xi32, #tpu.memory_space<vmem>>
    %dma_wait3A_314 = arith.constant 0 : i32
    %dma_wait3A_315 = arith.constant 0 : i32
    %dma_wait3A_316 = tpu.memref_slice %arg2[%dma_wait3A_314, %dma_wait3A_315] : memref<4096x16xf32, #tpu.memory_space<hbm>> -> memref<4096x16xf32, #tpu.memory_space<hbm>>
    tpu.wait_indirect_dma semaphore(%arg7 : memref<!tpu.dma_semaphore, #tpu.memory_space<semaphore_mem>>) src(%dma_wait3A_316 : memref<4096x16xf32, #tpu.memory_space<hbm>>) dst(%dma_wait3A_311 : memref<128x16xf32, #tpu.memory_space<vmem>>)
    %dma_wait3A_317 = arith.constant 2432 : i32
    %dma_wait3A_318 = arith.constant 0 : i32
    %dma_wait3A_319 = tpu.memref_slice %arg6[%dma_wait3A_317, %dma_wait3A_318] : memref<2560x16xf32, #tpu.memory_space<vmem>> -> memref<128x16xf32, #tpu.memory_space<vmem>>
    %dma_wait3A_320 = arith.constant 2432 : i32
    %dma_wait3A_321 = tpu.memref_slice %arg5[%dma_wait3A_320] : memref<2560xi32, #tpu.memory_space<vmem>> -> memref<128xi32, #tpu.memory_space<vmem>>
    %dma_wait3A_322 = arith.constant 0 : i32
    %dma_wait3A_323 = arith.constant 0 : i32
    %dma_wait3A_324 = tpu.memref_slice %arg2[%dma_wait3A_322, %dma_wait3A_323] : memref<4096x16xf32, #tpu.memory_space<hbm>> -> memref<4096x16xf32, #tpu.memory_space<hbm>>
    tpu.wait_indirect_dma semaphore(%arg7 : memref<!tpu.dma_semaphore, #tpu.memory_space<semaphore_mem>>) src(%dma_wait3A_324 : memref<4096x16xf32, #tpu.memory_space<hbm>>) dst(%dma_wait3A_319 : memref<128x16xf32, #tpu.memory_space<vmem>>)
    "tpu.region"() ({
      %run_scoped3A = tpu.sem_alloc : memref<!tpu.dma_semaphore, #tpu.memory_space<semaphore_mem>>
      %dma_start3A_1303 = arith.constant 0 : i32
      %dma_start3A_1304 = tpu.memref_slice %arg4[%mul3A_6, %dma_start3A_1303] : memref<327680x16xf32, #tpu.memory_space<hbm>> -> memref<2560x16xf32, #tpu.memory_space<hbm>>
      %dma_start3A_1305 = arith.constant 0 : i32
      %dma_start3A_1306 = tpu.memref_slice %arg4[%mul3A_6, %dma_start3A_1305] : memref<327680x16xf32, #tpu.memory_space<hbm>> -> memref<2560x16xf32, #tpu.memory_space<hbm>>
      tpu.enqueue_dma source(%arg6 : memref<2560x16xf32, #tpu.memory_space<vmem>>) target(%dma_start3A_1306 : memref<2560x16xf32, #tpu.memory_space<hbm>>) target_semaphore(%run_scoped3A : memref<!tpu.dma_semaphore, #tpu.memory_space<semaphore_mem>>)
      %dma_wait3A_1307 = arith.constant 0 : i32
      %dma_wait3A_1308 = tpu.memref_slice %arg4[%mul3A_6, %dma_wait3A_1307] : memref<327680x16xf32, #tpu.memory_space<hbm>> -> memref<2560x16xf32, #tpu.memory_space<hbm>>
      %dma_wait3A_1309 = arith.constant 0 : i32
      %dma_wait3A_1310 = tpu.memref_slice %arg4[%mul3A_6, %dma_wait3A_1309] : memref<327680x16xf32, #tpu.memory_space<hbm>> -> memref<2560x16xf32, #tpu.memory_space<hbm>>
      tpu.wait_dma2 semaphore(%run_scoped3A : memref<!tpu.dma_semaphore, #tpu.memory_space<semaphore_mem>>) src(%arg6 : memref<2560x16xf32, #tpu.memory_space<vmem>>) dst(%dma_wait3A_1310 : memref<2560x16xf32, #tpu.memory_space<hbm>>)
      tpu.yield
    }) : () -> ()
    %mul3A_325 = arith.constant 512 : i32
    %mul3A_326 = arith.muli %add3A, %mul3A_325 : i32
    %add3A_327 = arith.constant 128 : i32
    %add3A_328 = arith.addi %mul3A_326, %add3A_327 : i32
    %mul3A_329 = arith.constant 20 : i32
    %mul3A_330 = arith.muli %add3A_328, %mul3A_329 : i32
    "tpu.region"() ({
      %run_scoped3A = tpu.sem_alloc : memref<!tpu.dma_semaphore, #tpu.memory_space<semaphore_mem>>
      %dma_start3A_1303 = tpu.memref_slice %arg3[%mul3A_330] : memref<327680xi32, #tpu.memory_space<hbm>> -> memref<2560xi32, #tpu.memory_space<hbm>>
      %dma_start3A_1304 = tpu.memref_slice %arg3[%mul3A_330] : memref<327680xi32, #tpu.memory_space<hbm>> -> memref<2560xi32, #tpu.memory_space<hbm>>
      tpu.enqueue_dma source(%dma_start3A_1304 : memref<2560xi32, #tpu.memory_space<hbm>>) target(%arg5 : memref<2560xi32, #tpu.memory_space<vmem>>) target_semaphore(%run_scoped3A : memref<!tpu.dma_semaphore, #tpu.memory_space<semaphore_mem>>)
      %dma_wait3A_1305 = tpu.memref_slice %arg3[%mul3A_330] : memref<327680xi32, #tpu.memory_space<hbm>> -> memref<2560xi32, #tpu.memory_space<hbm>>
      %dma_wait3A_1306 = tpu.memref_slice %arg3[%mul3A_330] : memref<327680xi32, #tpu.memory_space<hbm>> -> memref<2560xi32, #tpu.memory_space<hbm>>
      tpu.wait_dma2 semaphore(%run_scoped3A : memref<!tpu.dma_semaphore, #tpu.memory_space<semaphore_mem>>) src(%dma_wait3A_1306 : memref<2560xi32, #tpu.memory_space<hbm>>) dst(%arg5 : memref<2560xi32, #tpu.memory_space<vmem>>)
      tpu.yield
    }) : () -> ()
    %dma_start3A_331 = arith.constant 0 : i32
    %dma_start3A_332 = arith.constant 0 : i32
    %dma_start3A_333 = tpu.memref_slice %arg6[%dma_start3A_331, %dma_start3A_332] : memref<2560x16xf32, #tpu.memory_space<vmem>> -> memref<128x16xf32, #tpu.memory_space<vmem>>
    %dma_start3A_334 = arith.constant 0 : i32
    %dma_start3A_335 = tpu.memref_slice %arg5[%dma_start3A_334] : memref<2560xi32, #tpu.memory_space<vmem>> -> memref<128xi32, #tpu.memory_space<vmem>>
    %dma_start3A_336 = arith.constant 0 : i32
    %dma_start3A_337 = arith.constant 0 : i32
    %dma_start3A_338 = tpu.memref_slice %arg2[%dma_start3A_336, %dma_start3A_337] : memref<4096x16xf32, #tpu.memory_space<hbm>> -> memref<4096x16xf32, #tpu.memory_space<hbm>>
    tpu.enqueue_indirect_dma source(%dma_start3A_338 : memref<4096x16xf32, #tpu.memory_space<hbm>>) target(%dma_start3A_333 : memref<128x16xf32, #tpu.memory_space<vmem>>) offsets(%dma_start3A_335 : memref<128xi32, #tpu.memory_space<vmem>>) semaphore(%arg7 : memref<!tpu.dma_semaphore, #tpu.memory_space<semaphore_mem>>)
    %dma_start3A_339 = arith.constant 128 : i32
    %dma_start3A_340 = arith.constant 0 : i32
    %dma_start3A_341 = tpu.memref_slice %arg6[%dma_start3A_339, %dma_start3A_340] : memref<2560x16xf32, #tpu.memory_space<vmem>> -> memref<128x16xf32, #tpu.memory_space<vmem>>
    %dma_start3A_342 = arith.constant 128 : i32
    %dma_start3A_343 = tpu.memref_slice %arg5[%dma_start3A_342] : memref<2560xi32, #tpu.memory_space<vmem>> -> memref<128xi32, #tpu.memory_space<vmem>>
    %dma_start3A_344 = arith.constant 0 : i32
    %dma_start3A_345 = arith.constant 0 : i32
    %dma_start3A_346 = tpu.memref_slice %arg2[%dma_start3A_344, %dma_start3A_345] : memref<4096x16xf32, #tpu.memory_space<hbm>> -> memref<4096x16xf32, #tpu.memory_space<hbm>>
    tpu.enqueue_indirect_dma source(%dma_start3A_346 : memref<4096x16xf32, #tpu.memory_space<hbm>>) target(%dma_start3A_341 : memref<128x16xf32, #tpu.memory_space<vmem>>) offsets(%dma_start3A_343 : memref<128xi32, #tpu.memory_space<vmem>>) semaphore(%arg7 : memref<!tpu.dma_semaphore, #tpu.memory_space<semaphore_mem>>)
    %dma_start3A_347 = arith.constant 256 : i32
    %dma_start3A_348 = arith.constant 0 : i32
    %dma_start3A_349 = tpu.memref_slice %arg6[%dma_start3A_347, %dma_start3A_348] : memref<2560x16xf32, #tpu.memory_space<vmem>> -> memref<128x16xf32, #tpu.memory_space<vmem>>
    %dma_start3A_350 = arith.constant 256 : i32
    %dma_start3A_351 = tpu.memref_slice %arg5[%dma_start3A_350] : memref<2560xi32, #tpu.memory_space<vmem>> -> memref<128xi32, #tpu.memory_space<vmem>>
    %dma_start3A_352 = arith.constant 0 : i32
    %dma_start3A_353 = arith.constant 0 : i32
    %dma_start3A_354 = tpu.memref_slice %arg2[%dma_start3A_352, %dma_start3A_353] : memref<4096x16xf32, #tpu.memory_space<hbm>> -> memref<4096x16xf32, #tpu.memory_space<hbm>>
    tpu.enqueue_indirect_dma source(%dma_start3A_354 : memref<4096x16xf32, #tpu.memory_space<hbm>>) target(%dma_start3A_349 : memref<128x16xf32, #tpu.memory_space<vmem>>) offsets(%dma_start3A_351 : memref<128xi32, #tpu.memory_space<vmem>>) semaphore(%arg7 : memref<!tpu.dma_semaphore, #tpu.memory_space<semaphore_mem>>)
    %dma_start3A_355 = arith.constant 384 : i32
    %dma_start3A_356 = arith.constant 0 : i32
    %dma_start3A_357 = tpu.memref_slice %arg6[%dma_start3A_355, %dma_start3A_356] : memref<2560x16xf32, #tpu.memory_space<vmem>> -> memref<128x16xf32, #tpu.memory_space<vmem>>
    %dma_start3A_358 = arith.constant 384 : i32
    %dma_start3A_359 = tpu.memref_slice %arg5[%dma_start3A_358] : memref<2560xi32, #tpu.memory_space<vmem>> -> memref<128xi32, #tpu.memory_space<vmem>>
    %dma_start3A_360 = arith.constant 0 : i32
    %dma_start3A_361 = arith.constant 0 : i32
    %dma_start3A_362 = tpu.memref_slice %arg2[%dma_start3A_360, %dma_start3A_361] : memref<4096x16xf32, #tpu.memory_space<hbm>> -> memref<4096x16xf32, #tpu.memory_space<hbm>>
    tpu.enqueue_indirect_dma source(%dma_start3A_362 : memref<4096x16xf32, #tpu.memory_space<hbm>>) target(%dma_start3A_357 : memref<128x16xf32, #tpu.memory_space<vmem>>) offsets(%dma_start3A_359 : memref<128xi32, #tpu.memory_space<vmem>>) semaphore(%arg7 : memref<!tpu.dma_semaphore, #tpu.memory_space<semaphore_mem>>)
    %dma_start3A_363 = arith.constant 512 : i32
    %dma_start3A_364 = arith.constant 0 : i32
    %dma_start3A_365 = tpu.memref_slice %arg6[%dma_start3A_363, %dma_start3A_364] : memref<2560x16xf32, #tpu.memory_space<vmem>> -> memref<128x16xf32, #tpu.memory_space<vmem>>
    %dma_start3A_366 = arith.constant 512 : i32
    %dma_start3A_367 = tpu.memref_slice %arg5[%dma_start3A_366] : memref<2560xi32, #tpu.memory_space<vmem>> -> memref<128xi32, #tpu.memory_space<vmem>>
    %dma_start3A_368 = arith.constant 0 : i32
    %dma_start3A_369 = arith.constant 0 : i32
    %dma_start3A_370 = tpu.memref_slice %arg2[%dma_start3A_368, %dma_start3A_369] : memref<4096x16xf32, #tpu.memory_space<hbm>> -> memref<4096x16xf32, #tpu.memory_space<hbm>>
    tpu.enqueue_indirect_dma source(%dma_start3A_370 : memref<4096x16xf32, #tpu.memory_space<hbm>>) target(%dma_start3A_365 : memref<128x16xf32, #tpu.memory_space<vmem>>) offsets(%dma_start3A_367 : memref<128xi32, #tpu.memory_space<vmem>>) semaphore(%arg7 : memref<!tpu.dma_semaphore, #tpu.memory_space<semaphore_mem>>)
    %dma_start3A_371 = arith.constant 640 : i32
    %dma_start3A_372 = arith.constant 0 : i32
    %dma_start3A_373 = tpu.memref_slice %arg6[%dma_start3A_371, %dma_start3A_372] : memref<2560x16xf32, #tpu.memory_space<vmem>> -> memref<128x16xf32, #tpu.memory_space<vmem>>
    %dma_start3A_374 = arith.constant 640 : i32
    %dma_start3A_375 = tpu.memref_slice %arg5[%dma_start3A_374] : memref<2560xi32, #tpu.memory_space<vmem>> -> memref<128xi32, #tpu.memory_space<vmem>>
    %dma_start3A_376 = arith.constant 0 : i32
    %dma_start3A_377 = arith.constant 0 : i32
    %dma_start3A_378 = tpu.memref_slice %arg2[%dma_start3A_376, %dma_start3A_377] : memref<4096x16xf32, #tpu.memory_space<hbm>> -> memref<4096x16xf32, #tpu.memory_space<hbm>>
    tpu.enqueue_indirect_dma source(%dma_start3A_378 : memref<4096x16xf32, #tpu.memory_space<hbm>>) target(%dma_start3A_373 : memref<128x16xf32, #tpu.memory_space<vmem>>) offsets(%dma_start3A_375 : memref<128xi32, #tpu.memory_space<vmem>>) semaphore(%arg7 : memref<!tpu.dma_semaphore, #tpu.memory_space<semaphore_mem>>)
    %dma_start3A_379 = arith.constant 768 : i32
    %dma_start3A_380 = arith.constant 0 : i32
    %dma_start3A_381 = tpu.memref_slice %arg6[%dma_start3A_379, %dma_start3A_380] : memref<2560x16xf32, #tpu.memory_space<vmem>> -> memref<128x16xf32, #tpu.memory_space<vmem>>
    %dma_start3A_382 = arith.constant 768 : i32
    %dma_start3A_383 = tpu.memref_slice %arg5[%dma_start3A_382] : memref<2560xi32, #tpu.memory_space<vmem>> -> memref<128xi32, #tpu.memory_space<vmem>>
    %dma_start3A_384 = arith.constant 0 : i32
    %dma_start3A_385 = arith.constant 0 : i32
    %dma_start3A_386 = tpu.memref_slice %arg2[%dma_start3A_384, %dma_start3A_385] : memref<4096x16xf32, #tpu.memory_space<hbm>> -> memref<4096x16xf32, #tpu.memory_space<hbm>>
    tpu.enqueue_indirect_dma source(%dma_start3A_386 : memref<4096x16xf32, #tpu.memory_space<hbm>>) target(%dma_start3A_381 : memref<128x16xf32, #tpu.memory_space<vmem>>) offsets(%dma_start3A_383 : memref<128xi32, #tpu.memory_space<vmem>>) semaphore(%arg7 : memref<!tpu.dma_semaphore, #tpu.memory_space<semaphore_mem>>)
    %dma_start3A_387 = arith.constant 896 : i32
    %dma_start3A_388 = arith.constant 0 : i32
    %dma_start3A_389 = tpu.memref_slice %arg6[%dma_start3A_387, %dma_start3A_388] : memref<2560x16xf32, #tpu.memory_space<vmem>> -> memref<128x16xf32, #tpu.memory_space<vmem>>
    %dma_start3A_390 = arith.constant 896 : i32
    %dma_start3A_391 = tpu.memref_slice %arg5[%dma_start3A_390] : memref<2560xi32, #tpu.memory_space<vmem>> -> memref<128xi32, #tpu.memory_space<vmem>>
    %dma_start3A_392 = arith.constant 0 : i32
    %dma_start3A_393 = arith.constant 0 : i32
    %dma_start3A_394 = tpu.memref_slice %arg2[%dma_start3A_392, %dma_start3A_393] : memref<4096x16xf32, #tpu.memory_space<hbm>> -> memref<4096x16xf32, #tpu.memory_space<hbm>>
    tpu.enqueue_indirect_dma source(%dma_start3A_394 : memref<4096x16xf32, #tpu.memory_space<hbm>>) target(%dma_start3A_389 : memref<128x16xf32, #tpu.memory_space<vmem>>) offsets(%dma_start3A_391 : memref<128xi32, #tpu.memory_space<vmem>>) semaphore(%arg7 : memref<!tpu.dma_semaphore, #tpu.memory_space<semaphore_mem>>)
    %dma_start3A_395 = arith.constant 1024 : i32
    %dma_start3A_396 = arith.constant 0 : i32
    %dma_start3A_397 = tpu.memref_slice %arg6[%dma_start3A_395, %dma_start3A_396] : memref<2560x16xf32, #tpu.memory_space<vmem>> -> memref<128x16xf32, #tpu.memory_space<vmem>>
    %dma_start3A_398 = arith.constant 1024 : i32
    %dma_start3A_399 = tpu.memref_slice %arg5[%dma_start3A_398] : memref<2560xi32, #tpu.memory_space<vmem>> -> memref<128xi32, #tpu.memory_space<vmem>>
    %dma_start3A_400 = arith.constant 0 : i32
    %dma_start3A_401 = arith.constant 0 : i32
    %dma_start3A_402 = tpu.memref_slice %arg2[%dma_start3A_400, %dma_start3A_401] : memref<4096x16xf32, #tpu.memory_space<hbm>> -> memref<4096x16xf32, #tpu.memory_space<hbm>>
    tpu.enqueue_indirect_dma source(%dma_start3A_402 : memref<4096x16xf32, #tpu.memory_space<hbm>>) target(%dma_start3A_397 : memref<128x16xf32, #tpu.memory_space<vmem>>) offsets(%dma_start3A_399 : memref<128xi32, #tpu.memory_space<vmem>>) semaphore(%arg7 : memref<!tpu.dma_semaphore, #tpu.memory_space<semaphore_mem>>)
    %dma_start3A_403 = arith.constant 1152 : i32
    %dma_start3A_404 = arith.constant 0 : i32
    %dma_start3A_405 = tpu.memref_slice %arg6[%dma_start3A_403, %dma_start3A_404] : memref<2560x16xf32, #tpu.memory_space<vmem>> -> memref<128x16xf32, #tpu.memory_space<vmem>>
    %dma_start3A_406 = arith.constant 1152 : i32
    %dma_start3A_407 = tpu.memref_slice %arg5[%dma_start3A_406] : memref<2560xi32, #tpu.memory_space<vmem>> -> memref<128xi32, #tpu.memory_space<vmem>>
    %dma_start3A_408 = arith.constant 0 : i32
    %dma_start3A_409 = arith.constant 0 : i32
    %dma_start3A_410 = tpu.memref_slice %arg2[%dma_start3A_408, %dma_start3A_409] : memref<4096x16xf32, #tpu.memory_space<hbm>> -> memref<4096x16xf32, #tpu.memory_space<hbm>>
    tpu.enqueue_indirect_dma source(%dma_start3A_410 : memref<4096x16xf32, #tpu.memory_space<hbm>>) target(%dma_start3A_405 : memref<128x16xf32, #tpu.memory_space<vmem>>) offsets(%dma_start3A_407 : memref<128xi32, #tpu.memory_space<vmem>>) semaphore(%arg7 : memref<!tpu.dma_semaphore, #tpu.memory_space<semaphore_mem>>)
    %dma_start3A_411 = arith.constant 1280 : i32
    %dma_start3A_412 = arith.constant 0 : i32
    %dma_start3A_413 = tpu.memref_slice %arg6[%dma_start3A_411, %dma_start3A_412] : memref<2560x16xf32, #tpu.memory_space<vmem>> -> memref<128x16xf32, #tpu.memory_space<vmem>>
    %dma_start3A_414 = arith.constant 1280 : i32
    %dma_start3A_415 = tpu.memref_slice %arg5[%dma_start3A_414] : memref<2560xi32, #tpu.memory_space<vmem>> -> memref<128xi32, #tpu.memory_space<vmem>>
    %dma_start3A_416 = arith.constant 0 : i32
    %dma_start3A_417 = arith.constant 0 : i32
    %dma_start3A_418 = tpu.memref_slice %arg2[%dma_start3A_416, %dma_start3A_417] : memref<4096x16xf32, #tpu.memory_space<hbm>> -> memref<4096x16xf32, #tpu.memory_space<hbm>>
    tpu.enqueue_indirect_dma source(%dma_start3A_418 : memref<4096x16xf32, #tpu.memory_space<hbm>>) target(%dma_start3A_413 : memref<128x16xf32, #tpu.memory_space<vmem>>) offsets(%dma_start3A_415 : memref<128xi32, #tpu.memory_space<vmem>>) semaphore(%arg7 : memref<!tpu.dma_semaphore, #tpu.memory_space<semaphore_mem>>)
    %dma_start3A_419 = arith.constant 1408 : i32
    %dma_start3A_420 = arith.constant 0 : i32
    %dma_start3A_421 = tpu.memref_slice %arg6[%dma_start3A_419, %dma_start3A_420] : memref<2560x16xf32, #tpu.memory_space<vmem>> -> memref<128x16xf32, #tpu.memory_space<vmem>>
    %dma_start3A_422 = arith.constant 1408 : i32
    %dma_start3A_423 = tpu.memref_slice %arg5[%dma_start3A_422] : memref<2560xi32, #tpu.memory_space<vmem>> -> memref<128xi32, #tpu.memory_space<vmem>>
    %dma_start3A_424 = arith.constant 0 : i32
    %dma_start3A_425 = arith.constant 0 : i32
    %dma_start3A_426 = tpu.memref_slice %arg2[%dma_start3A_424, %dma_start3A_425] : memref<4096x16xf32, #tpu.memory_space<hbm>> -> memref<4096x16xf32, #tpu.memory_space<hbm>>
    tpu.enqueue_indirect_dma source(%dma_start3A_426 : memref<4096x16xf32, #tpu.memory_space<hbm>>) target(%dma_start3A_421 : memref<128x16xf32, #tpu.memory_space<vmem>>) offsets(%dma_start3A_423 : memref<128xi32, #tpu.memory_space<vmem>>) semaphore(%arg7 : memref<!tpu.dma_semaphore, #tpu.memory_space<semaphore_mem>>)
    %dma_start3A_427 = arith.constant 1536 : i32
    %dma_start3A_428 = arith.constant 0 : i32
    %dma_start3A_429 = tpu.memref_slice %arg6[%dma_start3A_427, %dma_start3A_428] : memref<2560x16xf32, #tpu.memory_space<vmem>> -> memref<128x16xf32, #tpu.memory_space<vmem>>
    %dma_start3A_430 = arith.constant 1536 : i32
    %dma_start3A_431 = tpu.memref_slice %arg5[%dma_start3A_430] : memref<2560xi32, #tpu.memory_space<vmem>> -> memref<128xi32, #tpu.memory_space<vmem>>
    %dma_start3A_432 = arith.constant 0 : i32
    %dma_start3A_433 = arith.constant 0 : i32
    %dma_start3A_434 = tpu.memref_slice %arg2[%dma_start3A_432, %dma_start3A_433] : memref<4096x16xf32, #tpu.memory_space<hbm>> -> memref<4096x16xf32, #tpu.memory_space<hbm>>
    tpu.enqueue_indirect_dma source(%dma_start3A_434 : memref<4096x16xf32, #tpu.memory_space<hbm>>) target(%dma_start3A_429 : memref<128x16xf32, #tpu.memory_space<vmem>>) offsets(%dma_start3A_431 : memref<128xi32, #tpu.memory_space<vmem>>) semaphore(%arg7 : memref<!tpu.dma_semaphore, #tpu.memory_space<semaphore_mem>>)
    %dma_start3A_435 = arith.constant 1664 : i32
    %dma_start3A_436 = arith.constant 0 : i32
    %dma_start3A_437 = tpu.memref_slice %arg6[%dma_start3A_435, %dma_start3A_436] : memref<2560x16xf32, #tpu.memory_space<vmem>> -> memref<128x16xf32, #tpu.memory_space<vmem>>
    %dma_start3A_438 = arith.constant 1664 : i32
    %dma_start3A_439 = tpu.memref_slice %arg5[%dma_start3A_438] : memref<2560xi32, #tpu.memory_space<vmem>> -> memref<128xi32, #tpu.memory_space<vmem>>
    %dma_start3A_440 = arith.constant 0 : i32
    %dma_start3A_441 = arith.constant 0 : i32
    %dma_start3A_442 = tpu.memref_slice %arg2[%dma_start3A_440, %dma_start3A_441] : memref<4096x16xf32, #tpu.memory_space<hbm>> -> memref<4096x16xf32, #tpu.memory_space<hbm>>
    tpu.enqueue_indirect_dma source(%dma_start3A_442 : memref<4096x16xf32, #tpu.memory_space<hbm>>) target(%dma_start3A_437 : memref<128x16xf32, #tpu.memory_space<vmem>>) offsets(%dma_start3A_439 : memref<128xi32, #tpu.memory_space<vmem>>) semaphore(%arg7 : memref<!tpu.dma_semaphore, #tpu.memory_space<semaphore_mem>>)
    %dma_start3A_443 = arith.constant 1792 : i32
    %dma_start3A_444 = arith.constant 0 : i32
    %dma_start3A_445 = tpu.memref_slice %arg6[%dma_start3A_443, %dma_start3A_444] : memref<2560x16xf32, #tpu.memory_space<vmem>> -> memref<128x16xf32, #tpu.memory_space<vmem>>
    %dma_start3A_446 = arith.constant 1792 : i32
    %dma_start3A_447 = tpu.memref_slice %arg5[%dma_start3A_446] : memref<2560xi32, #tpu.memory_space<vmem>> -> memref<128xi32, #tpu.memory_space<vmem>>
    %dma_start3A_448 = arith.constant 0 : i32
    %dma_start3A_449 = arith.constant 0 : i32
    %dma_start3A_450 = tpu.memref_slice %arg2[%dma_start3A_448, %dma_start3A_449] : memref<4096x16xf32, #tpu.memory_space<hbm>> -> memref<4096x16xf32, #tpu.memory_space<hbm>>
    tpu.enqueue_indirect_dma source(%dma_start3A_450 : memref<4096x16xf32, #tpu.memory_space<hbm>>) target(%dma_start3A_445 : memref<128x16xf32, #tpu.memory_space<vmem>>) offsets(%dma_start3A_447 : memref<128xi32, #tpu.memory_space<vmem>>) semaphore(%arg7 : memref<!tpu.dma_semaphore, #tpu.memory_space<semaphore_mem>>)
    %dma_start3A_451 = arith.constant 1920 : i32
    %dma_start3A_452 = arith.constant 0 : i32
    %dma_start3A_453 = tpu.memref_slice %arg6[%dma_start3A_451, %dma_start3A_452] : memref<2560x16xf32, #tpu.memory_space<vmem>> -> memref<128x16xf32, #tpu.memory_space<vmem>>
    %dma_start3A_454 = arith.constant 1920 : i32
    %dma_start3A_455 = tpu.memref_slice %arg5[%dma_start3A_454] : memref<2560xi32, #tpu.memory_space<vmem>> -> memref<128xi32, #tpu.memory_space<vmem>>
    %dma_start3A_456 = arith.constant 0 : i32
    %dma_start3A_457 = arith.constant 0 : i32
    %dma_start3A_458 = tpu.memref_slice %arg2[%dma_start3A_456, %dma_start3A_457] : memref<4096x16xf32, #tpu.memory_space<hbm>> -> memref<4096x16xf32, #tpu.memory_space<hbm>>
    tpu.enqueue_indirect_dma source(%dma_start3A_458 : memref<4096x16xf32, #tpu.memory_space<hbm>>) target(%dma_start3A_453 : memref<128x16xf32, #tpu.memory_space<vmem>>) offsets(%dma_start3A_455 : memref<128xi32, #tpu.memory_space<vmem>>) semaphore(%arg7 : memref<!tpu.dma_semaphore, #tpu.memory_space<semaphore_mem>>)
    %dma_start3A_459 = arith.constant 2048 : i32
    %dma_start3A_460 = arith.constant 0 : i32
    %dma_start3A_461 = tpu.memref_slice %arg6[%dma_start3A_459, %dma_start3A_460] : memref<2560x16xf32, #tpu.memory_space<vmem>> -> memref<128x16xf32, #tpu.memory_space<vmem>>
    %dma_start3A_462 = arith.constant 2048 : i32
    %dma_start3A_463 = tpu.memref_slice %arg5[%dma_start3A_462] : memref<2560xi32, #tpu.memory_space<vmem>> -> memref<128xi32, #tpu.memory_space<vmem>>
    %dma_start3A_464 = arith.constant 0 : i32
    %dma_start3A_465 = arith.constant 0 : i32
    %dma_start3A_466 = tpu.memref_slice %arg2[%dma_start3A_464, %dma_start3A_465] : memref<4096x16xf32, #tpu.memory_space<hbm>> -> memref<4096x16xf32, #tpu.memory_space<hbm>>
    tpu.enqueue_indirect_dma source(%dma_start3A_466 : memref<4096x16xf32, #tpu.memory_space<hbm>>) target(%dma_start3A_461 : memref<128x16xf32, #tpu.memory_space<vmem>>) offsets(%dma_start3A_463 : memref<128xi32, #tpu.memory_space<vmem>>) semaphore(%arg7 : memref<!tpu.dma_semaphore, #tpu.memory_space<semaphore_mem>>)
    %dma_start3A_467 = arith.constant 2176 : i32
    %dma_start3A_468 = arith.constant 0 : i32
    %dma_start3A_469 = tpu.memref_slice %arg6[%dma_start3A_467, %dma_start3A_468] : memref<2560x16xf32, #tpu.memory_space<vmem>> -> memref<128x16xf32, #tpu.memory_space<vmem>>
    %dma_start3A_470 = arith.constant 2176 : i32
    %dma_start3A_471 = tpu.memref_slice %arg5[%dma_start3A_470] : memref<2560xi32, #tpu.memory_space<vmem>> -> memref<128xi32, #tpu.memory_space<vmem>>
    %dma_start3A_472 = arith.constant 0 : i32
    %dma_start3A_473 = arith.constant 0 : i32
    %dma_start3A_474 = tpu.memref_slice %arg2[%dma_start3A_472, %dma_start3A_473] : memref<4096x16xf32, #tpu.memory_space<hbm>> -> memref<4096x16xf32, #tpu.memory_space<hbm>>
    tpu.enqueue_indirect_dma source(%dma_start3A_474 : memref<4096x16xf32, #tpu.memory_space<hbm>>) target(%dma_start3A_469 : memref<128x16xf32, #tpu.memory_space<vmem>>) offsets(%dma_start3A_471 : memref<128xi32, #tpu.memory_space<vmem>>) semaphore(%arg7 : memref<!tpu.dma_semaphore, #tpu.memory_space<semaphore_mem>>)
    %dma_start3A_475 = arith.constant 2304 : i32
    %dma_start3A_476 = arith.constant 0 : i32
    %dma_start3A_477 = tpu.memref_slice %arg6[%dma_start3A_475, %dma_start3A_476] : memref<2560x16xf32, #tpu.memory_space<vmem>> -> memref<128x16xf32, #tpu.memory_space<vmem>>
    %dma_start3A_478 = arith.constant 2304 : i32
    %dma_start3A_479 = tpu.memref_slice %arg5[%dma_start3A_478] : memref<2560xi32, #tpu.memory_space<vmem>> -> memref<128xi32, #tpu.memory_space<vmem>>
    %dma_start3A_480 = arith.constant 0 : i32
    %dma_start3A_481 = arith.constant 0 : i32
    %dma_start3A_482 = tpu.memref_slice %arg2[%dma_start3A_480, %dma_start3A_481] : memref<4096x16xf32, #tpu.memory_space<hbm>> -> memref<4096x16xf32, #tpu.memory_space<hbm>>
    tpu.enqueue_indirect_dma source(%dma_start3A_482 : memref<4096x16xf32, #tpu.memory_space<hbm>>) target(%dma_start3A_477 : memref<128x16xf32, #tpu.memory_space<vmem>>) offsets(%dma_start3A_479 : memref<128xi32, #tpu.memory_space<vmem>>) semaphore(%arg7 : memref<!tpu.dma_semaphore, #tpu.memory_space<semaphore_mem>>)
    %dma_start3A_483 = arith.constant 2432 : i32
    %dma_start3A_484 = arith.constant 0 : i32
    %dma_start3A_485 = tpu.memref_slice %arg6[%dma_start3A_483, %dma_start3A_484] : memref<2560x16xf32, #tpu.memory_space<vmem>> -> memref<128x16xf32, #tpu.memory_space<vmem>>
    %dma_start3A_486 = arith.constant 2432 : i32
    %dma_start3A_487 = tpu.memref_slice %arg5[%dma_start3A_486] : memref<2560xi32, #tpu.memory_space<vmem>> -> memref<128xi32, #tpu.memory_space<vmem>>
    %dma_start3A_488 = arith.constant 0 : i32
    %dma_start3A_489 = arith.constant 0 : i32
    %dma_start3A_490 = tpu.memref_slice %arg2[%dma_start3A_488, %dma_start3A_489] : memref<4096x16xf32, #tpu.memory_space<hbm>> -> memref<4096x16xf32, #tpu.memory_space<hbm>>
    tpu.enqueue_indirect_dma source(%dma_start3A_490 : memref<4096x16xf32, #tpu.memory_space<hbm>>) target(%dma_start3A_485 : memref<128x16xf32, #tpu.memory_space<vmem>>) offsets(%dma_start3A_487 : memref<128xi32, #tpu.memory_space<vmem>>) semaphore(%arg7 : memref<!tpu.dma_semaphore, #tpu.memory_space<semaphore_mem>>)
    %dma_wait3A_491 = arith.constant 0 : i32
    %dma_wait3A_492 = arith.constant 0 : i32
    %dma_wait3A_493 = tpu.memref_slice %arg6[%dma_wait3A_491, %dma_wait3A_492] : memref<2560x16xf32, #tpu.memory_space<vmem>> -> memref<128x16xf32, #tpu.memory_space<vmem>>
    %dma_wait3A_494 = arith.constant 0 : i32
    %dma_wait3A_495 = tpu.memref_slice %arg5[%dma_wait3A_494] : memref<2560xi32, #tpu.memory_space<vmem>> -> memref<128xi32, #tpu.memory_space<vmem>>
    %dma_wait3A_496 = arith.constant 0 : i32
    %dma_wait3A_497 = arith.constant 0 : i32
    %dma_wait3A_498 = tpu.memref_slice %arg2[%dma_wait3A_496, %dma_wait3A_497] : memref<4096x16xf32, #tpu.memory_space<hbm>> -> memref<4096x16xf32, #tpu.memory_space<hbm>>
    tpu.wait_indirect_dma semaphore(%arg7 : memref<!tpu.dma_semaphore, #tpu.memory_space<semaphore_mem>>) src(%dma_wait3A_498 : memref<4096x16xf32, #tpu.memory_space<hbm>>) dst(%dma_wait3A_493 : memref<128x16xf32, #tpu.memory_space<vmem>>)
    %dma_wait3A_499 = arith.constant 128 : i32
    %dma_wait3A_500 = arith.constant 0 : i32
    %dma_wait3A_501 = tpu.memref_slice %arg6[%dma_wait3A_499, %dma_wait3A_500] : memref<2560x16xf32, #tpu.memory_space<vmem>> -> memref<128x16xf32, #tpu.memory_space<vmem>>
    %dma_wait3A_502 = arith.constant 128 : i32
    %dma_wait3A_503 = tpu.memref_slice %arg5[%dma_wait3A_502] : memref<2560xi32, #tpu.memory_space<vmem>> -> memref<128xi32, #tpu.memory_space<vmem>>
    %dma_wait3A_504 = arith.constant 0 : i32
    %dma_wait3A_505 = arith.constant 0 : i32
    %dma_wait3A_506 = tpu.memref_slice %arg2[%dma_wait3A_504, %dma_wait3A_505] : memref<4096x16xf32, #tpu.memory_space<hbm>> -> memref<4096x16xf32, #tpu.memory_space<hbm>>
    tpu.wait_indirect_dma semaphore(%arg7 : memref<!tpu.dma_semaphore, #tpu.memory_space<semaphore_mem>>) src(%dma_wait3A_506 : memref<4096x16xf32, #tpu.memory_space<hbm>>) dst(%dma_wait3A_501 : memref<128x16xf32, #tpu.memory_space<vmem>>)
    %dma_wait3A_507 = arith.constant 256 : i32
    %dma_wait3A_508 = arith.constant 0 : i32
    %dma_wait3A_509 = tpu.memref_slice %arg6[%dma_wait3A_507, %dma_wait3A_508] : memref<2560x16xf32, #tpu.memory_space<vmem>> -> memref<128x16xf32, #tpu.memory_space<vmem>>
    %dma_wait3A_510 = arith.constant 256 : i32
    %dma_wait3A_511 = tpu.memref_slice %arg5[%dma_wait3A_510] : memref<2560xi32, #tpu.memory_space<vmem>> -> memref<128xi32, #tpu.memory_space<vmem>>
    %dma_wait3A_512 = arith.constant 0 : i32
    %dma_wait3A_513 = arith.constant 0 : i32
    %dma_wait3A_514 = tpu.memref_slice %arg2[%dma_wait3A_512, %dma_wait3A_513] : memref<4096x16xf32, #tpu.memory_space<hbm>> -> memref<4096x16xf32, #tpu.memory_space<hbm>>
    tpu.wait_indirect_dma semaphore(%arg7 : memref<!tpu.dma_semaphore, #tpu.memory_space<semaphore_mem>>) src(%dma_wait3A_514 : memref<4096x16xf32, #tpu.memory_space<hbm>>) dst(%dma_wait3A_509 : memref<128x16xf32, #tpu.memory_space<vmem>>)
    %dma_wait3A_515 = arith.constant 384 : i32
    %dma_wait3A_516 = arith.constant 0 : i32
    %dma_wait3A_517 = tpu.memref_slice %arg6[%dma_wait3A_515, %dma_wait3A_516] : memref<2560x16xf32, #tpu.memory_space<vmem>> -> memref<128x16xf32, #tpu.memory_space<vmem>>
    %dma_wait3A_518 = arith.constant 384 : i32
    %dma_wait3A_519 = tpu.memref_slice %arg5[%dma_wait3A_518] : memref<2560xi32, #tpu.memory_space<vmem>> -> memref<128xi32, #tpu.memory_space<vmem>>
    %dma_wait3A_520 = arith.constant 0 : i32
    %dma_wait3A_521 = arith.constant 0 : i32
    %dma_wait3A_522 = tpu.memref_slice %arg2[%dma_wait3A_520, %dma_wait3A_521] : memref<4096x16xf32, #tpu.memory_space<hbm>> -> memref<4096x16xf32, #tpu.memory_space<hbm>>
    tpu.wait_indirect_dma semaphore(%arg7 : memref<!tpu.dma_semaphore, #tpu.memory_space<semaphore_mem>>) src(%dma_wait3A_522 : memref<4096x16xf32, #tpu.memory_space<hbm>>) dst(%dma_wait3A_517 : memref<128x16xf32, #tpu.memory_space<vmem>>)
    %dma_wait3A_523 = arith.constant 512 : i32
    %dma_wait3A_524 = arith.constant 0 : i32
    %dma_wait3A_525 = tpu.memref_slice %arg6[%dma_wait3A_523, %dma_wait3A_524] : memref<2560x16xf32, #tpu.memory_space<vmem>> -> memref<128x16xf32, #tpu.memory_space<vmem>>
    %dma_wait3A_526 = arith.constant 512 : i32
    %dma_wait3A_527 = tpu.memref_slice %arg5[%dma_wait3A_526] : memref<2560xi32, #tpu.memory_space<vmem>> -> memref<128xi32, #tpu.memory_space<vmem>>
    %dma_wait3A_528 = arith.constant 0 : i32
    %dma_wait3A_529 = arith.constant 0 : i32
    %dma_wait3A_530 = tpu.memref_slice %arg2[%dma_wait3A_528, %dma_wait3A_529] : memref<4096x16xf32, #tpu.memory_space<hbm>> -> memref<4096x16xf32, #tpu.memory_space<hbm>>
    tpu.wait_indirect_dma semaphore(%arg7 : memref<!tpu.dma_semaphore, #tpu.memory_space<semaphore_mem>>) src(%dma_wait3A_530 : memref<4096x16xf32, #tpu.memory_space<hbm>>) dst(%dma_wait3A_525 : memref<128x16xf32, #tpu.memory_space<vmem>>)
    %dma_wait3A_531 = arith.constant 640 : i32
    %dma_wait3A_532 = arith.constant 0 : i32
    %dma_wait3A_533 = tpu.memref_slice %arg6[%dma_wait3A_531, %dma_wait3A_532] : memref<2560x16xf32, #tpu.memory_space<vmem>> -> memref<128x16xf32, #tpu.memory_space<vmem>>
    %dma_wait3A_534 = arith.constant 640 : i32
    %dma_wait3A_535 = tpu.memref_slice %arg5[%dma_wait3A_534] : memref<2560xi32, #tpu.memory_space<vmem>> -> memref<128xi32, #tpu.memory_space<vmem>>
    %dma_wait3A_536 = arith.constant 0 : i32
    %dma_wait3A_537 = arith.constant 0 : i32
    %dma_wait3A_538 = tpu.memref_slice %arg2[%dma_wait3A_536, %dma_wait3A_537] : memref<4096x16xf32, #tpu.memory_space<hbm>> -> memref<4096x16xf32, #tpu.memory_space<hbm>>
    tpu.wait_indirect_dma semaphore(%arg7 : memref<!tpu.dma_semaphore, #tpu.memory_space<semaphore_mem>>) src(%dma_wait3A_538 : memref<4096x16xf32, #tpu.memory_space<hbm>>) dst(%dma_wait3A_533 : memref<128x16xf32, #tpu.memory_space<vmem>>)
    %dma_wait3A_539 = arith.constant 768 : i32
    %dma_wait3A_540 = arith.constant 0 : i32
    %dma_wait3A_541 = tpu.memref_slice %arg6[%dma_wait3A_539, %dma_wait3A_540] : memref<2560x16xf32, #tpu.memory_space<vmem>> -> memref<128x16xf32, #tpu.memory_space<vmem>>
    %dma_wait3A_542 = arith.constant 768 : i32
    %dma_wait3A_543 = tpu.memref_slice %arg5[%dma_wait3A_542] : memref<2560xi32, #tpu.memory_space<vmem>> -> memref<128xi32, #tpu.memory_space<vmem>>
    %dma_wait3A_544 = arith.constant 0 : i32
    %dma_wait3A_545 = arith.constant 0 : i32
    %dma_wait3A_546 = tpu.memref_slice %arg2[%dma_wait3A_544, %dma_wait3A_545] : memref<4096x16xf32, #tpu.memory_space<hbm>> -> memref<4096x16xf32, #tpu.memory_space<hbm>>
    tpu.wait_indirect_dma semaphore(%arg7 : memref<!tpu.dma_semaphore, #tpu.memory_space<semaphore_mem>>) src(%dma_wait3A_546 : memref<4096x16xf32, #tpu.memory_space<hbm>>) dst(%dma_wait3A_541 : memref<128x16xf32, #tpu.memory_space<vmem>>)
    %dma_wait3A_547 = arith.constant 896 : i32
    %dma_wait3A_548 = arith.constant 0 : i32
    %dma_wait3A_549 = tpu.memref_slice %arg6[%dma_wait3A_547, %dma_wait3A_548] : memref<2560x16xf32, #tpu.memory_space<vmem>> -> memref<128x16xf32, #tpu.memory_space<vmem>>
    %dma_wait3A_550 = arith.constant 896 : i32
    %dma_wait3A_551 = tpu.memref_slice %arg5[%dma_wait3A_550] : memref<2560xi32, #tpu.memory_space<vmem>> -> memref<128xi32, #tpu.memory_space<vmem>>
    %dma_wait3A_552 = arith.constant 0 : i32
    %dma_wait3A_553 = arith.constant 0 : i32
    %dma_wait3A_554 = tpu.memref_slice %arg2[%dma_wait3A_552, %dma_wait3A_553] : memref<4096x16xf32, #tpu.memory_space<hbm>> -> memref<4096x16xf32, #tpu.memory_space<hbm>>
    tpu.wait_indirect_dma semaphore(%arg7 : memref<!tpu.dma_semaphore, #tpu.memory_space<semaphore_mem>>) src(%dma_wait3A_554 : memref<4096x16xf32, #tpu.memory_space<hbm>>) dst(%dma_wait3A_549 : memref<128x16xf32, #tpu.memory_space<vmem>>)
    %dma_wait3A_555 = arith.constant 1024 : i32
    %dma_wait3A_556 = arith.constant 0 : i32
    %dma_wait3A_557 = tpu.memref_slice %arg6[%dma_wait3A_555, %dma_wait3A_556] : memref<2560x16xf32, #tpu.memory_space<vmem>> -> memref<128x16xf32, #tpu.memory_space<vmem>>
    %dma_wait3A_558 = arith.constant 1024 : i32
    %dma_wait3A_559 = tpu.memref_slice %arg5[%dma_wait3A_558] : memref<2560xi32, #tpu.memory_space<vmem>> -> memref<128xi32, #tpu.memory_space<vmem>>
    %dma_wait3A_560 = arith.constant 0 : i32
    %dma_wait3A_561 = arith.constant 0 : i32
    %dma_wait3A_562 = tpu.memref_slice %arg2[%dma_wait3A_560, %dma_wait3A_561] : memref<4096x16xf32, #tpu.memory_space<hbm>> -> memref<4096x16xf32, #tpu.memory_space<hbm>>
    tpu.wait_indirect_dma semaphore(%arg7 : memref<!tpu.dma_semaphore, #tpu.memory_space<semaphore_mem>>) src(%dma_wait3A_562 : memref<4096x16xf32, #tpu.memory_space<hbm>>) dst(%dma_wait3A_557 : memref<128x16xf32, #tpu.memory_space<vmem>>)
    %dma_wait3A_563 = arith.constant 1152 : i32
    %dma_wait3A_564 = arith.constant 0 : i32
    %dma_wait3A_565 = tpu.memref_slice %arg6[%dma_wait3A_563, %dma_wait3A_564] : memref<2560x16xf32, #tpu.memory_space<vmem>> -> memref<128x16xf32, #tpu.memory_space<vmem>>
    %dma_wait3A_566 = arith.constant 1152 : i32
    %dma_wait3A_567 = tpu.memref_slice %arg5[%dma_wait3A_566] : memref<2560xi32, #tpu.memory_space<vmem>> -> memref<128xi32, #tpu.memory_space<vmem>>
    %dma_wait3A_568 = arith.constant 0 : i32
    %dma_wait3A_569 = arith.constant 0 : i32
    %dma_wait3A_570 = tpu.memref_slice %arg2[%dma_wait3A_568, %dma_wait3A_569] : memref<4096x16xf32, #tpu.memory_space<hbm>> -> memref<4096x16xf32, #tpu.memory_space<hbm>>
    tpu.wait_indirect_dma semaphore(%arg7 : memref<!tpu.dma_semaphore, #tpu.memory_space<semaphore_mem>>) src(%dma_wait3A_570 : memref<4096x16xf32, #tpu.memory_space<hbm>>) dst(%dma_wait3A_565 : memref<128x16xf32, #tpu.memory_space<vmem>>)
    %dma_wait3A_571 = arith.constant 1280 : i32
    %dma_wait3A_572 = arith.constant 0 : i32
    %dma_wait3A_573 = tpu.memref_slice %arg6[%dma_wait3A_571, %dma_wait3A_572] : memref<2560x16xf32, #tpu.memory_space<vmem>> -> memref<128x16xf32, #tpu.memory_space<vmem>>
    %dma_wait3A_574 = arith.constant 1280 : i32
    %dma_wait3A_575 = tpu.memref_slice %arg5[%dma_wait3A_574] : memref<2560xi32, #tpu.memory_space<vmem>> -> memref<128xi32, #tpu.memory_space<vmem>>
    %dma_wait3A_576 = arith.constant 0 : i32
    %dma_wait3A_577 = arith.constant 0 : i32
    %dma_wait3A_578 = tpu.memref_slice %arg2[%dma_wait3A_576, %dma_wait3A_577] : memref<4096x16xf32, #tpu.memory_space<hbm>> -> memref<4096x16xf32, #tpu.memory_space<hbm>>
    tpu.wait_indirect_dma semaphore(%arg7 : memref<!tpu.dma_semaphore, #tpu.memory_space<semaphore_mem>>) src(%dma_wait3A_578 : memref<4096x16xf32, #tpu.memory_space<hbm>>) dst(%dma_wait3A_573 : memref<128x16xf32, #tpu.memory_space<vmem>>)
    %dma_wait3A_579 = arith.constant 1408 : i32
    %dma_wait3A_580 = arith.constant 0 : i32
    %dma_wait3A_581 = tpu.memref_slice %arg6[%dma_wait3A_579, %dma_wait3A_580] : memref<2560x16xf32, #tpu.memory_space<vmem>> -> memref<128x16xf32, #tpu.memory_space<vmem>>
    %dma_wait3A_582 = arith.constant 1408 : i32
    %dma_wait3A_583 = tpu.memref_slice %arg5[%dma_wait3A_582] : memref<2560xi32, #tpu.memory_space<vmem>> -> memref<128xi32, #tpu.memory_space<vmem>>
    %dma_wait3A_584 = arith.constant 0 : i32
    %dma_wait3A_585 = arith.constant 0 : i32
    %dma_wait3A_586 = tpu.memref_slice %arg2[%dma_wait3A_584, %dma_wait3A_585] : memref<4096x16xf32, #tpu.memory_space<hbm>> -> memref<4096x16xf32, #tpu.memory_space<hbm>>
    tpu.wait_indirect_dma semaphore(%arg7 : memref<!tpu.dma_semaphore, #tpu.memory_space<semaphore_mem>>) src(%dma_wait3A_586 : memref<4096x16xf32, #tpu.memory_space<hbm>>) dst(%dma_wait3A_581 : memref<128x16xf32, #tpu.memory_space<vmem>>)
    %dma_wait3A_587 = arith.constant 1536 : i32
    %dma_wait3A_588 = arith.constant 0 : i32
    %dma_wait3A_589 = tpu.memref_slice %arg6[%dma_wait3A_587, %dma_wait3A_588] : memref<2560x16xf32, #tpu.memory_space<vmem>> -> memref<128x16xf32, #tpu.memory_space<vmem>>
    %dma_wait3A_590 = arith.constant 1536 : i32
    %dma_wait3A_591 = tpu.memref_slice %arg5[%dma_wait3A_590] : memref<2560xi32, #tpu.memory_space<vmem>> -> memref<128xi32, #tpu.memory_space<vmem>>
    %dma_wait3A_592 = arith.constant 0 : i32
    %dma_wait3A_593 = arith.constant 0 : i32
    %dma_wait3A_594 = tpu.memref_slice %arg2[%dma_wait3A_592, %dma_wait3A_593] : memref<4096x16xf32, #tpu.memory_space<hbm>> -> memref<4096x16xf32, #tpu.memory_space<hbm>>
    tpu.wait_indirect_dma semaphore(%arg7 : memref<!tpu.dma_semaphore, #tpu.memory_space<semaphore_mem>>) src(%dma_wait3A_594 : memref<4096x16xf32, #tpu.memory_space<hbm>>) dst(%dma_wait3A_589 : memref<128x16xf32, #tpu.memory_space<vmem>>)
    %dma_wait3A_595 = arith.constant 1664 : i32
    %dma_wait3A_596 = arith.constant 0 : i32
    %dma_wait3A_597 = tpu.memref_slice %arg6[%dma_wait3A_595, %dma_wait3A_596] : memref<2560x16xf32, #tpu.memory_space<vmem>> -> memref<128x16xf32, #tpu.memory_space<vmem>>
    %dma_wait3A_598 = arith.constant 1664 : i32
    %dma_wait3A_599 = tpu.memref_slice %arg5[%dma_wait3A_598] : memref<2560xi32, #tpu.memory_space<vmem>> -> memref<128xi32, #tpu.memory_space<vmem>>
    %dma_wait3A_600 = arith.constant 0 : i32
    %dma_wait3A_601 = arith.constant 0 : i32
    %dma_wait3A_602 = tpu.memref_slice %arg2[%dma_wait3A_600, %dma_wait3A_601] : memref<4096x16xf32, #tpu.memory_space<hbm>> -> memref<4096x16xf32, #tpu.memory_space<hbm>>
    tpu.wait_indirect_dma semaphore(%arg7 : memref<!tpu.dma_semaphore, #tpu.memory_space<semaphore_mem>>) src(%dma_wait3A_602 : memref<4096x16xf32, #tpu.memory_space<hbm>>) dst(%dma_wait3A_597 : memref<128x16xf32, #tpu.memory_space<vmem>>)
    %dma_wait3A_603 = arith.constant 1792 : i32
    %dma_wait3A_604 = arith.constant 0 : i32
    %dma_wait3A_605 = tpu.memref_slice %arg6[%dma_wait3A_603, %dma_wait3A_604] : memref<2560x16xf32, #tpu.memory_space<vmem>> -> memref<128x16xf32, #tpu.memory_space<vmem>>
    %dma_wait3A_606 = arith.constant 1792 : i32
    %dma_wait3A_607 = tpu.memref_slice %arg5[%dma_wait3A_606] : memref<2560xi32, #tpu.memory_space<vmem>> -> memref<128xi32, #tpu.memory_space<vmem>>
    %dma_wait3A_608 = arith.constant 0 : i32
    %dma_wait3A_609 = arith.constant 0 : i32
    %dma_wait3A_610 = tpu.memref_slice %arg2[%dma_wait3A_608, %dma_wait3A_609] : memref<4096x16xf32, #tpu.memory_space<hbm>> -> memref<4096x16xf32, #tpu.memory_space<hbm>>
    tpu.wait_indirect_dma semaphore(%arg7 : memref<!tpu.dma_semaphore, #tpu.memory_space<semaphore_mem>>) src(%dma_wait3A_610 : memref<4096x16xf32, #tpu.memory_space<hbm>>) dst(%dma_wait3A_605 : memref<128x16xf32, #tpu.memory_space<vmem>>)
    %dma_wait3A_611 = arith.constant 1920 : i32
    %dma_wait3A_612 = arith.constant 0 : i32
    %dma_wait3A_613 = tpu.memref_slice %arg6[%dma_wait3A_611, %dma_wait3A_612] : memref<2560x16xf32, #tpu.memory_space<vmem>> -> memref<128x16xf32, #tpu.memory_space<vmem>>
    %dma_wait3A_614 = arith.constant 1920 : i32
    %dma_wait3A_615 = tpu.memref_slice %arg5[%dma_wait3A_614] : memref<2560xi32, #tpu.memory_space<vmem>> -> memref<128xi32, #tpu.memory_space<vmem>>
    %dma_wait3A_616 = arith.constant 0 : i32
    %dma_wait3A_617 = arith.constant 0 : i32
    %dma_wait3A_618 = tpu.memref_slice %arg2[%dma_wait3A_616, %dma_wait3A_617] : memref<4096x16xf32, #tpu.memory_space<hbm>> -> memref<4096x16xf32, #tpu.memory_space<hbm>>
    tpu.wait_indirect_dma semaphore(%arg7 : memref<!tpu.dma_semaphore, #tpu.memory_space<semaphore_mem>>) src(%dma_wait3A_618 : memref<4096x16xf32, #tpu.memory_space<hbm>>) dst(%dma_wait3A_613 : memref<128x16xf32, #tpu.memory_space<vmem>>)
    %dma_wait3A_619 = arith.constant 2048 : i32
    %dma_wait3A_620 = arith.constant 0 : i32
    %dma_wait3A_621 = tpu.memref_slice %arg6[%dma_wait3A_619, %dma_wait3A_620] : memref<2560x16xf32, #tpu.memory_space<vmem>> -> memref<128x16xf32, #tpu.memory_space<vmem>>
    %dma_wait3A_622 = arith.constant 2048 : i32
    %dma_wait3A_623 = tpu.memref_slice %arg5[%dma_wait3A_622] : memref<2560xi32, #tpu.memory_space<vmem>> -> memref<128xi32, #tpu.memory_space<vmem>>
    %dma_wait3A_624 = arith.constant 0 : i32
    %dma_wait3A_625 = arith.constant 0 : i32
    %dma_wait3A_626 = tpu.memref_slice %arg2[%dma_wait3A_624, %dma_wait3A_625] : memref<4096x16xf32, #tpu.memory_space<hbm>> -> memref<4096x16xf32, #tpu.memory_space<hbm>>
    tpu.wait_indirect_dma semaphore(%arg7 : memref<!tpu.dma_semaphore, #tpu.memory_space<semaphore_mem>>) src(%dma_wait3A_626 : memref<4096x16xf32, #tpu.memory_space<hbm>>) dst(%dma_wait3A_621 : memref<128x16xf32, #tpu.memory_space<vmem>>)
    %dma_wait3A_627 = arith.constant 2176 : i32
    %dma_wait3A_628 = arith.constant 0 : i32
    %dma_wait3A_629 = tpu.memref_slice %arg6[%dma_wait3A_627, %dma_wait3A_628] : memref<2560x16xf32, #tpu.memory_space<vmem>> -> memref<128x16xf32, #tpu.memory_space<vmem>>
    %dma_wait3A_630 = arith.constant 2176 : i32
    %dma_wait3A_631 = tpu.memref_slice %arg5[%dma_wait3A_630] : memref<2560xi32, #tpu.memory_space<vmem>> -> memref<128xi32, #tpu.memory_space<vmem>>
    %dma_wait3A_632 = arith.constant 0 : i32
    %dma_wait3A_633 = arith.constant 0 : i32
    %dma_wait3A_634 = tpu.memref_slice %arg2[%dma_wait3A_632, %dma_wait3A_633] : memref<4096x16xf32, #tpu.memory_space<hbm>> -> memref<4096x16xf32, #tpu.memory_space<hbm>>
    tpu.wait_indirect_dma semaphore(%arg7 : memref<!tpu.dma_semaphore, #tpu.memory_space<semaphore_mem>>) src(%dma_wait3A_634 : memref<4096x16xf32, #tpu.memory_space<hbm>>) dst(%dma_wait3A_629 : memref<128x16xf32, #tpu.memory_space<vmem>>)
    %dma_wait3A_635 = arith.constant 2304 : i32
    %dma_wait3A_636 = arith.constant 0 : i32
    %dma_wait3A_637 = tpu.memref_slice %arg6[%dma_wait3A_635, %dma_wait3A_636] : memref<2560x16xf32, #tpu.memory_space<vmem>> -> memref<128x16xf32, #tpu.memory_space<vmem>>
    %dma_wait3A_638 = arith.constant 2304 : i32
    %dma_wait3A_639 = tpu.memref_slice %arg5[%dma_wait3A_638] : memref<2560xi32, #tpu.memory_space<vmem>> -> memref<128xi32, #tpu.memory_space<vmem>>
    %dma_wait3A_640 = arith.constant 0 : i32
    %dma_wait3A_641 = arith.constant 0 : i32
    %dma_wait3A_642 = tpu.memref_slice %arg2[%dma_wait3A_640, %dma_wait3A_641] : memref<4096x16xf32, #tpu.memory_space<hbm>> -> memref<4096x16xf32, #tpu.memory_space<hbm>>
    tpu.wait_indirect_dma semaphore(%arg7 : memref<!tpu.dma_semaphore, #tpu.memory_space<semaphore_mem>>) src(%dma_wait3A_642 : memref<4096x16xf32, #tpu.memory_space<hbm>>) dst(%dma_wait3A_637 : memref<128x16xf32, #tpu.memory_space<vmem>>)
    %dma_wait3A_643 = arith.constant 2432 : i32
    %dma_wait3A_644 = arith.constant 0 : i32
    %dma_wait3A_645 = tpu.memref_slice %arg6[%dma_wait3A_643, %dma_wait3A_644] : memref<2560x16xf32, #tpu.memory_space<vmem>> -> memref<128x16xf32, #tpu.memory_space<vmem>>
    %dma_wait3A_646 = arith.constant 2432 : i32
    %dma_wait3A_647 = tpu.memref_slice %arg5[%dma_wait3A_646] : memref<2560xi32, #tpu.memory_space<vmem>> -> memref<128xi32, #tpu.memory_space<vmem>>
    %dma_wait3A_648 = arith.constant 0 : i32
    %dma_wait3A_649 = arith.constant 0 : i32
    %dma_wait3A_650 = tpu.memref_slice %arg2[%dma_wait3A_648, %dma_wait3A_649] : memref<4096x16xf32, #tpu.memory_space<hbm>> -> memref<4096x16xf32, #tpu.memory_space<hbm>>
    tpu.wait_indirect_dma semaphore(%arg7 : memref<!tpu.dma_semaphore, #tpu.memory_space<semaphore_mem>>) src(%dma_wait3A_650 : memref<4096x16xf32, #tpu.memory_space<hbm>>) dst(%dma_wait3A_645 : memref<128x16xf32, #tpu.memory_space<vmem>>)
    "tpu.region"() ({
      %run_scoped3A = tpu.sem_alloc : memref<!tpu.dma_semaphore, #tpu.memory_space<semaphore_mem>>
      %dma_start3A_1303 = arith.constant 0 : i32
      %dma_start3A_1304 = tpu.memref_slice %arg4[%mul3A_330, %dma_start3A_1303] : memref<327680x16xf32, #tpu.memory_space<hbm>> -> memref<2560x16xf32, #tpu.memory_space<hbm>>
      %dma_start3A_1305 = arith.constant 0 : i32
      %dma_start3A_1306 = tpu.memref_slice %arg4[%mul3A_330, %dma_start3A_1305] : memref<327680x16xf32, #tpu.memory_space<hbm>> -> memref<2560x16xf32, #tpu.memory_space<hbm>>
      tpu.enqueue_dma source(%arg6 : memref<2560x16xf32, #tpu.memory_space<vmem>>) target(%dma_start3A_1306 : memref<2560x16xf32, #tpu.memory_space<hbm>>) target_semaphore(%run_scoped3A : memref<!tpu.dma_semaphore, #tpu.memory_space<semaphore_mem>>)
      %dma_wait3A_1307 = arith.constant 0 : i32
      %dma_wait3A_1308 = tpu.memref_slice %arg4[%mul3A_330, %dma_wait3A_1307] : memref<327680x16xf32, #tpu.memory_space<hbm>> -> memref<2560x16xf32, #tpu.memory_space<hbm>>
      %dma_wait3A_1309 = arith.constant 0 : i32
      %dma_wait3A_1310 = tpu.memref_slice %arg4[%mul3A_330, %dma_wait3A_1309] : memref<327680x16xf32, #tpu.memory_space<hbm>> -> memref<2560x16xf32, #tpu.memory_space<hbm>>
      tpu.wait_dma2 semaphore(%run_scoped3A : memref<!tpu.dma_semaphore, #tpu.memory_space<semaphore_mem>>) src(%arg6 : memref<2560x16xf32, #tpu.memory_space<vmem>>) dst(%dma_wait3A_1310 : memref<2560x16xf32, #tpu.memory_space<hbm>>)
      tpu.yield
    }) : () -> ()
    %mul3A_651 = arith.constant 512 : i32
    %mul3A_652 = arith.muli %add3A, %mul3A_651 : i32
    %add3A_653 = arith.constant 256 : i32
    %add3A_654 = arith.addi %mul3A_652, %add3A_653 : i32
    %mul3A_655 = arith.constant 20 : i32
    %mul3A_656 = arith.muli %add3A_654, %mul3A_655 : i32
    "tpu.region"() ({
      %run_scoped3A = tpu.sem_alloc : memref<!tpu.dma_semaphore, #tpu.memory_space<semaphore_mem>>
      %dma_start3A_1303 = tpu.memref_slice %arg3[%mul3A_656] : memref<327680xi32, #tpu.memory_space<hbm>> -> memref<2560xi32, #tpu.memory_space<hbm>>
      %dma_start3A_1304 = tpu.memref_slice %arg3[%mul3A_656] : memref<327680xi32, #tpu.memory_space<hbm>> -> memref<2560xi32, #tpu.memory_space<hbm>>
      tpu.enqueue_dma source(%dma_start3A_1304 : memref<2560xi32, #tpu.memory_space<hbm>>) target(%arg5 : memref<2560xi32, #tpu.memory_space<vmem>>) target_semaphore(%run_scoped3A : memref<!tpu.dma_semaphore, #tpu.memory_space<semaphore_mem>>)
      %dma_wait3A_1305 = tpu.memref_slice %arg3[%mul3A_656] : memref<327680xi32, #tpu.memory_space<hbm>> -> memref<2560xi32, #tpu.memory_space<hbm>>
      %dma_wait3A_1306 = tpu.memref_slice %arg3[%mul3A_656] : memref<327680xi32, #tpu.memory_space<hbm>> -> memref<2560xi32, #tpu.memory_space<hbm>>
      tpu.wait_dma2 semaphore(%run_scoped3A : memref<!tpu.dma_semaphore, #tpu.memory_space<semaphore_mem>>) src(%dma_wait3A_1306 : memref<2560xi32, #tpu.memory_space<hbm>>) dst(%arg5 : memref<2560xi32, #tpu.memory_space<vmem>>)
      tpu.yield
    }) : () -> ()
    %dma_start3A_657 = arith.constant 0 : i32
    %dma_start3A_658 = arith.constant 0 : i32
    %dma_start3A_659 = tpu.memref_slice %arg6[%dma_start3A_657, %dma_start3A_658] : memref<2560x16xf32, #tpu.memory_space<vmem>> -> memref<128x16xf32, #tpu.memory_space<vmem>>
    %dma_start3A_660 = arith.constant 0 : i32
    %dma_start3A_661 = tpu.memref_slice %arg5[%dma_start3A_660] : memref<2560xi32, #tpu.memory_space<vmem>> -> memref<128xi32, #tpu.memory_space<vmem>>
    %dma_start3A_662 = arith.constant 0 : i32
    %dma_start3A_663 = arith.constant 0 : i32
    %dma_start3A_664 = tpu.memref_slice %arg2[%dma_start3A_662, %dma_start3A_663] : memref<4096x16xf32, #tpu.memory_space<hbm>> -> memref<4096x16xf32, #tpu.memory_space<hbm>>
    tpu.enqueue_indirect_dma source(%dma_start3A_664 : memref<4096x16xf32, #tpu.memory_space<hbm>>) target(%dma_start3A_659 : memref<128x16xf32, #tpu.memory_space<vmem>>) offsets(%dma_start3A_661 : memref<128xi32, #tpu.memory_space<vmem>>) semaphore(%arg7 : memref<!tpu.dma_semaphore, #tpu.memory_space<semaphore_mem>>)
    %dma_start3A_665 = arith.constant 128 : i32
    %dma_start3A_666 = arith.constant 0 : i32
    %dma_start3A_667 = tpu.memref_slice %arg6[%dma_start3A_665, %dma_start3A_666] : memref<2560x16xf32, #tpu.memory_space<vmem>> -> memref<128x16xf32, #tpu.memory_space<vmem>>
    %dma_start3A_668 = arith.constant 128 : i32
    %dma_start3A_669 = tpu.memref_slice %arg5[%dma_start3A_668] : memref<2560xi32, #tpu.memory_space<vmem>> -> memref<128xi32, #tpu.memory_space<vmem>>
    %dma_start3A_670 = arith.constant 0 : i32
    %dma_start3A_671 = arith.constant 0 : i32
    %dma_start3A_672 = tpu.memref_slice %arg2[%dma_start3A_670, %dma_start3A_671] : memref<4096x16xf32, #tpu.memory_space<hbm>> -> memref<4096x16xf32, #tpu.memory_space<hbm>>
    tpu.enqueue_indirect_dma source(%dma_start3A_672 : memref<4096x16xf32, #tpu.memory_space<hbm>>) target(%dma_start3A_667 : memref<128x16xf32, #tpu.memory_space<vmem>>) offsets(%dma_start3A_669 : memref<128xi32, #tpu.memory_space<vmem>>) semaphore(%arg7 : memref<!tpu.dma_semaphore, #tpu.memory_space<semaphore_mem>>)
    %dma_start3A_673 = arith.constant 256 : i32
    %dma_start3A_674 = arith.constant 0 : i32
    %dma_start3A_675 = tpu.memref_slice %arg6[%dma_start3A_673, %dma_start3A_674] : memref<2560x16xf32, #tpu.memory_space<vmem>> -> memref<128x16xf32, #tpu.memory_space<vmem>>
    %dma_start3A_676 = arith.constant 256 : i32
    %dma_start3A_677 = tpu.memref_slice %arg5[%dma_start3A_676] : memref<2560xi32, #tpu.memory_space<vmem>> -> memref<128xi32, #tpu.memory_space<vmem>>
    %dma_start3A_678 = arith.constant 0 : i32
    %dma_start3A_679 = arith.constant 0 : i32
    %dma_start3A_680 = tpu.memref_slice %arg2[%dma_start3A_678, %dma_start3A_679] : memref<4096x16xf32, #tpu.memory_space<hbm>> -> memref<4096x16xf32, #tpu.memory_space<hbm>>
    tpu.enqueue_indirect_dma source(%dma_start3A_680 : memref<4096x16xf32, #tpu.memory_space<hbm>>) target(%dma_start3A_675 : memref<128x16xf32, #tpu.memory_space<vmem>>) offsets(%dma_start3A_677 : memref<128xi32, #tpu.memory_space<vmem>>) semaphore(%arg7 : memref<!tpu.dma_semaphore, #tpu.memory_space<semaphore_mem>>)
    %dma_start3A_681 = arith.constant 384 : i32
    %dma_start3A_682 = arith.constant 0 : i32
    %dma_start3A_683 = tpu.memref_slice %arg6[%dma_start3A_681, %dma_start3A_682] : memref<2560x16xf32, #tpu.memory_space<vmem>> -> memref<128x16xf32, #tpu.memory_space<vmem>>
    %dma_start3A_684 = arith.constant 384 : i32
    %dma_start3A_685 = tpu.memref_slice %arg5[%dma_start3A_684] : memref<2560xi32, #tpu.memory_space<vmem>> -> memref<128xi32, #tpu.memory_space<vmem>>
    %dma_start3A_686 = arith.constant 0 : i32
    %dma_start3A_687 = arith.constant 0 : i32
    %dma_start3A_688 = tpu.memref_slice %arg2[%dma_start3A_686, %dma_start3A_687] : memref<4096x16xf32, #tpu.memory_space<hbm>> -> memref<4096x16xf32, #tpu.memory_space<hbm>>
    tpu.enqueue_indirect_dma source(%dma_start3A_688 : memref<4096x16xf32, #tpu.memory_space<hbm>>) target(%dma_start3A_683 : memref<128x16xf32, #tpu.memory_space<vmem>>) offsets(%dma_start3A_685 : memref<128xi32, #tpu.memory_space<vmem>>) semaphore(%arg7 : memref<!tpu.dma_semaphore, #tpu.memory_space<semaphore_mem>>)
    %dma_start3A_689 = arith.constant 512 : i32
    %dma_start3A_690 = arith.constant 0 : i32
    %dma_start3A_691 = tpu.memref_slice %arg6[%dma_start3A_689, %dma_start3A_690] : memref<2560x16xf32, #tpu.memory_space<vmem>> -> memref<128x16xf32, #tpu.memory_space<vmem>>
    %dma_start3A_692 = arith.constant 512 : i32
    %dma_start3A_693 = tpu.memref_slice %arg5[%dma_start3A_692] : memref<2560xi32, #tpu.memory_space<vmem>> -> memref<128xi32, #tpu.memory_space<vmem>>
    %dma_start3A_694 = arith.constant 0 : i32
    %dma_start3A_695 = arith.constant 0 : i32
    %dma_start3A_696 = tpu.memref_slice %arg2[%dma_start3A_694, %dma_start3A_695] : memref<4096x16xf32, #tpu.memory_space<hbm>> -> memref<4096x16xf32, #tpu.memory_space<hbm>>
    tpu.enqueue_indirect_dma source(%dma_start3A_696 : memref<4096x16xf32, #tpu.memory_space<hbm>>) target(%dma_start3A_691 : memref<128x16xf32, #tpu.memory_space<vmem>>) offsets(%dma_start3A_693 : memref<128xi32, #tpu.memory_space<vmem>>) semaphore(%arg7 : memref<!tpu.dma_semaphore, #tpu.memory_space<semaphore_mem>>)
    %dma_start3A_697 = arith.constant 640 : i32
    %dma_start3A_698 = arith.constant 0 : i32
    %dma_start3A_699 = tpu.memref_slice %arg6[%dma_start3A_697, %dma_start3A_698] : memref<2560x16xf32, #tpu.memory_space<vmem>> -> memref<128x16xf32, #tpu.memory_space<vmem>>
    %dma_start3A_700 = arith.constant 640 : i32
    %dma_start3A_701 = tpu.memref_slice %arg5[%dma_start3A_700] : memref<2560xi32, #tpu.memory_space<vmem>> -> memref<128xi32, #tpu.memory_space<vmem>>
    %dma_start3A_702 = arith.constant 0 : i32
    %dma_start3A_703 = arith.constant 0 : i32
    %dma_start3A_704 = tpu.memref_slice %arg2[%dma_start3A_702, %dma_start3A_703] : memref<4096x16xf32, #tpu.memory_space<hbm>> -> memref<4096x16xf32, #tpu.memory_space<hbm>>
    tpu.enqueue_indirect_dma source(%dma_start3A_704 : memref<4096x16xf32, #tpu.memory_space<hbm>>) target(%dma_start3A_699 : memref<128x16xf32, #tpu.memory_space<vmem>>) offsets(%dma_start3A_701 : memref<128xi32, #tpu.memory_space<vmem>>) semaphore(%arg7 : memref<!tpu.dma_semaphore, #tpu.memory_space<semaphore_mem>>)
    %dma_start3A_705 = arith.constant 768 : i32
    %dma_start3A_706 = arith.constant 0 : i32
    %dma_start3A_707 = tpu.memref_slice %arg6[%dma_start3A_705, %dma_start3A_706] : memref<2560x16xf32, #tpu.memory_space<vmem>> -> memref<128x16xf32, #tpu.memory_space<vmem>>
    %dma_start3A_708 = arith.constant 768 : i32
    %dma_start3A_709 = tpu.memref_slice %arg5[%dma_start3A_708] : memref<2560xi32, #tpu.memory_space<vmem>> -> memref<128xi32, #tpu.memory_space<vmem>>
    %dma_start3A_710 = arith.constant 0 : i32
    %dma_start3A_711 = arith.constant 0 : i32
    %dma_start3A_712 = tpu.memref_slice %arg2[%dma_start3A_710, %dma_start3A_711] : memref<4096x16xf32, #tpu.memory_space<hbm>> -> memref<4096x16xf32, #tpu.memory_space<hbm>>
    tpu.enqueue_indirect_dma source(%dma_start3A_712 : memref<4096x16xf32, #tpu.memory_space<hbm>>) target(%dma_start3A_707 : memref<128x16xf32, #tpu.memory_space<vmem>>) offsets(%dma_start3A_709 : memref<128xi32, #tpu.memory_space<vmem>>) semaphore(%arg7 : memref<!tpu.dma_semaphore, #tpu.memory_space<semaphore_mem>>)
    %dma_start3A_713 = arith.constant 896 : i32
    %dma_start3A_714 = arith.constant 0 : i32
    %dma_start3A_715 = tpu.memref_slice %arg6[%dma_start3A_713, %dma_start3A_714] : memref<2560x16xf32, #tpu.memory_space<vmem>> -> memref<128x16xf32, #tpu.memory_space<vmem>>
    %dma_start3A_716 = arith.constant 896 : i32
    %dma_start3A_717 = tpu.memref_slice %arg5[%dma_start3A_716] : memref<2560xi32, #tpu.memory_space<vmem>> -> memref<128xi32, #tpu.memory_space<vmem>>
    %dma_start3A_718 = arith.constant 0 : i32
    %dma_start3A_719 = arith.constant 0 : i32
    %dma_start3A_720 = tpu.memref_slice %arg2[%dma_start3A_718, %dma_start3A_719] : memref<4096x16xf32, #tpu.memory_space<hbm>> -> memref<4096x16xf32, #tpu.memory_space<hbm>>
    tpu.enqueue_indirect_dma source(%dma_start3A_720 : memref<4096x16xf32, #tpu.memory_space<hbm>>) target(%dma_start3A_715 : memref<128x16xf32, #tpu.memory_space<vmem>>) offsets(%dma_start3A_717 : memref<128xi32, #tpu.memory_space<vmem>>) semaphore(%arg7 : memref<!tpu.dma_semaphore, #tpu.memory_space<semaphore_mem>>)
    %dma_start3A_721 = arith.constant 1024 : i32
    %dma_start3A_722 = arith.constant 0 : i32
    %dma_start3A_723 = tpu.memref_slice %arg6[%dma_start3A_721, %dma_start3A_722] : memref<2560x16xf32, #tpu.memory_space<vmem>> -> memref<128x16xf32, #tpu.memory_space<vmem>>
    %dma_start3A_724 = arith.constant 1024 : i32
    %dma_start3A_725 = tpu.memref_slice %arg5[%dma_start3A_724] : memref<2560xi32, #tpu.memory_space<vmem>> -> memref<128xi32, #tpu.memory_space<vmem>>
    %dma_start3A_726 = arith.constant 0 : i32
    %dma_start3A_727 = arith.constant 0 : i32
    %dma_start3A_728 = tpu.memref_slice %arg2[%dma_start3A_726, %dma_start3A_727] : memref<4096x16xf32, #tpu.memory_space<hbm>> -> memref<4096x16xf32, #tpu.memory_space<hbm>>
    tpu.enqueue_indirect_dma source(%dma_start3A_728 : memref<4096x16xf32, #tpu.memory_space<hbm>>) target(%dma_start3A_723 : memref<128x16xf32, #tpu.memory_space<vmem>>) offsets(%dma_start3A_725 : memref<128xi32, #tpu.memory_space<vmem>>) semaphore(%arg7 : memref<!tpu.dma_semaphore, #tpu.memory_space<semaphore_mem>>)
    %dma_start3A_729 = arith.constant 1152 : i32
    %dma_start3A_730 = arith.constant 0 : i32
    %dma_start3A_731 = tpu.memref_slice %arg6[%dma_start3A_729, %dma_start3A_730] : memref<2560x16xf32, #tpu.memory_space<vmem>> -> memref<128x16xf32, #tpu.memory_space<vmem>>
    %dma_start3A_732 = arith.constant 1152 : i32
    %dma_start3A_733 = tpu.memref_slice %arg5[%dma_start3A_732] : memref<2560xi32, #tpu.memory_space<vmem>> -> memref<128xi32, #tpu.memory_space<vmem>>
    %dma_start3A_734 = arith.constant 0 : i32
    %dma_start3A_735 = arith.constant 0 : i32
    %dma_start3A_736 = tpu.memref_slice %arg2[%dma_start3A_734, %dma_start3A_735] : memref<4096x16xf32, #tpu.memory_space<hbm>> -> memref<4096x16xf32, #tpu.memory_space<hbm>>
    tpu.enqueue_indirect_dma source(%dma_start3A_736 : memref<4096x16xf32, #tpu.memory_space<hbm>>) target(%dma_start3A_731 : memref<128x16xf32, #tpu.memory_space<vmem>>) offsets(%dma_start3A_733 : memref<128xi32, #tpu.memory_space<vmem>>) semaphore(%arg7 : memref<!tpu.dma_semaphore, #tpu.memory_space<semaphore_mem>>)
    %dma_start3A_737 = arith.constant 1280 : i32
    %dma_start3A_738 = arith.constant 0 : i32
    %dma_start3A_739 = tpu.memref_slice %arg6[%dma_start3A_737, %dma_start3A_738] : memref<2560x16xf32, #tpu.memory_space<vmem>> -> memref<128x16xf32, #tpu.memory_space<vmem>>
    %dma_start3A_740 = arith.constant 1280 : i32
    %dma_start3A_741 = tpu.memref_slice %arg5[%dma_start3A_740] : memref<2560xi32, #tpu.memory_space<vmem>> -> memref<128xi32, #tpu.memory_space<vmem>>
    %dma_start3A_742 = arith.constant 0 : i32
    %dma_start3A_743 = arith.constant 0 : i32
    %dma_start3A_744 = tpu.memref_slice %arg2[%dma_start3A_742, %dma_start3A_743] : memref<4096x16xf32, #tpu.memory_space<hbm>> -> memref<4096x16xf32, #tpu.memory_space<hbm>>
    tpu.enqueue_indirect_dma source(%dma_start3A_744 : memref<4096x16xf32, #tpu.memory_space<hbm>>) target(%dma_start3A_739 : memref<128x16xf32, #tpu.memory_space<vmem>>) offsets(%dma_start3A_741 : memref<128xi32, #tpu.memory_space<vmem>>) semaphore(%arg7 : memref<!tpu.dma_semaphore, #tpu.memory_space<semaphore_mem>>)
    %dma_start3A_745 = arith.constant 1408 : i32
    %dma_start3A_746 = arith.constant 0 : i32
    %dma_start3A_747 = tpu.memref_slice %arg6[%dma_start3A_745, %dma_start3A_746] : memref<2560x16xf32, #tpu.memory_space<vmem>> -> memref<128x16xf32, #tpu.memory_space<vmem>>
    %dma_start3A_748 = arith.constant 1408 : i32
    %dma_start3A_749 = tpu.memref_slice %arg5[%dma_start3A_748] : memref<2560xi32, #tpu.memory_space<vmem>> -> memref<128xi32, #tpu.memory_space<vmem>>
    %dma_start3A_750 = arith.constant 0 : i32
    %dma_start3A_751 = arith.constant 0 : i32
    %dma_start3A_752 = tpu.memref_slice %arg2[%dma_start3A_750, %dma_start3A_751] : memref<4096x16xf32, #tpu.memory_space<hbm>> -> memref<4096x16xf32, #tpu.memory_space<hbm>>
    tpu.enqueue_indirect_dma source(%dma_start3A_752 : memref<4096x16xf32, #tpu.memory_space<hbm>>) target(%dma_start3A_747 : memref<128x16xf32, #tpu.memory_space<vmem>>) offsets(%dma_start3A_749 : memref<128xi32, #tpu.memory_space<vmem>>) semaphore(%arg7 : memref<!tpu.dma_semaphore, #tpu.memory_space<semaphore_mem>>)
    %dma_start3A_753 = arith.constant 1536 : i32
    %dma_start3A_754 = arith.constant 0 : i32
    %dma_start3A_755 = tpu.memref_slice %arg6[%dma_start3A_753, %dma_start3A_754] : memref<2560x16xf32, #tpu.memory_space<vmem>> -> memref<128x16xf32, #tpu.memory_space<vmem>>
    %dma_start3A_756 = arith.constant 1536 : i32
    %dma_start3A_757 = tpu.memref_slice %arg5[%dma_start3A_756] : memref<2560xi32, #tpu.memory_space<vmem>> -> memref<128xi32, #tpu.memory_space<vmem>>
    %dma_start3A_758 = arith.constant 0 : i32
    %dma_start3A_759 = arith.constant 0 : i32
    %dma_start3A_760 = tpu.memref_slice %arg2[%dma_start3A_758, %dma_start3A_759] : memref<4096x16xf32, #tpu.memory_space<hbm>> -> memref<4096x16xf32, #tpu.memory_space<hbm>>
    tpu.enqueue_indirect_dma source(%dma_start3A_760 : memref<4096x16xf32, #tpu.memory_space<hbm>>) target(%dma_start3A_755 : memref<128x16xf32, #tpu.memory_space<vmem>>) offsets(%dma_start3A_757 : memref<128xi32, #tpu.memory_space<vmem>>) semaphore(%arg7 : memref<!tpu.dma_semaphore, #tpu.memory_space<semaphore_mem>>)
    %dma_start3A_761 = arith.constant 1664 : i32
    %dma_start3A_762 = arith.constant 0 : i32
    %dma_start3A_763 = tpu.memref_slice %arg6[%dma_start3A_761, %dma_start3A_762] : memref<2560x16xf32, #tpu.memory_space<vmem>> -> memref<128x16xf32, #tpu.memory_space<vmem>>
    %dma_start3A_764 = arith.constant 1664 : i32
    %dma_start3A_765 = tpu.memref_slice %arg5[%dma_start3A_764] : memref<2560xi32, #tpu.memory_space<vmem>> -> memref<128xi32, #tpu.memory_space<vmem>>
    %dma_start3A_766 = arith.constant 0 : i32
    %dma_start3A_767 = arith.constant 0 : i32
    %dma_start3A_768 = tpu.memref_slice %arg2[%dma_start3A_766, %dma_start3A_767] : memref<4096x16xf32, #tpu.memory_space<hbm>> -> memref<4096x16xf32, #tpu.memory_space<hbm>>
    tpu.enqueue_indirect_dma source(%dma_start3A_768 : memref<4096x16xf32, #tpu.memory_space<hbm>>) target(%dma_start3A_763 : memref<128x16xf32, #tpu.memory_space<vmem>>) offsets(%dma_start3A_765 : memref<128xi32, #tpu.memory_space<vmem>>) semaphore(%arg7 : memref<!tpu.dma_semaphore, #tpu.memory_space<semaphore_mem>>)
    %dma_start3A_769 = arith.constant 1792 : i32
    %dma_start3A_770 = arith.constant 0 : i32
    %dma_start3A_771 = tpu.memref_slice %arg6[%dma_start3A_769, %dma_start3A_770] : memref<2560x16xf32, #tpu.memory_space<vmem>> -> memref<128x16xf32, #tpu.memory_space<vmem>>
    %dma_start3A_772 = arith.constant 1792 : i32
    %dma_start3A_773 = tpu.memref_slice %arg5[%dma_start3A_772] : memref<2560xi32, #tpu.memory_space<vmem>> -> memref<128xi32, #tpu.memory_space<vmem>>
    %dma_start3A_774 = arith.constant 0 : i32
    %dma_start3A_775 = arith.constant 0 : i32
    %dma_start3A_776 = tpu.memref_slice %arg2[%dma_start3A_774, %dma_start3A_775] : memref<4096x16xf32, #tpu.memory_space<hbm>> -> memref<4096x16xf32, #tpu.memory_space<hbm>>
    tpu.enqueue_indirect_dma source(%dma_start3A_776 : memref<4096x16xf32, #tpu.memory_space<hbm>>) target(%dma_start3A_771 : memref<128x16xf32, #tpu.memory_space<vmem>>) offsets(%dma_start3A_773 : memref<128xi32, #tpu.memory_space<vmem>>) semaphore(%arg7 : memref<!tpu.dma_semaphore, #tpu.memory_space<semaphore_mem>>)
    %dma_start3A_777 = arith.constant 1920 : i32
    %dma_start3A_778 = arith.constant 0 : i32
    %dma_start3A_779 = tpu.memref_slice %arg6[%dma_start3A_777, %dma_start3A_778] : memref<2560x16xf32, #tpu.memory_space<vmem>> -> memref<128x16xf32, #tpu.memory_space<vmem>>
    %dma_start3A_780 = arith.constant 1920 : i32
    %dma_start3A_781 = tpu.memref_slice %arg5[%dma_start3A_780] : memref<2560xi32, #tpu.memory_space<vmem>> -> memref<128xi32, #tpu.memory_space<vmem>>
    %dma_start3A_782 = arith.constant 0 : i32
    %dma_start3A_783 = arith.constant 0 : i32
    %dma_start3A_784 = tpu.memref_slice %arg2[%dma_start3A_782, %dma_start3A_783] : memref<4096x16xf32, #tpu.memory_space<hbm>> -> memref<4096x16xf32, #tpu.memory_space<hbm>>
    tpu.enqueue_indirect_dma source(%dma_start3A_784 : memref<4096x16xf32, #tpu.memory_space<hbm>>) target(%dma_start3A_779 : memref<128x16xf32, #tpu.memory_space<vmem>>) offsets(%dma_start3A_781 : memref<128xi32, #tpu.memory_space<vmem>>) semaphore(%arg7 : memref<!tpu.dma_semaphore, #tpu.memory_space<semaphore_mem>>)
    %dma_start3A_785 = arith.constant 2048 : i32
    %dma_start3A_786 = arith.constant 0 : i32
    %dma_start3A_787 = tpu.memref_slice %arg6[%dma_start3A_785, %dma_start3A_786] : memref<2560x16xf32, #tpu.memory_space<vmem>> -> memref<128x16xf32, #tpu.memory_space<vmem>>
    %dma_start3A_788 = arith.constant 2048 : i32
    %dma_start3A_789 = tpu.memref_slice %arg5[%dma_start3A_788] : memref<2560xi32, #tpu.memory_space<vmem>> -> memref<128xi32, #tpu.memory_space<vmem>>
    %dma_start3A_790 = arith.constant 0 : i32
    %dma_start3A_791 = arith.constant 0 : i32
    %dma_start3A_792 = tpu.memref_slice %arg2[%dma_start3A_790, %dma_start3A_791] : memref<4096x16xf32, #tpu.memory_space<hbm>> -> memref<4096x16xf32, #tpu.memory_space<hbm>>
    tpu.enqueue_indirect_dma source(%dma_start3A_792 : memref<4096x16xf32, #tpu.memory_space<hbm>>) target(%dma_start3A_787 : memref<128x16xf32, #tpu.memory_space<vmem>>) offsets(%dma_start3A_789 : memref<128xi32, #tpu.memory_space<vmem>>) semaphore(%arg7 : memref<!tpu.dma_semaphore, #tpu.memory_space<semaphore_mem>>)
    %dma_start3A_793 = arith.constant 2176 : i32
    %dma_start3A_794 = arith.constant 0 : i32
    %dma_start3A_795 = tpu.memref_slice %arg6[%dma_start3A_793, %dma_start3A_794] : memref<2560x16xf32, #tpu.memory_space<vmem>> -> memref<128x16xf32, #tpu.memory_space<vmem>>
    %dma_start3A_796 = arith.constant 2176 : i32
    %dma_start3A_797 = tpu.memref_slice %arg5[%dma_start3A_796] : memref<2560xi32, #tpu.memory_space<vmem>> -> memref<128xi32, #tpu.memory_space<vmem>>
    %dma_start3A_798 = arith.constant 0 : i32
    %dma_start3A_799 = arith.constant 0 : i32
    %dma_start3A_800 = tpu.memref_slice %arg2[%dma_start3A_798, %dma_start3A_799] : memref<4096x16xf32, #tpu.memory_space<hbm>> -> memref<4096x16xf32, #tpu.memory_space<hbm>>
    tpu.enqueue_indirect_dma source(%dma_start3A_800 : memref<4096x16xf32, #tpu.memory_space<hbm>>) target(%dma_start3A_795 : memref<128x16xf32, #tpu.memory_space<vmem>>) offsets(%dma_start3A_797 : memref<128xi32, #tpu.memory_space<vmem>>) semaphore(%arg7 : memref<!tpu.dma_semaphore, #tpu.memory_space<semaphore_mem>>)
    %dma_start3A_801 = arith.constant 2304 : i32
    %dma_start3A_802 = arith.constant 0 : i32
    %dma_start3A_803 = tpu.memref_slice %arg6[%dma_start3A_801, %dma_start3A_802] : memref<2560x16xf32, #tpu.memory_space<vmem>> -> memref<128x16xf32, #tpu.memory_space<vmem>>
    %dma_start3A_804 = arith.constant 2304 : i32
    %dma_start3A_805 = tpu.memref_slice %arg5[%dma_start3A_804] : memref<2560xi32, #tpu.memory_space<vmem>> -> memref<128xi32, #tpu.memory_space<vmem>>
    %dma_start3A_806 = arith.constant 0 : i32
    %dma_start3A_807 = arith.constant 0 : i32
    %dma_start3A_808 = tpu.memref_slice %arg2[%dma_start3A_806, %dma_start3A_807] : memref<4096x16xf32, #tpu.memory_space<hbm>> -> memref<4096x16xf32, #tpu.memory_space<hbm>>
    tpu.enqueue_indirect_dma source(%dma_start3A_808 : memref<4096x16xf32, #tpu.memory_space<hbm>>) target(%dma_start3A_803 : memref<128x16xf32, #tpu.memory_space<vmem>>) offsets(%dma_start3A_805 : memref<128xi32, #tpu.memory_space<vmem>>) semaphore(%arg7 : memref<!tpu.dma_semaphore, #tpu.memory_space<semaphore_mem>>)
    %dma_start3A_809 = arith.constant 2432 : i32
    %dma_start3A_810 = arith.constant 0 : i32
    %dma_start3A_811 = tpu.memref_slice %arg6[%dma_start3A_809, %dma_start3A_810] : memref<2560x16xf32, #tpu.memory_space<vmem>> -> memref<128x16xf32, #tpu.memory_space<vmem>>
    %dma_start3A_812 = arith.constant 2432 : i32
    %dma_start3A_813 = tpu.memref_slice %arg5[%dma_start3A_812] : memref<2560xi32, #tpu.memory_space<vmem>> -> memref<128xi32, #tpu.memory_space<vmem>>
    %dma_start3A_814 = arith.constant 0 : i32
    %dma_start3A_815 = arith.constant 0 : i32
    %dma_start3A_816 = tpu.memref_slice %arg2[%dma_start3A_814, %dma_start3A_815] : memref<4096x16xf32, #tpu.memory_space<hbm>> -> memref<4096x16xf32, #tpu.memory_space<hbm>>
    tpu.enqueue_indirect_dma source(%dma_start3A_816 : memref<4096x16xf32, #tpu.memory_space<hbm>>) target(%dma_start3A_811 : memref<128x16xf32, #tpu.memory_space<vmem>>) offsets(%dma_start3A_813 : memref<128xi32, #tpu.memory_space<vmem>>) semaphore(%arg7 : memref<!tpu.dma_semaphore, #tpu.memory_space<semaphore_mem>>)
    %dma_wait3A_817 = arith.constant 0 : i32
    %dma_wait3A_818 = arith.constant 0 : i32
    %dma_wait3A_819 = tpu.memref_slice %arg6[%dma_wait3A_817, %dma_wait3A_818] : memref<2560x16xf32, #tpu.memory_space<vmem>> -> memref<128x16xf32, #tpu.memory_space<vmem>>
    %dma_wait3A_820 = arith.constant 0 : i32
    %dma_wait3A_821 = tpu.memref_slice %arg5[%dma_wait3A_820] : memref<2560xi32, #tpu.memory_space<vmem>> -> memref<128xi32, #tpu.memory_space<vmem>>
    %dma_wait3A_822 = arith.constant 0 : i32
    %dma_wait3A_823 = arith.constant 0 : i32
    %dma_wait3A_824 = tpu.memref_slice %arg2[%dma_wait3A_822, %dma_wait3A_823] : memref<4096x16xf32, #tpu.memory_space<hbm>> -> memref<4096x16xf32, #tpu.memory_space<hbm>>
    tpu.wait_indirect_dma semaphore(%arg7 : memref<!tpu.dma_semaphore, #tpu.memory_space<semaphore_mem>>) src(%dma_wait3A_824 : memref<4096x16xf32, #tpu.memory_space<hbm>>) dst(%dma_wait3A_819 : memref<128x16xf32, #tpu.memory_space<vmem>>)
    %dma_wait3A_825 = arith.constant 128 : i32
    %dma_wait3A_826 = arith.constant 0 : i32
    %dma_wait3A_827 = tpu.memref_slice %arg6[%dma_wait3A_825, %dma_wait3A_826] : memref<2560x16xf32, #tpu.memory_space<vmem>> -> memref<128x16xf32, #tpu.memory_space<vmem>>
    %dma_wait3A_828 = arith.constant 128 : i32
    %dma_wait3A_829 = tpu.memref_slice %arg5[%dma_wait3A_828] : memref<2560xi32, #tpu.memory_space<vmem>> -> memref<128xi32, #tpu.memory_space<vmem>>
    %dma_wait3A_830 = arith.constant 0 : i32
    %dma_wait3A_831 = arith.constant 0 : i32
    %dma_wait3A_832 = tpu.memref_slice %arg2[%dma_wait3A_830, %dma_wait3A_831] : memref<4096x16xf32, #tpu.memory_space<hbm>> -> memref<4096x16xf32, #tpu.memory_space<hbm>>
    tpu.wait_indirect_dma semaphore(%arg7 : memref<!tpu.dma_semaphore, #tpu.memory_space<semaphore_mem>>) src(%dma_wait3A_832 : memref<4096x16xf32, #tpu.memory_space<hbm>>) dst(%dma_wait3A_827 : memref<128x16xf32, #tpu.memory_space<vmem>>)
    %dma_wait3A_833 = arith.constant 256 : i32
    %dma_wait3A_834 = arith.constant 0 : i32
    %dma_wait3A_835 = tpu.memref_slice %arg6[%dma_wait3A_833, %dma_wait3A_834] : memref<2560x16xf32, #tpu.memory_space<vmem>> -> memref<128x16xf32, #tpu.memory_space<vmem>>
    %dma_wait3A_836 = arith.constant 256 : i32
    %dma_wait3A_837 = tpu.memref_slice %arg5[%dma_wait3A_836] : memref<2560xi32, #tpu.memory_space<vmem>> -> memref<128xi32, #tpu.memory_space<vmem>>
    %dma_wait3A_838 = arith.constant 0 : i32
    %dma_wait3A_839 = arith.constant 0 : i32
    %dma_wait3A_840 = tpu.memref_slice %arg2[%dma_wait3A_838, %dma_wait3A_839] : memref<4096x16xf32, #tpu.memory_space<hbm>> -> memref<4096x16xf32, #tpu.memory_space<hbm>>
    tpu.wait_indirect_dma semaphore(%arg7 : memref<!tpu.dma_semaphore, #tpu.memory_space<semaphore_mem>>) src(%dma_wait3A_840 : memref<4096x16xf32, #tpu.memory_space<hbm>>) dst(%dma_wait3A_835 : memref<128x16xf32, #tpu.memory_space<vmem>>)
    %dma_wait3A_841 = arith.constant 384 : i32
    %dma_wait3A_842 = arith.constant 0 : i32
    %dma_wait3A_843 = tpu.memref_slice %arg6[%dma_wait3A_841, %dma_wait3A_842] : memref<2560x16xf32, #tpu.memory_space<vmem>> -> memref<128x16xf32, #tpu.memory_space<vmem>>
    %dma_wait3A_844 = arith.constant 384 : i32
    %dma_wait3A_845 = tpu.memref_slice %arg5[%dma_wait3A_844] : memref<2560xi32, #tpu.memory_space<vmem>> -> memref<128xi32, #tpu.memory_space<vmem>>
    %dma_wait3A_846 = arith.constant 0 : i32
    %dma_wait3A_847 = arith.constant 0 : i32
    %dma_wait3A_848 = tpu.memref_slice %arg2[%dma_wait3A_846, %dma_wait3A_847] : memref<4096x16xf32, #tpu.memory_space<hbm>> -> memref<4096x16xf32, #tpu.memory_space<hbm>>
    tpu.wait_indirect_dma semaphore(%arg7 : memref<!tpu.dma_semaphore, #tpu.memory_space<semaphore_mem>>) src(%dma_wait3A_848 : memref<4096x16xf32, #tpu.memory_space<hbm>>) dst(%dma_wait3A_843 : memref<128x16xf32, #tpu.memory_space<vmem>>)
    %dma_wait3A_849 = arith.constant 512 : i32
    %dma_wait3A_850 = arith.constant 0 : i32
    %dma_wait3A_851 = tpu.memref_slice %arg6[%dma_wait3A_849, %dma_wait3A_850] : memref<2560x16xf32, #tpu.memory_space<vmem>> -> memref<128x16xf32, #tpu.memory_space<vmem>>
    %dma_wait3A_852 = arith.constant 512 : i32
    %dma_wait3A_853 = tpu.memref_slice %arg5[%dma_wait3A_852] : memref<2560xi32, #tpu.memory_space<vmem>> -> memref<128xi32, #tpu.memory_space<vmem>>
    %dma_wait3A_854 = arith.constant 0 : i32
    %dma_wait3A_855 = arith.constant 0 : i32
    %dma_wait3A_856 = tpu.memref_slice %arg2[%dma_wait3A_854, %dma_wait3A_855] : memref<4096x16xf32, #tpu.memory_space<hbm>> -> memref<4096x16xf32, #tpu.memory_space<hbm>>
    tpu.wait_indirect_dma semaphore(%arg7 : memref<!tpu.dma_semaphore, #tpu.memory_space<semaphore_mem>>) src(%dma_wait3A_856 : memref<4096x16xf32, #tpu.memory_space<hbm>>) dst(%dma_wait3A_851 : memref<128x16xf32, #tpu.memory_space<vmem>>)
    %dma_wait3A_857 = arith.constant 640 : i32
    %dma_wait3A_858 = arith.constant 0 : i32
    %dma_wait3A_859 = tpu.memref_slice %arg6[%dma_wait3A_857, %dma_wait3A_858] : memref<2560x16xf32, #tpu.memory_space<vmem>> -> memref<128x16xf32, #tpu.memory_space<vmem>>
    %dma_wait3A_860 = arith.constant 640 : i32
    %dma_wait3A_861 = tpu.memref_slice %arg5[%dma_wait3A_860] : memref<2560xi32, #tpu.memory_space<vmem>> -> memref<128xi32, #tpu.memory_space<vmem>>
    %dma_wait3A_862 = arith.constant 0 : i32
    %dma_wait3A_863 = arith.constant 0 : i32
    %dma_wait3A_864 = tpu.memref_slice %arg2[%dma_wait3A_862, %dma_wait3A_863] : memref<4096x16xf32, #tpu.memory_space<hbm>> -> memref<4096x16xf32, #tpu.memory_space<hbm>>
    tpu.wait_indirect_dma semaphore(%arg7 : memref<!tpu.dma_semaphore, #tpu.memory_space<semaphore_mem>>) src(%dma_wait3A_864 : memref<4096x16xf32, #tpu.memory_space<hbm>>) dst(%dma_wait3A_859 : memref<128x16xf32, #tpu.memory_space<vmem>>)
    %dma_wait3A_865 = arith.constant 768 : i32
    %dma_wait3A_866 = arith.constant 0 : i32
    %dma_wait3A_867 = tpu.memref_slice %arg6[%dma_wait3A_865, %dma_wait3A_866] : memref<2560x16xf32, #tpu.memory_space<vmem>> -> memref<128x16xf32, #tpu.memory_space<vmem>>
    %dma_wait3A_868 = arith.constant 768 : i32
    %dma_wait3A_869 = tpu.memref_slice %arg5[%dma_wait3A_868] : memref<2560xi32, #tpu.memory_space<vmem>> -> memref<128xi32, #tpu.memory_space<vmem>>
    %dma_wait3A_870 = arith.constant 0 : i32
    %dma_wait3A_871 = arith.constant 0 : i32
    %dma_wait3A_872 = tpu.memref_slice %arg2[%dma_wait3A_870, %dma_wait3A_871] : memref<4096x16xf32, #tpu.memory_space<hbm>> -> memref<4096x16xf32, #tpu.memory_space<hbm>>
    tpu.wait_indirect_dma semaphore(%arg7 : memref<!tpu.dma_semaphore, #tpu.memory_space<semaphore_mem>>) src(%dma_wait3A_872 : memref<4096x16xf32, #tpu.memory_space<hbm>>) dst(%dma_wait3A_867 : memref<128x16xf32, #tpu.memory_space<vmem>>)
    %dma_wait3A_873 = arith.constant 896 : i32
    %dma_wait3A_874 = arith.constant 0 : i32
    %dma_wait3A_875 = tpu.memref_slice %arg6[%dma_wait3A_873, %dma_wait3A_874] : memref<2560x16xf32, #tpu.memory_space<vmem>> -> memref<128x16xf32, #tpu.memory_space<vmem>>
    %dma_wait3A_876 = arith.constant 896 : i32
    %dma_wait3A_877 = tpu.memref_slice %arg5[%dma_wait3A_876] : memref<2560xi32, #tpu.memory_space<vmem>> -> memref<128xi32, #tpu.memory_space<vmem>>
    %dma_wait3A_878 = arith.constant 0 : i32
    %dma_wait3A_879 = arith.constant 0 : i32
    %dma_wait3A_880 = tpu.memref_slice %arg2[%dma_wait3A_878, %dma_wait3A_879] : memref<4096x16xf32, #tpu.memory_space<hbm>> -> memref<4096x16xf32, #tpu.memory_space<hbm>>
    tpu.wait_indirect_dma semaphore(%arg7 : memref<!tpu.dma_semaphore, #tpu.memory_space<semaphore_mem>>) src(%dma_wait3A_880 : memref<4096x16xf32, #tpu.memory_space<hbm>>) dst(%dma_wait3A_875 : memref<128x16xf32, #tpu.memory_space<vmem>>)
    %dma_wait3A_881 = arith.constant 1024 : i32
    %dma_wait3A_882 = arith.constant 0 : i32
    %dma_wait3A_883 = tpu.memref_slice %arg6[%dma_wait3A_881, %dma_wait3A_882] : memref<2560x16xf32, #tpu.memory_space<vmem>> -> memref<128x16xf32, #tpu.memory_space<vmem>>
    %dma_wait3A_884 = arith.constant 1024 : i32
    %dma_wait3A_885 = tpu.memref_slice %arg5[%dma_wait3A_884] : memref<2560xi32, #tpu.memory_space<vmem>> -> memref<128xi32, #tpu.memory_space<vmem>>
    %dma_wait3A_886 = arith.constant 0 : i32
    %dma_wait3A_887 = arith.constant 0 : i32
    %dma_wait3A_888 = tpu.memref_slice %arg2[%dma_wait3A_886, %dma_wait3A_887] : memref<4096x16xf32, #tpu.memory_space<hbm>> -> memref<4096x16xf32, #tpu.memory_space<hbm>>
    tpu.wait_indirect_dma semaphore(%arg7 : memref<!tpu.dma_semaphore, #tpu.memory_space<semaphore_mem>>) src(%dma_wait3A_888 : memref<4096x16xf32, #tpu.memory_space<hbm>>) dst(%dma_wait3A_883 : memref<128x16xf32, #tpu.memory_space<vmem>>)
    %dma_wait3A_889 = arith.constant 1152 : i32
    %dma_wait3A_890 = arith.constant 0 : i32
    %dma_wait3A_891 = tpu.memref_slice %arg6[%dma_wait3A_889, %dma_wait3A_890] : memref<2560x16xf32, #tpu.memory_space<vmem>> -> memref<128x16xf32, #tpu.memory_space<vmem>>
    %dma_wait3A_892 = arith.constant 1152 : i32
    %dma_wait3A_893 = tpu.memref_slice %arg5[%dma_wait3A_892] : memref<2560xi32, #tpu.memory_space<vmem>> -> memref<128xi32, #tpu.memory_space<vmem>>
    %dma_wait3A_894 = arith.constant 0 : i32
    %dma_wait3A_895 = arith.constant 0 : i32
    %dma_wait3A_896 = tpu.memref_slice %arg2[%dma_wait3A_894, %dma_wait3A_895] : memref<4096x16xf32, #tpu.memory_space<hbm>> -> memref<4096x16xf32, #tpu.memory_space<hbm>>
    tpu.wait_indirect_dma semaphore(%arg7 : memref<!tpu.dma_semaphore, #tpu.memory_space<semaphore_mem>>) src(%dma_wait3A_896 : memref<4096x16xf32, #tpu.memory_space<hbm>>) dst(%dma_wait3A_891 : memref<128x16xf32, #tpu.memory_space<vmem>>)
    %dma_wait3A_897 = arith.constant 1280 : i32
    %dma_wait3A_898 = arith.constant 0 : i32
    %dma_wait3A_899 = tpu.memref_slice %arg6[%dma_wait3A_897, %dma_wait3A_898] : memref<2560x16xf32, #tpu.memory_space<vmem>> -> memref<128x16xf32, #tpu.memory_space<vmem>>
    %dma_wait3A_900 = arith.constant 1280 : i32
    %dma_wait3A_901 = tpu.memref_slice %arg5[%dma_wait3A_900] : memref<2560xi32, #tpu.memory_space<vmem>> -> memref<128xi32, #tpu.memory_space<vmem>>
    %dma_wait3A_902 = arith.constant 0 : i32
    %dma_wait3A_903 = arith.constant 0 : i32
    %dma_wait3A_904 = tpu.memref_slice %arg2[%dma_wait3A_902, %dma_wait3A_903] : memref<4096x16xf32, #tpu.memory_space<hbm>> -> memref<4096x16xf32, #tpu.memory_space<hbm>>
    tpu.wait_indirect_dma semaphore(%arg7 : memref<!tpu.dma_semaphore, #tpu.memory_space<semaphore_mem>>) src(%dma_wait3A_904 : memref<4096x16xf32, #tpu.memory_space<hbm>>) dst(%dma_wait3A_899 : memref<128x16xf32, #tpu.memory_space<vmem>>)
    %dma_wait3A_905 = arith.constant 1408 : i32
    %dma_wait3A_906 = arith.constant 0 : i32
    %dma_wait3A_907 = tpu.memref_slice %arg6[%dma_wait3A_905, %dma_wait3A_906] : memref<2560x16xf32, #tpu.memory_space<vmem>> -> memref<128x16xf32, #tpu.memory_space<vmem>>
    %dma_wait3A_908 = arith.constant 1408 : i32
    %dma_wait3A_909 = tpu.memref_slice %arg5[%dma_wait3A_908] : memref<2560xi32, #tpu.memory_space<vmem>> -> memref<128xi32, #tpu.memory_space<vmem>>
    %dma_wait3A_910 = arith.constant 0 : i32
    %dma_wait3A_911 = arith.constant 0 : i32
    %dma_wait3A_912 = tpu.memref_slice %arg2[%dma_wait3A_910, %dma_wait3A_911] : memref<4096x16xf32, #tpu.memory_space<hbm>> -> memref<4096x16xf32, #tpu.memory_space<hbm>>
    tpu.wait_indirect_dma semaphore(%arg7 : memref<!tpu.dma_semaphore, #tpu.memory_space<semaphore_mem>>) src(%dma_wait3A_912 : memref<4096x16xf32, #tpu.memory_space<hbm>>) dst(%dma_wait3A_907 : memref<128x16xf32, #tpu.memory_space<vmem>>)
    %dma_wait3A_913 = arith.constant 1536 : i32
    %dma_wait3A_914 = arith.constant 0 : i32
    %dma_wait3A_915 = tpu.memref_slice %arg6[%dma_wait3A_913, %dma_wait3A_914] : memref<2560x16xf32, #tpu.memory_space<vmem>> -> memref<128x16xf32, #tpu.memory_space<vmem>>
    %dma_wait3A_916 = arith.constant 1536 : i32
    %dma_wait3A_917 = tpu.memref_slice %arg5[%dma_wait3A_916] : memref<2560xi32, #tpu.memory_space<vmem>> -> memref<128xi32, #tpu.memory_space<vmem>>
    %dma_wait3A_918 = arith.constant 0 : i32
    %dma_wait3A_919 = arith.constant 0 : i32
    %dma_wait3A_920 = tpu.memref_slice %arg2[%dma_wait3A_918, %dma_wait3A_919] : memref<4096x16xf32, #tpu.memory_space<hbm>> -> memref<4096x16xf32, #tpu.memory_space<hbm>>
    tpu.wait_indirect_dma semaphore(%arg7 : memref<!tpu.dma_semaphore, #tpu.memory_space<semaphore_mem>>) src(%dma_wait3A_920 : memref<4096x16xf32, #tpu.memory_space<hbm>>) dst(%dma_wait3A_915 : memref<128x16xf32, #tpu.memory_space<vmem>>)
    %dma_wait3A_921 = arith.constant 1664 : i32
    %dma_wait3A_922 = arith.constant 0 : i32
    %dma_wait3A_923 = tpu.memref_slice %arg6[%dma_wait3A_921, %dma_wait3A_922] : memref<2560x16xf32, #tpu.memory_space<vmem>> -> memref<128x16xf32, #tpu.memory_space<vmem>>
    %dma_wait3A_924 = arith.constant 1664 : i32
    %dma_wait3A_925 = tpu.memref_slice %arg5[%dma_wait3A_924] : memref<2560xi32, #tpu.memory_space<vmem>> -> memref<128xi32, #tpu.memory_space<vmem>>
    %dma_wait3A_926 = arith.constant 0 : i32
    %dma_wait3A_927 = arith.constant 0 : i32
    %dma_wait3A_928 = tpu.memref_slice %arg2[%dma_wait3A_926, %dma_wait3A_927] : memref<4096x16xf32, #tpu.memory_space<hbm>> -> memref<4096x16xf32, #tpu.memory_space<hbm>>
    tpu.wait_indirect_dma semaphore(%arg7 : memref<!tpu.dma_semaphore, #tpu.memory_space<semaphore_mem>>) src(%dma_wait3A_928 : memref<4096x16xf32, #tpu.memory_space<hbm>>) dst(%dma_wait3A_923 : memref<128x16xf32, #tpu.memory_space<vmem>>)
    %dma_wait3A_929 = arith.constant 1792 : i32
    %dma_wait3A_930 = arith.constant 0 : i32
    %dma_wait3A_931 = tpu.memref_slice %arg6[%dma_wait3A_929, %dma_wait3A_930] : memref<2560x16xf32, #tpu.memory_space<vmem>> -> memref<128x16xf32, #tpu.memory_space<vmem>>
    %dma_wait3A_932 = arith.constant 1792 : i32
    %dma_wait3A_933 = tpu.memref_slice %arg5[%dma_wait3A_932] : memref<2560xi32, #tpu.memory_space<vmem>> -> memref<128xi32, #tpu.memory_space<vmem>>
    %dma_wait3A_934 = arith.constant 0 : i32
    %dma_wait3A_935 = arith.constant 0 : i32
    %dma_wait3A_936 = tpu.memref_slice %arg2[%dma_wait3A_934, %dma_wait3A_935] : memref<4096x16xf32, #tpu.memory_space<hbm>> -> memref<4096x16xf32, #tpu.memory_space<hbm>>
    tpu.wait_indirect_dma semaphore(%arg7 : memref<!tpu.dma_semaphore, #tpu.memory_space<semaphore_mem>>) src(%dma_wait3A_936 : memref<4096x16xf32, #tpu.memory_space<hbm>>) dst(%dma_wait3A_931 : memref<128x16xf32, #tpu.memory_space<vmem>>)
    %dma_wait3A_937 = arith.constant 1920 : i32
    %dma_wait3A_938 = arith.constant 0 : i32
    %dma_wait3A_939 = tpu.memref_slice %arg6[%dma_wait3A_937, %dma_wait3A_938] : memref<2560x16xf32, #tpu.memory_space<vmem>> -> memref<128x16xf32, #tpu.memory_space<vmem>>
    %dma_wait3A_940 = arith.constant 1920 : i32
    %dma_wait3A_941 = tpu.memref_slice %arg5[%dma_wait3A_940] : memref<2560xi32, #tpu.memory_space<vmem>> -> memref<128xi32, #tpu.memory_space<vmem>>
    %dma_wait3A_942 = arith.constant 0 : i32
    %dma_wait3A_943 = arith.constant 0 : i32
    %dma_wait3A_944 = tpu.memref_slice %arg2[%dma_wait3A_942, %dma_wait3A_943] : memref<4096x16xf32, #tpu.memory_space<hbm>> -> memref<4096x16xf32, #tpu.memory_space<hbm>>
    tpu.wait_indirect_dma semaphore(%arg7 : memref<!tpu.dma_semaphore, #tpu.memory_space<semaphore_mem>>) src(%dma_wait3A_944 : memref<4096x16xf32, #tpu.memory_space<hbm>>) dst(%dma_wait3A_939 : memref<128x16xf32, #tpu.memory_space<vmem>>)
    %dma_wait3A_945 = arith.constant 2048 : i32
    %dma_wait3A_946 = arith.constant 0 : i32
    %dma_wait3A_947 = tpu.memref_slice %arg6[%dma_wait3A_945, %dma_wait3A_946] : memref<2560x16xf32, #tpu.memory_space<vmem>> -> memref<128x16xf32, #tpu.memory_space<vmem>>
    %dma_wait3A_948 = arith.constant 2048 : i32
    %dma_wait3A_949 = tpu.memref_slice %arg5[%dma_wait3A_948] : memref<2560xi32, #tpu.memory_space<vmem>> -> memref<128xi32, #tpu.memory_space<vmem>>
    %dma_wait3A_950 = arith.constant 0 : i32
    %dma_wait3A_951 = arith.constant 0 : i32
    %dma_wait3A_952 = tpu.memref_slice %arg2[%dma_wait3A_950, %dma_wait3A_951] : memref<4096x16xf32, #tpu.memory_space<hbm>> -> memref<4096x16xf32, #tpu.memory_space<hbm>>
    tpu.wait_indirect_dma semaphore(%arg7 : memref<!tpu.dma_semaphore, #tpu.memory_space<semaphore_mem>>) src(%dma_wait3A_952 : memref<4096x16xf32, #tpu.memory_space<hbm>>) dst(%dma_wait3A_947 : memref<128x16xf32, #tpu.memory_space<vmem>>)
    %dma_wait3A_953 = arith.constant 2176 : i32
    %dma_wait3A_954 = arith.constant 0 : i32
    %dma_wait3A_955 = tpu.memref_slice %arg6[%dma_wait3A_953, %dma_wait3A_954] : memref<2560x16xf32, #tpu.memory_space<vmem>> -> memref<128x16xf32, #tpu.memory_space<vmem>>
    %dma_wait3A_956 = arith.constant 2176 : i32
    %dma_wait3A_957 = tpu.memref_slice %arg5[%dma_wait3A_956] : memref<2560xi32, #tpu.memory_space<vmem>> -> memref<128xi32, #tpu.memory_space<vmem>>
    %dma_wait3A_958 = arith.constant 0 : i32
    %dma_wait3A_959 = arith.constant 0 : i32
    %dma_wait3A_960 = tpu.memref_slice %arg2[%dma_wait3A_958, %dma_wait3A_959] : memref<4096x16xf32, #tpu.memory_space<hbm>> -> memref<4096x16xf32, #tpu.memory_space<hbm>>
    tpu.wait_indirect_dma semaphore(%arg7 : memref<!tpu.dma_semaphore, #tpu.memory_space<semaphore_mem>>) src(%dma_wait3A_960 : memref<4096x16xf32, #tpu.memory_space<hbm>>) dst(%dma_wait3A_955 : memref<128x16xf32, #tpu.memory_space<vmem>>)
    %dma_wait3A_961 = arith.constant 2304 : i32
    %dma_wait3A_962 = arith.constant 0 : i32
    %dma_wait3A_963 = tpu.memref_slice %arg6[%dma_wait3A_961, %dma_wait3A_962] : memref<2560x16xf32, #tpu.memory_space<vmem>> -> memref<128x16xf32, #tpu.memory_space<vmem>>
    %dma_wait3A_964 = arith.constant 2304 : i32
    %dma_wait3A_965 = tpu.memref_slice %arg5[%dma_wait3A_964] : memref<2560xi32, #tpu.memory_space<vmem>> -> memref<128xi32, #tpu.memory_space<vmem>>
    %dma_wait3A_966 = arith.constant 0 : i32
    %dma_wait3A_967 = arith.constant 0 : i32
    %dma_wait3A_968 = tpu.memref_slice %arg2[%dma_wait3A_966, %dma_wait3A_967] : memref<4096x16xf32, #tpu.memory_space<hbm>> -> memref<4096x16xf32, #tpu.memory_space<hbm>>
    tpu.wait_indirect_dma semaphore(%arg7 : memref<!tpu.dma_semaphore, #tpu.memory_space<semaphore_mem>>) src(%dma_wait3A_968 : memref<4096x16xf32, #tpu.memory_space<hbm>>) dst(%dma_wait3A_963 : memref<128x16xf32, #tpu.memory_space<vmem>>)
    %dma_wait3A_969 = arith.constant 2432 : i32
    %dma_wait3A_970 = arith.constant 0 : i32
    %dma_wait3A_971 = tpu.memref_slice %arg6[%dma_wait3A_969, %dma_wait3A_970] : memref<2560x16xf32, #tpu.memory_space<vmem>> -> memref<128x16xf32, #tpu.memory_space<vmem>>
    %dma_wait3A_972 = arith.constant 2432 : i32
    %dma_wait3A_973 = tpu.memref_slice %arg5[%dma_wait3A_972] : memref<2560xi32, #tpu.memory_space<vmem>> -> memref<128xi32, #tpu.memory_space<vmem>>
    %dma_wait3A_974 = arith.constant 0 : i32
    %dma_wait3A_975 = arith.constant 0 : i32
    %dma_wait3A_976 = tpu.memref_slice %arg2[%dma_wait3A_974, %dma_wait3A_975] : memref<4096x16xf32, #tpu.memory_space<hbm>> -> memref<4096x16xf32, #tpu.memory_space<hbm>>
    tpu.wait_indirect_dma semaphore(%arg7 : memref<!tpu.dma_semaphore, #tpu.memory_space<semaphore_mem>>) src(%dma_wait3A_976 : memref<4096x16xf32, #tpu.memory_space<hbm>>) dst(%dma_wait3A_971 : memref<128x16xf32, #tpu.memory_space<vmem>>)
    "tpu.region"() ({
      %run_scoped3A = tpu.sem_alloc : memref<!tpu.dma_semaphore, #tpu.memory_space<semaphore_mem>>
      %dma_start3A_1303 = arith.constant 0 : i32
      %dma_start3A_1304 = tpu.memref_slice %arg4[%mul3A_656, %dma_start3A_1303] : memref<327680x16xf32, #tpu.memory_space<hbm>> -> memref<2560x16xf32, #tpu.memory_space<hbm>>
      %dma_start3A_1305 = arith.constant 0 : i32
      %dma_start3A_1306 = tpu.memref_slice %arg4[%mul3A_656, %dma_start3A_1305] : memref<327680x16xf32, #tpu.memory_space<hbm>> -> memref<2560x16xf32, #tpu.memory_space<hbm>>
      tpu.enqueue_dma source(%arg6 : memref<2560x16xf32, #tpu.memory_space<vmem>>) target(%dma_start3A_1306 : memref<2560x16xf32, #tpu.memory_space<hbm>>) target_semaphore(%run_scoped3A : memref<!tpu.dma_semaphore, #tpu.memory_space<semaphore_mem>>)
      %dma_wait3A_1307 = arith.constant 0 : i32
      %dma_wait3A_1308 = tpu.memref_slice %arg4[%mul3A_656, %dma_wait3A_1307] : memref<327680x16xf32, #tpu.memory_space<hbm>> -> memref<2560x16xf32, #tpu.memory_space<hbm>>
      %dma_wait3A_1309 = arith.constant 0 : i32
      %dma_wait3A_1310 = tpu.memref_slice %arg4[%mul3A_656, %dma_wait3A_1309] : memref<327680x16xf32, #tpu.memory_space<hbm>> -> memref<2560x16xf32, #tpu.memory_space<hbm>>
      tpu.wait_dma2 semaphore(%run_scoped3A : memref<!tpu.dma_semaphore, #tpu.memory_space<semaphore_mem>>) src(%arg6 : memref<2560x16xf32, #tpu.memory_space<vmem>>) dst(%dma_wait3A_1310 : memref<2560x16xf32, #tpu.memory_space<hbm>>)
      tpu.yield
    }) : () -> ()
    %mul3A_977 = arith.constant 512 : i32
    %mul3A_978 = arith.muli %add3A, %mul3A_977 : i32
    %add3A_979 = arith.constant 384 : i32
    %add3A_980 = arith.addi %mul3A_978, %add3A_979 : i32
    %mul3A_981 = arith.constant 20 : i32
    %mul3A_982 = arith.muli %add3A_980, %mul3A_981 : i32
    "tpu.region"() ({
      %run_scoped3A = tpu.sem_alloc : memref<!tpu.dma_semaphore, #tpu.memory_space<semaphore_mem>>
      %dma_start3A_1303 = tpu.memref_slice %arg3[%mul3A_982] : memref<327680xi32, #tpu.memory_space<hbm>> -> memref<2560xi32, #tpu.memory_space<hbm>>
      %dma_start3A_1304 = tpu.memref_slice %arg3[%mul3A_982] : memref<327680xi32, #tpu.memory_space<hbm>> -> memref<2560xi32, #tpu.memory_space<hbm>>
      tpu.enqueue_dma source(%dma_start3A_1304 : memref<2560xi32, #tpu.memory_space<hbm>>) target(%arg5 : memref<2560xi32, #tpu.memory_space<vmem>>) target_semaphore(%run_scoped3A : memref<!tpu.dma_semaphore, #tpu.memory_space<semaphore_mem>>)
      %dma_wait3A_1305 = tpu.memref_slice %arg3[%mul3A_982] : memref<327680xi32, #tpu.memory_space<hbm>> -> memref<2560xi32, #tpu.memory_space<hbm>>
      %dma_wait3A_1306 = tpu.memref_slice %arg3[%mul3A_982] : memref<327680xi32, #tpu.memory_space<hbm>> -> memref<2560xi32, #tpu.memory_space<hbm>>
      tpu.wait_dma2 semaphore(%run_scoped3A : memref<!tpu.dma_semaphore, #tpu.memory_space<semaphore_mem>>) src(%dma_wait3A_1306 : memref<2560xi32, #tpu.memory_space<hbm>>) dst(%arg5 : memref<2560xi32, #tpu.memory_space<vmem>>)
      tpu.yield
    }) : () -> ()
    %dma_start3A_983 = arith.constant 0 : i32
    %dma_start3A_984 = arith.constant 0 : i32
    %dma_start3A_985 = tpu.memref_slice %arg6[%dma_start3A_983, %dma_start3A_984] : memref<2560x16xf32, #tpu.memory_space<vmem>> -> memref<128x16xf32, #tpu.memory_space<vmem>>
    %dma_start3A_986 = arith.constant 0 : i32
    %dma_start3A_987 = tpu.memref_slice %arg5[%dma_start3A_986] : memref<2560xi32, #tpu.memory_space<vmem>> -> memref<128xi32, #tpu.memory_space<vmem>>
    %dma_start3A_988 = arith.constant 0 : i32
    %dma_start3A_989 = arith.constant 0 : i32
    %dma_start3A_990 = tpu.memref_slice %arg2[%dma_start3A_988, %dma_start3A_989] : memref<4096x16xf32, #tpu.memory_space<hbm>> -> memref<4096x16xf32, #tpu.memory_space<hbm>>
    tpu.enqueue_indirect_dma source(%dma_start3A_990 : memref<4096x16xf32, #tpu.memory_space<hbm>>) target(%dma_start3A_985 : memref<128x16xf32, #tpu.memory_space<vmem>>) offsets(%dma_start3A_987 : memref<128xi32, #tpu.memory_space<vmem>>) semaphore(%arg7 : memref<!tpu.dma_semaphore, #tpu.memory_space<semaphore_mem>>)
    %dma_start3A_991 = arith.constant 128 : i32
    %dma_start3A_992 = arith.constant 0 : i32
    %dma_start3A_993 = tpu.memref_slice %arg6[%dma_start3A_991, %dma_start3A_992] : memref<2560x16xf32, #tpu.memory_space<vmem>> -> memref<128x16xf32, #tpu.memory_space<vmem>>
    %dma_start3A_994 = arith.constant 128 : i32
    %dma_start3A_995 = tpu.memref_slice %arg5[%dma_start3A_994] : memref<2560xi32, #tpu.memory_space<vmem>> -> memref<128xi32, #tpu.memory_space<vmem>>
    %dma_start3A_996 = arith.constant 0 : i32
    %dma_start3A_997 = arith.constant 0 : i32
    %dma_start3A_998 = tpu.memref_slice %arg2[%dma_start3A_996, %dma_start3A_997] : memref<4096x16xf32, #tpu.memory_space<hbm>> -> memref<4096x16xf32, #tpu.memory_space<hbm>>
    tpu.enqueue_indirect_dma source(%dma_start3A_998 : memref<4096x16xf32, #tpu.memory_space<hbm>>) target(%dma_start3A_993 : memref<128x16xf32, #tpu.memory_space<vmem>>) offsets(%dma_start3A_995 : memref<128xi32, #tpu.memory_space<vmem>>) semaphore(%arg7 : memref<!tpu.dma_semaphore, #tpu.memory_space<semaphore_mem>>)
    %dma_start3A_999 = arith.constant 256 : i32
    %dma_start3A_1000 = arith.constant 0 : i32
    %dma_start3A_1001 = tpu.memref_slice %arg6[%dma_start3A_999, %dma_start3A_1000] : memref<2560x16xf32, #tpu.memory_space<vmem>> -> memref<128x16xf32, #tpu.memory_space<vmem>>
    %dma_start3A_1002 = arith.constant 256 : i32
    %dma_start3A_1003 = tpu.memref_slice %arg5[%dma_start3A_1002] : memref<2560xi32, #tpu.memory_space<vmem>> -> memref<128xi32, #tpu.memory_space<vmem>>
    %dma_start3A_1004 = arith.constant 0 : i32
    %dma_start3A_1005 = arith.constant 0 : i32
    %dma_start3A_1006 = tpu.memref_slice %arg2[%dma_start3A_1004, %dma_start3A_1005] : memref<4096x16xf32, #tpu.memory_space<hbm>> -> memref<4096x16xf32, #tpu.memory_space<hbm>>
    tpu.enqueue_indirect_dma source(%dma_start3A_1006 : memref<4096x16xf32, #tpu.memory_space<hbm>>) target(%dma_start3A_1001 : memref<128x16xf32, #tpu.memory_space<vmem>>) offsets(%dma_start3A_1003 : memref<128xi32, #tpu.memory_space<vmem>>) semaphore(%arg7 : memref<!tpu.dma_semaphore, #tpu.memory_space<semaphore_mem>>)
    %dma_start3A_1007 = arith.constant 384 : i32
    %dma_start3A_1008 = arith.constant 0 : i32
    %dma_start3A_1009 = tpu.memref_slice %arg6[%dma_start3A_1007, %dma_start3A_1008] : memref<2560x16xf32, #tpu.memory_space<vmem>> -> memref<128x16xf32, #tpu.memory_space<vmem>>
    %dma_start3A_1010 = arith.constant 384 : i32
    %dma_start3A_1011 = tpu.memref_slice %arg5[%dma_start3A_1010] : memref<2560xi32, #tpu.memory_space<vmem>> -> memref<128xi32, #tpu.memory_space<vmem>>
    %dma_start3A_1012 = arith.constant 0 : i32
    %dma_start3A_1013 = arith.constant 0 : i32
    %dma_start3A_1014 = tpu.memref_slice %arg2[%dma_start3A_1012, %dma_start3A_1013] : memref<4096x16xf32, #tpu.memory_space<hbm>> -> memref<4096x16xf32, #tpu.memory_space<hbm>>
    tpu.enqueue_indirect_dma source(%dma_start3A_1014 : memref<4096x16xf32, #tpu.memory_space<hbm>>) target(%dma_start3A_1009 : memref<128x16xf32, #tpu.memory_space<vmem>>) offsets(%dma_start3A_1011 : memref<128xi32, #tpu.memory_space<vmem>>) semaphore(%arg7 : memref<!tpu.dma_semaphore, #tpu.memory_space<semaphore_mem>>)
    %dma_start3A_1015 = arith.constant 512 : i32
    %dma_start3A_1016 = arith.constant 0 : i32
    %dma_start3A_1017 = tpu.memref_slice %arg6[%dma_start3A_1015, %dma_start3A_1016] : memref<2560x16xf32, #tpu.memory_space<vmem>> -> memref<128x16xf32, #tpu.memory_space<vmem>>
    %dma_start3A_1018 = arith.constant 512 : i32
    %dma_start3A_1019 = tpu.memref_slice %arg5[%dma_start3A_1018] : memref<2560xi32, #tpu.memory_space<vmem>> -> memref<128xi32, #tpu.memory_space<vmem>>
    %dma_start3A_1020 = arith.constant 0 : i32
    %dma_start3A_1021 = arith.constant 0 : i32
    %dma_start3A_1022 = tpu.memref_slice %arg2[%dma_start3A_1020, %dma_start3A_1021] : memref<4096x16xf32, #tpu.memory_space<hbm>> -> memref<4096x16xf32, #tpu.memory_space<hbm>>
    tpu.enqueue_indirect_dma source(%dma_start3A_1022 : memref<4096x16xf32, #tpu.memory_space<hbm>>) target(%dma_start3A_1017 : memref<128x16xf32, #tpu.memory_space<vmem>>) offsets(%dma_start3A_1019 : memref<128xi32, #tpu.memory_space<vmem>>) semaphore(%arg7 : memref<!tpu.dma_semaphore, #tpu.memory_space<semaphore_mem>>)
    %dma_start3A_1023 = arith.constant 640 : i32
    %dma_start3A_1024 = arith.constant 0 : i32
    %dma_start3A_1025 = tpu.memref_slice %arg6[%dma_start3A_1023, %dma_start3A_1024] : memref<2560x16xf32, #tpu.memory_space<vmem>> -> memref<128x16xf32, #tpu.memory_space<vmem>>
    %dma_start3A_1026 = arith.constant 640 : i32
    %dma_start3A_1027 = tpu.memref_slice %arg5[%dma_start3A_1026] : memref<2560xi32, #tpu.memory_space<vmem>> -> memref<128xi32, #tpu.memory_space<vmem>>
    %dma_start3A_1028 = arith.constant 0 : i32
    %dma_start3A_1029 = arith.constant 0 : i32
    %dma_start3A_1030 = tpu.memref_slice %arg2[%dma_start3A_1028, %dma_start3A_1029] : memref<4096x16xf32, #tpu.memory_space<hbm>> -> memref<4096x16xf32, #tpu.memory_space<hbm>>
    tpu.enqueue_indirect_dma source(%dma_start3A_1030 : memref<4096x16xf32, #tpu.memory_space<hbm>>) target(%dma_start3A_1025 : memref<128x16xf32, #tpu.memory_space<vmem>>) offsets(%dma_start3A_1027 : memref<128xi32, #tpu.memory_space<vmem>>) semaphore(%arg7 : memref<!tpu.dma_semaphore, #tpu.memory_space<semaphore_mem>>)
    %dma_start3A_1031 = arith.constant 768 : i32
    %dma_start3A_1032 = arith.constant 0 : i32
    %dma_start3A_1033 = tpu.memref_slice %arg6[%dma_start3A_1031, %dma_start3A_1032] : memref<2560x16xf32, #tpu.memory_space<vmem>> -> memref<128x16xf32, #tpu.memory_space<vmem>>
    %dma_start3A_1034 = arith.constant 768 : i32
    %dma_start3A_1035 = tpu.memref_slice %arg5[%dma_start3A_1034] : memref<2560xi32, #tpu.memory_space<vmem>> -> memref<128xi32, #tpu.memory_space<vmem>>
    %dma_start3A_1036 = arith.constant 0 : i32
    %dma_start3A_1037 = arith.constant 0 : i32
    %dma_start3A_1038 = tpu.memref_slice %arg2[%dma_start3A_1036, %dma_start3A_1037] : memref<4096x16xf32, #tpu.memory_space<hbm>> -> memref<4096x16xf32, #tpu.memory_space<hbm>>
    tpu.enqueue_indirect_dma source(%dma_start3A_1038 : memref<4096x16xf32, #tpu.memory_space<hbm>>) target(%dma_start3A_1033 : memref<128x16xf32, #tpu.memory_space<vmem>>) offsets(%dma_start3A_1035 : memref<128xi32, #tpu.memory_space<vmem>>) semaphore(%arg7 : memref<!tpu.dma_semaphore, #tpu.memory_space<semaphore_mem>>)
    %dma_start3A_1039 = arith.constant 896 : i32
    %dma_start3A_1040 = arith.constant 0 : i32
    %dma_start3A_1041 = tpu.memref_slice %arg6[%dma_start3A_1039, %dma_start3A_1040] : memref<2560x16xf32, #tpu.memory_space<vmem>> -> memref<128x16xf32, #tpu.memory_space<vmem>>
    %dma_start3A_1042 = arith.constant 896 : i32
    %dma_start3A_1043 = tpu.memref_slice %arg5[%dma_start3A_1042] : memref<2560xi32, #tpu.memory_space<vmem>> -> memref<128xi32, #tpu.memory_space<vmem>>
    %dma_start3A_1044 = arith.constant 0 : i32
    %dma_start3A_1045 = arith.constant 0 : i32
    %dma_start3A_1046 = tpu.memref_slice %arg2[%dma_start3A_1044, %dma_start3A_1045] : memref<4096x16xf32, #tpu.memory_space<hbm>> -> memref<4096x16xf32, #tpu.memory_space<hbm>>
    tpu.enqueue_indirect_dma source(%dma_start3A_1046 : memref<4096x16xf32, #tpu.memory_space<hbm>>) target(%dma_start3A_1041 : memref<128x16xf32, #tpu.memory_space<vmem>>) offsets(%dma_start3A_1043 : memref<128xi32, #tpu.memory_space<vmem>>) semaphore(%arg7 : memref<!tpu.dma_semaphore, #tpu.memory_space<semaphore_mem>>)
    %dma_start3A_1047 = arith.constant 1024 : i32
    %dma_start3A_1048 = arith.constant 0 : i32
    %dma_start3A_1049 = tpu.memref_slice %arg6[%dma_start3A_1047, %dma_start3A_1048] : memref<2560x16xf32, #tpu.memory_space<vmem>> -> memref<128x16xf32, #tpu.memory_space<vmem>>
    %dma_start3A_1050 = arith.constant 1024 : i32
    %dma_start3A_1051 = tpu.memref_slice %arg5[%dma_start3A_1050] : memref<2560xi32, #tpu.memory_space<vmem>> -> memref<128xi32, #tpu.memory_space<vmem>>
    %dma_start3A_1052 = arith.constant 0 : i32
    %dma_start3A_1053 = arith.constant 0 : i32
    %dma_start3A_1054 = tpu.memref_slice %arg2[%dma_start3A_1052, %dma_start3A_1053] : memref<4096x16xf32, #tpu.memory_space<hbm>> -> memref<4096x16xf32, #tpu.memory_space<hbm>>
    tpu.enqueue_indirect_dma source(%dma_start3A_1054 : memref<4096x16xf32, #tpu.memory_space<hbm>>) target(%dma_start3A_1049 : memref<128x16xf32, #tpu.memory_space<vmem>>) offsets(%dma_start3A_1051 : memref<128xi32, #tpu.memory_space<vmem>>) semaphore(%arg7 : memref<!tpu.dma_semaphore, #tpu.memory_space<semaphore_mem>>)
    %dma_start3A_1055 = arith.constant 1152 : i32
    %dma_start3A_1056 = arith.constant 0 : i32
    %dma_start3A_1057 = tpu.memref_slice %arg6[%dma_start3A_1055, %dma_start3A_1056] : memref<2560x16xf32, #tpu.memory_space<vmem>> -> memref<128x16xf32, #tpu.memory_space<vmem>>
    %dma_start3A_1058 = arith.constant 1152 : i32
    %dma_start3A_1059 = tpu.memref_slice %arg5[%dma_start3A_1058] : memref<2560xi32, #tpu.memory_space<vmem>> -> memref<128xi32, #tpu.memory_space<vmem>>
    %dma_start3A_1060 = arith.constant 0 : i32
    %dma_start3A_1061 = arith.constant 0 : i32
    %dma_start3A_1062 = tpu.memref_slice %arg2[%dma_start3A_1060, %dma_start3A_1061] : memref<4096x16xf32, #tpu.memory_space<hbm>> -> memref<4096x16xf32, #tpu.memory_space<hbm>>
    tpu.enqueue_indirect_dma source(%dma_start3A_1062 : memref<4096x16xf32, #tpu.memory_space<hbm>>) target(%dma_start3A_1057 : memref<128x16xf32, #tpu.memory_space<vmem>>) offsets(%dma_start3A_1059 : memref<128xi32, #tpu.memory_space<vmem>>) semaphore(%arg7 : memref<!tpu.dma_semaphore, #tpu.memory_space<semaphore_mem>>)
    %dma_start3A_1063 = arith.constant 1280 : i32
    %dma_start3A_1064 = arith.constant 0 : i32
    %dma_start3A_1065 = tpu.memref_slice %arg6[%dma_start3A_1063, %dma_start3A_1064] : memref<2560x16xf32, #tpu.memory_space<vmem>> -> memref<128x16xf32, #tpu.memory_space<vmem>>
    %dma_start3A_1066 = arith.constant 1280 : i32
    %dma_start3A_1067 = tpu.memref_slice %arg5[%dma_start3A_1066] : memref<2560xi32, #tpu.memory_space<vmem>> -> memref<128xi32, #tpu.memory_space<vmem>>
    %dma_start3A_1068 = arith.constant 0 : i32
    %dma_start3A_1069 = arith.constant 0 : i32
    %dma_start3A_1070 = tpu.memref_slice %arg2[%dma_start3A_1068, %dma_start3A_1069] : memref<4096x16xf32, #tpu.memory_space<hbm>> -> memref<4096x16xf32, #tpu.memory_space<hbm>>
    tpu.enqueue_indirect_dma source(%dma_start3A_1070 : memref<4096x16xf32, #tpu.memory_space<hbm>>) target(%dma_start3A_1065 : memref<128x16xf32, #tpu.memory_space<vmem>>) offsets(%dma_start3A_1067 : memref<128xi32, #tpu.memory_space<vmem>>) semaphore(%arg7 : memref<!tpu.dma_semaphore, #tpu.memory_space<semaphore_mem>>)
    %dma_start3A_1071 = arith.constant 1408 : i32
    %dma_start3A_1072 = arith.constant 0 : i32
    %dma_start3A_1073 = tpu.memref_slice %arg6[%dma_start3A_1071, %dma_start3A_1072] : memref<2560x16xf32, #tpu.memory_space<vmem>> -> memref<128x16xf32, #tpu.memory_space<vmem>>
    %dma_start3A_1074 = arith.constant 1408 : i32
    %dma_start3A_1075 = tpu.memref_slice %arg5[%dma_start3A_1074] : memref<2560xi32, #tpu.memory_space<vmem>> -> memref<128xi32, #tpu.memory_space<vmem>>
    %dma_start3A_1076 = arith.constant 0 : i32
    %dma_start3A_1077 = arith.constant 0 : i32
    %dma_start3A_1078 = tpu.memref_slice %arg2[%dma_start3A_1076, %dma_start3A_1077] : memref<4096x16xf32, #tpu.memory_space<hbm>> -> memref<4096x16xf32, #tpu.memory_space<hbm>>
    tpu.enqueue_indirect_dma source(%dma_start3A_1078 : memref<4096x16xf32, #tpu.memory_space<hbm>>) target(%dma_start3A_1073 : memref<128x16xf32, #tpu.memory_space<vmem>>) offsets(%dma_start3A_1075 : memref<128xi32, #tpu.memory_space<vmem>>) semaphore(%arg7 : memref<!tpu.dma_semaphore, #tpu.memory_space<semaphore_mem>>)
    %dma_start3A_1079 = arith.constant 1536 : i32
    %dma_start3A_1080 = arith.constant 0 : i32
    %dma_start3A_1081 = tpu.memref_slice %arg6[%dma_start3A_1079, %dma_start3A_1080] : memref<2560x16xf32, #tpu.memory_space<vmem>> -> memref<128x16xf32, #tpu.memory_space<vmem>>
    %dma_start3A_1082 = arith.constant 1536 : i32
    %dma_start3A_1083 = tpu.memref_slice %arg5[%dma_start3A_1082] : memref<2560xi32, #tpu.memory_space<vmem>> -> memref<128xi32, #tpu.memory_space<vmem>>
    %dma_start3A_1084 = arith.constant 0 : i32
    %dma_start3A_1085 = arith.constant 0 : i32
    %dma_start3A_1086 = tpu.memref_slice %arg2[%dma_start3A_1084, %dma_start3A_1085] : memref<4096x16xf32, #tpu.memory_space<hbm>> -> memref<4096x16xf32, #tpu.memory_space<hbm>>
    tpu.enqueue_indirect_dma source(%dma_start3A_1086 : memref<4096x16xf32, #tpu.memory_space<hbm>>) target(%dma_start3A_1081 : memref<128x16xf32, #tpu.memory_space<vmem>>) offsets(%dma_start3A_1083 : memref<128xi32, #tpu.memory_space<vmem>>) semaphore(%arg7 : memref<!tpu.dma_semaphore, #tpu.memory_space<semaphore_mem>>)
    %dma_start3A_1087 = arith.constant 1664 : i32
    %dma_start3A_1088 = arith.constant 0 : i32
    %dma_start3A_1089 = tpu.memref_slice %arg6[%dma_start3A_1087, %dma_start3A_1088] : memref<2560x16xf32, #tpu.memory_space<vmem>> -> memref<128x16xf32, #tpu.memory_space<vmem>>
    %dma_start3A_1090 = arith.constant 1664 : i32
    %dma_start3A_1091 = tpu.memref_slice %arg5[%dma_start3A_1090] : memref<2560xi32, #tpu.memory_space<vmem>> -> memref<128xi32, #tpu.memory_space<vmem>>
    %dma_start3A_1092 = arith.constant 0 : i32
    %dma_start3A_1093 = arith.constant 0 : i32
    %dma_start3A_1094 = tpu.memref_slice %arg2[%dma_start3A_1092, %dma_start3A_1093] : memref<4096x16xf32, #tpu.memory_space<hbm>> -> memref<4096x16xf32, #tpu.memory_space<hbm>>
    tpu.enqueue_indirect_dma source(%dma_start3A_1094 : memref<4096x16xf32, #tpu.memory_space<hbm>>) target(%dma_start3A_1089 : memref<128x16xf32, #tpu.memory_space<vmem>>) offsets(%dma_start3A_1091 : memref<128xi32, #tpu.memory_space<vmem>>) semaphore(%arg7 : memref<!tpu.dma_semaphore, #tpu.memory_space<semaphore_mem>>)
    %dma_start3A_1095 = arith.constant 1792 : i32
    %dma_start3A_1096 = arith.constant 0 : i32
    %dma_start3A_1097 = tpu.memref_slice %arg6[%dma_start3A_1095, %dma_start3A_1096] : memref<2560x16xf32, #tpu.memory_space<vmem>> -> memref<128x16xf32, #tpu.memory_space<vmem>>
    %dma_start3A_1098 = arith.constant 1792 : i32
    %dma_start3A_1099 = tpu.memref_slice %arg5[%dma_start3A_1098] : memref<2560xi32, #tpu.memory_space<vmem>> -> memref<128xi32, #tpu.memory_space<vmem>>
    %dma_start3A_1100 = arith.constant 0 : i32
    %dma_start3A_1101 = arith.constant 0 : i32
    %dma_start3A_1102 = tpu.memref_slice %arg2[%dma_start3A_1100, %dma_start3A_1101] : memref<4096x16xf32, #tpu.memory_space<hbm>> -> memref<4096x16xf32, #tpu.memory_space<hbm>>
    tpu.enqueue_indirect_dma source(%dma_start3A_1102 : memref<4096x16xf32, #tpu.memory_space<hbm>>) target(%dma_start3A_1097 : memref<128x16xf32, #tpu.memory_space<vmem>>) offsets(%dma_start3A_1099 : memref<128xi32, #tpu.memory_space<vmem>>) semaphore(%arg7 : memref<!tpu.dma_semaphore, #tpu.memory_space<semaphore_mem>>)
    %dma_start3A_1103 = arith.constant 1920 : i32
    %dma_start3A_1104 = arith.constant 0 : i32
    %dma_start3A_1105 = tpu.memref_slice %arg6[%dma_start3A_1103, %dma_start3A_1104] : memref<2560x16xf32, #tpu.memory_space<vmem>> -> memref<128x16xf32, #tpu.memory_space<vmem>>
    %dma_start3A_1106 = arith.constant 1920 : i32
    %dma_start3A_1107 = tpu.memref_slice %arg5[%dma_start3A_1106] : memref<2560xi32, #tpu.memory_space<vmem>> -> memref<128xi32, #tpu.memory_space<vmem>>
    %dma_start3A_1108 = arith.constant 0 : i32
    %dma_start3A_1109 = arith.constant 0 : i32
    %dma_start3A_1110 = tpu.memref_slice %arg2[%dma_start3A_1108, %dma_start3A_1109] : memref<4096x16xf32, #tpu.memory_space<hbm>> -> memref<4096x16xf32, #tpu.memory_space<hbm>>
    tpu.enqueue_indirect_dma source(%dma_start3A_1110 : memref<4096x16xf32, #tpu.memory_space<hbm>>) target(%dma_start3A_1105 : memref<128x16xf32, #tpu.memory_space<vmem>>) offsets(%dma_start3A_1107 : memref<128xi32, #tpu.memory_space<vmem>>) semaphore(%arg7 : memref<!tpu.dma_semaphore, #tpu.memory_space<semaphore_mem>>)
    %dma_start3A_1111 = arith.constant 2048 : i32
    %dma_start3A_1112 = arith.constant 0 : i32
    %dma_start3A_1113 = tpu.memref_slice %arg6[%dma_start3A_1111, %dma_start3A_1112] : memref<2560x16xf32, #tpu.memory_space<vmem>> -> memref<128x16xf32, #tpu.memory_space<vmem>>
    %dma_start3A_1114 = arith.constant 2048 : i32
    %dma_start3A_1115 = tpu.memref_slice %arg5[%dma_start3A_1114] : memref<2560xi32, #tpu.memory_space<vmem>> -> memref<128xi32, #tpu.memory_space<vmem>>
    %dma_start3A_1116 = arith.constant 0 : i32
    %dma_start3A_1117 = arith.constant 0 : i32
    %dma_start3A_1118 = tpu.memref_slice %arg2[%dma_start3A_1116, %dma_start3A_1117] : memref<4096x16xf32, #tpu.memory_space<hbm>> -> memref<4096x16xf32, #tpu.memory_space<hbm>>
    tpu.enqueue_indirect_dma source(%dma_start3A_1118 : memref<4096x16xf32, #tpu.memory_space<hbm>>) target(%dma_start3A_1113 : memref<128x16xf32, #tpu.memory_space<vmem>>) offsets(%dma_start3A_1115 : memref<128xi32, #tpu.memory_space<vmem>>) semaphore(%arg7 : memref<!tpu.dma_semaphore, #tpu.memory_space<semaphore_mem>>)
    %dma_start3A_1119 = arith.constant 2176 : i32
    %dma_start3A_1120 = arith.constant 0 : i32
    %dma_start3A_1121 = tpu.memref_slice %arg6[%dma_start3A_1119, %dma_start3A_1120] : memref<2560x16xf32, #tpu.memory_space<vmem>> -> memref<128x16xf32, #tpu.memory_space<vmem>>
    %dma_start3A_1122 = arith.constant 2176 : i32
    %dma_start3A_1123 = tpu.memref_slice %arg5[%dma_start3A_1122] : memref<2560xi32, #tpu.memory_space<vmem>> -> memref<128xi32, #tpu.memory_space<vmem>>
    %dma_start3A_1124 = arith.constant 0 : i32
    %dma_start3A_1125 = arith.constant 0 : i32
    %dma_start3A_1126 = tpu.memref_slice %arg2[%dma_start3A_1124, %dma_start3A_1125] : memref<4096x16xf32, #tpu.memory_space<hbm>> -> memref<4096x16xf32, #tpu.memory_space<hbm>>
    tpu.enqueue_indirect_dma source(%dma_start3A_1126 : memref<4096x16xf32, #tpu.memory_space<hbm>>) target(%dma_start3A_1121 : memref<128x16xf32, #tpu.memory_space<vmem>>) offsets(%dma_start3A_1123 : memref<128xi32, #tpu.memory_space<vmem>>) semaphore(%arg7 : memref<!tpu.dma_semaphore, #tpu.memory_space<semaphore_mem>>)
    %dma_start3A_1127 = arith.constant 2304 : i32
    %dma_start3A_1128 = arith.constant 0 : i32
    %dma_start3A_1129 = tpu.memref_slice %arg6[%dma_start3A_1127, %dma_start3A_1128] : memref<2560x16xf32, #tpu.memory_space<vmem>> -> memref<128x16xf32, #tpu.memory_space<vmem>>
    %dma_start3A_1130 = arith.constant 2304 : i32
    %dma_start3A_1131 = tpu.memref_slice %arg5[%dma_start3A_1130] : memref<2560xi32, #tpu.memory_space<vmem>> -> memref<128xi32, #tpu.memory_space<vmem>>
    %dma_start3A_1132 = arith.constant 0 : i32
    %dma_start3A_1133 = arith.constant 0 : i32
    %dma_start3A_1134 = tpu.memref_slice %arg2[%dma_start3A_1132, %dma_start3A_1133] : memref<4096x16xf32, #tpu.memory_space<hbm>> -> memref<4096x16xf32, #tpu.memory_space<hbm>>
    tpu.enqueue_indirect_dma source(%dma_start3A_1134 : memref<4096x16xf32, #tpu.memory_space<hbm>>) target(%dma_start3A_1129 : memref<128x16xf32, #tpu.memory_space<vmem>>) offsets(%dma_start3A_1131 : memref<128xi32, #tpu.memory_space<vmem>>) semaphore(%arg7 : memref<!tpu.dma_semaphore, #tpu.memory_space<semaphore_mem>>)
    %dma_start3A_1135 = arith.constant 2432 : i32
    %dma_start3A_1136 = arith.constant 0 : i32
    %dma_start3A_1137 = tpu.memref_slice %arg6[%dma_start3A_1135, %dma_start3A_1136] : memref<2560x16xf32, #tpu.memory_space<vmem>> -> memref<128x16xf32, #tpu.memory_space<vmem>>
    %dma_start3A_1138 = arith.constant 2432 : i32
    %dma_start3A_1139 = tpu.memref_slice %arg5[%dma_start3A_1138] : memref<2560xi32, #tpu.memory_space<vmem>> -> memref<128xi32, #tpu.memory_space<vmem>>
    %dma_start3A_1140 = arith.constant 0 : i32
    %dma_start3A_1141 = arith.constant 0 : i32
    %dma_start3A_1142 = tpu.memref_slice %arg2[%dma_start3A_1140, %dma_start3A_1141] : memref<4096x16xf32, #tpu.memory_space<hbm>> -> memref<4096x16xf32, #tpu.memory_space<hbm>>
    tpu.enqueue_indirect_dma source(%dma_start3A_1142 : memref<4096x16xf32, #tpu.memory_space<hbm>>) target(%dma_start3A_1137 : memref<128x16xf32, #tpu.memory_space<vmem>>) offsets(%dma_start3A_1139 : memref<128xi32, #tpu.memory_space<vmem>>) semaphore(%arg7 : memref<!tpu.dma_semaphore, #tpu.memory_space<semaphore_mem>>)
    %dma_wait3A_1143 = arith.constant 0 : i32
    %dma_wait3A_1144 = arith.constant 0 : i32
    %dma_wait3A_1145 = tpu.memref_slice %arg6[%dma_wait3A_1143, %dma_wait3A_1144] : memref<2560x16xf32, #tpu.memory_space<vmem>> -> memref<128x16xf32, #tpu.memory_space<vmem>>
    %dma_wait3A_1146 = arith.constant 0 : i32
    %dma_wait3A_1147 = tpu.memref_slice %arg5[%dma_wait3A_1146] : memref<2560xi32, #tpu.memory_space<vmem>> -> memref<128xi32, #tpu.memory_space<vmem>>
    %dma_wait3A_1148 = arith.constant 0 : i32
    %dma_wait3A_1149 = arith.constant 0 : i32
    %dma_wait3A_1150 = tpu.memref_slice %arg2[%dma_wait3A_1148, %dma_wait3A_1149] : memref<4096x16xf32, #tpu.memory_space<hbm>> -> memref<4096x16xf32, #tpu.memory_space<hbm>>
    tpu.wait_indirect_dma semaphore(%arg7 : memref<!tpu.dma_semaphore, #tpu.memory_space<semaphore_mem>>) src(%dma_wait3A_1150 : memref<4096x16xf32, #tpu.memory_space<hbm>>) dst(%dma_wait3A_1145 : memref<128x16xf32, #tpu.memory_space<vmem>>)
    %dma_wait3A_1151 = arith.constant 128 : i32
    %dma_wait3A_1152 = arith.constant 0 : i32
    %dma_wait3A_1153 = tpu.memref_slice %arg6[%dma_wait3A_1151, %dma_wait3A_1152] : memref<2560x16xf32, #tpu.memory_space<vmem>> -> memref<128x16xf32, #tpu.memory_space<vmem>>
    %dma_wait3A_1154 = arith.constant 128 : i32
    %dma_wait3A_1155 = tpu.memref_slice %arg5[%dma_wait3A_1154] : memref<2560xi32, #tpu.memory_space<vmem>> -> memref<128xi32, #tpu.memory_space<vmem>>
    %dma_wait3A_1156 = arith.constant 0 : i32
    %dma_wait3A_1157 = arith.constant 0 : i32
    %dma_wait3A_1158 = tpu.memref_slice %arg2[%dma_wait3A_1156, %dma_wait3A_1157] : memref<4096x16xf32, #tpu.memory_space<hbm>> -> memref<4096x16xf32, #tpu.memory_space<hbm>>
    tpu.wait_indirect_dma semaphore(%arg7 : memref<!tpu.dma_semaphore, #tpu.memory_space<semaphore_mem>>) src(%dma_wait3A_1158 : memref<4096x16xf32, #tpu.memory_space<hbm>>) dst(%dma_wait3A_1153 : memref<128x16xf32, #tpu.memory_space<vmem>>)
    %dma_wait3A_1159 = arith.constant 256 : i32
    %dma_wait3A_1160 = arith.constant 0 : i32
    %dma_wait3A_1161 = tpu.memref_slice %arg6[%dma_wait3A_1159, %dma_wait3A_1160] : memref<2560x16xf32, #tpu.memory_space<vmem>> -> memref<128x16xf32, #tpu.memory_space<vmem>>
    %dma_wait3A_1162 = arith.constant 256 : i32
    %dma_wait3A_1163 = tpu.memref_slice %arg5[%dma_wait3A_1162] : memref<2560xi32, #tpu.memory_space<vmem>> -> memref<128xi32, #tpu.memory_space<vmem>>
    %dma_wait3A_1164 = arith.constant 0 : i32
    %dma_wait3A_1165 = arith.constant 0 : i32
    %dma_wait3A_1166 = tpu.memref_slice %arg2[%dma_wait3A_1164, %dma_wait3A_1165] : memref<4096x16xf32, #tpu.memory_space<hbm>> -> memref<4096x16xf32, #tpu.memory_space<hbm>>
    tpu.wait_indirect_dma semaphore(%arg7 : memref<!tpu.dma_semaphore, #tpu.memory_space<semaphore_mem>>) src(%dma_wait3A_1166 : memref<4096x16xf32, #tpu.memory_space<hbm>>) dst(%dma_wait3A_1161 : memref<128x16xf32, #tpu.memory_space<vmem>>)
    %dma_wait3A_1167 = arith.constant 384 : i32
    %dma_wait3A_1168 = arith.constant 0 : i32
    %dma_wait3A_1169 = tpu.memref_slice %arg6[%dma_wait3A_1167, %dma_wait3A_1168] : memref<2560x16xf32, #tpu.memory_space<vmem>> -> memref<128x16xf32, #tpu.memory_space<vmem>>
    %dma_wait3A_1170 = arith.constant 384 : i32
    %dma_wait3A_1171 = tpu.memref_slice %arg5[%dma_wait3A_1170] : memref<2560xi32, #tpu.memory_space<vmem>> -> memref<128xi32, #tpu.memory_space<vmem>>
    %dma_wait3A_1172 = arith.constant 0 : i32
    %dma_wait3A_1173 = arith.constant 0 : i32
    %dma_wait3A_1174 = tpu.memref_slice %arg2[%dma_wait3A_1172, %dma_wait3A_1173] : memref<4096x16xf32, #tpu.memory_space<hbm>> -> memref<4096x16xf32, #tpu.memory_space<hbm>>
    tpu.wait_indirect_dma semaphore(%arg7 : memref<!tpu.dma_semaphore, #tpu.memory_space<semaphore_mem>>) src(%dma_wait3A_1174 : memref<4096x16xf32, #tpu.memory_space<hbm>>) dst(%dma_wait3A_1169 : memref<128x16xf32, #tpu.memory_space<vmem>>)
    %dma_wait3A_1175 = arith.constant 512 : i32
    %dma_wait3A_1176 = arith.constant 0 : i32
    %dma_wait3A_1177 = tpu.memref_slice %arg6[%dma_wait3A_1175, %dma_wait3A_1176] : memref<2560x16xf32, #tpu.memory_space<vmem>> -> memref<128x16xf32, #tpu.memory_space<vmem>>
    %dma_wait3A_1178 = arith.constant 512 : i32
    %dma_wait3A_1179 = tpu.memref_slice %arg5[%dma_wait3A_1178] : memref<2560xi32, #tpu.memory_space<vmem>> -> memref<128xi32, #tpu.memory_space<vmem>>
    %dma_wait3A_1180 = arith.constant 0 : i32
    %dma_wait3A_1181 = arith.constant 0 : i32
    %dma_wait3A_1182 = tpu.memref_slice %arg2[%dma_wait3A_1180, %dma_wait3A_1181] : memref<4096x16xf32, #tpu.memory_space<hbm>> -> memref<4096x16xf32, #tpu.memory_space<hbm>>
    tpu.wait_indirect_dma semaphore(%arg7 : memref<!tpu.dma_semaphore, #tpu.memory_space<semaphore_mem>>) src(%dma_wait3A_1182 : memref<4096x16xf32, #tpu.memory_space<hbm>>) dst(%dma_wait3A_1177 : memref<128x16xf32, #tpu.memory_space<vmem>>)
    %dma_wait3A_1183 = arith.constant 640 : i32
    %dma_wait3A_1184 = arith.constant 0 : i32
    %dma_wait3A_1185 = tpu.memref_slice %arg6[%dma_wait3A_1183, %dma_wait3A_1184] : memref<2560x16xf32, #tpu.memory_space<vmem>> -> memref<128x16xf32, #tpu.memory_space<vmem>>
    %dma_wait3A_1186 = arith.constant 640 : i32
    %dma_wait3A_1187 = tpu.memref_slice %arg5[%dma_wait3A_1186] : memref<2560xi32, #tpu.memory_space<vmem>> -> memref<128xi32, #tpu.memory_space<vmem>>
    %dma_wait3A_1188 = arith.constant 0 : i32
    %dma_wait3A_1189 = arith.constant 0 : i32
    %dma_wait3A_1190 = tpu.memref_slice %arg2[%dma_wait3A_1188, %dma_wait3A_1189] : memref<4096x16xf32, #tpu.memory_space<hbm>> -> memref<4096x16xf32, #tpu.memory_space<hbm>>
    tpu.wait_indirect_dma semaphore(%arg7 : memref<!tpu.dma_semaphore, #tpu.memory_space<semaphore_mem>>) src(%dma_wait3A_1190 : memref<4096x16xf32, #tpu.memory_space<hbm>>) dst(%dma_wait3A_1185 : memref<128x16xf32, #tpu.memory_space<vmem>>)
    %dma_wait3A_1191 = arith.constant 768 : i32
    %dma_wait3A_1192 = arith.constant 0 : i32
    %dma_wait3A_1193 = tpu.memref_slice %arg6[%dma_wait3A_1191, %dma_wait3A_1192] : memref<2560x16xf32, #tpu.memory_space<vmem>> -> memref<128x16xf32, #tpu.memory_space<vmem>>
    %dma_wait3A_1194 = arith.constant 768 : i32
    %dma_wait3A_1195 = tpu.memref_slice %arg5[%dma_wait3A_1194] : memref<2560xi32, #tpu.memory_space<vmem>> -> memref<128xi32, #tpu.memory_space<vmem>>
    %dma_wait3A_1196 = arith.constant 0 : i32
    %dma_wait3A_1197 = arith.constant 0 : i32
    %dma_wait3A_1198 = tpu.memref_slice %arg2[%dma_wait3A_1196, %dma_wait3A_1197] : memref<4096x16xf32, #tpu.memory_space<hbm>> -> memref<4096x16xf32, #tpu.memory_space<hbm>>
    tpu.wait_indirect_dma semaphore(%arg7 : memref<!tpu.dma_semaphore, #tpu.memory_space<semaphore_mem>>) src(%dma_wait3A_1198 : memref<4096x16xf32, #tpu.memory_space<hbm>>) dst(%dma_wait3A_1193 : memref<128x16xf32, #tpu.memory_space<vmem>>)
    %dma_wait3A_1199 = arith.constant 896 : i32
    %dma_wait3A_1200 = arith.constant 0 : i32
    %dma_wait3A_1201 = tpu.memref_slice %arg6[%dma_wait3A_1199, %dma_wait3A_1200] : memref<2560x16xf32, #tpu.memory_space<vmem>> -> memref<128x16xf32, #tpu.memory_space<vmem>>
    %dma_wait3A_1202 = arith.constant 896 : i32
    %dma_wait3A_1203 = tpu.memref_slice %arg5[%dma_wait3A_1202] : memref<2560xi32, #tpu.memory_space<vmem>> -> memref<128xi32, #tpu.memory_space<vmem>>
    %dma_wait3A_1204 = arith.constant 0 : i32
    %dma_wait3A_1205 = arith.constant 0 : i32
    %dma_wait3A_1206 = tpu.memref_slice %arg2[%dma_wait3A_1204, %dma_wait3A_1205] : memref<4096x16xf32, #tpu.memory_space<hbm>> -> memref<4096x16xf32, #tpu.memory_space<hbm>>
    tpu.wait_indirect_dma semaphore(%arg7 : memref<!tpu.dma_semaphore, #tpu.memory_space<semaphore_mem>>) src(%dma_wait3A_1206 : memref<4096x16xf32, #tpu.memory_space<hbm>>) dst(%dma_wait3A_1201 : memref<128x16xf32, #tpu.memory_space<vmem>>)
    %dma_wait3A_1207 = arith.constant 1024 : i32
    %dma_wait3A_1208 = arith.constant 0 : i32
    %dma_wait3A_1209 = tpu.memref_slice %arg6[%dma_wait3A_1207, %dma_wait3A_1208] : memref<2560x16xf32, #tpu.memory_space<vmem>> -> memref<128x16xf32, #tpu.memory_space<vmem>>
    %dma_wait3A_1210 = arith.constant 1024 : i32
    %dma_wait3A_1211 = tpu.memref_slice %arg5[%dma_wait3A_1210] : memref<2560xi32, #tpu.memory_space<vmem>> -> memref<128xi32, #tpu.memory_space<vmem>>
    %dma_wait3A_1212 = arith.constant 0 : i32
    %dma_wait3A_1213 = arith.constant 0 : i32
    %dma_wait3A_1214 = tpu.memref_slice %arg2[%dma_wait3A_1212, %dma_wait3A_1213] : memref<4096x16xf32, #tpu.memory_space<hbm>> -> memref<4096x16xf32, #tpu.memory_space<hbm>>
    tpu.wait_indirect_dma semaphore(%arg7 : memref<!tpu.dma_semaphore, #tpu.memory_space<semaphore_mem>>) src(%dma_wait3A_1214 : memref<4096x16xf32, #tpu.memory_space<hbm>>) dst(%dma_wait3A_1209 : memref<128x16xf32, #tpu.memory_space<vmem>>)
    %dma_wait3A_1215 = arith.constant 1152 : i32
    %dma_wait3A_1216 = arith.constant 0 : i32
    %dma_wait3A_1217 = tpu.memref_slice %arg6[%dma_wait3A_1215, %dma_wait3A_1216] : memref<2560x16xf32, #tpu.memory_space<vmem>> -> memref<128x16xf32, #tpu.memory_space<vmem>>
    %dma_wait3A_1218 = arith.constant 1152 : i32
    %dma_wait3A_1219 = tpu.memref_slice %arg5[%dma_wait3A_1218] : memref<2560xi32, #tpu.memory_space<vmem>> -> memref<128xi32, #tpu.memory_space<vmem>>
    %dma_wait3A_1220 = arith.constant 0 : i32
    %dma_wait3A_1221 = arith.constant 0 : i32
    %dma_wait3A_1222 = tpu.memref_slice %arg2[%dma_wait3A_1220, %dma_wait3A_1221] : memref<4096x16xf32, #tpu.memory_space<hbm>> -> memref<4096x16xf32, #tpu.memory_space<hbm>>
    tpu.wait_indirect_dma semaphore(%arg7 : memref<!tpu.dma_semaphore, #tpu.memory_space<semaphore_mem>>) src(%dma_wait3A_1222 : memref<4096x16xf32, #tpu.memory_space<hbm>>) dst(%dma_wait3A_1217 : memref<128x16xf32, #tpu.memory_space<vmem>>)
    %dma_wait3A_1223 = arith.constant 1280 : i32
    %dma_wait3A_1224 = arith.constant 0 : i32
    %dma_wait3A_1225 = tpu.memref_slice %arg6[%dma_wait3A_1223, %dma_wait3A_1224] : memref<2560x16xf32, #tpu.memory_space<vmem>> -> memref<128x16xf32, #tpu.memory_space<vmem>>
    %dma_wait3A_1226 = arith.constant 1280 : i32
    %dma_wait3A_1227 = tpu.memref_slice %arg5[%dma_wait3A_1226] : memref<2560xi32, #tpu.memory_space<vmem>> -> memref<128xi32, #tpu.memory_space<vmem>>
    %dma_wait3A_1228 = arith.constant 0 : i32
    %dma_wait3A_1229 = arith.constant 0 : i32
    %dma_wait3A_1230 = tpu.memref_slice %arg2[%dma_wait3A_1228, %dma_wait3A_1229] : memref<4096x16xf32, #tpu.memory_space<hbm>> -> memref<4096x16xf32, #tpu.memory_space<hbm>>
    tpu.wait_indirect_dma semaphore(%arg7 : memref<!tpu.dma_semaphore, #tpu.memory_space<semaphore_mem>>) src(%dma_wait3A_1230 : memref<4096x16xf32, #tpu.memory_space<hbm>>) dst(%dma_wait3A_1225 : memref<128x16xf32, #tpu.memory_space<vmem>>)
    %dma_wait3A_1231 = arith.constant 1408 : i32
    %dma_wait3A_1232 = arith.constant 0 : i32
    %dma_wait3A_1233 = tpu.memref_slice %arg6[%dma_wait3A_1231, %dma_wait3A_1232] : memref<2560x16xf32, #tpu.memory_space<vmem>> -> memref<128x16xf32, #tpu.memory_space<vmem>>
    %dma_wait3A_1234 = arith.constant 1408 : i32
    %dma_wait3A_1235 = tpu.memref_slice %arg5[%dma_wait3A_1234] : memref<2560xi32, #tpu.memory_space<vmem>> -> memref<128xi32, #tpu.memory_space<vmem>>
    %dma_wait3A_1236 = arith.constant 0 : i32
    %dma_wait3A_1237 = arith.constant 0 : i32
    %dma_wait3A_1238 = tpu.memref_slice %arg2[%dma_wait3A_1236, %dma_wait3A_1237] : memref<4096x16xf32, #tpu.memory_space<hbm>> -> memref<4096x16xf32, #tpu.memory_space<hbm>>
    tpu.wait_indirect_dma semaphore(%arg7 : memref<!tpu.dma_semaphore, #tpu.memory_space<semaphore_mem>>) src(%dma_wait3A_1238 : memref<4096x16xf32, #tpu.memory_space<hbm>>) dst(%dma_wait3A_1233 : memref<128x16xf32, #tpu.memory_space<vmem>>)
    %dma_wait3A_1239 = arith.constant 1536 : i32
    %dma_wait3A_1240 = arith.constant 0 : i32
    %dma_wait3A_1241 = tpu.memref_slice %arg6[%dma_wait3A_1239, %dma_wait3A_1240] : memref<2560x16xf32, #tpu.memory_space<vmem>> -> memref<128x16xf32, #tpu.memory_space<vmem>>
    %dma_wait3A_1242 = arith.constant 1536 : i32
    %dma_wait3A_1243 = tpu.memref_slice %arg5[%dma_wait3A_1242] : memref<2560xi32, #tpu.memory_space<vmem>> -> memref<128xi32, #tpu.memory_space<vmem>>
    %dma_wait3A_1244 = arith.constant 0 : i32
    %dma_wait3A_1245 = arith.constant 0 : i32
    %dma_wait3A_1246 = tpu.memref_slice %arg2[%dma_wait3A_1244, %dma_wait3A_1245] : memref<4096x16xf32, #tpu.memory_space<hbm>> -> memref<4096x16xf32, #tpu.memory_space<hbm>>
    tpu.wait_indirect_dma semaphore(%arg7 : memref<!tpu.dma_semaphore, #tpu.memory_space<semaphore_mem>>) src(%dma_wait3A_1246 : memref<4096x16xf32, #tpu.memory_space<hbm>>) dst(%dma_wait3A_1241 : memref<128x16xf32, #tpu.memory_space<vmem>>)
    %dma_wait3A_1247 = arith.constant 1664 : i32
    %dma_wait3A_1248 = arith.constant 0 : i32
    %dma_wait3A_1249 = tpu.memref_slice %arg6[%dma_wait3A_1247, %dma_wait3A_1248] : memref<2560x16xf32, #tpu.memory_space<vmem>> -> memref<128x16xf32, #tpu.memory_space<vmem>>
    %dma_wait3A_1250 = arith.constant 1664 : i32
    %dma_wait3A_1251 = tpu.memref_slice %arg5[%dma_wait3A_1250] : memref<2560xi32, #tpu.memory_space<vmem>> -> memref<128xi32, #tpu.memory_space<vmem>>
    %dma_wait3A_1252 = arith.constant 0 : i32
    %dma_wait3A_1253 = arith.constant 0 : i32
    %dma_wait3A_1254 = tpu.memref_slice %arg2[%dma_wait3A_1252, %dma_wait3A_1253] : memref<4096x16xf32, #tpu.memory_space<hbm>> -> memref<4096x16xf32, #tpu.memory_space<hbm>>
    tpu.wait_indirect_dma semaphore(%arg7 : memref<!tpu.dma_semaphore, #tpu.memory_space<semaphore_mem>>) src(%dma_wait3A_1254 : memref<4096x16xf32, #tpu.memory_space<hbm>>) dst(%dma_wait3A_1249 : memref<128x16xf32, #tpu.memory_space<vmem>>)
    %dma_wait3A_1255 = arith.constant 1792 : i32
    %dma_wait3A_1256 = arith.constant 0 : i32
    %dma_wait3A_1257 = tpu.memref_slice %arg6[%dma_wait3A_1255, %dma_wait3A_1256] : memref<2560x16xf32, #tpu.memory_space<vmem>> -> memref<128x16xf32, #tpu.memory_space<vmem>>
    %dma_wait3A_1258 = arith.constant 1792 : i32
    %dma_wait3A_1259 = tpu.memref_slice %arg5[%dma_wait3A_1258] : memref<2560xi32, #tpu.memory_space<vmem>> -> memref<128xi32, #tpu.memory_space<vmem>>
    %dma_wait3A_1260 = arith.constant 0 : i32
    %dma_wait3A_1261 = arith.constant 0 : i32
    %dma_wait3A_1262 = tpu.memref_slice %arg2[%dma_wait3A_1260, %dma_wait3A_1261] : memref<4096x16xf32, #tpu.memory_space<hbm>> -> memref<4096x16xf32, #tpu.memory_space<hbm>>
    tpu.wait_indirect_dma semaphore(%arg7 : memref<!tpu.dma_semaphore, #tpu.memory_space<semaphore_mem>>) src(%dma_wait3A_1262 : memref<4096x16xf32, #tpu.memory_space<hbm>>) dst(%dma_wait3A_1257 : memref<128x16xf32, #tpu.memory_space<vmem>>)
    %dma_wait3A_1263 = arith.constant 1920 : i32
    %dma_wait3A_1264 = arith.constant 0 : i32
    %dma_wait3A_1265 = tpu.memref_slice %arg6[%dma_wait3A_1263, %dma_wait3A_1264] : memref<2560x16xf32, #tpu.memory_space<vmem>> -> memref<128x16xf32, #tpu.memory_space<vmem>>
    %dma_wait3A_1266 = arith.constant 1920 : i32
    %dma_wait3A_1267 = tpu.memref_slice %arg5[%dma_wait3A_1266] : memref<2560xi32, #tpu.memory_space<vmem>> -> memref<128xi32, #tpu.memory_space<vmem>>
    %dma_wait3A_1268 = arith.constant 0 : i32
    %dma_wait3A_1269 = arith.constant 0 : i32
    %dma_wait3A_1270 = tpu.memref_slice %arg2[%dma_wait3A_1268, %dma_wait3A_1269] : memref<4096x16xf32, #tpu.memory_space<hbm>> -> memref<4096x16xf32, #tpu.memory_space<hbm>>
    tpu.wait_indirect_dma semaphore(%arg7 : memref<!tpu.dma_semaphore, #tpu.memory_space<semaphore_mem>>) src(%dma_wait3A_1270 : memref<4096x16xf32, #tpu.memory_space<hbm>>) dst(%dma_wait3A_1265 : memref<128x16xf32, #tpu.memory_space<vmem>>)
    %dma_wait3A_1271 = arith.constant 2048 : i32
    %dma_wait3A_1272 = arith.constant 0 : i32
    %dma_wait3A_1273 = tpu.memref_slice %arg6[%dma_wait3A_1271, %dma_wait3A_1272] : memref<2560x16xf32, #tpu.memory_space<vmem>> -> memref<128x16xf32, #tpu.memory_space<vmem>>
    %dma_wait3A_1274 = arith.constant 2048 : i32
    %dma_wait3A_1275 = tpu.memref_slice %arg5[%dma_wait3A_1274] : memref<2560xi32, #tpu.memory_space<vmem>> -> memref<128xi32, #tpu.memory_space<vmem>>
    %dma_wait3A_1276 = arith.constant 0 : i32
    %dma_wait3A_1277 = arith.constant 0 : i32
    %dma_wait3A_1278 = tpu.memref_slice %arg2[%dma_wait3A_1276, %dma_wait3A_1277] : memref<4096x16xf32, #tpu.memory_space<hbm>> -> memref<4096x16xf32, #tpu.memory_space<hbm>>
    tpu.wait_indirect_dma semaphore(%arg7 : memref<!tpu.dma_semaphore, #tpu.memory_space<semaphore_mem>>) src(%dma_wait3A_1278 : memref<4096x16xf32, #tpu.memory_space<hbm>>) dst(%dma_wait3A_1273 : memref<128x16xf32, #tpu.memory_space<vmem>>)
    %dma_wait3A_1279 = arith.constant 2176 : i32
    %dma_wait3A_1280 = arith.constant 0 : i32
    %dma_wait3A_1281 = tpu.memref_slice %arg6[%dma_wait3A_1279, %dma_wait3A_1280] : memref<2560x16xf32, #tpu.memory_space<vmem>> -> memref<128x16xf32, #tpu.memory_space<vmem>>
    %dma_wait3A_1282 = arith.constant 2176 : i32
    %dma_wait3A_1283 = tpu.memref_slice %arg5[%dma_wait3A_1282] : memref<2560xi32, #tpu.memory_space<vmem>> -> memref<128xi32, #tpu.memory_space<vmem>>
    %dma_wait3A_1284 = arith.constant 0 : i32
    %dma_wait3A_1285 = arith.constant 0 : i32
    %dma_wait3A_1286 = tpu.memref_slice %arg2[%dma_wait3A_1284, %dma_wait3A_1285] : memref<4096x16xf32, #tpu.memory_space<hbm>> -> memref<4096x16xf32, #tpu.memory_space<hbm>>
    tpu.wait_indirect_dma semaphore(%arg7 : memref<!tpu.dma_semaphore, #tpu.memory_space<semaphore_mem>>) src(%dma_wait3A_1286 : memref<4096x16xf32, #tpu.memory_space<hbm>>) dst(%dma_wait3A_1281 : memref<128x16xf32, #tpu.memory_space<vmem>>)
    %dma_wait3A_1287 = arith.constant 2304 : i32
    %dma_wait3A_1288 = arith.constant 0 : i32
    %dma_wait3A_1289 = tpu.memref_slice %arg6[%dma_wait3A_1287, %dma_wait3A_1288] : memref<2560x16xf32, #tpu.memory_space<vmem>> -> memref<128x16xf32, #tpu.memory_space<vmem>>
    %dma_wait3A_1290 = arith.constant 2304 : i32
    %dma_wait3A_1291 = tpu.memref_slice %arg5[%dma_wait3A_1290] : memref<2560xi32, #tpu.memory_space<vmem>> -> memref<128xi32, #tpu.memory_space<vmem>>
    %dma_wait3A_1292 = arith.constant 0 : i32
    %dma_wait3A_1293 = arith.constant 0 : i32
    %dma_wait3A_1294 = tpu.memref_slice %arg2[%dma_wait3A_1292, %dma_wait3A_1293] : memref<4096x16xf32, #tpu.memory_space<hbm>> -> memref<4096x16xf32, #tpu.memory_space<hbm>>
    tpu.wait_indirect_dma semaphore(%arg7 : memref<!tpu.dma_semaphore, #tpu.memory_space<semaphore_mem>>) src(%dma_wait3A_1294 : memref<4096x16xf32, #tpu.memory_space<hbm>>) dst(%dma_wait3A_1289 : memref<128x16xf32, #tpu.memory_space<vmem>>)
    %dma_wait3A_1295 = arith.constant 2432 : i32
    %dma_wait3A_1296 = arith.constant 0 : i32
    %dma_wait3A_1297 = tpu.memref_slice %arg6[%dma_wait3A_1295, %dma_wait3A_1296] : memref<2560x16xf32, #tpu.memory_space<vmem>> -> memref<128x16xf32, #tpu.memory_space<vmem>>
    %dma_wait3A_1298 = arith.constant 2432 : i32
    %dma_wait3A_1299 = tpu.memref_slice %arg5[%dma_wait3A_1298] : memref<2560xi32, #tpu.memory_space<vmem>> -> memref<128xi32, #tpu.memory_space<vmem>>
    %dma_wait3A_1300 = arith.constant 0 : i32
    %dma_wait3A_1301 = arith.constant 0 : i32
    %dma_wait3A_1302 = tpu.memref_slice %arg2[%dma_wait3A_1300, %dma_wait3A_1301] : memref<4096x16xf32, #tpu.memory_space<hbm>> -> memref<4096x16xf32, #tpu.memory_space<hbm>>
    tpu.wait_indirect_dma semaphore(%arg7 : memref<!tpu.dma_semaphore, #tpu.memory_space<semaphore_mem>>) src(%dma_wait3A_1302 : memref<4096x16xf32, #tpu.memory_space<hbm>>) dst(%dma_wait3A_1297 : memref<128x16xf32, #tpu.memory_space<vmem>>)
    "tpu.region"() ({
      %run_scoped3A = tpu.sem_alloc : memref<!tpu.dma_semaphore, #tpu.memory_space<semaphore_mem>>
      %dma_start3A_1303 = arith.constant 0 : i32
      %dma_start3A_1304 = tpu.memref_slice %arg4[%mul3A_982, %dma_start3A_1303] : memref<327680x16xf32, #tpu.memory_space<hbm>> -> memref<2560x16xf32, #tpu.memory_space<hbm>>
      %dma_start3A_1305 = arith.constant 0 : i32
      %dma_start3A_1306 = tpu.memref_slice %arg4[%mul3A_982, %dma_start3A_1305] : memref<327680x16xf32, #tpu.memory_space<hbm>> -> memref<2560x16xf32, #tpu.memory_space<hbm>>
      tpu.enqueue_dma source(%arg6 : memref<2560x16xf32, #tpu.memory_space<vmem>>) target(%dma_start3A_1306 : memref<2560x16xf32, #tpu.memory_space<hbm>>) target_semaphore(%run_scoped3A : memref<!tpu.dma_semaphore, #tpu.memory_space<semaphore_mem>>)
      %dma_wait3A_1307 = arith.constant 0 : i32
      %dma_wait3A_1308 = tpu.memref_slice %arg4[%mul3A_982, %dma_wait3A_1307] : memref<327680x16xf32, #tpu.memory_space<hbm>> -> memref<2560x16xf32, #tpu.memory_space<hbm>>
      %dma_wait3A_1309 = arith.constant 0 : i32
      %dma_wait3A_1310 = tpu.memref_slice %arg4[%mul3A_982, %dma_wait3A_1309] : memref<327680x16xf32, #tpu.memory_space<hbm>> -> memref<2560x16xf32, #tpu.memory_space<hbm>>
      tpu.wait_dma2 semaphore(%run_scoped3A : memref<!tpu.dma_semaphore, #tpu.memory_space<semaphore_mem>>) src(%arg6 : memref<2560x16xf32, #tpu.memory_space<vmem>>) dst(%dma_wait3A_1310 : memref<2560x16xf32, #tpu.memory_space<hbm>>)
      tpu.yield
    }) : () -> ()
    return
  }
}

module attributes {stable_mosaic.version = 14 : i64} {
  func.func @_tc_body(%arg0: i32, %arg1: memref<8x512xf32, #tpu.memory_space<vmem>>, %arg2: memref<4096x8xf32, #tpu.memory_space<vmem>>, %arg3: memref<4096x9xf32, #tpu.memory_space<vmem>>, %arg4: memref<4096x3xf32, #tpu.memory_space<vmem>>, %arg5: memref<4096x3xf32, #tpu.memory_space<vmem>>, %arg6: memref<20x512xi32, #tpu.memory_space<vmem>>, %arg7: memref<20x512xf32, #tpu.memory_space<vmem>>, %arg8: memref<1x512xf32, #tpu.memory_space<vmem>>, %arg9: memref<4096x16xf32, #tpu.memory_space<vmem>>, %arg10: memref<4096x512xf32, #tpu.memory_space<vmem>>) attributes {dimension_semantics = [#tpu.dimension_semantics<arbitrary>], iteration_bounds = array<i64: 32>, scalar_prefetch = 0 : i64, scratch_operands = 1 : i64, tpu.core_type = #tpu.core_type<tc>, window_params = [{transform_indices = @transform_0, window_bounds = array<i64: 8, 512>}, {pipeline_mode = #tpu.pipeline_mode<synchronous>, transform_indices = @transform_1, window_bounds = array<i64: 4096, 8>}, {pipeline_mode = #tpu.pipeline_mode<synchronous>, transform_indices = @transform_2, window_bounds = array<i64: 4096, 9>}, {pipeline_mode = #tpu.pipeline_mode<synchronous>, transform_indices = @transform_3, window_bounds = array<i64: 4096, 3>}, {pipeline_mode = #tpu.pipeline_mode<synchronous>, transform_indices = @transform_4, window_bounds = array<i64: 4096, 3>}, {transform_indices = @transform_5, window_bounds = array<i64: 20, 512>}, {transform_indices = @transform_6, window_bounds = array<i64: 20, 512>}, {transform_indices = @transform_7, window_bounds = array<i64: 1, 512>}, {pipeline_mode = #tpu.pipeline_mode<synchronous>, transform_indices = @transform_8, window_bounds = array<i64: 4096, 16>}]} {
    %get3A = arith.constant 0 : index
    %get3A_0 = arith.constant 0 : index
    %get3A_1 = vector.load %arg1[%get3A, %get3A_0] : memref<8x512xf32, #tpu.memory_space<vmem>>, vector<1x512xf32>
    %get3A_2 = arith.constant 1 : index
    %get3A_3 = arith.constant 0 : index
    %get3A_4 = vector.load %arg1[%get3A_2, %get3A_3] : memref<8x512xf32, #tpu.memory_space<vmem>>, vector<1x512xf32>
    %get3A_5 = arith.constant 2 : index
    %get3A_6 = arith.constant 0 : index
    %get3A_7 = vector.load %arg1[%get3A_5, %get3A_6] : memref<8x512xf32, #tpu.memory_space<vmem>>, vector<1x512xf32>
    %get3A_8 = arith.constant 0 : index
    %get3A_9 = arith.constant 0 : index
    %get3A_10 = vector.load %arg2[%get3A_8, %get3A_9] : memref<4096x8xf32, #tpu.memory_space<vmem>>, vector<4096x1xf32>
    %get3A_11 = arith.constant 0 : index
    %get3A_12 = arith.constant 1 : index
    %get3A_13 = vector.load %arg2[%get3A_11, %get3A_12] : memref<4096x8xf32, #tpu.memory_space<vmem>>, vector<4096x1xf32>
    %get3A_14 = arith.constant 0 : index
    %get3A_15 = arith.constant 2 : index
    %get3A_16 = vector.load %arg2[%get3A_14, %get3A_15] : memref<4096x8xf32, #tpu.memory_space<vmem>>, vector<4096x1xf32>
    %mul3A = arith.mulf %get3A_1, %get3A_1 : vector<1x512xf32>
    %mul3A_17 = arith.mulf %get3A_4, %get3A_4 : vector<1x512xf32>
    %add3A = arith.addf %mul3A, %mul3A_17 : vector<1x512xf32>
    %mul3A_18 = arith.mulf %get3A_7, %get3A_7 : vector<1x512xf32>
    %add3A_19 = arith.addf %add3A, %mul3A_18 : vector<1x512xf32>
    %mul3A_20 = arith.mulf %get3A_10, %get3A_10 : vector<4096x1xf32>
    %mul3A_21 = arith.mulf %get3A_13, %get3A_13 : vector<4096x1xf32>
    %add3A_22 = arith.addf %mul3A_20, %mul3A_21 : vector<4096x1xf32>
    %mul3A_23 = arith.mulf %get3A_16, %get3A_16 : vector<4096x1xf32>
    %add3A_24 = arith.addf %add3A_22, %mul3A_23 : vector<4096x1xf32>
    %get3A_25 = arith.constant 0 : index
    %get3A_26 = arith.constant 0 : index
    %get3A_27 = vector.load %arg2[%get3A_25, %get3A_26] : memref<4096x8xf32, #tpu.memory_space<vmem>>, vector<4096x8xf32>
    %get3A_28 = arith.constant 0 : index
    %get3A_29 = arith.constant 0 : index
    %get3A_30 = vector.load %arg1[%get3A_28, %get3A_29] : memref<8x512xf32, #tpu.memory_space<vmem>>, vector<8x512xf32>
    %dot_general3A = arith.constant dense<0.000000e+00> : vector<4096x512xf32>
    %dot_general3A_31 = tpu.matmul %get3A_27, %get3A_30, %dot_general3A {dimension_numbers = #tpu.dot_dimension_numbers<[1], [0], [0], [1], [0, 0, 1, 1], [], []>, transpose_lhs_hint = false} : vector<4096x8xf32>, vector<8x512xf32>, vector<4096x512xf32> -> vector<4096x512xf32>
    %mul3A_32 = arith.constant 2.000000e+00 : f32
    %mul3A_33 = vector.broadcast %mul3A_32 : f32 to vector<4096x512xf32>
    %mul3A_34 = arith.mulf %mul3A_33, %dot_general3A_31 : vector<4096x512xf32>
    %sub3A = vector.broadcast %add3A_19 : vector<1x512xf32> to vector<4096x512xf32>
    %sub3A_35 = arith.subf %sub3A, %mul3A_34 : vector<4096x512xf32>
    %add3A_36 = vector.broadcast %add3A_24 : vector<4096x1xf32> to vector<4096x512xf32>
    %add3A_37 = arith.addf %sub3A_35, %add3A_36 : vector<4096x512xf32>
    %bitcast_convert_type3A = tpu.bitcast %add3A_37 : vector<4096x512xf32> -> vector<4096x512xi32>
    %iota3A = tpu.iota {dimensions = array<i32: 0>} : vector<4096x512xi32>
    %and3A = arith.constant -4096 : i32
    %and3A_38 = vector.broadcast %and3A : i32 to vector<4096x512xi32>
    %and3A_39 = arith.andi %bitcast_convert_type3A, %and3A_38 : vector<4096x512xi32>
    %or3A = arith.ori %and3A_39, %iota3A : vector<4096x512xi32>
    %bitcast_convert_type3A_40 = tpu.bitcast %or3A : vector<4096x512xi32> -> vector<4096x512xf32>
    %swap3A = arith.constant 0 : index
    %swap3A_41 = arith.constant 0 : index
    %swap3A_42 = vector.load %arg10[%swap3A, %swap3A_41] : memref<4096x512xf32, #tpu.memory_space<vmem>>, vector<4096x512xf32>
    tpu.vector_store %arg10[%swap3A, %swap3A_41], %bitcast_convert_type3A_40 {strides = array<i32>} : memref<4096x512xf32, #tpu.memory_space<vmem>>, vector<4096x512xf32>,
    %get3A_43 = arith.constant 0 : index
    %get3A_44 = arith.constant 0 : index
    %get3A_45 = vector.load %arg10[%get3A_43, %get3A_44] : memref<4096x512xf32, #tpu.memory_space<vmem>>, vector<4096x512xf32>
    %reduce_min3A = arith.constant dense<0x7F800000> : vector<512xf32>
    %reduce_min3A_46 = vector.multi_reduction <minimumf>, %get3A_45, %reduce_min3A [0] : vector<4096x512xf32> to vector<512xf32>
    %broadcast_in_dim3A = vector.shape_cast %reduce_min3A_46 : vector<512xf32> to vector<1x512xf32>
    %bitcast_convert_type3A_47 = tpu.bitcast %broadcast_in_dim3A : vector<1x512xf32> -> vector<1x512xi32>
    %and3A_48 = arith.constant -4096 : i32
    %and3A_49 = vector.broadcast %and3A_48 : i32 to vector<1x512xi32>
    %and3A_50 = arith.andi %bitcast_convert_type3A_47, %and3A_49 : vector<1x512xi32>
    %bitcast_convert_type3A_51 = tpu.bitcast %and3A_50 : vector<1x512xi32> -> vector<1x512xf32>
    %and3A_52 = arith.constant 4095 : i32
    %and3A_53 = vector.broadcast %and3A_52 : i32 to vector<1x512xi32>
    %and3A_54 = arith.andi %bitcast_convert_type3A_47, %and3A_53 : vector<1x512xi32>
    %get3A_55 = arith.constant 0 : index
    %get3A_56 = arith.constant 0 : index
    %get3A_57 = vector.load %arg10[%get3A_55, %get3A_56] : memref<4096x512xf32, #tpu.memory_space<vmem>>, vector<4096x512xf32>
    %gt3A = vector.broadcast %broadcast_in_dim3A : vector<1x512xf32> to vector<4096x512xf32>
    %gt3A_58 = arith.cmpf ogt, %get3A_57, %gt3A : vector<4096x512xf32>
    %jit3A = arith.constant 0x7F800000 : f32
    %broadcast_in_dim3A_59 = vector.broadcast %jit3A : f32 to vector<4096x512xf32>
    %select_n3A = arith.select %gt3A_58, %get3A_57, %broadcast_in_dim3A_59 : vector<4096x512xi1>, vector<4096x512xf32>
    %reduce_min3A_60 = arith.constant dense<0x7F800000> : vector<512xf32>
    %reduce_min3A_61 = vector.multi_reduction <minimumf>, %select_n3A, %reduce_min3A_60 [0] : vector<4096x512xf32> to vector<512xf32>
    %broadcast_in_dim3A_62 = vector.shape_cast %reduce_min3A_61 : vector<512xf32> to vector<1x512xf32>
    %bitcast_convert_type3A_63 = tpu.bitcast %broadcast_in_dim3A_62 : vector<1x512xf32> -> vector<1x512xi32>
    %and3A_64 = arith.constant -4096 : i32
    %and3A_65 = vector.broadcast %and3A_64 : i32 to vector<1x512xi32>
    %and3A_66 = arith.andi %bitcast_convert_type3A_63, %and3A_65 : vector<1x512xi32>
    %bitcast_convert_type3A_67 = tpu.bitcast %and3A_66 : vector<1x512xi32> -> vector<1x512xf32>
    %and3A_68 = arith.constant 4095 : i32
    %and3A_69 = vector.broadcast %and3A_68 : i32 to vector<1x512xi32>
    %and3A_70 = arith.andi %bitcast_convert_type3A_63, %and3A_69 : vector<1x512xi32>
    %get3A_71 = arith.constant 0 : index
    %get3A_72 = arith.constant 0 : index
    %get3A_73 = vector.load %arg10[%get3A_71, %get3A_72] : memref<4096x512xf32, #tpu.memory_space<vmem>>, vector<4096x512xf32>
    %gt3A_74 = vector.broadcast %broadcast_in_dim3A_62 : vector<1x512xf32> to vector<4096x512xf32>
    %gt3A_75 = arith.cmpf ogt, %get3A_73, %gt3A_74 : vector<4096x512xf32>
    %jit3A_76 = arith.constant 0x7F800000 : f32
    %broadcast_in_dim3A_77 = vector.broadcast %jit3A_76 : f32 to vector<4096x512xf32>
    %select_n3A_78 = arith.select %gt3A_75, %get3A_73, %broadcast_in_dim3A_77 : vector<4096x512xi1>, vector<4096x512xf32>
    %reduce_min3A_79 = arith.constant dense<0x7F800000> : vector<512xf32>
    %reduce_min3A_80 = vector.multi_reduction <minimumf>, %select_n3A_78, %reduce_min3A_79 [0] : vector<4096x512xf32> to vector<512xf32>
    %broadcast_in_dim3A_81 = vector.shape_cast %reduce_min3A_80 : vector<512xf32> to vector<1x512xf32>
    %bitcast_convert_type3A_82 = tpu.bitcast %broadcast_in_dim3A_81 : vector<1x512xf32> -> vector<1x512xi32>
    %and3A_83 = arith.constant -4096 : i32
    %and3A_84 = vector.broadcast %and3A_83 : i32 to vector<1x512xi32>
    %and3A_85 = arith.andi %bitcast_convert_type3A_82, %and3A_84 : vector<1x512xi32>
    %bitcast_convert_type3A_86 = tpu.bitcast %and3A_85 : vector<1x512xi32> -> vector<1x512xf32>
    %and3A_87 = arith.constant 4095 : i32
    %and3A_88 = vector.broadcast %and3A_87 : i32 to vector<1x512xi32>
    %and3A_89 = arith.andi %bitcast_convert_type3A_82, %and3A_88 : vector<1x512xi32>
    %get3A_90 = arith.constant 0 : index
    %get3A_91 = arith.constant 0 : index
    %get3A_92 = vector.load %arg10[%get3A_90, %get3A_91] : memref<4096x512xf32, #tpu.memory_space<vmem>>, vector<4096x512xf32>
    %gt3A_93 = vector.broadcast %broadcast_in_dim3A_81 : vector<1x512xf32> to vector<4096x512xf32>
    %gt3A_94 = arith.cmpf ogt, %get3A_92, %gt3A_93 : vector<4096x512xf32>
    %jit3A_95 = arith.constant 0x7F800000 : f32
    %broadcast_in_dim3A_96 = vector.broadcast %jit3A_95 : f32 to vector<4096x512xf32>
    %select_n3A_97 = arith.select %gt3A_94, %get3A_92, %broadcast_in_dim3A_96 : vector<4096x512xi1>, vector<4096x512xf32>
    %reduce_min3A_98 = arith.constant dense<0x7F800000> : vector<512xf32>
    %reduce_min3A_99 = vector.multi_reduction <minimumf>, %select_n3A_97, %reduce_min3A_98 [0] : vector<4096x512xf32> to vector<512xf32>
    %broadcast_in_dim3A_100 = vector.shape_cast %reduce_min3A_99 : vector<512xf32> to vector<1x512xf32>
    %bitcast_convert_type3A_101 = tpu.bitcast %broadcast_in_dim3A_100 : vector<1x512xf32> -> vector<1x512xi32>
    %and3A_102 = arith.constant -4096 : i32
    %and3A_103 = vector.broadcast %and3A_102 : i32 to vector<1x512xi32>
    %and3A_104 = arith.andi %bitcast_convert_type3A_101, %and3A_103 : vector<1x512xi32>
    %bitcast_convert_type3A_105 = tpu.bitcast %and3A_104 : vector<1x512xi32> -> vector<1x512xf32>
    %and3A_106 = arith.constant 4095 : i32
    %and3A_107 = vector.broadcast %and3A_106 : i32 to vector<1x512xi32>
    %and3A_108 = arith.andi %bitcast_convert_type3A_101, %and3A_107 : vector<1x512xi32>
    %get3A_109 = arith.constant 0 : index
    %get3A_110 = arith.constant 0 : index
    %get3A_111 = vector.load %arg10[%get3A_109, %get3A_110] : memref<4096x512xf32, #tpu.memory_space<vmem>>, vector<4096x512xf32>
    %gt3A_112 = vector.broadcast %broadcast_in_dim3A_100 : vector<1x512xf32> to vector<4096x512xf32>
    %gt3A_113 = arith.cmpf ogt, %get3A_111, %gt3A_112 : vector<4096x512xf32>
    %jit3A_114 = arith.constant 0x7F800000 : f32
    %broadcast_in_dim3A_115 = vector.broadcast %jit3A_114 : f32 to vector<4096x512xf32>
    %select_n3A_116 = arith.select %gt3A_113, %get3A_111, %broadcast_in_dim3A_115 : vector<4096x512xi1>, vector<4096x512xf32>
    %reduce_min3A_117 = arith.constant dense<0x7F800000> : vector<512xf32>
    %reduce_min3A_118 = vector.multi_reduction <minimumf>, %select_n3A_116, %reduce_min3A_117 [0] : vector<4096x512xf32> to vector<512xf32>
    %broadcast_in_dim3A_119 = vector.shape_cast %reduce_min3A_118 : vector<512xf32> to vector<1x512xf32>
    %bitcast_convert_type3A_120 = tpu.bitcast %broadcast_in_dim3A_119 : vector<1x512xf32> -> vector<1x512xi32>
    %and3A_121 = arith.constant -4096 : i32
    %and3A_122 = vector.broadcast %and3A_121 : i32 to vector<1x512xi32>
    %and3A_123 = arith.andi %bitcast_convert_type3A_120, %and3A_122 : vector<1x512xi32>
    %bitcast_convert_type3A_124 = tpu.bitcast %and3A_123 : vector<1x512xi32> -> vector<1x512xf32>
    %and3A_125 = arith.constant 4095 : i32
    %and3A_126 = vector.broadcast %and3A_125 : i32 to vector<1x512xi32>
    %and3A_127 = arith.andi %bitcast_convert_type3A_120, %and3A_126 : vector<1x512xi32>
    %get3A_128 = arith.constant 0 : index
    %get3A_129 = arith.constant 0 : index
    %get3A_130 = vector.load %arg10[%get3A_128, %get3A_129] : memref<4096x512xf32, #tpu.memory_space<vmem>>, vector<4096x512xf32>
    %gt3A_131 = vector.broadcast %broadcast_in_dim3A_119 : vector<1x512xf32> to vector<4096x512xf32>
    %gt3A_132 = arith.cmpf ogt, %get3A_130, %gt3A_131 : vector<4096x512xf32>
    %jit3A_133 = arith.constant 0x7F800000 : f32
    %broadcast_in_dim3A_134 = vector.broadcast %jit3A_133 : f32 to vector<4096x512xf32>
    %select_n3A_135 = arith.select %gt3A_132, %get3A_130, %broadcast_in_dim3A_134 : vector<4096x512xi1>, vector<4096x512xf32>
    %reduce_min3A_136 = arith.constant dense<0x7F800000> : vector<512xf32>
    %reduce_min3A_137 = vector.multi_reduction <minimumf>, %select_n3A_135, %reduce_min3A_136 [0] : vector<4096x512xf32> to vector<512xf32>
    %broadcast_in_dim3A_138 = vector.shape_cast %reduce_min3A_137 : vector<512xf32> to vector<1x512xf32>
    %bitcast_convert_type3A_139 = tpu.bitcast %broadcast_in_dim3A_138 : vector<1x512xf32> -> vector<1x512xi32>
    %and3A_140 = arith.constant -4096 : i32
    %and3A_141 = vector.broadcast %and3A_140 : i32 to vector<1x512xi32>
    %and3A_142 = arith.andi %bitcast_convert_type3A_139, %and3A_141 : vector<1x512xi32>
    %bitcast_convert_type3A_143 = tpu.bitcast %and3A_142 : vector<1x512xi32> -> vector<1x512xf32>
    %and3A_144 = arith.constant 4095 : i32
    %and3A_145 = vector.broadcast %and3A_144 : i32 to vector<1x512xi32>
    %and3A_146 = arith.andi %bitcast_convert_type3A_139, %and3A_145 : vector<1x512xi32>
    %get3A_147 = arith.constant 0 : index
    %get3A_148 = arith.constant 0 : index
    %get3A_149 = vector.load %arg10[%get3A_147, %get3A_148] : memref<4096x512xf32, #tpu.memory_space<vmem>>, vector<4096x512xf32>
    %gt3A_150 = vector.broadcast %broadcast_in_dim3A_138 : vector<1x512xf32> to vector<4096x512xf32>
    %gt3A_151 = arith.cmpf ogt, %get3A_149, %gt3A_150 : vector<4096x512xf32>
    %jit3A_152 = arith.constant 0x7F800000 : f32
    %broadcast_in_dim3A_153 = vector.broadcast %jit3A_152 : f32 to vector<4096x512xf32>
    %select_n3A_154 = arith.select %gt3A_151, %get3A_149, %broadcast_in_dim3A_153 : vector<4096x512xi1>, vector<4096x512xf32>
    %reduce_min3A_155 = arith.constant dense<0x7F800000> : vector<512xf32>
    %reduce_min3A_156 = vector.multi_reduction <minimumf>, %select_n3A_154, %reduce_min3A_155 [0] : vector<4096x512xf32> to vector<512xf32>
    %broadcast_in_dim3A_157 = vector.shape_cast %reduce_min3A_156 : vector<512xf32> to vector<1x512xf32>
    %bitcast_convert_type3A_158 = tpu.bitcast %broadcast_in_dim3A_157 : vector<1x512xf32> -> vector<1x512xi32>
    %and3A_159 = arith.constant -4096 : i32
    %and3A_160 = vector.broadcast %and3A_159 : i32 to vector<1x512xi32>
    %and3A_161 = arith.andi %bitcast_convert_type3A_158, %and3A_160 : vector<1x512xi32>
    %bitcast_convert_type3A_162 = tpu.bitcast %and3A_161 : vector<1x512xi32> -> vector<1x512xf32>
    %and3A_163 = arith.constant 4095 : i32
    %and3A_164 = vector.broadcast %and3A_163 : i32 to vector<1x512xi32>
    %and3A_165 = arith.andi %bitcast_convert_type3A_158, %and3A_164 : vector<1x512xi32>
    %get3A_166 = arith.constant 0 : index
    %get3A_167 = arith.constant 0 : index
    %get3A_168 = vector.load %arg10[%get3A_166, %get3A_167] : memref<4096x512xf32, #tpu.memory_space<vmem>>, vector<4096x512xf32>
    %gt3A_169 = vector.broadcast %broadcast_in_dim3A_157 : vector<1x512xf32> to vector<4096x512xf32>
    %gt3A_170 = arith.cmpf ogt, %get3A_168, %gt3A_169 : vector<4096x512xf32>
    %jit3A_171 = arith.constant 0x7F800000 : f32
    %broadcast_in_dim3A_172 = vector.broadcast %jit3A_171 : f32 to vector<4096x512xf32>
    %select_n3A_173 = arith.select %gt3A_170, %get3A_168, %broadcast_in_dim3A_172 : vector<4096x512xi1>, vector<4096x512xf32>
    %reduce_min3A_174 = arith.constant dense<0x7F800000> : vector<512xf32>
    %reduce_min3A_175 = vector.multi_reduction <minimumf>, %select_n3A_173, %reduce_min3A_174 [0] : vector<4096x512xf32> to vector<512xf32>
    %broadcast_in_dim3A_176 = vector.shape_cast %reduce_min3A_175 : vector<512xf32> to vector<1x512xf32>
    %bitcast_convert_type3A_177 = tpu.bitcast %broadcast_in_dim3A_176 : vector<1x512xf32> -> vector<1x512xi32>
    %and3A_178 = arith.constant -4096 : i32
    %and3A_179 = vector.broadcast %and3A_178 : i32 to vector<1x512xi32>
    %and3A_180 = arith.andi %bitcast_convert_type3A_177, %and3A_179 : vector<1x512xi32>
    %bitcast_convert_type3A_181 = tpu.bitcast %and3A_180 : vector<1x512xi32> -> vector<1x512xf32>
    %and3A_182 = arith.constant 4095 : i32
    %and3A_183 = vector.broadcast %and3A_182 : i32 to vector<1x512xi32>
    %and3A_184 = arith.andi %bitcast_convert_type3A_177, %and3A_183 : vector<1x512xi32>
    %get3A_185 = arith.constant 0 : index
    %get3A_186 = arith.constant 0 : index
    %get3A_187 = vector.load %arg10[%get3A_185, %get3A_186] : memref<4096x512xf32, #tpu.memory_space<vmem>>, vector<4096x512xf32>
    %gt3A_188 = vector.broadcast %broadcast_in_dim3A_176 : vector<1x512xf32> to vector<4096x512xf32>
    %gt3A_189 = arith.cmpf ogt, %get3A_187, %gt3A_188 : vector<4096x512xf32>
    %jit3A_190 = arith.constant 0x7F800000 : f32
    %broadcast_in_dim3A_191 = vector.broadcast %jit3A_190 : f32 to vector<4096x512xf32>
    %select_n3A_192 = arith.select %gt3A_189, %get3A_187, %broadcast_in_dim3A_191 : vector<4096x512xi1>, vector<4096x512xf32>
    %reduce_min3A_193 = arith.constant dense<0x7F800000> : vector<512xf32>
    %reduce_min3A_194 = vector.multi_reduction <minimumf>, %select_n3A_192, %reduce_min3A_193 [0] : vector<4096x512xf32> to vector<512xf32>
    %broadcast_in_dim3A_195 = vector.shape_cast %reduce_min3A_194 : vector<512xf32> to vector<1x512xf32>
    %bitcast_convert_type3A_196 = tpu.bitcast %broadcast_in_dim3A_195 : vector<1x512xf32> -> vector<1x512xi32>
    %and3A_197 = arith.constant -4096 : i32
    %and3A_198 = vector.broadcast %and3A_197 : i32 to vector<1x512xi32>
    %and3A_199 = arith.andi %bitcast_convert_type3A_196, %and3A_198 : vector<1x512xi32>
    %bitcast_convert_type3A_200 = tpu.bitcast %and3A_199 : vector<1x512xi32> -> vector<1x512xf32>
    %and3A_201 = arith.constant 4095 : i32
    %and3A_202 = vector.broadcast %and3A_201 : i32 to vector<1x512xi32>
    %and3A_203 = arith.andi %bitcast_convert_type3A_196, %and3A_202 : vector<1x512xi32>
    %get3A_204 = arith.constant 0 : index
    %get3A_205 = arith.constant 0 : index
    %get3A_206 = vector.load %arg10[%get3A_204, %get3A_205] : memref<4096x512xf32, #tpu.memory_space<vmem>>, vector<4096x512xf32>
    %gt3A_207 = vector.broadcast %broadcast_in_dim3A_195 : vector<1x512xf32> to vector<4096x512xf32>
    %gt3A_208 = arith.cmpf ogt, %get3A_206, %gt3A_207 : vector<4096x512xf32>
    %jit3A_209 = arith.constant 0x7F800000 : f32
    %broadcast_in_dim3A_210 = vector.broadcast %jit3A_209 : f32 to vector<4096x512xf32>
    %select_n3A_211 = arith.select %gt3A_208, %get3A_206, %broadcast_in_dim3A_210 : vector<4096x512xi1>, vector<4096x512xf32>
    %reduce_min3A_212 = arith.constant dense<0x7F800000> : vector<512xf32>
    %reduce_min3A_213 = vector.multi_reduction <minimumf>, %select_n3A_211, %reduce_min3A_212 [0] : vector<4096x512xf32> to vector<512xf32>
    %broadcast_in_dim3A_214 = vector.shape_cast %reduce_min3A_213 : vector<512xf32> to vector<1x512xf32>
    %bitcast_convert_type3A_215 = tpu.bitcast %broadcast_in_dim3A_214 : vector<1x512xf32> -> vector<1x512xi32>
    %and3A_216 = arith.constant -4096 : i32
    %and3A_217 = vector.broadcast %and3A_216 : i32 to vector<1x512xi32>
    %and3A_218 = arith.andi %bitcast_convert_type3A_215, %and3A_217 : vector<1x512xi32>
    %bitcast_convert_type3A_219 = tpu.bitcast %and3A_218 : vector<1x512xi32> -> vector<1x512xf32>
    %and3A_220 = arith.constant 4095 : i32
    %and3A_221 = vector.broadcast %and3A_220 : i32 to vector<1x512xi32>
    %and3A_222 = arith.andi %bitcast_convert_type3A_215, %and3A_221 : vector<1x512xi32>
    %get3A_223 = arith.constant 0 : index
    %get3A_224 = arith.constant 0 : index
    %get3A_225 = vector.load %arg10[%get3A_223, %get3A_224] : memref<4096x512xf32, #tpu.memory_space<vmem>>, vector<4096x512xf32>
    %gt3A_226 = vector.broadcast %broadcast_in_dim3A_214 : vector<1x512xf32> to vector<4096x512xf32>
    %gt3A_227 = arith.cmpf ogt, %get3A_225, %gt3A_226 : vector<4096x512xf32>
    %jit3A_228 = arith.constant 0x7F800000 : f32
    %broadcast_in_dim3A_229 = vector.broadcast %jit3A_228 : f32 to vector<4096x512xf32>
    %select_n3A_230 = arith.select %gt3A_227, %get3A_225, %broadcast_in_dim3A_229 : vector<4096x512xi1>, vector<4096x512xf32>
    %reduce_min3A_231 = arith.constant dense<0x7F800000> : vector<512xf32>
    %reduce_min3A_232 = vector.multi_reduction <minimumf>, %select_n3A_230, %reduce_min3A_231 [0] : vector<4096x512xf32> to vector<512xf32>
    %broadcast_in_dim3A_233 = vector.shape_cast %reduce_min3A_232 : vector<512xf32> to vector<1x512xf32>
    %bitcast_convert_type3A_234 = tpu.bitcast %broadcast_in_dim3A_233 : vector<1x512xf32> -> vector<1x512xi32>
    %and3A_235 = arith.constant -4096 : i32
    %and3A_236 = vector.broadcast %and3A_235 : i32 to vector<1x512xi32>
    %and3A_237 = arith.andi %bitcast_convert_type3A_234, %and3A_236 : vector<1x512xi32>
    %bitcast_convert_type3A_238 = tpu.bitcast %and3A_237 : vector<1x512xi32> -> vector<1x512xf32>
    %and3A_239 = arith.constant 4095 : i32
    %and3A_240 = vector.broadcast %and3A_239 : i32 to vector<1x512xi32>
    %and3A_241 = arith.andi %bitcast_convert_type3A_234, %and3A_240 : vector<1x512xi32>
    %get3A_242 = arith.constant 0 : index
    %get3A_243 = arith.constant 0 : index
    %get3A_244 = vector.load %arg10[%get3A_242, %get3A_243] : memref<4096x512xf32, #tpu.memory_space<vmem>>, vector<4096x512xf32>
    %gt3A_245 = vector.broadcast %broadcast_in_dim3A_233 : vector<1x512xf32> to vector<4096x512xf32>
    %gt3A_246 = arith.cmpf ogt, %get3A_244, %gt3A_245 : vector<4096x512xf32>
    %jit3A_247 = arith.constant 0x7F800000 : f32
    %broadcast_in_dim3A_248 = vector.broadcast %jit3A_247 : f32 to vector<4096x512xf32>
    %select_n3A_249 = arith.select %gt3A_246, %get3A_244, %broadcast_in_dim3A_248 : vector<4096x512xi1>, vector<4096x512xf32>
    %reduce_min3A_250 = arith.constant dense<0x7F800000> : vector<512xf32>
    %reduce_min3A_251 = vector.multi_reduction <minimumf>, %select_n3A_249, %reduce_min3A_250 [0] : vector<4096x512xf32> to vector<512xf32>
    %broadcast_in_dim3A_252 = vector.shape_cast %reduce_min3A_251 : vector<512xf32> to vector<1x512xf32>
    %bitcast_convert_type3A_253 = tpu.bitcast %broadcast_in_dim3A_252 : vector<1x512xf32> -> vector<1x512xi32>
    %and3A_254 = arith.constant -4096 : i32
    %and3A_255 = vector.broadcast %and3A_254 : i32 to vector<1x512xi32>
    %and3A_256 = arith.andi %bitcast_convert_type3A_253, %and3A_255 : vector<1x512xi32>
    %bitcast_convert_type3A_257 = tpu.bitcast %and3A_256 : vector<1x512xi32> -> vector<1x512xf32>
    %and3A_258 = arith.constant 4095 : i32
    %and3A_259 = vector.broadcast %and3A_258 : i32 to vector<1x512xi32>
    %and3A_260 = arith.andi %bitcast_convert_type3A_253, %and3A_259 : vector<1x512xi32>
    %get3A_261 = arith.constant 0 : index
    %get3A_262 = arith.constant 0 : index
    %get3A_263 = vector.load %arg10[%get3A_261, %get3A_262] : memref<4096x512xf32, #tpu.memory_space<vmem>>, vector<4096x512xf32>
    %gt3A_264 = vector.broadcast %broadcast_in_dim3A_252 : vector<1x512xf32> to vector<4096x512xf32>
    %gt3A_265 = arith.cmpf ogt, %get3A_263, %gt3A_264 : vector<4096x512xf32>
    %jit3A_266 = arith.constant 0x7F800000 : f32
    %broadcast_in_dim3A_267 = vector.broadcast %jit3A_266 : f32 to vector<4096x512xf32>
    %select_n3A_268 = arith.select %gt3A_265, %get3A_263, %broadcast_in_dim3A_267 : vector<4096x512xi1>, vector<4096x512xf32>
    %reduce_min3A_269 = arith.constant dense<0x7F800000> : vector<512xf32>
    %reduce_min3A_270 = vector.multi_reduction <minimumf>, %select_n3A_268, %reduce_min3A_269 [0] : vector<4096x512xf32> to vector<512xf32>
    %broadcast_in_dim3A_271 = vector.shape_cast %reduce_min3A_270 : vector<512xf32> to vector<1x512xf32>
    %bitcast_convert_type3A_272 = tpu.bitcast %broadcast_in_dim3A_271 : vector<1x512xf32> -> vector<1x512xi32>
    %and3A_273 = arith.constant -4096 : i32
    %and3A_274 = vector.broadcast %and3A_273 : i32 to vector<1x512xi32>
    %and3A_275 = arith.andi %bitcast_convert_type3A_272, %and3A_274 : vector<1x512xi32>
    %bitcast_convert_type3A_276 = tpu.bitcast %and3A_275 : vector<1x512xi32> -> vector<1x512xf32>
    %and3A_277 = arith.constant 4095 : i32
    %and3A_278 = vector.broadcast %and3A_277 : i32 to vector<1x512xi32>
    %and3A_279 = arith.andi %bitcast_convert_type3A_272, %and3A_278 : vector<1x512xi32>
    %get3A_280 = arith.constant 0 : index
    %get3A_281 = arith.constant 0 : index
    %get3A_282 = vector.load %arg10[%get3A_280, %get3A_281] : memref<4096x512xf32, #tpu.memory_space<vmem>>, vector<4096x512xf32>
    %gt3A_283 = vector.broadcast %broadcast_in_dim3A_271 : vector<1x512xf32> to vector<4096x512xf32>
    %gt3A_284 = arith.cmpf ogt, %get3A_282, %gt3A_283 : vector<4096x512xf32>
    %jit3A_285 = arith.constant 0x7F800000 : f32
    %broadcast_in_dim3A_286 = vector.broadcast %jit3A_285 : f32 to vector<4096x512xf32>
    %select_n3A_287 = arith.select %gt3A_284, %get3A_282, %broadcast_in_dim3A_286 : vector<4096x512xi1>, vector<4096x512xf32>
    %reduce_min3A_288 = arith.constant dense<0x7F800000> : vector<512xf32>
    %reduce_min3A_289 = vector.multi_reduction <minimumf>, %select_n3A_287, %reduce_min3A_288 [0] : vector<4096x512xf32> to vector<512xf32>
    %broadcast_in_dim3A_290 = vector.shape_cast %reduce_min3A_289 : vector<512xf32> to vector<1x512xf32>
    %bitcast_convert_type3A_291 = tpu.bitcast %broadcast_in_dim3A_290 : vector<1x512xf32> -> vector<1x512xi32>
    %and3A_292 = arith.constant -4096 : i32
    %and3A_293 = vector.broadcast %and3A_292 : i32 to vector<1x512xi32>
    %and3A_294 = arith.andi %bitcast_convert_type3A_291, %and3A_293 : vector<1x512xi32>
    %bitcast_convert_type3A_295 = tpu.bitcast %and3A_294 : vector<1x512xi32> -> vector<1x512xf32>
    %and3A_296 = arith.constant 4095 : i32
    %and3A_297 = vector.broadcast %and3A_296 : i32 to vector<1x512xi32>
    %and3A_298 = arith.andi %bitcast_convert_type3A_291, %and3A_297 : vector<1x512xi32>
    %get3A_299 = arith.constant 0 : index
    %get3A_300 = arith.constant 0 : index
    %get3A_301 = vector.load %arg10[%get3A_299, %get3A_300] : memref<4096x512xf32, #tpu.memory_space<vmem>>, vector<4096x512xf32>
    %gt3A_302 = vector.broadcast %broadcast_in_dim3A_290 : vector<1x512xf32> to vector<4096x512xf32>
    %gt3A_303 = arith.cmpf ogt, %get3A_301, %gt3A_302 : vector<4096x512xf32>
    %jit3A_304 = arith.constant 0x7F800000 : f32
    %broadcast_in_dim3A_305 = vector.broadcast %jit3A_304 : f32 to vector<4096x512xf32>
    %select_n3A_306 = arith.select %gt3A_303, %get3A_301, %broadcast_in_dim3A_305 : vector<4096x512xi1>, vector<4096x512xf32>
    %reduce_min3A_307 = arith.constant dense<0x7F800000> : vector<512xf32>
    %reduce_min3A_308 = vector.multi_reduction <minimumf>, %select_n3A_306, %reduce_min3A_307 [0] : vector<4096x512xf32> to vector<512xf32>
    %broadcast_in_dim3A_309 = vector.shape_cast %reduce_min3A_308 : vector<512xf32> to vector<1x512xf32>
    %bitcast_convert_type3A_310 = tpu.bitcast %broadcast_in_dim3A_309 : vector<1x512xf32> -> vector<1x512xi32>
    %and3A_311 = arith.constant -4096 : i32
    %and3A_312 = vector.broadcast %and3A_311 : i32 to vector<1x512xi32>
    %and3A_313 = arith.andi %bitcast_convert_type3A_310, %and3A_312 : vector<1x512xi32>
    %bitcast_convert_type3A_314 = tpu.bitcast %and3A_313 : vector<1x512xi32> -> vector<1x512xf32>
    %and3A_315 = arith.constant 4095 : i32
    %and3A_316 = vector.broadcast %and3A_315 : i32 to vector<1x512xi32>
    %and3A_317 = arith.andi %bitcast_convert_type3A_310, %and3A_316 : vector<1x512xi32>
    %get3A_318 = arith.constant 0 : index
    %get3A_319 = arith.constant 0 : index
    %get3A_320 = vector.load %arg10[%get3A_318, %get3A_319] : memref<4096x512xf32, #tpu.memory_space<vmem>>, vector<4096x512xf32>
    %gt3A_321 = vector.broadcast %broadcast_in_dim3A_309 : vector<1x512xf32> to vector<4096x512xf32>
    %gt3A_322 = arith.cmpf ogt, %get3A_320, %gt3A_321 : vector<4096x512xf32>
    %jit3A_323 = arith.constant 0x7F800000 : f32
    %broadcast_in_dim3A_324 = vector.broadcast %jit3A_323 : f32 to vector<4096x512xf32>
    %select_n3A_325 = arith.select %gt3A_322, %get3A_320, %broadcast_in_dim3A_324 : vector<4096x512xi1>, vector<4096x512xf32>
    %reduce_min3A_326 = arith.constant dense<0x7F800000> : vector<512xf32>
    %reduce_min3A_327 = vector.multi_reduction <minimumf>, %select_n3A_325, %reduce_min3A_326 [0] : vector<4096x512xf32> to vector<512xf32>
    %broadcast_in_dim3A_328 = vector.shape_cast %reduce_min3A_327 : vector<512xf32> to vector<1x512xf32>
    %bitcast_convert_type3A_329 = tpu.bitcast %broadcast_in_dim3A_328 : vector<1x512xf32> -> vector<1x512xi32>
    %and3A_330 = arith.constant -4096 : i32
    %and3A_331 = vector.broadcast %and3A_330 : i32 to vector<1x512xi32>
    %and3A_332 = arith.andi %bitcast_convert_type3A_329, %and3A_331 : vector<1x512xi32>
    %bitcast_convert_type3A_333 = tpu.bitcast %and3A_332 : vector<1x512xi32> -> vector<1x512xf32>
    %and3A_334 = arith.constant 4095 : i32
    %and3A_335 = vector.broadcast %and3A_334 : i32 to vector<1x512xi32>
    %and3A_336 = arith.andi %bitcast_convert_type3A_329, %and3A_335 : vector<1x512xi32>
    %get3A_337 = arith.constant 0 : index
    %get3A_338 = arith.constant 0 : index
    %get3A_339 = vector.load %arg10[%get3A_337, %get3A_338] : memref<4096x512xf32, #tpu.memory_space<vmem>>, vector<4096x512xf32>
    %gt3A_340 = vector.broadcast %broadcast_in_dim3A_328 : vector<1x512xf32> to vector<4096x512xf32>
    %gt3A_341 = arith.cmpf ogt, %get3A_339, %gt3A_340 : vector<4096x512xf32>
    %jit3A_342 = arith.constant 0x7F800000 : f32
    %broadcast_in_dim3A_343 = vector.broadcast %jit3A_342 : f32 to vector<4096x512xf32>
    %select_n3A_344 = arith.select %gt3A_341, %get3A_339, %broadcast_in_dim3A_343 : vector<4096x512xi1>, vector<4096x512xf32>
    %reduce_min3A_345 = arith.constant dense<0x7F800000> : vector<512xf32>
    %reduce_min3A_346 = vector.multi_reduction <minimumf>, %select_n3A_344, %reduce_min3A_345 [0] : vector<4096x512xf32> to vector<512xf32>
    %broadcast_in_dim3A_347 = vector.shape_cast %reduce_min3A_346 : vector<512xf32> to vector<1x512xf32>
    %bitcast_convert_type3A_348 = tpu.bitcast %broadcast_in_dim3A_347 : vector<1x512xf32> -> vector<1x512xi32>
    %and3A_349 = arith.constant -4096 : i32
    %and3A_350 = vector.broadcast %and3A_349 : i32 to vector<1x512xi32>
    %and3A_351 = arith.andi %bitcast_convert_type3A_348, %and3A_350 : vector<1x512xi32>
    %bitcast_convert_type3A_352 = tpu.bitcast %and3A_351 : vector<1x512xi32> -> vector<1x512xf32>
    %and3A_353 = arith.constant 4095 : i32
    %and3A_354 = vector.broadcast %and3A_353 : i32 to vector<1x512xi32>
    %and3A_355 = arith.andi %bitcast_convert_type3A_348, %and3A_354 : vector<1x512xi32>
    %get3A_356 = arith.constant 0 : index
    %get3A_357 = arith.constant 0 : index
    %get3A_358 = vector.load %arg10[%get3A_356, %get3A_357] : memref<4096x512xf32, #tpu.memory_space<vmem>>, vector<4096x512xf32>
    %gt3A_359 = vector.broadcast %broadcast_in_dim3A_347 : vector<1x512xf32> to vector<4096x512xf32>
    %gt3A_360 = arith.cmpf ogt, %get3A_358, %gt3A_359 : vector<4096x512xf32>
    %jit3A_361 = arith.constant 0x7F800000 : f32
    %broadcast_in_dim3A_362 = vector.broadcast %jit3A_361 : f32 to vector<4096x512xf32>
    %select_n3A_363 = arith.select %gt3A_360, %get3A_358, %broadcast_in_dim3A_362 : vector<4096x512xi1>, vector<4096x512xf32>
    %reduce_min3A_364 = arith.constant dense<0x7F800000> : vector<512xf32>
    %reduce_min3A_365 = vector.multi_reduction <minimumf>, %select_n3A_363, %reduce_min3A_364 [0] : vector<4096x512xf32> to vector<512xf32>
    %broadcast_in_dim3A_366 = vector.shape_cast %reduce_min3A_365 : vector<512xf32> to vector<1x512xf32>
    %bitcast_convert_type3A_367 = tpu.bitcast %broadcast_in_dim3A_366 : vector<1x512xf32> -> vector<1x512xi32>
    %and3A_368 = arith.constant -4096 : i32
    %and3A_369 = vector.broadcast %and3A_368 : i32 to vector<1x512xi32>
    %and3A_370 = arith.andi %bitcast_convert_type3A_367, %and3A_369 : vector<1x512xi32>
    %bitcast_convert_type3A_371 = tpu.bitcast %and3A_370 : vector<1x512xi32> -> vector<1x512xf32>
    %and3A_372 = arith.constant 4095 : i32
    %and3A_373 = vector.broadcast %and3A_372 : i32 to vector<1x512xi32>
    %and3A_374 = arith.andi %bitcast_convert_type3A_367, %and3A_373 : vector<1x512xi32>
    %get3A_375 = arith.constant 0 : index
    %get3A_376 = arith.constant 0 : index
    %get3A_377 = vector.load %arg10[%get3A_375, %get3A_376] : memref<4096x512xf32, #tpu.memory_space<vmem>>, vector<4096x512xf32>
    %gt3A_378 = vector.broadcast %broadcast_in_dim3A_366 : vector<1x512xf32> to vector<4096x512xf32>
    %gt3A_379 = arith.cmpf ogt, %get3A_377, %gt3A_378 : vector<4096x512xf32>
    %jit3A_380 = arith.constant 0x7F800000 : f32
    %broadcast_in_dim3A_381 = vector.broadcast %jit3A_380 : f32 to vector<4096x512xf32>
    %select_n3A_382 = arith.select %gt3A_379, %get3A_377, %broadcast_in_dim3A_381 : vector<4096x512xi1>, vector<4096x512xf32>
    %reduce_min3A_383 = arith.constant dense<0x7F800000> : vector<512xf32>
    %reduce_min3A_384 = vector.multi_reduction <minimumf>, %select_n3A_382, %reduce_min3A_383 [0] : vector<4096x512xf32> to vector<512xf32>
    %broadcast_in_dim3A_385 = vector.shape_cast %reduce_min3A_384 : vector<512xf32> to vector<1x512xf32>
    %bitcast_convert_type3A_386 = tpu.bitcast %broadcast_in_dim3A_385 : vector<1x512xf32> -> vector<1x512xi32>
    %and3A_387 = arith.constant -4096 : i32
    %and3A_388 = vector.broadcast %and3A_387 : i32 to vector<1x512xi32>
    %and3A_389 = arith.andi %bitcast_convert_type3A_386, %and3A_388 : vector<1x512xi32>
    %bitcast_convert_type3A_390 = tpu.bitcast %and3A_389 : vector<1x512xi32> -> vector<1x512xf32>
    %and3A_391 = arith.constant 4095 : i32
    %and3A_392 = vector.broadcast %and3A_391 : i32 to vector<1x512xi32>
    %and3A_393 = arith.andi %bitcast_convert_type3A_386, %and3A_392 : vector<1x512xi32>
    %get3A_394 = arith.constant 0 : index
    %get3A_395 = arith.constant 0 : index
    %get3A_396 = vector.load %arg10[%get3A_394, %get3A_395] : memref<4096x512xf32, #tpu.memory_space<vmem>>, vector<4096x512xf32>
    %gt3A_397 = vector.broadcast %broadcast_in_dim3A_385 : vector<1x512xf32> to vector<4096x512xf32>
    %gt3A_398 = arith.cmpf ogt, %get3A_396, %gt3A_397 : vector<4096x512xf32>
    %jit3A_399 = arith.constant 0x7F800000 : f32
    %broadcast_in_dim3A_400 = vector.broadcast %jit3A_399 : f32 to vector<4096x512xf32>
    %select_n3A_401 = arith.select %gt3A_398, %get3A_396, %broadcast_in_dim3A_400 : vector<4096x512xi1>, vector<4096x512xf32>
    %reduce_min3A_402 = arith.constant dense<0x7F800000> : vector<512xf32>
    %reduce_min3A_403 = vector.multi_reduction <minimumf>, %select_n3A_401, %reduce_min3A_402 [0] : vector<4096x512xf32> to vector<512xf32>
    %broadcast_in_dim3A_404 = vector.shape_cast %reduce_min3A_403 : vector<512xf32> to vector<1x512xf32>
    %bitcast_convert_type3A_405 = tpu.bitcast %broadcast_in_dim3A_404 : vector<1x512xf32> -> vector<1x512xi32>
    %and3A_406 = arith.constant -4096 : i32
    %and3A_407 = vector.broadcast %and3A_406 : i32 to vector<1x512xi32>
    %and3A_408 = arith.andi %bitcast_convert_type3A_405, %and3A_407 : vector<1x512xi32>
    %bitcast_convert_type3A_409 = tpu.bitcast %and3A_408 : vector<1x512xi32> -> vector<1x512xf32>
    %and3A_410 = arith.constant 4095 : i32
    %and3A_411 = vector.broadcast %and3A_410 : i32 to vector<1x512xi32>
    %and3A_412 = arith.andi %bitcast_convert_type3A_405, %and3A_411 : vector<1x512xi32>
    %div3A = arith.constant 1.000000e+00 : f32
    %div3A_413 = vector.broadcast %div3A : f32 to vector<1x512xf32>
    %div3A_414 = arith.divf %div3A_413, %bitcast_convert_type3A_409 : vector<1x512xf32>
    %mul3A_415 = arith.mulf %bitcast_convert_type3A_51, %div3A_414 : vector<1x512xf32>
    %sub3A_416 = arith.constant 1.000000e+00 : f32
    %sub3A_417 = vector.broadcast %sub3A_416 : f32 to vector<1x512xf32>
    %sub3A_418 = arith.subf %sub3A_417, %mul3A_415 : vector<1x512xf32>
    %square3A = arith.mulf %sub3A_418, %sub3A_418 : vector<1x512xf32>
    %mul3A_419 = arith.mulf %bitcast_convert_type3A_67, %div3A_414 : vector<1x512xf32>
    %sub3A_420 = arith.constant 1.000000e+00 : f32
    %sub3A_421 = vector.broadcast %sub3A_420 : f32 to vector<1x512xf32>
    %sub3A_422 = arith.subf %sub3A_421, %mul3A_419 : vector<1x512xf32>
    %square3A_423 = arith.mulf %sub3A_422, %sub3A_422 : vector<1x512xf32>
    %mul3A_424 = arith.mulf %bitcast_convert_type3A_86, %div3A_414 : vector<1x512xf32>
    %sub3A_425 = arith.constant 1.000000e+00 : f32
    %sub3A_426 = vector.broadcast %sub3A_425 : f32 to vector<1x512xf32>
    %sub3A_427 = arith.subf %sub3A_426, %mul3A_424 : vector<1x512xf32>
    %square3A_428 = arith.mulf %sub3A_427, %sub3A_427 : vector<1x512xf32>
    %mul3A_429 = arith.mulf %bitcast_convert_type3A_105, %div3A_414 : vector<1x512xf32>
    %sub3A_430 = arith.constant 1.000000e+00 : f32
    %sub3A_431 = vector.broadcast %sub3A_430 : f32 to vector<1x512xf32>
    %sub3A_432 = arith.subf %sub3A_431, %mul3A_429 : vector<1x512xf32>
    %square3A_433 = arith.mulf %sub3A_432, %sub3A_432 : vector<1x512xf32>
    %mul3A_434 = arith.mulf %bitcast_convert_type3A_124, %div3A_414 : vector<1x512xf32>
    %sub3A_435 = arith.constant 1.000000e+00 : f32
    %sub3A_436 = vector.broadcast %sub3A_435 : f32 to vector<1x512xf32>
    %sub3A_437 = arith.subf %sub3A_436, %mul3A_434 : vector<1x512xf32>
    %square3A_438 = arith.mulf %sub3A_437, %sub3A_437 : vector<1x512xf32>
    %mul3A_439 = arith.mulf %bitcast_convert_type3A_143, %div3A_414 : vector<1x512xf32>
    %sub3A_440 = arith.constant 1.000000e+00 : f32
    %sub3A_441 = vector.broadcast %sub3A_440 : f32 to vector<1x512xf32>
    %sub3A_442 = arith.subf %sub3A_441, %mul3A_439 : vector<1x512xf32>
    %square3A_443 = arith.mulf %sub3A_442, %sub3A_442 : vector<1x512xf32>
    %mul3A_444 = arith.mulf %bitcast_convert_type3A_162, %div3A_414 : vector<1x512xf32>
    %sub3A_445 = arith.constant 1.000000e+00 : f32
    %sub3A_446 = vector.broadcast %sub3A_445 : f32 to vector<1x512xf32>
    %sub3A_447 = arith.subf %sub3A_446, %mul3A_444 : vector<1x512xf32>
    %square3A_448 = arith.mulf %sub3A_447, %sub3A_447 : vector<1x512xf32>
    %mul3A_449 = arith.mulf %bitcast_convert_type3A_181, %div3A_414 : vector<1x512xf32>
    %sub3A_450 = arith.constant 1.000000e+00 : f32
    %sub3A_451 = vector.broadcast %sub3A_450 : f32 to vector<1x512xf32>
    %sub3A_452 = arith.subf %sub3A_451, %mul3A_449 : vector<1x512xf32>
    %square3A_453 = arith.mulf %sub3A_452, %sub3A_452 : vector<1x512xf32>
    %mul3A_454 = arith.mulf %bitcast_convert_type3A_200, %div3A_414 : vector<1x512xf32>
    %sub3A_455 = arith.constant 1.000000e+00 : f32
    %sub3A_456 = vector.broadcast %sub3A_455 : f32 to vector<1x512xf32>
    %sub3A_457 = arith.subf %sub3A_456, %mul3A_454 : vector<1x512xf32>
    %square3A_458 = arith.mulf %sub3A_457, %sub3A_457 : vector<1x512xf32>
    %mul3A_459 = arith.mulf %bitcast_convert_type3A_219, %div3A_414 : vector<1x512xf32>
    %sub3A_460 = arith.constant 1.000000e+00 : f32
    %sub3A_461 = vector.broadcast %sub3A_460 : f32 to vector<1x512xf32>
    %sub3A_462 = arith.subf %sub3A_461, %mul3A_459 : vector<1x512xf32>
    %square3A_463 = arith.mulf %sub3A_462, %sub3A_462 : vector<1x512xf32>
    %mul3A_464 = arith.mulf %bitcast_convert_type3A_238, %div3A_414 : vector<1x512xf32>
    %sub3A_465 = arith.constant 1.000000e+00 : f32
    %sub3A_466 = vector.broadcast %sub3A_465 : f32 to vector<1x512xf32>
    %sub3A_467 = arith.subf %sub3A_466, %mul3A_464 : vector<1x512xf32>
    %square3A_468 = arith.mulf %sub3A_467, %sub3A_467 : vector<1x512xf32>
    %mul3A_469 = arith.mulf %bitcast_convert_type3A_257, %div3A_414 : vector<1x512xf32>
    %sub3A_470 = arith.constant 1.000000e+00 : f32
    %sub3A_471 = vector.broadcast %sub3A_470 : f32 to vector<1x512xf32>
    %sub3A_472 = arith.subf %sub3A_471, %mul3A_469 : vector<1x512xf32>
    %square3A_473 = arith.mulf %sub3A_472, %sub3A_472 : vector<1x512xf32>
    %mul3A_474 = arith.mulf %bitcast_convert_type3A_276, %div3A_414 : vector<1x512xf32>
    %sub3A_475 = arith.constant 1.000000e+00 : f32
    %sub3A_476 = vector.broadcast %sub3A_475 : f32 to vector<1x512xf32>
    %sub3A_477 = arith.subf %sub3A_476, %mul3A_474 : vector<1x512xf32>
    %square3A_478 = arith.mulf %sub3A_477, %sub3A_477 : vector<1x512xf32>
    %mul3A_479 = arith.mulf %bitcast_convert_type3A_295, %div3A_414 : vector<1x512xf32>
    %sub3A_480 = arith.constant 1.000000e+00 : f32
    %sub3A_481 = vector.broadcast %sub3A_480 : f32 to vector<1x512xf32>
    %sub3A_482 = arith.subf %sub3A_481, %mul3A_479 : vector<1x512xf32>
    %square3A_483 = arith.mulf %sub3A_482, %sub3A_482 : vector<1x512xf32>
    %mul3A_484 = arith.mulf %bitcast_convert_type3A_314, %div3A_414 : vector<1x512xf32>
    %sub3A_485 = arith.constant 1.000000e+00 : f32
    %sub3A_486 = vector.broadcast %sub3A_485 : f32 to vector<1x512xf32>
    %sub3A_487 = arith.subf %sub3A_486, %mul3A_484 : vector<1x512xf32>
    %square3A_488 = arith.mulf %sub3A_487, %sub3A_487 : vector<1x512xf32>
    %mul3A_489 = arith.mulf %bitcast_convert_type3A_333, %div3A_414 : vector<1x512xf32>
    %sub3A_490 = arith.constant 1.000000e+00 : f32
    %sub3A_491 = vector.broadcast %sub3A_490 : f32 to vector<1x512xf32>
    %sub3A_492 = arith.subf %sub3A_491, %mul3A_489 : vector<1x512xf32>
    %square3A_493 = arith.mulf %sub3A_492, %sub3A_492 : vector<1x512xf32>
    %mul3A_494 = arith.mulf %bitcast_convert_type3A_352, %div3A_414 : vector<1x512xf32>
    %sub3A_495 = arith.constant 1.000000e+00 : f32
    %sub3A_496 = vector.broadcast %sub3A_495 : f32 to vector<1x512xf32>
    %sub3A_497 = arith.subf %sub3A_496, %mul3A_494 : vector<1x512xf32>
    %square3A_498 = arith.mulf %sub3A_497, %sub3A_497 : vector<1x512xf32>
    %mul3A_499 = arith.mulf %bitcast_convert_type3A_371, %div3A_414 : vector<1x512xf32>
    %sub3A_500 = arith.constant 1.000000e+00 : f32
    %sub3A_501 = vector.broadcast %sub3A_500 : f32 to vector<1x512xf32>
    %sub3A_502 = arith.subf %sub3A_501, %mul3A_499 : vector<1x512xf32>
    %square3A_503 = arith.mulf %sub3A_502, %sub3A_502 : vector<1x512xf32>
    %mul3A_504 = arith.mulf %bitcast_convert_type3A_390, %div3A_414 : vector<1x512xf32>
    %sub3A_505 = arith.constant 1.000000e+00 : f32
    %sub3A_506 = vector.broadcast %sub3A_505 : f32 to vector<1x512xf32>
    %sub3A_507 = arith.subf %sub3A_506, %mul3A_504 : vector<1x512xf32>
    %square3A_508 = arith.mulf %sub3A_507, %sub3A_507 : vector<1x512xf32>
    %mul3A_509 = arith.mulf %bitcast_convert_type3A_409, %div3A_414 : vector<1x512xf32>
    %sub3A_510 = arith.constant 1.000000e+00 : f32
    %sub3A_511 = vector.broadcast %sub3A_510 : f32 to vector<1x512xf32>
    %sub3A_512 = arith.subf %sub3A_511, %mul3A_509 : vector<1x512xf32>
    %square3A_513 = arith.mulf %sub3A_512, %sub3A_512 : vector<1x512xf32>
    %add3A_514 = arith.addf %square3A, %square3A_423 : vector<1x512xf32>
    %add3A_515 = arith.addf %add3A_514, %square3A_428 : vector<1x512xf32>
    %add3A_516 = arith.addf %add3A_515, %square3A_433 : vector<1x512xf32>
    %add3A_517 = arith.addf %add3A_516, %square3A_438 : vector<1x512xf32>
    %add3A_518 = arith.addf %add3A_517, %square3A_443 : vector<1x512xf32>
    %add3A_519 = arith.addf %add3A_518, %square3A_448 : vector<1x512xf32>
    %add3A_520 = arith.addf %add3A_519, %square3A_453 : vector<1x512xf32>
    %add3A_521 = arith.addf %add3A_520, %square3A_458 : vector<1x512xf32>
    %add3A_522 = arith.addf %add3A_521, %square3A_463 : vector<1x512xf32>
    %add3A_523 = arith.addf %add3A_522, %square3A_468 : vector<1x512xf32>
    %add3A_524 = arith.addf %add3A_523, %square3A_473 : vector<1x512xf32>
    %add3A_525 = arith.addf %add3A_524, %square3A_478 : vector<1x512xf32>
    %add3A_526 = arith.addf %add3A_525, %square3A_483 : vector<1x512xf32>
    %add3A_527 = arith.addf %add3A_526, %square3A_488 : vector<1x512xf32>
    %add3A_528 = arith.addf %add3A_527, %square3A_493 : vector<1x512xf32>
    %add3A_529 = arith.addf %add3A_528, %square3A_498 : vector<1x512xf32>
    %add3A_530 = arith.addf %add3A_529, %square3A_503 : vector<1x512xf32>
    %add3A_531 = arith.addf %add3A_530, %square3A_508 : vector<1x512xf32>
    %add3A_532 = arith.addf %add3A_531, %square3A_513 : vector<1x512xf32>
    %div3A_533 = arith.constant 1.000000e+00 : f32
    %div3A_534 = vector.broadcast %div3A_533 : f32 to vector<1x512xf32>
    %div3A_535 = arith.divf %div3A_534, %add3A_532 : vector<1x512xf32>
    %concatenate3A = tpu.concatenate %and3A_54, %and3A_70, %and3A_89, %and3A_108, %and3A_127, %and3A_146, %and3A_165, %and3A_184, %and3A_203, %and3A_222, %and3A_241, %and3A_260, %and3A_279, %and3A_298, %and3A_317, %and3A_336, %and3A_355, %and3A_374, %and3A_393, %and3A_412 in 0 : vector<1x512xi32>, vector<1x512xi32>, vector<1x512xi32>, vector<1x512xi32>, vector<1x512xi32>, vector<1x512xi32>, vector<1x512xi32>, vector<1x512xi32>, vector<1x512xi32>, vector<1x512xi32>, vector<1x512xi32>, vector<1x512xi32>, vector<1x512xi32>, vector<1x512xi32>, vector<1x512xi32>, vector<1x512xi32>, vector<1x512xi32>, vector<1x512xi32>, vector<1x512xi32>, vector<1x512xi32> -> vector<20x512xi32>
    %swap3A_536 = arith.constant 0 : index
    %swap3A_537 = arith.constant 0 : index
    %swap3A_538 = vector.load %arg6[%swap3A_536, %swap3A_537] : memref<20x512xi32, #tpu.memory_space<vmem>>, vector<20x512xi32>
    tpu.vector_store %arg6[%swap3A_536, %swap3A_537], %concatenate3A {strides = array<i32>} : memref<20x512xi32, #tpu.memory_space<vmem>>, vector<20x512xi32>,
    %mul3A_539 = arith.mulf %square3A, %div3A_535 : vector<1x512xf32>
    %mul3A_540 = arith.mulf %square3A_423, %div3A_535 : vector<1x512xf32>
    %mul3A_541 = arith.mulf %square3A_428, %div3A_535 : vector<1x512xf32>
    %mul3A_542 = arith.mulf %square3A_433, %div3A_535 : vector<1x512xf32>
    %mul3A_543 = arith.mulf %square3A_438, %div3A_535 : vector<1x512xf32>
    %mul3A_544 = arith.mulf %square3A_443, %div3A_535 : vector<1x512xf32>
    %mul3A_545 = arith.mulf %square3A_448, %div3A_535 : vector<1x512xf32>
    %mul3A_546 = arith.mulf %square3A_453, %div3A_535 : vector<1x512xf32>
    %mul3A_547 = arith.mulf %square3A_458, %div3A_535 : vector<1x512xf32>
    %mul3A_548 = arith.mulf %square3A_463, %div3A_535 : vector<1x512xf32>
    %mul3A_549 = arith.mulf %square3A_468, %div3A_535 : vector<1x512xf32>
    %mul3A_550 = arith.mulf %square3A_473, %div3A_535 : vector<1x512xf32>
    %mul3A_551 = arith.mulf %square3A_478, %div3A_535 : vector<1x512xf32>
    %mul3A_552 = arith.mulf %square3A_483, %div3A_535 : vector<1x512xf32>
    %mul3A_553 = arith.mulf %square3A_488, %div3A_535 : vector<1x512xf32>
    %mul3A_554 = arith.mulf %square3A_493, %div3A_535 : vector<1x512xf32>
    %mul3A_555 = arith.mulf %square3A_498, %div3A_535 : vector<1x512xf32>
    %mul3A_556 = arith.mulf %square3A_503, %div3A_535 : vector<1x512xf32>
    %mul3A_557 = arith.mulf %square3A_508, %div3A_535 : vector<1x512xf32>
    %mul3A_558 = arith.mulf %square3A_513, %div3A_535 : vector<1x512xf32>
    %concatenate3A_559 = tpu.concatenate %mul3A_539, %mul3A_540, %mul3A_541, %mul3A_542, %mul3A_543, %mul3A_544, %mul3A_545, %mul3A_546, %mul3A_547, %mul3A_548, %mul3A_549, %mul3A_550, %mul3A_551, %mul3A_552, %mul3A_553, %mul3A_554, %mul3A_555, %mul3A_556, %mul3A_557, %mul3A_558 in 0 : vector<1x512xf32>, vector<1x512xf32>, vector<1x512xf32>, vector<1x512xf32>, vector<1x512xf32>, vector<1x512xf32>, vector<1x512xf32>, vector<1x512xf32>, vector<1x512xf32>, vector<1x512xf32>, vector<1x512xf32>, vector<1x512xf32>, vector<1x512xf32>, vector<1x512xf32>, vector<1x512xf32>, vector<1x512xf32>, vector<1x512xf32>, vector<1x512xf32>, vector<1x512xf32>, vector<1x512xf32> -> vector<20x512xf32>
    %swap3A_560 = arith.constant 0 : index
    %swap3A_561 = arith.constant 0 : index
    %swap3A_562 = vector.load %arg7[%swap3A_560, %swap3A_561] : memref<20x512xf32, #tpu.memory_space<vmem>>, vector<20x512xf32>
    tpu.vector_store %arg7[%swap3A_560, %swap3A_561], %concatenate3A_559 {strides = array<i32>} : memref<20x512xf32, #tpu.memory_space<vmem>>, vector<20x512xf32>,
    %swap3A_563 = arith.constant 0 : index
    %swap3A_564 = arith.constant 0 : index
    %swap3A_565 = vector.load %arg8[%swap3A_563, %swap3A_564] : memref<1x512xf32, #tpu.memory_space<vmem>>, vector<1x512xf32>
    tpu.vector_store %arg8[%swap3A_563, %swap3A_564], %bitcast_convert_type3A_51 {strides = array<i32>} : memref<1x512xf32, #tpu.memory_space<vmem>>, vector<1x512xf32>,
    %eq3A = arith.constant 0 : i32
    %eq3A_566 = arith.cmpi eq, %arg0, %eq3A : i32
    %convert_element_type3A = arith.extui %eq3A_566 : i1 to i32
    %cond3A = arith.constant 0 : i32
    %cond3A_567 = arith.cmpi ne, %convert_element_type3A, %cond3A : i32
    scf.if %cond3A_567 {
      %get3A_568 = arith.constant 0 : index
      %get3A_569 = arith.constant 0 : index
      %get3A_570 = vector.load %arg3[%get3A_568, %get3A_569] : memref<4096x9xf32, #tpu.memory_space<vmem>>, vector<4096x9xf32>
      %get3A_571 = arith.constant 0 : index
      %get3A_572 = arith.constant 0 : index
      %get3A_573 = vector.load %arg4[%get3A_571, %get3A_572] : memref<4096x3xf32, #tpu.memory_space<vmem>>, vector<4096x1xf32>
      %get3A_574 = arith.constant 0 : index
      %get3A_575 = arith.constant 0 : index
      %get3A_576 = vector.load %arg5[%get3A_574, %get3A_575] : memref<4096x3xf32, #tpu.memory_space<vmem>>, vector<4096x1xf32>
      %add3A_577 = arith.addf %get3A_573, %get3A_576 : vector<4096x1xf32>
      %get3A_578 = arith.constant 0 : index
      %get3A_579 = arith.constant 1 : index
      %get3A_580 = vector.load %arg4[%get3A_578, %get3A_579] : memref<4096x3xf32, #tpu.memory_space<vmem>>, vector<4096x1xf32>
      %get3A_581 = arith.constant 0 : index
      %get3A_582 = arith.constant 1 : index
      %get3A_583 = vector.load %arg5[%get3A_581, %get3A_582] : memref<4096x3xf32, #tpu.memory_space<vmem>>, vector<4096x1xf32>
      %add3A_584 = arith.addf %get3A_580, %get3A_583 : vector<4096x1xf32>
      %get3A_585 = arith.constant 0 : index
      %get3A_586 = arith.constant 2 : index
      %get3A_587 = vector.load %arg4[%get3A_585, %get3A_586] : memref<4096x3xf32, #tpu.memory_space<vmem>>, vector<4096x1xf32>
      %get3A_588 = arith.constant 0 : index
      %get3A_589 = arith.constant 2 : index
      %get3A_590 = vector.load %arg5[%get3A_588, %get3A_589] : memref<4096x3xf32, #tpu.memory_space<vmem>>, vector<4096x1xf32>
      %add3A_591 = arith.addf %get3A_587, %get3A_590 : vector<4096x1xf32>
      %get3A_592 = arith.constant 0 : index
      %get3A_593 = arith.constant 0 : index
      %get3A_594 = vector.load %arg4[%get3A_592, %get3A_593] : memref<4096x3xf32, #tpu.memory_space<vmem>>, vector<4096x1xf32>
      %slice3A = vector.extract_strided_slice %get3A_570 {offsets = [0, 0], sizes = [4096, 1], strides = [1, 1]} : vector<4096x9xf32> to vector<4096x1xf32>
      %mul3A_595 = arith.mulf %slice3A, %add3A_577 : vector<4096x1xf32>
      %slice3A_596 = vector.extract_strided_slice %get3A_570 {offsets = [0, 1], sizes = [4096, 1], strides = [1, 1]} : vector<4096x9xf32> to vector<4096x1xf32>
      %mul3A_597 = arith.mulf %slice3A_596, %add3A_584 : vector<4096x1xf32>
      %add3A_598 = arith.addf %mul3A_595, %mul3A_597 : vector<4096x1xf32>
      %slice3A_599 = vector.extract_strided_slice %get3A_570 {offsets = [0, 2], sizes = [4096, 1], strides = [1, 1]} : vector<4096x9xf32> to vector<4096x1xf32>
      %mul3A_600 = arith.mulf %slice3A_599, %add3A_591 : vector<4096x1xf32>
      %add3A_601 = arith.addf %add3A_598, %mul3A_600 : vector<4096x1xf32>
      %sub3A_602 = arith.subf %get3A_594, %add3A_601 : vector<4096x1xf32>
      %get3A_603 = arith.constant 0 : index
      %get3A_604 = arith.constant 1 : index
      %get3A_605 = vector.load %arg4[%get3A_603, %get3A_604] : memref<4096x3xf32, #tpu.memory_space<vmem>>, vector<4096x1xf32>
      %slice3A_606 = vector.extract_strided_slice %get3A_570 {offsets = [0, 3], sizes = [4096, 1], strides = [1, 1]} : vector<4096x9xf32> to vector<4096x1xf32>
      %mul3A_607 = arith.mulf %slice3A_606, %add3A_577 : vector<4096x1xf32>
      %slice3A_608 = vector.extract_strided_slice %get3A_570 {offsets = [0, 4], sizes = [4096, 1], strides = [1, 1]} : vector<4096x9xf32> to vector<4096x1xf32>
      %mul3A_609 = arith.mulf %slice3A_608, %add3A_584 : vector<4096x1xf32>
      %add3A_610 = arith.addf %mul3A_607, %mul3A_609 : vector<4096x1xf32>
      %slice3A_611 = vector.extract_strided_slice %get3A_570 {offsets = [0, 5], sizes = [4096, 1], strides = [1, 1]} : vector<4096x9xf32> to vector<4096x1xf32>
      %mul3A_612 = arith.mulf %slice3A_611, %add3A_591 : vector<4096x1xf32>
      %add3A_613 = arith.addf %add3A_610, %mul3A_612 : vector<4096x1xf32>
      %sub3A_614 = arith.subf %get3A_605, %add3A_613 : vector<4096x1xf32>
      %get3A_615 = arith.constant 0 : index
      %get3A_616 = arith.constant 2 : index
      %get3A_617 = vector.load %arg4[%get3A_615, %get3A_616] : memref<4096x3xf32, #tpu.memory_space<vmem>>, vector<4096x1xf32>
      %slice3A_618 = vector.extract_strided_slice %get3A_570 {offsets = [0, 6], sizes = [4096, 1], strides = [1, 1]} : vector<4096x9xf32> to vector<4096x1xf32>
      %mul3A_619 = arith.mulf %slice3A_618, %add3A_577 : vector<4096x1xf32>
      %slice3A_620 = vector.extract_strided_slice %get3A_570 {offsets = [0, 7], sizes = [4096, 1], strides = [1, 1]} : vector<4096x9xf32> to vector<4096x1xf32>
      %mul3A_621 = arith.mulf %slice3A_620, %add3A_584 : vector<4096x1xf32>
      %add3A_622 = arith.addf %mul3A_619, %mul3A_621 : vector<4096x1xf32>
      %slice3A_623 = vector.extract_strided_slice %get3A_570 {offsets = [0, 8], sizes = [4096, 1], strides = [1, 1]} : vector<4096x9xf32> to vector<4096x1xf32>
      %mul3A_624 = arith.mulf %slice3A_623, %add3A_591 : vector<4096x1xf32>
      %add3A_625 = arith.addf %add3A_622, %mul3A_624 : vector<4096x1xf32>
      %sub3A_626 = arith.subf %get3A_617, %add3A_625 : vector<4096x1xf32>
      %broadcast_in_dim3A_627 = arith.constant 0.000000e+00 : f32
      %broadcast_in_dim3A_628 = vector.broadcast %broadcast_in_dim3A_627 : f32 to vector<4096x4xf32>
      %concatenate3A_629 = tpu.concatenate %get3A_570, %sub3A_602, %sub3A_614, %sub3A_626, %broadcast_in_dim3A_628 in 1 : vector<4096x9xf32>, vector<4096x1xf32>, vector<4096x1xf32>, vector<4096x1xf32>, vector<4096x4xf32> -> vector<4096x16xf32>
      %swap3A_630 = arith.constant 0 : index
      %swap3A_631 = arith.constant 0 : index
      %swap3A_632 = vector.load %arg9[%swap3A_630, %swap3A_631] : memref<4096x16xf32, #tpu.memory_space<vmem>>, vector<4096x16xf32>
      tpu.vector_store %arg9[%swap3A_630, %swap3A_631], %concatenate3A_629 {strides = array<i32>} : memref<4096x16xf32, #tpu.memory_space<vmem>>, vector<4096x16xf32>,
    } else {
    }
    return
  }
  func.func @transform_0(%arg0: i32) -> (i32, i32) {
    %c0_i32 = arith.constant 0 : i32
    %c0_i32_0 = arith.constant 0 : i32
    return %c0_i32, %arg0 : i32, i32
  }
  func.func @transform_1(%arg0: i32) -> (i32, i32) {
    %c0_i32 = arith.constant 0 : i32
    %c0_i32_0 = arith.constant 0 : i32
    %c0_i32_1 = arith.constant 0 : i32
    return %c0_i32, %c0_i32_0 : i32, i32
  }
  func.func @transform_2(%arg0: i32) -> (i32, i32) {
    %c0_i32 = arith.constant 0 : i32
    %c0_i32_0 = arith.constant 0 : i32
    %c0_i32_1 = arith.constant 0 : i32
    return %c0_i32, %c0_i32_0 : i32, i32
  }
  func.func @transform_3(%arg0: i32) -> (i32, i32) {
    %c0_i32 = arith.constant 0 : i32
    %c0_i32_0 = arith.constant 0 : i32
    %c0_i32_1 = arith.constant 0 : i32
    return %c0_i32, %c0_i32_0 : i32, i32
  }
  func.func @transform_4(%arg0: i32) -> (i32, i32) {
    %c0_i32 = arith.constant 0 : i32
    %c0_i32_0 = arith.constant 0 : i32
    %c0_i32_1 = arith.constant 0 : i32
    return %c0_i32, %c0_i32_0 : i32, i32
  }
  func.func @transform_5(%arg0: i32) -> (i32, i32) {
    %c0_i32 = arith.constant 0 : i32
    %c0_i32_0 = arith.constant 0 : i32
    return %c0_i32, %arg0 : i32, i32
  }
  func.func @transform_6(%arg0: i32) -> (i32, i32) {
    %c0_i32 = arith.constant 0 : i32
    %c0_i32_0 = arith.constant 0 : i32
    return %c0_i32, %arg0 : i32, i32
  }
  func.func @transform_7(%arg0: i32) -> (i32, i32) {
    %c0_i32 = arith.constant 0 : i32
    %c0_i32_0 = arith.constant 0 : i32
    return %c0_i32, %arg0 : i32, i32
  }
  func.func @transform_8(%arg0: i32) -> (i32, i32) {
    %c0_i32 = arith.constant 0 : i32
    %c0_i32_0 = arith.constant 0 : i32
    %c0_i32_1 = arith.constant 0 : i32
    return %c0_i32, %c0_i32_0 : i32, i32
  }
}

module attributes {stable_mosaic.version = 14 : i64} {
  func.func @_blend_body(%arg0: i32, %arg1: memref<512x320xf32, #tpu.memory_space<vmem>>, %arg2: memref<512x20xf32, #tpu.memory_space<vmem>>, %arg3: memref<512x1xf32, #tpu.memory_space<vmem>>, %arg4: memref<512x8xf32, #tpu.memory_space<vmem>>, %arg5: memref<512x3xf32, #tpu.memory_space<vmem>>, %arg6: memref<512x9xf32, #tpu.memory_space<vmem>>) attributes {dimension_semantics = [#tpu.dimension_semantics<arbitrary>], iteration_bounds = array<i64: 32>, scalar_prefetch = 0 : i64, scratch_operands = 0 : i64, tpu.core_type = #tpu.core_type<tc>, window_params = [{transform_indices = @transform_0, window_bounds = array<i64: 512, 320>}, {transform_indices = @transform_1, window_bounds = array<i64: 512, 20>}, {transform_indices = @transform_2, window_bounds = array<i64: 512, 1>}, {transform_indices = @transform_3, window_bounds = array<i64: 512, 8>}, {transform_indices = @transform_4, window_bounds = array<i64: 512, 3>}, {transform_indices = @transform_5, window_bounds = array<i64: 512, 9>}]} {
    %get3A = arith.constant 0 : index
    %get3A_0 = arith.constant 0 : index
    %get3A_1 = vector.load %arg2[%get3A, %get3A_0] : memref<512x20xf32, #tpu.memory_space<vmem>>, vector<512x20xf32>
    %slice3A = vector.extract_strided_slice %get3A_1 {offsets = [0, 0], sizes = [512, 1], strides = [1, 1]} : vector<512x20xf32> to vector<512x1xf32>
    %get3A_2 = arith.constant 0 : index
    %get3A_3 = arith.constant 0 : index
    %get3A_4 = vector.load %arg1[%get3A_2, %get3A_3] : memref<512x320xf32, #tpu.memory_space<vmem>>, vector<512x16xf32>
    %mul3A = vector.broadcast %slice3A : vector<512x1xf32> to vector<512x16xf32>
    %mul3A_5 = arith.mulf %get3A_4, %mul3A : vector<512x16xf32>
    %slice3A_6 = vector.extract_strided_slice %get3A_1 {offsets = [0, 1], sizes = [512, 1], strides = [1, 1]} : vector<512x20xf32> to vector<512x1xf32>
    %get3A_7 = arith.constant 0 : index
    %get3A_8 = arith.constant 16 : index
    %get3A_9 = vector.load %arg1[%get3A_7, %get3A_8] : memref<512x320xf32, #tpu.memory_space<vmem>>, vector<512x16xf32>
    %mul3A_10 = vector.broadcast %slice3A_6 : vector<512x1xf32> to vector<512x16xf32>
    %mul3A_11 = arith.mulf %get3A_9, %mul3A_10 : vector<512x16xf32>
    %add3A = arith.addf %mul3A_5, %mul3A_11 : vector<512x16xf32>
    %slice3A_12 = vector.extract_strided_slice %get3A_1 {offsets = [0, 2], sizes = [512, 1], strides = [1, 1]} : vector<512x20xf32> to vector<512x1xf32>
    %get3A_13 = arith.constant 0 : index
    %get3A_14 = arith.constant 32 : index
    %get3A_15 = vector.load %arg1[%get3A_13, %get3A_14] : memref<512x320xf32, #tpu.memory_space<vmem>>, vector<512x16xf32>
    %mul3A_16 = vector.broadcast %slice3A_12 : vector<512x1xf32> to vector<512x16xf32>
    %mul3A_17 = arith.mulf %get3A_15, %mul3A_16 : vector<512x16xf32>
    %add3A_18 = arith.addf %add3A, %mul3A_17 : vector<512x16xf32>
    %slice3A_19 = vector.extract_strided_slice %get3A_1 {offsets = [0, 3], sizes = [512, 1], strides = [1, 1]} : vector<512x20xf32> to vector<512x1xf32>
    %get3A_20 = arith.constant 0 : index
    %get3A_21 = arith.constant 48 : index
    %get3A_22 = vector.load %arg1[%get3A_20, %get3A_21] : memref<512x320xf32, #tpu.memory_space<vmem>>, vector<512x16xf32>
    %mul3A_23 = vector.broadcast %slice3A_19 : vector<512x1xf32> to vector<512x16xf32>
    %mul3A_24 = arith.mulf %get3A_22, %mul3A_23 : vector<512x16xf32>
    %add3A_25 = arith.addf %add3A_18, %mul3A_24 : vector<512x16xf32>
    %slice3A_26 = vector.extract_strided_slice %get3A_1 {offsets = [0, 4], sizes = [512, 1], strides = [1, 1]} : vector<512x20xf32> to vector<512x1xf32>
    %get3A_27 = arith.constant 0 : index
    %get3A_28 = arith.constant 64 : index
    %get3A_29 = vector.load %arg1[%get3A_27, %get3A_28] : memref<512x320xf32, #tpu.memory_space<vmem>>, vector<512x16xf32>
    %mul3A_30 = vector.broadcast %slice3A_26 : vector<512x1xf32> to vector<512x16xf32>
    %mul3A_31 = arith.mulf %get3A_29, %mul3A_30 : vector<512x16xf32>
    %add3A_32 = arith.addf %add3A_25, %mul3A_31 : vector<512x16xf32>
    %slice3A_33 = vector.extract_strided_slice %get3A_1 {offsets = [0, 5], sizes = [512, 1], strides = [1, 1]} : vector<512x20xf32> to vector<512x1xf32>
    %get3A_34 = arith.constant 0 : index
    %get3A_35 = arith.constant 80 : index
    %get3A_36 = vector.load %arg1[%get3A_34, %get3A_35] : memref<512x320xf32, #tpu.memory_space<vmem>>, vector<512x16xf32>
    %mul3A_37 = vector.broadcast %slice3A_33 : vector<512x1xf32> to vector<512x16xf32>
    %mul3A_38 = arith.mulf %get3A_36, %mul3A_37 : vector<512x16xf32>
    %add3A_39 = arith.addf %add3A_32, %mul3A_38 : vector<512x16xf32>
    %slice3A_40 = vector.extract_strided_slice %get3A_1 {offsets = [0, 6], sizes = [512, 1], strides = [1, 1]} : vector<512x20xf32> to vector<512x1xf32>
    %get3A_41 = arith.constant 0 : index
    %get3A_42 = arith.constant 96 : index
    %get3A_43 = vector.load %arg1[%get3A_41, %get3A_42] : memref<512x320xf32, #tpu.memory_space<vmem>>, vector<512x16xf32>
    %mul3A_44 = vector.broadcast %slice3A_40 : vector<512x1xf32> to vector<512x16xf32>
    %mul3A_45 = arith.mulf %get3A_43, %mul3A_44 : vector<512x16xf32>
    %add3A_46 = arith.addf %add3A_39, %mul3A_45 : vector<512x16xf32>
    %slice3A_47 = vector.extract_strided_slice %get3A_1 {offsets = [0, 7], sizes = [512, 1], strides = [1, 1]} : vector<512x20xf32> to vector<512x1xf32>
    %get3A_48 = arith.constant 0 : index
    %get3A_49 = arith.constant 112 : index
    %get3A_50 = vector.load %arg1[%get3A_48, %get3A_49] : memref<512x320xf32, #tpu.memory_space<vmem>>, vector<512x16xf32>
    %mul3A_51 = vector.broadcast %slice3A_47 : vector<512x1xf32> to vector<512x16xf32>
    %mul3A_52 = arith.mulf %get3A_50, %mul3A_51 : vector<512x16xf32>
    %add3A_53 = arith.addf %add3A_46, %mul3A_52 : vector<512x16xf32>
    %slice3A_54 = vector.extract_strided_slice %get3A_1 {offsets = [0, 8], sizes = [512, 1], strides = [1, 1]} : vector<512x20xf32> to vector<512x1xf32>
    %get3A_55 = arith.constant 0 : index
    %get3A_56 = arith.constant 128 : index
    %get3A_57 = vector.load %arg1[%get3A_55, %get3A_56] : memref<512x320xf32, #tpu.memory_space<vmem>>, vector<512x16xf32>
    %mul3A_58 = vector.broadcast %slice3A_54 : vector<512x1xf32> to vector<512x16xf32>
    %mul3A_59 = arith.mulf %get3A_57, %mul3A_58 : vector<512x16xf32>
    %add3A_60 = arith.addf %add3A_53, %mul3A_59 : vector<512x16xf32>
    %slice3A_61 = vector.extract_strided_slice %get3A_1 {offsets = [0, 9], sizes = [512, 1], strides = [1, 1]} : vector<512x20xf32> to vector<512x1xf32>
    %get3A_62 = arith.constant 0 : index
    %get3A_63 = arith.constant 144 : index
    %get3A_64 = vector.load %arg1[%get3A_62, %get3A_63] : memref<512x320xf32, #tpu.memory_space<vmem>>, vector<512x16xf32>
    %mul3A_65 = vector.broadcast %slice3A_61 : vector<512x1xf32> to vector<512x16xf32>
    %mul3A_66 = arith.mulf %get3A_64, %mul3A_65 : vector<512x16xf32>
    %add3A_67 = arith.addf %add3A_60, %mul3A_66 : vector<512x16xf32>
    %slice3A_68 = vector.extract_strided_slice %get3A_1 {offsets = [0, 10], sizes = [512, 1], strides = [1, 1]} : vector<512x20xf32> to vector<512x1xf32>
    %get3A_69 = arith.constant 0 : index
    %get3A_70 = arith.constant 160 : index
    %get3A_71 = vector.load %arg1[%get3A_69, %get3A_70] : memref<512x320xf32, #tpu.memory_space<vmem>>, vector<512x16xf32>
    %mul3A_72 = vector.broadcast %slice3A_68 : vector<512x1xf32> to vector<512x16xf32>
    %mul3A_73 = arith.mulf %get3A_71, %mul3A_72 : vector<512x16xf32>
    %add3A_74 = arith.addf %add3A_67, %mul3A_73 : vector<512x16xf32>
    %slice3A_75 = vector.extract_strided_slice %get3A_1 {offsets = [0, 11], sizes = [512, 1], strides = [1, 1]} : vector<512x20xf32> to vector<512x1xf32>
    %get3A_76 = arith.constant 0 : index
    %get3A_77 = arith.constant 176 : index
    %get3A_78 = vector.load %arg1[%get3A_76, %get3A_77] : memref<512x320xf32, #tpu.memory_space<vmem>>, vector<512x16xf32>
    %mul3A_79 = vector.broadcast %slice3A_75 : vector<512x1xf32> to vector<512x16xf32>
    %mul3A_80 = arith.mulf %get3A_78, %mul3A_79 : vector<512x16xf32>
    %add3A_81 = arith.addf %add3A_74, %mul3A_80 : vector<512x16xf32>
    %slice3A_82 = vector.extract_strided_slice %get3A_1 {offsets = [0, 12], sizes = [512, 1], strides = [1, 1]} : vector<512x20xf32> to vector<512x1xf32>
    %get3A_83 = arith.constant 0 : index
    %get3A_84 = arith.constant 192 : index
    %get3A_85 = vector.load %arg1[%get3A_83, %get3A_84] : memref<512x320xf32, #tpu.memory_space<vmem>>, vector<512x16xf32>
    %mul3A_86 = vector.broadcast %slice3A_82 : vector<512x1xf32> to vector<512x16xf32>
    %mul3A_87 = arith.mulf %get3A_85, %mul3A_86 : vector<512x16xf32>
    %add3A_88 = arith.addf %add3A_81, %mul3A_87 : vector<512x16xf32>
    %slice3A_89 = vector.extract_strided_slice %get3A_1 {offsets = [0, 13], sizes = [512, 1], strides = [1, 1]} : vector<512x20xf32> to vector<512x1xf32>
    %get3A_90 = arith.constant 0 : index
    %get3A_91 = arith.constant 208 : index
    %get3A_92 = vector.load %arg1[%get3A_90, %get3A_91] : memref<512x320xf32, #tpu.memory_space<vmem>>, vector<512x16xf32>
    %mul3A_93 = vector.broadcast %slice3A_89 : vector<512x1xf32> to vector<512x16xf32>
    %mul3A_94 = arith.mulf %get3A_92, %mul3A_93 : vector<512x16xf32>
    %add3A_95 = arith.addf %add3A_88, %mul3A_94 : vector<512x16xf32>
    %slice3A_96 = vector.extract_strided_slice %get3A_1 {offsets = [0, 14], sizes = [512, 1], strides = [1, 1]} : vector<512x20xf32> to vector<512x1xf32>
    %get3A_97 = arith.constant 0 : index
    %get3A_98 = arith.constant 224 : index
    %get3A_99 = vector.load %arg1[%get3A_97, %get3A_98] : memref<512x320xf32, #tpu.memory_space<vmem>>, vector<512x16xf32>
    %mul3A_100 = vector.broadcast %slice3A_96 : vector<512x1xf32> to vector<512x16xf32>
    %mul3A_101 = arith.mulf %get3A_99, %mul3A_100 : vector<512x16xf32>
    %add3A_102 = arith.addf %add3A_95, %mul3A_101 : vector<512x16xf32>
    %slice3A_103 = vector.extract_strided_slice %get3A_1 {offsets = [0, 15], sizes = [512, 1], strides = [1, 1]} : vector<512x20xf32> to vector<512x1xf32>
    %get3A_104 = arith.constant 0 : index
    %get3A_105 = arith.constant 240 : index
    %get3A_106 = vector.load %arg1[%get3A_104, %get3A_105] : memref<512x320xf32, #tpu.memory_space<vmem>>, vector<512x16xf32>
    %mul3A_107 = vector.broadcast %slice3A_103 : vector<512x1xf32> to vector<512x16xf32>
    %mul3A_108 = arith.mulf %get3A_106, %mul3A_107 : vector<512x16xf32>
    %add3A_109 = arith.addf %add3A_102, %mul3A_108 : vector<512x16xf32>
    %slice3A_110 = vector.extract_strided_slice %get3A_1 {offsets = [0, 16], sizes = [512, 1], strides = [1, 1]} : vector<512x20xf32> to vector<512x1xf32>
    %get3A_111 = arith.constant 0 : index
    %get3A_112 = arith.constant 256 : index
    %get3A_113 = vector.load %arg1[%get3A_111, %get3A_112] : memref<512x320xf32, #tpu.memory_space<vmem>>, vector<512x16xf32>
    %mul3A_114 = vector.broadcast %slice3A_110 : vector<512x1xf32> to vector<512x16xf32>
    %mul3A_115 = arith.mulf %get3A_113, %mul3A_114 : vector<512x16xf32>
    %add3A_116 = arith.addf %add3A_109, %mul3A_115 : vector<512x16xf32>
    %slice3A_117 = vector.extract_strided_slice %get3A_1 {offsets = [0, 17], sizes = [512, 1], strides = [1, 1]} : vector<512x20xf32> to vector<512x1xf32>
    %get3A_118 = arith.constant 0 : index
    %get3A_119 = arith.constant 272 : index
    %get3A_120 = vector.load %arg1[%get3A_118, %get3A_119] : memref<512x320xf32, #tpu.memory_space<vmem>>, vector<512x16xf32>
    %mul3A_121 = vector.broadcast %slice3A_117 : vector<512x1xf32> to vector<512x16xf32>
    %mul3A_122 = arith.mulf %get3A_120, %mul3A_121 : vector<512x16xf32>
    %add3A_123 = arith.addf %add3A_116, %mul3A_122 : vector<512x16xf32>
    %slice3A_124 = vector.extract_strided_slice %get3A_1 {offsets = [0, 18], sizes = [512, 1], strides = [1, 1]} : vector<512x20xf32> to vector<512x1xf32>
    %get3A_125 = arith.constant 0 : index
    %get3A_126 = arith.constant 288 : index
    %get3A_127 = vector.load %arg1[%get3A_125, %get3A_126] : memref<512x320xf32, #tpu.memory_space<vmem>>, vector<512x16xf32>
    %mul3A_128 = vector.broadcast %slice3A_124 : vector<512x1xf32> to vector<512x16xf32>
    %mul3A_129 = arith.mulf %get3A_127, %mul3A_128 : vector<512x16xf32>
    %add3A_130 = arith.addf %add3A_123, %mul3A_129 : vector<512x16xf32>
    %slice3A_131 = vector.extract_strided_slice %get3A_1 {offsets = [0, 19], sizes = [512, 1], strides = [1, 1]} : vector<512x20xf32> to vector<512x1xf32>
    %get3A_132 = arith.constant 0 : index
    %get3A_133 = arith.constant 304 : index
    %get3A_134 = vector.load %arg1[%get3A_132, %get3A_133] : memref<512x320xf32, #tpu.memory_space<vmem>>, vector<512x16xf32>
    %mul3A_135 = vector.broadcast %slice3A_131 : vector<512x1xf32> to vector<512x16xf32>
    %mul3A_136 = arith.mulf %get3A_134, %mul3A_135 : vector<512x16xf32>
    %add3A_137 = arith.addf %add3A_130, %mul3A_136 : vector<512x16xf32>
    %slice3A_138 = vector.extract_strided_slice %add3A_137 {offsets = [0, 0], sizes = [512, 9], strides = [1, 1]} : vector<512x16xf32> to vector<512x9xf32>
    %get3A_139 = arith.constant 0 : index
    %get3A_140 = arith.constant 0 : index
    %get3A_141 = vector.load %arg4[%get3A_139, %get3A_140] : memref<512x8xf32, #tpu.memory_space<vmem>>, vector<512x8xf32>
    %slice3A_142 = vector.extract_strided_slice %get3A_141 {offsets = [0, 0], sizes = [512, 1], strides = [1, 1]} : vector<512x8xf32> to vector<512x1xf32>
    %slice3A_143 = vector.extract_strided_slice %get3A_141 {offsets = [0, 1], sizes = [512, 1], strides = [1, 1]} : vector<512x8xf32> to vector<512x1xf32>
    %slice3A_144 = vector.extract_strided_slice %get3A_141 {offsets = [0, 2], sizes = [512, 1], strides = [1, 1]} : vector<512x8xf32> to vector<512x1xf32>
    %slice3A_145 = vector.extract_strided_slice %slice3A_138 {offsets = [0, 0], sizes = [512, 1], strides = [1, 1]} : vector<512x9xf32> to vector<512x1xf32>
    %mul3A_146 = arith.mulf %slice3A_145, %slice3A_142 : vector<512x1xf32>
    %slice3A_147 = vector.extract_strided_slice %slice3A_138 {offsets = [0, 1], sizes = [512, 1], strides = [1, 1]} : vector<512x9xf32> to vector<512x1xf32>
    %mul3A_148 = arith.mulf %slice3A_147, %slice3A_143 : vector<512x1xf32>
    %add3A_149 = arith.addf %mul3A_146, %mul3A_148 : vector<512x1xf32>
    %slice3A_150 = vector.extract_strided_slice %slice3A_138 {offsets = [0, 2], sizes = [512, 1], strides = [1, 1]} : vector<512x9xf32> to vector<512x1xf32>
    %mul3A_151 = arith.mulf %slice3A_150, %slice3A_144 : vector<512x1xf32>
    %add3A_152 = arith.addf %add3A_149, %mul3A_151 : vector<512x1xf32>
    %slice3A_153 = vector.extract_strided_slice %add3A_137 {offsets = [0, 9], sizes = [512, 1], strides = [1, 1]} : vector<512x16xf32> to vector<512x1xf32>
    %add3A_154 = arith.addf %add3A_152, %slice3A_153 : vector<512x1xf32>
    %slice3A_155 = vector.extract_strided_slice %slice3A_138 {offsets = [0, 3], sizes = [512, 1], strides = [1, 1]} : vector<512x9xf32> to vector<512x1xf32>
    %mul3A_156 = arith.mulf %slice3A_155, %slice3A_142 : vector<512x1xf32>
    %slice3A_157 = vector.extract_strided_slice %slice3A_138 {offsets = [0, 4], sizes = [512, 1], strides = [1, 1]} : vector<512x9xf32> to vector<512x1xf32>
    %mul3A_158 = arith.mulf %slice3A_157, %slice3A_143 : vector<512x1xf32>
    %add3A_159 = arith.addf %mul3A_156, %mul3A_158 : vector<512x1xf32>
    %slice3A_160 = vector.extract_strided_slice %slice3A_138 {offsets = [0, 5], sizes = [512, 1], strides = [1, 1]} : vector<512x9xf32> to vector<512x1xf32>
    %mul3A_161 = arith.mulf %slice3A_160, %slice3A_144 : vector<512x1xf32>
    %add3A_162 = arith.addf %add3A_159, %mul3A_161 : vector<512x1xf32>
    %slice3A_163 = vector.extract_strided_slice %add3A_137 {offsets = [0, 10], sizes = [512, 1], strides = [1, 1]} : vector<512x16xf32> to vector<512x1xf32>
    %add3A_164 = arith.addf %add3A_162, %slice3A_163 : vector<512x1xf32>
    %slice3A_165 = vector.extract_strided_slice %slice3A_138 {offsets = [0, 6], sizes = [512, 1], strides = [1, 1]} : vector<512x9xf32> to vector<512x1xf32>
    %mul3A_166 = arith.mulf %slice3A_165, %slice3A_142 : vector<512x1xf32>
    %slice3A_167 = vector.extract_strided_slice %slice3A_138 {offsets = [0, 7], sizes = [512, 1], strides = [1, 1]} : vector<512x9xf32> to vector<512x1xf32>
    %mul3A_168 = arith.mulf %slice3A_167, %slice3A_143 : vector<512x1xf32>
    %add3A_169 = arith.addf %mul3A_166, %mul3A_168 : vector<512x1xf32>
    %slice3A_170 = vector.extract_strided_slice %slice3A_138 {offsets = [0, 8], sizes = [512, 1], strides = [1, 1]} : vector<512x9xf32> to vector<512x1xf32>
    %mul3A_171 = arith.mulf %slice3A_170, %slice3A_144 : vector<512x1xf32>
    %add3A_172 = arith.addf %add3A_169, %mul3A_171 : vector<512x1xf32>
    %slice3A_173 = vector.extract_strided_slice %add3A_137 {offsets = [0, 11], sizes = [512, 1], strides = [1, 1]} : vector<512x16xf32> to vector<512x1xf32>
    %add3A_174 = arith.addf %add3A_172, %slice3A_173 : vector<512x1xf32>
    %get3A_175 = arith.constant 0 : index
    %get3A_176 = arith.constant 0 : index
    %get3A_177 = vector.load %arg3[%get3A_175, %get3A_176] : memref<512x1xf32, #tpu.memory_space<vmem>>, vector<512x1xf32>
    %gt3A = arith.constant 2.100000e-04 : f32
    %gt3A_178 = vector.broadcast %gt3A : f32 to vector<512x1xf32>
    %gt3A_179 = arith.cmpf ogt, %get3A_177, %gt3A_178 : vector<512x1xf32>
    %jit3A = arith.constant 1.000000e+09 : f32
    %broadcast_in_dim3A = vector.broadcast %jit3A : f32 to vector<512x1xf32>
    %select_n3A = arith.select %gt3A_179, %broadcast_in_dim3A, %add3A_154 : vector<512x1xi1>, vector<512x1xf32>
    %concatenate3A = tpu.concatenate %select_n3A, %add3A_164, %add3A_174 in 1 : vector<512x1xf32>, vector<512x1xf32>, vector<512x1xf32> -> vector<512x3xf32>
    %swap3A = arith.constant 0 : index
    %swap3A_180 = arith.constant 0 : index
    %swap3A_181 = vector.load %arg5[%swap3A, %swap3A_180] : memref<512x3xf32, #tpu.memory_space<vmem>>, vector<512x3xf32>
    tpu.vector_store %arg5[%swap3A, %swap3A_180], %concatenate3A {strides = array<i32>} : memref<512x3xf32, #tpu.memory_space<vmem>>, vector<512x3xf32>,
    %swap3A_182 = arith.constant 0 : index
    %swap3A_183 = arith.constant 0 : index
    %swap3A_184 = vector.load %arg6[%swap3A_182, %swap3A_183] : memref<512x9xf32, #tpu.memory_space<vmem>>, vector<512x9xf32>
    tpu.vector_store %arg6[%swap3A_182, %swap3A_183], %slice3A_138 {strides = array<i32>} : memref<512x9xf32, #tpu.memory_space<vmem>>, vector<512x9xf32>,
    return
  }
  func.func @transform_0(%arg0: i32) -> (i32, i32) {
    %c0_i32 = arith.constant 0 : i32
    %c0_i32_0 = arith.constant 0 : i32
    return %arg0, %c0_i32 : i32, i32
  }
  func.func @transform_1(%arg0: i32) -> (i32, i32) {
    %c0_i32 = arith.constant 0 : i32
    %c0_i32_0 = arith.constant 0 : i32
    return %arg0, %c0_i32 : i32, i32
  }
  func.func @transform_2(%arg0: i32) -> (i32, i32) {
    %c0_i32 = arith.constant 0 : i32
    %c0_i32_0 = arith.constant 0 : i32
    return %arg0, %c0_i32 : i32, i32
  }
  func.func @transform_3(%arg0: i32) -> (i32, i32) {
    %c0_i32 = arith.constant 0 : i32
    %c0_i32_0 = arith.constant 0 : i32
    return %arg0, %c0_i32 : i32, i32
  }
  func.func @transform_4(%arg0: i32) -> (i32, i32) {
    %c0_i32 = arith.constant 0 : i32
    %c0_i32_0 = arith.constant 0 : i32
    return %arg0, %c0_i32 : i32, i32
  }
  func.func @transform_5(%arg0: i32) -> (i32, i32) {
    %c0_i32 = arith.constant 0 : i32
    %c0_i32_0 = arith.constant 0 : i32
    return %arg0, %c0_i32 : i32, i32
  }
}

</mosaic_0001>

<sc_bundles>
// kernel: kernel.5.cloned.1.call-start
scs
__scs_entry_jumppad:
0x0: {  	(pc) =	sbr.rel $0x88, $3  }
0x1: {  	(tag) =	ssettag $0x0;
	lr =	simm.s32 $0x1  }
0x2: {  	[smem:$0x3F9C] =	sst lr;
	_ =	strace $0xD0000000  }
0x3: {  	_ = 	snop  }
0x4: {  	_ = 	snop  }
0x5: {  	_ = 	snop  }
0x6: {  	_ = 	snop  }
0x7: {  	_ = 	snop  }
__scs_overlays_trampoline_lowered:
0x8: {  	[smem:$0x3FAB] =	sst s0  }
0x9: {  	[smem:$0x3FAC] =	sst s1  }
0xa: {  	[smem:$0x3FAD] =	sst s2  }
0xb: {  	[smem:$0x3FAE] =	sst s3  }
0xc: {  	[smem:$0x3FAF] =	sst s4  }
0xd: {  	[smem:$0x3FB0] =	sst s5  }
0xe: {  	[smem:$0x3FB1] =	sst s6  }
0xf: {  	[smem:$0x3FB2] =	sst s7  }
0x10: {  	[smem:$0x3FB3] =	sst s8  }
0x11: {  	[smem:$0x3FB4] =	sst s9;
	s0 =	simm.s32 @!p0 $0x0  }
0x12: {  	s1 =	sld [smem:$0x3F9A];
	s0 =	simm.s32 @p0 $0x1  }
0x13: {  	[smem:$0x3FB5] =	sst s0;
	s0 =	simm.s32 @!p1 $0x0  }
0x14: {  	s2 =	sld [smem:$0x3F99];
	s0 =	simm.s32 @p1 $0x1  }
0x15: {  	[smem:$0x3FB6] =	sst s0;
	s0 =	simm.s32 @!p2 $0x0  }
0x16: {  	s3 =	sld [smem:$0x3FDB];
	s0 =	simm.s32 @p2 $0x1  }
0x17: {  	s4 =	simm.s32 $0x1BF5;
	[smem:$0x3FB8] =	sst s0  }
0x18: {  	s0 =	sld [smem:$0x3F9B];
	_ =	swait.ge [sflag:s4], $0x0  }
0x19: {  	s7 =	sld [smem:$0x3F9C]  }
0x1a: {  	s8 =	sadd.s32 $0xFFFFE003, lr  }
0x1b: {  	s9 =	sadd.s32 $0xFFFFFEF7, lr;
	s5 =	simm.s32 $0xFFFFFFFF;
	p2 =	slt.u32 s8, $0xFFFFF086  }
0x1c: {  	p1 =	slt.u32 s9, $0xF7A;
	s5 =	simm.s32 @!p2 $0x0  }
0x1d: {  	s5 =	simm.s32 @p1 $0x1;
	p0 =	seq.s32 s7, s2  }
0x1e: {  	s7 =	smul.u32 @!p0 $0xF7A, s2;
	p2 =	seq.s32 @!p0 s5, $0x0  }
0x1f: {  	s9 =	smul.u32 $0xF7A, s1;
	s8 =	simm.s32 @!p0 $0x1BF5;
	p2 =	por !p2, p0  }
0x20: {  	[sflag:s8] =	ssyncset.s32 @!p0 $0xFFFFF086;
	s6 =	sadd.s32 @!p0 s3, s7;
	s7 =	simm.s32 @!p0 $0x108  }
0x21: {  	s3 =	sadd.s32 s3, s9;
	s6 =	sadd.s32 @!p0 $0x88, s6;
	s7 =	simm.s32 @p2 $0x1082  }
0x22: {  	[simem:s7], [sflag:s8] =	dma.local @!p0 [hbm:s6], $0xF7A  }
0x23: {  	s9 =	sor.u32 $0xD0000000, s2;
	s6 =	simm.s32 $0x108;
	_ =	swait.ge @!p0 [sflag:s8], $0x0  }
0x24: {  	s3 =	sadd.s32 $0x88, s3;
	s6 =	simm.s32 @!p1 $0x1082;
	[sflag:s4] =	ssyncset.s32 $0xFFFFF086  }
0x25: {  	[simem:s6], [sflag:s4] =	dma.local [hbm:s3], $0xF7A  }
0x26: {  	[smem:$0x3F9C] =	sst s1;
	(tag) =	ssettag s2;
	_ =	strace s9  }
0x27: {  	s1 =	sld [smem:$0x3FAC]  }
0x28: {  	s2 =	sld [smem:$0x3FAD]  }
0x29: {  	s4 =	sld [smem:$0x3FAF]  }
0x2a: {  	p0 =	seq.s32 s5, $0x0;
	s5 =	sld [smem:$0x3FB0]  }
0x2b: {  	s6 =	sld [smem:$0x3FB1]  }
0x2c: {  	s7 =	sld [smem:$0x3FB2]  }
0x2d: {  	s3 =	simm.s32 $0x108;
	s8 =	sld [smem:$0x3FB3]  }
0x2e: {  	s3 =	simm.s32 @!p0 $0x1082;
	s9 =	sld [smem:$0x3FB4]  }
0x2f: {  	lr =	sadd.s32 s0, s3;
	s0 =	sld [smem:$0x3FAB]  }
0x30: {  	s3 =	sld [smem:$0x3FAE]  }
0x31: {  	[smem:$0x3FB7] =	sst s10  }
0x32: {  	s10 =	sld [smem:$0x3FB5];
	_ =	sdelay $0x3  }
0x33: {  	p0 =	seq.s32 s10, $0x1;
	s10 =	sld [smem:$0x3FB7];
	_ =	sdelay $0x3  }
0x34: {  	[smem:$0x3FB7] =	sst s10  }
0x35: {  	s10 =	sld [smem:$0x3FB6];
	_ =	sdelay $0x3  }
0x36: {  	p1 =	seq.s32 s10, $0x1;
	s10 =	sld [smem:$0x3FB7];
	_ =	sdelay $0x3  }
0x37: {  	[smem:$0x3FB7] =	sst s10  }
0x38: {  	s10 =	sld [smem:$0x3FB8]  }
0x39: {  	_ = 	snop;
	(pc) =	sbr.ind lr, $3  }
0x3a: {  	_ = 	snop  }
0x3b: {  	_ = 	snop  }
0x3c: {  	p2 =	seq.s32 s10, $0x1;
	s10 =	sld [smem:$0x3FB7]  }
0x3d: {  	_ =	shalt  }
0x3e: {  	_ =	shalt  }
0x3f: {  	_ =	shalt  }
0x40: {  	_ =	shalt  }
0x41: {  	_ =	shalt  }
0x42: {  	_ =	shalt  }
0x43: {  	_ =	shalt  }
0x44: {  	_ =	shalt  }
0x45: {  	_ =	shalt  }
0x46: {  	_ =	shalt  }
0x47: {  	_ =	shalt  }
0x48: {  	_ =	shalt  }
0x49: {  	_ =	shalt  }
0x4a: {  	_ =	shalt  }
0x4b: {  	_ =	shalt  }
0x4c: {  	_ =	shalt  }
0x4d: {  	_ =	shalt  }
0x4e: {  	_ =	shalt  }
0x4f: {  	_ =	shalt  }
0x50: {  	_ =	shalt  }
0x51: {  	_ =	shalt  }
0x52: {  	_ =	shalt  }
0x53: {  	_ =	shalt  }
0x54: {  	_ =	shalt  }
0x55: {  	_ =	shalt  }
0x56: {  	_ =	shalt  }
0x57: {  	_ =	shalt  }
0x58: {  	_ =	shalt  }
0x59: {  	_ =	shalt  }
0x5a: {  	_ =	shalt  }
0x5b: {  	_ =	shalt  }
0x5c: {  	_ =	shalt  }
0x5d: {  	_ =	shalt  }
0x5e: {  	_ =	shalt  }
0x5f: {  	_ =	shalt  }
0x60: {  	_ =	shalt  }
0x61: {  	_ =	shalt  }
0x62: {  	_ =	shalt  }
0x63: {  	_ =	shalt  }
0x64: {  	_ =	shalt  }
0x65: {  	_ =	shalt  }
0x66: {  	_ =	shalt  }
0x67: {  	_ =	shalt  }
0x68: {  	_ =	shalt  }
0x69: {  	_ =	shalt  }
0x6a: {  	_ =	shalt  }
0x6b: {  	_ =	shalt  }
0x6c: {  	_ =	shalt  }
0x6d: {  	_ =	shalt  }
0x6e: {  	_ =	shalt  }
0x6f: {  	_ =	shalt  }
0x70: {  	_ =	shalt  }
0x71: {  	_ =	shalt  }
0x72: {  	_ =	shalt  }
0x73: {  	_ =	shalt  }
0x74: {  	_ =	shalt  }
0x75: {  	_ =	shalt  }
0x76: {  	_ =	shalt  }
0x77: {  	_ =	shalt  }
0x78: {  	_ =	shalt  }
0x79: {  	_ =	shalt  }
0x7a: {  	_ =	shalt  }
0x7b: {  	_ =	shalt  }
0x7c: {  	_ =	shalt  }
0x7d: {  	_ =	shalt  }
0x7e: {  	_ =	shalt  }
0x7f: {  	_ =	shalt  }
0x80: {  	_ =	shalt  }
0x81: {  	_ =	shalt  }
0x82: {  	_ =	shalt  }
0x83: {  	_ =	shalt  }
0x84: {  	_ =	shalt  }
0x85: {  	_ =	shalt  }
0x86: {  	_ =	shalt  }
0x87: {  	_ =	shalt  }
.Lfunc_end0:
.L_simem_size_0:
called_computation_lowered:
.L_overlay_start_0:
0x88: {  	s2 =	sld [smem:$0x3FD9]  }
0x89: {  	s3 =	sld [smem:$0x3FFE];
	_ =	sdelay $0x1  }
0x8a: {  	s1 =	srdreg.scid  }
0x8b: {  	s0 =	sand.u32 $0x1, s1  }
0x8c: {  	s14 =	sshll.u32 s0, $0xA;
	s2 =	sadd.s32 s3, s2  }
0x8d: {  	s2 =	sadd.s32 s2, s14  }
0x8e: {  	[smem:$0x3FC3] =	sst s2  }
0x8f: {  	_ = 	snop  }
0x90: {  	s2 =	sld [smem:$0x3FD0];
	_ =	sdelay $0x2  }
0x91: {  	s15 =	simm.s32 $0xA;
	s4 =	simm.s32 $0x10  }
0x92: {  	[smem:s4], [sflag:s15] =	dma.local [hbm:s2], $0x1  }
0x93: {  	_ =	swait.eq [sflag:s15], $0x1  }
0x94: {  	[sflag:s15] =	ssyncset.done $0x0  }
0x95: {  	[sflag:s15] =	ssyncadd.s32 $0xFFFFFFFF  }
0x96: {  	s16 =	sld [smem:$0x10];
	(tm) =	ssettm $0x1  }
0x97: {  	s17 =	sld [smem:$0x3FFB];
	_ =	sdelay $0x3  }
0x98: {  	_ =	strace s17  }
0x99: {  	s3 =	sld [smem:$0x3FFC];
	_ =	sdelay $0x3  }
0x9a: {  	_ =	strace s3  }
0x9b: {  	s3 =	sld [smem:$0x3FFD];
	_ =	sdelay $0x3  }
0x9c: {  	_ =	strace s3  }
0x9d: {  	_ =	strace $0x8FFFFFFF  }
0x9e: {  	s18 =	sld [smem:$0x3FDB];
	_ =	sdelay $0x1  }
0x9f: {  	s19 =	simm.s32 $_scs_section_size  }
0xa0: {  	s5 =	simm.s32 $_size__tile_overlayer_lowered;
	s6 =	simm.s32 $_tile_overlayer_lowered  }
0xa1: {  	s22 =	simm.s32 $0x1BFF;
	s21 =	sshll.u32 s6, $0x1;
	s3 =	sadd.s32 s19, s18  }
0xa2: {  	s7 =	simm.s32 $0x0;
	s20 =	sshll.u32 s5, $0x1;
	s5 =	sadd.s32 s21, s3  }
0xa3: {  	[timem:s7], [sflag:s22] =	dma.local [hbm:s5], s20  }
0xa4: {  	_ =	swait.ge [sflag:s22], s20  }
0xa5: {  	s4 =	ssub.s32 $0x0, s20;
	[sflag:s22] =	ssyncset.done $0x0  }
0xa6: {  	[sflag:s22] =	ssyncadd.s32 s4;
	_ =	sdelay $0x1  }
0xa7: {  	s23 =	simm.s32 $0x1B8B  }
0xa8: {  	_ =	swait.ge [sflag:s23], $0x1  }
0xa9: {  	[sflag:s23] =	ssyncset.done $0x0  }
0xaa: {  	s25 =	simm.s32 $0x1B8E;
	s24 =	sld [smem:$0x3FFE];
	[sflag:s23] =	ssyncadd.s32 $0xFFFFFFFF  }
0xab: {  	s26 =	simm.s32 $execute0_lowered;
	[smem:$0x3FD2] =	sst s25  }
0xac: {  	s5 =	sshll.u32 s26, $0x1;
	_ =	strace $0x80000046;
	[dreg:$0x1] =	wrdreg $0xFFFFFFFF  }
0xad: {  	s28 =	simm.s32 $_size_execute0_lowered;
	s3 =	sadd.s32 s3, s5;
	[dreg:$0x0] =	wrdreg $0x0  }
0xae: {  	s5 =	sshll.u32 s28, $0x1;
	[dreg:$0x2] =	wrdreg s3  }
0xaf: {  	[dreg:$0x3] =	wrdreg s5  }
0xb0: {  	[dreg:$0x4] =	wrdreg $0xC0  }
0xb1: {  	_ =	task [dreg:s7], $0x5FFFF  }
0xb2: {  	[dreg:$0x1] =	wrdreg $0xFFFFFFFF  }
0xb3: {  	[dreg:$0x0] =	wrdreg $0x60  }
0xb4: {  	[dreg:$0x2] =	wrdreg s16  }
0xb5: {  	[dreg:$0x3] =	wrdreg s24  }
0xb6: {  	[dreg:$0x4] =	wrdreg $0x9  }
0xb7: {  	_ =	task.clear_ibuf [dreg:s7], $0x5FFFF;
	_ =	strace $0x90000046  }
0xb8: {  	s29 =	simm.s32 $0x9;
	_ =	strace $0x80000048  }
0xb9: {  	_ =	swait.ge [sflag:s29], $0x1  }
0xba: {  	[sflag:s29] =	ssyncadd.s32 $0xFFFFFFFF  }
0xbb: {  	_ =	strace $0x90000048  }
0xbc: {  	_ =	sfence  }
0xbd: {  	s30 =	sld [smem:$0x0];
	_ =	sdelay $0x2  }
0xbe: {  	s31 =	sshll.u32 s1, $0xD;
	s1 =	sshrl.u32 s1, $0x2  }
0xbf: {  	s3 =	sand.u32 $0x4000, s31;
	s1 =	sadd.s32 s1, s30  }
0xc0: {  	s0 =	sor.u32 s3, s0;
	s1 =	sshll.u32 s1, $0x11  }
0xc1: {  	s0 =	sor.u32 s1, s0  }
0xc2: {  	s0 =	sadd.s32 $0x8F2B, s0  }
0xc3: {  	[sflag:s0] =	ssyncadd.remote.s32 $0x1  }
0xc4: {  	_ =	sfence.sel $0xFFFF  }
0xc5: {  	[dreg:$0x0] =	wrdreg $0xFFFFFFFF;
	(pc) =	sbr.abs _section_cstart, $3  }
0xc6: {  	[dreg:$0x1] =	wrdreg $0xFFFFFFFF  }
0xc7: {  	_ =	task.clear_ibuf [dreg:s7], $0x2FFFF;
	_ =	strace $0x9FFFFFFF  }
0xc8: {  	(tm) =	ssettm $0x7FFFFFFF  }
0xc9: {  	_ =	shalt  }
tec
execute0_lowered:
.L_overlay_start_1:
0x0: {  	(tag) =	ssettag $0x1  }
0x1: {  	s0 =	srdreg.scid  }
0x2: {  	s0 =	sand.u32 $0x1, s0  }
0x3: {  	s5 =	rddreg [dreg:$0x0];
	s4 =	stileid.u32;
	s3 =	sshll.u32 s0, $0x4  }
0x4: {  	s1 =	rddreg [dreg:$0x1];
	s2 =	simm.s32 $0x0;
	s3 =	sor.u32 s4, s3  }
0x5: {  	p0 =	por $0x0, $0x0;
	s0 =	ssub.s32 $0x2, s0;
	s4 =	smul.u32 $0x500, s3  }
0x6: {  	[smem:$0x7FF] =	sst s2;
	s24 =	sshrl.u32 s0, $0x1;
	s6 =	smul.u32 $0x2800, s3  }
0x7: {  	s7 =	sadd.s32 $0xC00, s1;
	s3 =	smul.u32 $0x5000, s3;
	s0 =	ssub.s32 s0, s24  }
0x8: {  	s1 =	sadd.s32 $0xAC00, s1;
	_ =	strace $0x80000047;
	s31 =	smax.u32 s0, $0x1  }
0x9: {  	s4 =	sadd.s32 s7, s4;
	s8 =	sadd.s32 $0xA00, s6;
	s3 =	sadd.s32 s1, s3  }
0xa: {  	s23 =	sadd.s32 $0x1400, s6;
	s6 =	sadd.s32 $0x1E00, s6;
	p1 =	sne.s32 s31, $0x1  }
0xb: {  	s0 =	sadd.s32 $0xFFFFFFFF, s31;
	[dreg:$0x3] =	wrdreg s4;
	s19 =	sshrl.u32 s8, $0x3  }
0xc: {  	[dreg:$0x4] =	wrdreg s3;
	s21 =	sshll.u32 s8, $0x1;
	s25 =	sshrl.u32 s23, $0x3  }
0xd: {  	s20 =	sadd.s32 s7, s19;
	s22 =	sadd.s32 s1, s21;
	s21 =	rddreg [dreg:$0x3]  }
0xe: {  	s4 =	sshll.u32 s23, $0x1;
	s28 =	sshrl.u32 s6, $0x3;
	[dreg:$0x5] =	wrdreg s20  }
.Ltmp0:
0xf: {  	s3 =	sadd.s32 s7, s25;
	[dreg:$0x6] =	wrdreg s22;
	(pc) =	sbr.rel @!p1 .LBB2_4-.Ltmp0, $4  }
0x10: {  	s30 =	sshll.u32 s6, $0x1;
	s26 =	sadd.s32 s1, s4;
	[dreg:$0x7] =	wrdreg s3  }
0x11: {  	s6 =	simm.s32 $0x1;
	s29 =	sadd.s32 s7, s28;
	[dreg:$0x8] =	wrdreg s26  }
0x12: {  	s1 =	sadd.s32 s1, s30;
	s7 =	simm.s32 $0x80;
	[dreg:$0x9] =	wrdreg s29  }
0x13: {  	s4 =	simm.s32 $0xA00;
	[dreg:$0xa] =	wrdreg s1;
	s3 =	simm.s32 $0x2  }
0x14: {  	[tilespmem:s2], [sflag:$0x2] =	stream.linear.gather [hbm4b:s21+s2], $0xA00, $0x38;
	[tilespmem:$0xAA00] =	vst v63  }
0x15: {  	_ =	swait.ge [sflag:s3], $0xA00  }
0x16: {  	[sflag:s3] =	ssyncset.done $0x0  }
0x17: {  	[sflag:s3] =	ssyncadd.s32 $0xFFFFF600  }
0x18: {  	[tilespmem:s4], [sflag:$0x1] =	stream.indirect.gather [hbm4b:s5+s7], $0x10, s2, s7, $0xb8;
	[tilespmem:$0xAA00] =	vst v63  }
0x19: {  	s1 =	simm.s32 $0x1200  }
0x1a: {  	[tilespmem:s1], [sflag:$0x1] =	stream.indirect.gather [hbm4b:s5+s7], $0x10, s7, s7, $0xb8;
	[tilespmem:$0xAA00] =	vst v63  }
0x1b: {  	s30 =	simm.s32 $0x100;
	s31 =	simm.s32 $0x1A00  }
0x1c: {  	[tilespmem:s31], [sflag:$0x1] =	stream.indirect.gather [hbm4b:s5+s7], $0x10, s30, s7, $0xb8;
	[tilespmem:$0xAA00] =	vst v63  }
0x1d: {  	s2 =	simm.s32 $0x180;
	s4 =	simm.s32 $0x2200  }
0x1e: {  	[tilespmem:s4], [sflag:$0x1] =	stream.indirect.gather [hbm4b:s5+s7], $0x10, s2, s7, $0xb8;
	[tilespmem:$0xAA00] =	vst v63  }
0x1f: {  	s8 =	simm.s32 $0x200;
	s9 =	simm.s32 $0x2A00  }
0x20: {  	[tilespmem:s9], [sflag:$0x1] =	stream.indirect.gather [hbm4b:s5+s7], $0x10, s8, s7, $0xb8;
	[tilespmem:$0xAA00] =	vst v63  }
0x21: {  	s10 =	simm.s32 $0x280;
	s11 =	simm.s32 $0x3200  }
0x22: {  	[tilespmem:s11], [sflag:$0x1] =	stream.indirect.gather [hbm4b:s5+s7], $0x10, s10, s7, $0xb8;
	[tilespmem:$0xAA00] =	vst v63  }
0x23: {  	s12 =	simm.s32 $0x300;
	s13 =	simm.s32 $0x3A00  }
0x24: {  	[tilespmem:s13], [sflag:$0x1] =	stream.indirect.gather [hbm4b:s5+s7], $0x10, s12, s7, $0xb8;
	[tilespmem:$0xAA00] =	vst v63  }
0x25: {  	s14 =	simm.s32 $0x380;
	s15 =	simm.s32 $0x4200  }
0x26: {  	[tilespmem:s15], [sflag:$0x1] =	stream.indirect.gather [hbm4b:s5+s7], $0x10, s14, s7, $0xb8;
	[tilespmem:$0xAA00] =	vst v63  }
0x27: {  	s16 =	simm.s32 $0x400;
	s17 =	simm.s32 $0x4A00  }
0x28: {  	[tilespmem:s17], [sflag:$0x1] =	stream.indirect.gather [hbm4b:s5+s7], $0x10, s16, s7, $0xb8;
	[tilespmem:$0xAA00] =	vst v63  }
0x29: {  	s18 =	simm.s32 $0x480;
	s19 =	simm.s32 $0x5200  }
0x2a: {  	[tilespmem:s19], [sflag:$0x1] =	stream.indirect.gather [hbm4b:s5+s7], $0x10, s18, s7, $0xb8;
	[tilespmem:$0xAA00] =	vst v63  }
0x2b: {  	s20 =	simm.s32 $0x500;
	s21 =	simm.s32 $0x5A00  }
0x2c: {  	[tilespmem:s21], [sflag:$0x1] =	stream.indirect.gather [hbm4b:s5+s7], $0x10, s20, s7, $0xb8;
	[tilespmem:$0xAA00] =	vst v63  }
0x2d: {  	s25 =	simm.s32 $0x580;
	s26 =	simm.s32 $0x6200  }
0x2e: {  	[tilespmem:s26], [sflag:$0x1] =	stream.indirect.gather [hbm4b:s5+s7], $0x10, s25, s7, $0xb8;
	[tilespmem:$0xAA00] =	vst v63  }
0x2f: {  	s4 =	simm.s32 $0x600;
	s8 =	simm.s32 $0x6A00  }
0x30: {  	[tilespmem:s8], [sflag:$0x1] =	stream.indirect.gather [hbm4b:s5+s7], $0x10, s4, s7, $0xb8;
	[tilespmem:$0xAA00] =	vst v63  }
0x31: {  	s9 =	simm.s32 $0x680;
	s11 =	simm.s32 $0x7200  }
0x32: {  	[tilespmem:s11], [sflag:$0x1] =	stream.indirect.gather [hbm4b:s5+s7], $0x10, s9, s7, $0xb8;
	[tilespmem:$0xAA00] =	vst v63  }
0x33: {  	s12 =	simm.s32 $0x700;
	s13 =	simm.s32 $0x7A00  }
0x34: {  	[tilespmem:s13], [sflag:$0x1] =	stream.indirect.gather [hbm4b:s5+s7], $0x10, s12, s7, $0xb8;
	[tilespmem:$0xAA00] =	vst v63  }
0x35: {  	s14 =	simm.s32 $0x780;
	s16 =	simm.s32 $0x8200  }
0x36: {  	[tilespmem:s16], [sflag:$0x1] =	stream.indirect.gather [hbm4b:s5+s7], $0x10, s14, s7, $0xb8;
	[tilespmem:$0xAA00] =	vst v63  }
0x37: {  	s17 =	simm.s32 $0x800;
	s21 =	simm.s32 $0x8A00  }
0x38: {  	[tilespmem:s21], [sflag:$0x1] =	stream.indirect.gather [hbm4b:s5+s7], $0x10, s17, s7, $0xb8;
	[tilespmem:$0xAA00] =	vst v63  }
0x39: {  	[dreg:$0xb] =	wrdreg s0;
	s0 =	simm.s32 $0x880;
	s4 =	simm.s32 $0x9200  }
0x3a: {  	[tilespmem:s4], [sflag:$0x1] =	stream.indirect.gather [hbm4b:s5+s7], $0x10, s0, s7, $0xb8;
	[tilespmem:$0xAA00] =	vst v63  }
0x3b: {  	s8 =	simm.s32 $0x900;
	s9 =	simm.s32 $0x9A00  }
0x3c: {  	[tilespmem:s9], [sflag:$0x1] =	stream.indirect.gather [hbm4b:s5+s7], $0x10, s8, s7, $0xb8;
	[tilespmem:$0xAA00] =	vst v63  }
0x3d: {  	s11 =	simm.s32 $0x980;
	s21 =	simm.s32 $0xA200  }
0x3e: {  	[tilespmem:s21], [sflag:$0x1] =	stream.indirect.gather [hbm4b:s5+s7], $0x10, s11, s7, $0xb8;
	[tilespmem:$0xAA00] =	vst v63  }
0x3f: {  	_ =	swait.ge [sflag:s6], $0x800  }
0x40: {  	[sflag:s6] =	ssyncset.done $0x0  }
0x41: {  	[sflag:s6] =	ssyncadd.s32 $0xFFFFF800  }
0x42: {  	_ =	swait.ge [sflag:s6], $0x800  }
0x43: {  	[sflag:s6] =	ssyncset.done $0x0  }
0x44: {  	[sflag:s6] =	ssyncadd.s32 $0xFFFFF800  }
0x45: {  	_ =	swait.ge [sflag:s6], $0x800  }
0x46: {  	[sflag:s6] =	ssyncset.done $0x0  }
0x47: {  	[sflag:s6] =	ssyncadd.s32 $0xFFFFF800  }
0x48: {  	_ =	swait.ge [sflag:s6], $0x800  }
0x49: {  	[sflag:s6] =	ssyncset.done $0x0  }
0x4a: {  	[sflag:s6] =	ssyncadd.s32 $0xFFFFF800  }
0x4b: {  	_ =	swait.ge [sflag:s6], $0x800  }
0x4c: {  	[sflag:s6] =	ssyncset.done $0x0  }
0x4d: {  	[sflag:s6] =	ssyncadd.s32 $0xFFFFF800  }
0x4e: {  	_ =	swait.ge [sflag:s6], $0x800  }
0x4f: {  	[sflag:s6] =	ssyncset.done $0x0  }
0x50: {  	[sflag:s6] =	ssyncadd.s32 $0xFFFFF800  }
0x51: {  	_ =	swait.ge [sflag:s6], $0x800  }
0x52: {  	[sflag:s6] =	ssyncset.done $0x0  }
0x53: {  	[sflag:s6] =	ssyncadd.s32 $0xFFFFF800  }
0x54: {  	_ =	swait.ge [sflag:s6], $0x800  }
0x55: {  	[sflag:s6] =	ssyncset.done $0x0  }
0x56: {  	[sflag:s6] =	ssyncadd.s32 $0xFFFFF800  }
0x57: {  	_ =	swait.ge [sflag:s6], $0x800  }
0x58: {  	[sflag:s6] =	ssyncset.done $0x0  }
0x59: {  	[sflag:s6] =	ssyncadd.s32 $0xFFFFF800  }
0x5a: {  	_ =	swait.ge [sflag:s6], $0x800  }
0x5b: {  	[sflag:s6] =	ssyncset.done $0x0  }
0x5c: {  	[sflag:s6] =	ssyncadd.s32 $0xFFFFF800  }
0x5d: {  	_ =	swait.ge [sflag:s6], $0x800  }
0x5e: {  	[sflag:s6] =	ssyncset.done $0x0  }
0x5f: {  	[sflag:s6] =	ssyncadd.s32 $0xFFFFF800  }
0x60: {  	_ =	swait.ge [sflag:s6], $0x800  }
0x61: {  	[sflag:s6] =	ssyncset.done $0x0  }
0x62: {  	[sflag:s6] =	ssyncadd.s32 $0xFFFFF800  }
0x63: {  	_ =	swait.ge [sflag:s6], $0x800  }
0x64: {  	[sflag:s6] =	ssyncset.done $0x0  }
0x65: {  	[sflag:s6] =	ssyncadd.s32 $0xFFFFF800  }
0x66: {  	_ =	swait.ge [sflag:s6], $0x800  }
0x67: {  	[sflag:s6] =	ssyncset.done $0x0  }
0x68: {  	[sflag:s6] =	ssyncadd.s32 $0xFFFFF800  }
0x69: {  	_ =	swait.ge [sflag:s6], $0x800  }
0x6a: {  	[sflag:s6] =	ssyncset.done $0x0  }
0x6b: {  	[sflag:s6] =	ssyncadd.s32 $0xFFFFF800  }
0x6c: {  	_ =	swait.ge [sflag:s6], $0x800  }
0x6d: {  	[sflag:s6] =	ssyncset.done $0x0  }
0x6e: {  	[sflag:s6] =	ssyncadd.s32 $0xFFFFF800  }
0x6f: {  	_ =	swait.ge [sflag:s6], $0x800  }
0x70: {  	[sflag:s6] =	ssyncset.done $0x0  }
0x71: {  	[sflag:s6] =	ssyncadd.s32 $0xFFFFF800  }
0x72: {  	_ =	swait.ge [sflag:s6], $0x800  }
0x73: {  	[sflag:s6] =	ssyncset.done $0x0  }
0x74: {  	[sflag:s6] =	ssyncadd.s32 $0xFFFFF800  }
0x75: {  	_ =	swait.ge [sflag:s6], $0x800  }
0x76: {  	[sflag:s6] =	ssyncset.done $0x0  }
0x77: {  	[sflag:s6] =	ssyncadd.s32 $0xFFFFF800  }
0x78: {  	_ =	swait.ge [sflag:s6], $0x800  }
0x79: {  	s2 =	simm.s32 $0xA00;
	[sflag:s6] =	ssyncset.done $0x0  }
0x7a: {  	s20 =	simm.s32 $0x0;
	s4 =	rddreg [dreg:$0x4];
	[sflag:s6] =	ssyncadd.s32 $0xFFFFF800  }
0x7b: {  	[hbm4b:s4+s20] =	stream.linear.scatter [tilespmem:s2], [sflag:$0x2], $0xA000, $0x38;
	[tilespmem:$0xAA00] =	vst v63  }
0x7c: {  	_ =	swait.ge [sflag:s3], $0xA000  }
0x7d: {  	[sflag:s3] =	ssyncset.done $0x0  }
0x7e: {  	s8 =	rddreg [dreg:$0x5];
	[sflag:s3] =	ssyncadd.s32 $0xFFFF6000  }
0x7f: {  	[tilespmem:s20], [sflag:$0x2] =	stream.linear.gather [hbm4b:s8+s20], $0xA00, $0x38;
	[tilespmem:$0xAA00] =	vst v63  }
0x80: {  	_ =	swait.ge [sflag:s3], $0xA00  }
0x81: {  	[sflag:s3] =	ssyncset.done $0x0  }
0x82: {  	[sflag:s3] =	ssyncadd.s32 $0xFFFFF600  }
0x83: {  	[tilespmem:s2], [sflag:$0x1] =	stream.indirect.gather [hbm4b:s5+s7], $0x10, s20, s7, $0xb8;
	[tilespmem:$0xAA00] =	vst v63  }
0x84: {  	s4 =	simm.s32 $0x1200  }
0x85: {  	[tilespmem:s4], [sflag:$0x1] =	stream.indirect.gather [hbm4b:s5+s7], $0x10, s7, s7, $0xb8;
	[tilespmem:$0xAA00] =	vst v63  }
0x86: {  	s21 =	simm.s32 $0x1A00;
	s8 =	simm.s32 $0x100  }
0x87: {  	[tilespmem:s21], [sflag:$0x1] =	stream.indirect.gather [hbm4b:s5+s7], $0x10, s8, s7, $0xb8;
	[tilespmem:$0xAA00] =	vst v63  }
0x88: {  	s1 =	simm.s32 $0x2200;
	s21 =	simm.s32 $0x180  }
0x89: {  	[tilespmem:s1], [sflag:$0x1] =	stream.indirect.gather [hbm4b:s5+s7], $0x10, s21, s7, $0xb8;
	[tilespmem:$0xAA00] =	vst v63  }
0x8a: {  	s1 =	simm.s32 $0x2A00;
	s21 =	simm.s32 $0x200  }
0x8b: {  	[tilespmem:s1], [sflag:$0x1] =	stream.indirect.gather [hbm4b:s5+s7], $0x10, s21, s7, $0xb8;
	[tilespmem:$0xAA00] =	vst v63  }
0x8c: {  	s1 =	simm.s32 $0x3200;
	s21 =	simm.s32 $0x280  }
0x8d: {  	[tilespmem:s1], [sflag:$0x1] =	stream.indirect.gather [hbm4b:s5+s7], $0x10, s21, s7, $0xb8;
	[tilespmem:$0xAA00] =	vst v63  }
0x8e: {  	s31 =	simm.s32 $0x3A00;
	s30 =	simm.s32 $0x300  }
0x8f: {  	[tilespmem:s31], [sflag:$0x1] =	stream.indirect.gather [hbm4b:s5+s7], $0x10, s30, s7, $0xb8;
	[tilespmem:$0xAA00] =	vst v63  }
0x90: {  	s29 =	simm.s32 $0x4200;
	s28 =	simm.s32 $0x380  }
0x91: {  	[tilespmem:s29], [sflag:$0x1] =	stream.indirect.gather [hbm4b:s5+s7], $0x10, s28, s7, $0xb8;
	[tilespmem:$0xAA00] =	vst v63  }
0x92: {  	s24 =	simm.s32 $0x4A00;
	s23 =	simm.s32 $0x400  }
0x93: {  	[tilespmem:s24], [sflag:$0x1] =	stream.indirect.gather [hbm4b:s5+s7], $0x10, s23, s7, $0xb8;
	[tilespmem:$0xAA00] =	vst v63  }
0x94: {  	s22 =	simm.s32 $0x5200;
	s19 =	simm.s32 $0x480  }
0x95: {  	[tilespmem:s22], [sflag:$0x1] =	stream.indirect.gather [hbm4b:s5+s7], $0x10, s19, s7, $0xb8;
	[tilespmem:$0xAA00] =	vst v63  }
0x96: {  	s15 =	simm.s32 $0x500;
	s18 =	simm.s32 $0x5A00  }
0x97: {  	[tilespmem:s18], [sflag:$0x1] =	stream.indirect.gather [hbm4b:s5+s7], $0x10, s15, s7, $0xb8;
	[tilespmem:$0xAA00] =	vst v63  }
0x98: {  	s10 =	simm.s32 $0x580;
	s25 =	simm.s32 $0x6200  }
0x99: {  	[tilespmem:s25], [sflag:$0x1] =	stream.indirect.gather [hbm4b:s5+s7], $0x10, s10, s7, $0xb8;
	[tilespmem:$0xAA00] =	vst v63  }
0x9a: {  	s26 =	simm.s32 $0x600;
	s15 =	simm.s32 $0x6A00  }
0x9b: {  	[tilespmem:s15], [sflag:$0x1] =	stream.indirect.gather [hbm4b:s5+s7], $0x10, s26, s7, $0xb8;
	[tilespmem:$0xAA00] =	vst v63  }
0x9c: {  	s0 =	simm.s32 $0x7200;
	s26 =	simm.s32 $0x680  }
0x9d: {  	[tilespmem:s0], [sflag:$0x1] =	stream.indirect.gather [hbm4b:s5+s7], $0x10, s26, s7, $0xb8;
	[tilespmem:$0xAA00] =	vst v63  }
0x9e: {  	s1 =	simm.s32 $0x700;
	s23 =	simm.s32 $0x7A00  }
0x9f: {  	[tilespmem:s23], [sflag:$0x1] =	stream.indirect.gather [hbm4b:s5+s7], $0x10, s1, s7, $0xb8;
	[tilespmem:$0xAA00] =	vst v63  }
0xa0: {  	s24 =	simm.s32 $0x780;
	s10 =	simm.s32 $0x8200  }
0xa1: {  	[tilespmem:s10], [sflag:$0x1] =	stream.indirect.gather [hbm4b:s5+s7], $0x10, s24, s7, $0xb8;
	[tilespmem:$0xAA00] =	vst v63  }
0xa2: {  	s17 =	simm.s32 $0x8A00;
	s28 =	simm.s32 $0x800  }
0xa3: {  	[tilespmem:s17], [sflag:$0x1] =	stream.indirect.gather [hbm4b:s5+s7], $0x10, s28, s7, $0xb8;
	[tilespmem:$0xAA00] =	vst v63  }
0xa4: {  	s16 =	simm.s32 $0x880;
	s14 =	simm.s32 $0x9200  }
0xa5: {  	[tilespmem:s14], [sflag:$0x1] =	stream.indirect.gather [hbm4b:s5+s7], $0x10, s16, s7, $0xb8;
	[tilespmem:$0xAA00] =	vst v63  }
0xa6: {  	s13 =	simm.s32 $0x9A00;
	s12 =	simm.s32 $0x900  }
0xa7: {  	[tilespmem:s13], [sflag:$0x1] =	stream.indirect.gather [hbm4b:s5+s7], $0x10, s12, s7, $0xb8;
	[tilespmem:$0xAA00] =	vst v63  }
0xa8: {  	s9 =	simm.s32 $0xA200;
	s11 =	simm.s32 $0x980  }
0xa9: {  	[tilespmem:s9], [sflag:$0x1] =	stream.indirect.gather [hbm4b:s5+s7], $0x10, s11, s7, $0xb8;
	[tilespmem:$0xAA00] =	vst v63  }
0xaa: {  	_ =	swait.ge [sflag:s6], $0x800  }
0xab: {  	[sflag:s6] =	ssyncset.done $0x0  }
0xac: {  	[sflag:s6] =	ssyncadd.s32 $0xFFFFF800  }
0xad: {  	_ =	swait.ge [sflag:s6], $0x800  }
0xae: {  	[sflag:s6] =	ssyncset.done $0x0  }
0xaf: {  	[sflag:s6] =	ssyncadd.s32 $0xFFFFF800  }
0xb0: {  	_ =	swait.ge [sflag:s6], $0x800  }
0xb1: {  	[sflag:s6] =	ssyncset.done $0x0  }
0xb2: {  	[sflag:s6] =	ssyncadd.s32 $0xFFFFF800  }
0xb3: {  	_ =	swait.ge [sflag:s6], $0x800  }
0xb4: {  	[sflag:s6] =	ssyncset.done $0x0  }
0xb5: {  	[sflag:s6] =	ssyncadd.s32 $0xFFFFF800  }
0xb6: {  	_ =	swait.ge [sflag:s6], $0x800  }
0xb7: {  	[sflag:s6] =	ssyncset.done $0x0  }
0xb8: {  	[sflag:s6] =	ssyncadd.s32 $0xFFFFF800  }
0xb9: {  	_ =	swait.ge [sflag:s6], $0x800  }
0xba: {  	[sflag:s6] =	ssyncset.done $0x0  }
0xbb: {  	[sflag:s6] =	ssyncadd.s32 $0xFFFFF800  }
0xbc: {  	_ =	swait.ge [sflag:s6], $0x800  }
0xbd: {  	[sflag:s6] =	ssyncset.done $0x0  }
0xbe: {  	[sflag:s6] =	ssyncadd.s32 $0xFFFFF800  }
0xbf: {  	_ =	swait.ge [sflag:s6], $0x800  }
0xc0: {  	[sflag:s6] =	ssyncset.done $0x0  }
0xc1: {  	[sflag:s6] =	ssyncadd.s32 $0xFFFFF800  }
0xc2: {  	_ =	swait.ge [sflag:s6], $0x800  }
0xc3: {  	[sflag:s6] =	ssyncset.done $0x0  }
0xc4: {  	[sflag:s6] =	ssyncadd.s32 $0xFFFFF800  }
0xc5: {  	_ =	swait.ge [sflag:s6], $0x800  }
0xc6: {  	[sflag:s6] =	ssyncset.done $0x0  }
0xc7: {  	[sflag:s6] =	ssyncadd.s32 $0xFFFFF800  }
0xc8: {  	_ =	swait.ge [sflag:s6], $0x800  }
0xc9: {  	[sflag:s6] =	ssyncset.done $0x0  }
0xca: {  	[sflag:s6] =	ssyncadd.s32 $0xFFFFF800  }
0xcb: {  	_ =	swait.ge [sflag:s6], $0x800  }
0xcc: {  	[sflag:s6] =	ssyncset.done $0x0  }
0xcd: {  	[sflag:s6] =	ssyncadd.s32 $0xFFFFF800  }
0xce: {  	_ =	swait.ge [sflag:s6], $0x800  }
0xcf: {  	[sflag:s6] =	ssyncset.done $0x0  }
0xd0: {  	[sflag:s6] =	ssyncadd.s32 $0xFFFFF800  }
0xd1: {  	_ =	swait.ge [sflag:s6], $0x800  }
0xd2: {  	[sflag:s6] =	ssyncset.done $0x0  }
0xd3: {  	[sflag:s6] =	ssyncadd.s32 $0xFFFFF800  }
0xd4: {  	_ =	swait.ge [sflag:s6], $0x800  }
0xd5: {  	[sflag:s6] =	ssyncset.done $0x0  }
0xd6: {  	[sflag:s6] =	ssyncadd.s32 $0xFFFFF800  }
0xd7: {  	_ =	swait.ge [sflag:s6], $0x800  }
0xd8: {  	[sflag:s6] =	ssyncset.done $0x0  }
0xd9: {  	[sflag:s6] =	ssyncadd.s32 $0xFFFFF800  }
0xda: {  	_ =	swait.ge [sflag:s6], $0x800  }
0xdb: {  	[sflag:s6] =	ssyncset.done $0x0  }
0xdc: {  	[sflag:s6] =	ssyncadd.s32 $0xFFFFF800  }
0xdd: {  	_ =	swait.ge [sflag:s6], $0x800  }
0xde: {  	[sflag:s6] =	ssyncset.done $0x0  }
0xdf: {  	[sflag:s6] =	ssyncadd.s32 $0xFFFFF800  }
0xe0: {  	_ =	swait.ge [sflag:s6], $0x800  }
0xe1: {  	[sflag:s6] =	ssyncset.done $0x0  }
0xe2: {  	[sflag:s6] =	ssyncadd.s32 $0xFFFFF800  }
0xe3: {  	_ =	swait.ge [sflag:s6], $0x800  }
0xe4: {  	[sflag:s6] =	ssyncset.done $0x0  }
0xe5: {  	s11 =	rddreg [dreg:$0x6];
	[sflag:s6] =	ssyncadd.s32 $0xFFFFF800  }
0xe6: {  	[hbm4b:s11+s20] =	stream.linear.scatter [tilespmem:s2], [sflag:$0x2], $0xA000, $0x38;
	[tilespmem:$0xAA00] =	vst v63  }
0xe7: {  	_ =	swait.ge [sflag:s3], $0xA000  }
0xe8: {  	[sflag:s3] =	ssyncset.done $0x0  }
0xe9: {  	s12 =	rddreg [dreg:$0x7];
	[sflag:s3] =	ssyncadd.s32 $0xFFFF6000  }
0xea: {  	[tilespmem:s20], [sflag:$0x2] =	stream.linear.gather [hbm4b:s12+s20], $0xA00, $0x38;
	[tilespmem:$0xAA00] =	vst v63  }
0xeb: {  	_ =	swait.ge [sflag:s3], $0xA00  }
0xec: {  	[sflag:s3] =	ssyncset.done $0x0  }
0xed: {  	[sflag:s3] =	ssyncadd.s32 $0xFFFFF600  }
0xee: {  	[tilespmem:s2], [sflag:$0x1] =	stream.indirect.gather [hbm4b:s5+s7], $0x10, s20, s7, $0xb8;
	[tilespmem:$0xAA00] =	vst v63  }
0xef: {  	_ = 	snop  }
0xf0: {  	[tilespmem:s4], [sflag:$0x1] =	stream.indirect.gather [hbm4b:s5+s7], $0x10, s7, s7, $0xb8;
	[tilespmem:$0xAA00] =	vst v63  }
0xf1: {  	s9 =	simm.s32 $0x1A00  }
0xf2: {  	[tilespmem:s9], [sflag:$0x1] =	stream.indirect.gather [hbm4b:s5+s7], $0x10, s8, s7, $0xb8;
	[tilespmem:$0xAA00] =	vst v63  }
0xf3: {  	s11 =	simm.s32 $0x2200;
	s12 =	simm.s32 $0x180  }
0xf4: {  	[tilespmem:s11], [sflag:$0x1] =	stream.indirect.gather [hbm4b:s5+s7], $0x10, s12, s7, $0xb8;
	[tilespmem:$0xAA00] =	vst v63  }
0xf5: {  	s21 =	simm.s32 $0x2A00;
	s8 =	simm.s32 $0x200  }
0xf6: {  	[tilespmem:s21], [sflag:$0x1] =	stream.indirect.gather [hbm4b:s5+s7], $0x10, s8, s7, $0xb8;
	[tilespmem:$0xAA00] =	vst v63  }
0xf7: {  	s9 =	simm.s32 $0x3200;
	s11 =	simm.s32 $0x280  }
0xf8: {  	[tilespmem:s9], [sflag:$0x1] =	stream.indirect.gather [hbm4b:s5+s7], $0x10, s11, s7, $0xb8;
	[tilespmem:$0xAA00] =	vst v63  }
0xf9: {  	s30 =	simm.s32 $0x3A00;
	s21 =	simm.s32 $0x300  }
0xfa: {  	[tilespmem:s30], [sflag:$0x1] =	stream.indirect.gather [hbm4b:s5+s7], $0x10, s21, s7, $0xb8;
	[tilespmem:$0xAA00] =	vst v63  }
0xfb: {  	s4 =	simm.s32 $0x4200;
	s9 =	simm.s32 $0x380  }
0xfc: {  	[tilespmem:s4], [sflag:$0x1] =	stream.indirect.gather [hbm4b:s5+s7], $0x10, s9, s7, $0xb8;
	[tilespmem:$0xAA00] =	vst v63  }
0xfd: {  	s29 =	simm.s32 $0x4A00;
	s12 =	simm.s32 $0x400  }
0xfe: {  	[tilespmem:s29], [sflag:$0x1] =	stream.indirect.gather [hbm4b:s5+s7], $0x10, s12, s7, $0xb8;
	[tilespmem:$0xAA00] =	vst v63  }
0xff: {  	s19 =	simm.s32 $0x5200;
	s22 =	simm.s32 $0x480  }
0x100: {  	[tilespmem:s19], [sflag:$0x1] =	stream.indirect.gather [hbm4b:s5+s7], $0x10, s22, s7, $0xb8;
	[tilespmem:$0xAA00] =	vst v63  }
0x101: {  	s31 =	simm.s32 $0x5A00;
	s18 =	simm.s32 $0x500  }
0x102: {  	[tilespmem:s31], [sflag:$0x1] =	stream.indirect.gather [hbm4b:s5+s7], $0x10, s18, s7, $0xb8;
	[tilespmem:$0xAA00] =	vst v63  }
0x103: {  	s21 =	simm.s32 $0x580;
	s18 =	simm.s32 $0x6200  }
0x104: {  	[tilespmem:s18], [sflag:$0x1] =	stream.indirect.gather [hbm4b:s5+s7], $0x10, s21, s7, $0xb8;
	[tilespmem:$0xAA00] =	vst v63  }
0x105: {  	s31 =	simm.s32 $0x600  }
0x106: {  	[tilespmem:s15], [sflag:$0x1] =	stream.indirect.gather [hbm4b:s5+s7], $0x10, s31, s7, $0xb8;
	[tilespmem:$0xAA00] =	vst v63  }
0x107: {  	_ = 	snop  }
0x108: {  	[tilespmem:s0], [sflag:$0x1] =	stream.indirect.gather [hbm4b:s5+s7], $0x10, s26, s7, $0xb8;
	[tilespmem:$0xAA00] =	vst v63  }
0x109: {  	_ = 	snop  }
0x10a: {  	[tilespmem:s23], [sflag:$0x1] =	stream.indirect.gather [hbm4b:s5+s7], $0x10, s1, s7, $0xb8;
	[tilespmem:$0xAA00] =	vst v63  }
0x10b: {  	_ = 	snop  }
0x10c: {  	[tilespmem:s10], [sflag:$0x1] =	stream.indirect.gather [hbm4b:s5+s7], $0x10, s24, s7, $0xb8;
	[tilespmem:$0xAA00] =	vst v63  }
0x10d: {  	s0 =	simm.s32 $0x8A00  }
0x10e: {  	[tilespmem:s0], [sflag:$0x1] =	stream.indirect.gather [hbm4b:s5+s7], $0x10, s28, s7, $0xb8;
	[tilespmem:$0xAA00] =	vst v63  }
0x10f: {  	s17 =	simm.s32 $0x880;
	s1 =	simm.s32 $0x9200  }
0x110: {  	[tilespmem:s1], [sflag:$0x1] =	stream.indirect.gather [hbm4b:s5+s7], $0x10, s17, s7, $0xb8;
	[tilespmem:$0xAA00] =	vst v63  }
0x111: {  	s25 =	simm.s32 $0x900;
	s16 =	simm.s32 $0x9A00  }
0x112: {  	[tilespmem:s16], [sflag:$0x1] =	stream.indirect.gather [hbm4b:s5+s7], $0x10, s25, s7, $0xb8;
	[tilespmem:$0xAA00] =	vst v63  }
0x113: {  	s14 =	simm.s32 $0x980;
	s13 =	simm.s32 $0xA200  }
0x114: {  	[tilespmem:s13], [sflag:$0x1] =	stream.indirect.gather [hbm4b:s5+s7], $0x10, s14, s7, $0xb8;
	[tilespmem:$0xAA00] =	vst v63  }
0x115: {  	_ =	swait.ge [sflag:s6], $0x800  }
0x116: {  	[sflag:s6] =	ssyncset.done $0x0  }
0x117: {  	[sflag:s6] =	ssyncadd.s32 $0xFFFFF800  }
0x118: {  	_ =	swait.ge [sflag:s6], $0x800  }
0x119: {  	[sflag:s6] =	ssyncset.done $0x0  }
0x11a: {  	[sflag:s6] =	ssyncadd.s32 $0xFFFFF800  }
0x11b: {  	_ =	swait.ge [sflag:s6], $0x800  }
0x11c: {  	[sflag:s6] =	ssyncset.done $0x0  }
0x11d: {  	[sflag:s6] =	ssyncadd.s32 $0xFFFFF800  }
0x11e: {  	_ =	swait.ge [sflag:s6], $0x800  }
0x11f: {  	[sflag:s6] =	ssyncset.done $0x0  }
0x120: {  	[sflag:s6] =	ssyncadd.s32 $0xFFFFF800  }
0x121: {  	_ =	swait.ge [sflag:s6], $0x800  }
0x122: {  	[sflag:s6] =	ssyncset.done $0x0  }
0x123: {  	[sflag:s6] =	ssyncadd.s32 $0xFFFFF800  }
0x124: {  	_ =	swait.ge [sflag:s6], $0x800  }
0x125: {  	[sflag:s6] =	ssyncset.done $0x0  }
0x126: {  	[sflag:s6] =	ssyncadd.s32 $0xFFFFF800  }
0x127: {  	_ =	swait.ge [sflag:s6], $0x800  }
0x128: {  	[sflag:s6] =	ssyncset.done $0x0  }
0x129: {  	[sflag:s6] =	ssyncadd.s32 $0xFFFFF800  }
0x12a: {  	_ =	swait.ge [sflag:s6], $0x800  }
0x12b: {  	[sflag:s6] =	ssyncset.done $0x0  }
0x12c: {  	[sflag:s6] =	ssyncadd.s32 $0xFFFFF800  }
0x12d: {  	_ =	swait.ge [sflag:s6], $0x800  }
0x12e: {  	[sflag:s6] =	ssyncset.done $0x0  }
0x12f: {  	[sflag:s6] =	ssyncadd.s32 $0xFFFFF800  }
0x130: {  	_ =	swait.ge [sflag:s6], $0x800  }
0x131: {  	[sflag:s6] =	ssyncset.done $0x0  }
0x132: {  	[sflag:s6] =	ssyncadd.s32 $0xFFFFF800  }
0x133: {  	_ =	swait.ge [sflag:s6], $0x800  }
0x134: {  	[sflag:s6] =	ssyncset.done $0x0  }
0x135: {  	[sflag:s6] =	ssyncadd.s32 $0xFFFFF800  }
0x136: {  	_ =	swait.ge [sflag:s6], $0x800  }
0x137: {  	[sflag:s6] =	ssyncset.done $0x0  }
0x138: {  	[sflag:s6] =	ssyncadd.s32 $0xFFFFF800  }
0x139: {  	_ =	swait.ge [sflag:s6], $0x800  }
0x13a: {  	[sflag:s6] =	ssyncset.done $0x0  }
0x13b: {  	[sflag:s6] =	ssyncadd.s32 $0xFFFFF800  }
0x13c: {  	_ =	swait.ge [sflag:s6], $0x800  }
0x13d: {  	[sflag:s6] =	ssyncset.done $0x0  }
0x13e: {  	[sflag:s6] =	ssyncadd.s32 $0xFFFFF800  }
0x13f: {  	_ =	swait.ge [sflag:s6], $0x800  }
0x140: {  	[sflag:s6] =	ssyncset.done $0x0  }
0x141: {  	[sflag:s6] =	ssyncadd.s32 $0xFFFFF800  }
0x142: {  	_ =	swait.ge [sflag:s6], $0x800  }
0x143: {  	[sflag:s6] =	ssyncset.done $0x0  }
0x144: {  	[sflag:s6] =	ssyncadd.s32 $0xFFFFF800  }
0x145: {  	_ =	swait.ge [sflag:s6], $0x800  }
0x146: {  	[sflag:s6] =	ssyncset.done $0x0  }
0x147: {  	[sflag:s6] =	ssyncadd.s32 $0xFFFFF800  }
0x148: {  	_ =	swait.ge [sflag:s6], $0x800  }
0x149: {  	[sflag:s6] =	ssyncset.done $0x0  }
0x14a: {  	[sflag:s6] =	ssyncadd.s32 $0xFFFFF800  }
0x14b: {  	_ =	swait.ge [sflag:s6], $0x800  }
0x14c: {  	[sflag:s6] =	ssyncset.done $0x0  }
0x14d: {  	[sflag:s6] =	ssyncadd.s32 $0xFFFFF800  }
0x14e: {  	_ =	swait.ge [sflag:s6], $0x800  }
0x14f: {  	[sflag:s6] =	ssyncset.done $0x0  }
0x150: {  	s25 =	rddreg [dreg:$0x8];
	[sflag:s6] =	ssyncadd.s32 $0xFFFFF800  }
0x151: {  	[hbm4b:s25+s20] =	stream.linear.scatter [tilespmem:s2], [sflag:$0x2], $0xA000, $0x38;
	[tilespmem:$0xAA00] =	vst v63  }
0x152: {  	_ =	swait.ge [sflag:s3], $0xA000  }
0x153: {  	[sflag:s3] =	ssyncset.done $0x0  }
0x154: {  	s25 =	rddreg [dreg:$0x9];
	[sflag:s3] =	ssyncadd.s32 $0xFFFF6000  }
0x155: {  	[tilespmem:s20], [sflag:$0x2] =	stream.linear.gather [hbm4b:s25+s20], $0xA00, $0x38;
	[tilespmem:$0xAA00] =	vst v63  }
0x156: {  	_ =	swait.ge [sflag:s3], $0xA00  }
0x157: {  	[sflag:s3] =	ssyncset.done $0x0  }
0x158: {  	[sflag:s3] =	ssyncadd.s32 $0xFFFFF600  }
0x159: {  	[tilespmem:s2], [sflag:$0x1] =	stream.indirect.gather [hbm4b:s5+s7], $0x10, s20, s7, $0xb8;
	[tilespmem:$0xAA00] =	vst v63  }
0x15a: {  	s25 =	simm.s32 $0x1200  }
0x15b: {  	[tilespmem:s25], [sflag:$0x1] =	stream.indirect.gather [hbm4b:s5+s7], $0x10, s7, s7, $0xb8;
	[tilespmem:$0xAA00] =	vst v63  }
0x15c: {  	s21 =	simm.s32 $0x1A00;
	s25 =	simm.s32 $0x100  }
0x15d: {  	[tilespmem:s21], [sflag:$0x1] =	stream.indirect.gather [hbm4b:s5+s7], $0x10, s25, s7, $0xb8;
	[tilespmem:$0xAA00] =	vst v63  }
0x15e: {  	s21 =	simm.s32 $0x180;
	s25 =	simm.s32 $0x2200  }
0x15f: {  	[tilespmem:s25], [sflag:$0x1] =	stream.indirect.gather [hbm4b:s5+s7], $0x10, s21, s7, $0xb8;
	[tilespmem:$0xAA00] =	vst v63  }
0x160: {  	s25 =	simm.s32 $0x2A00  }
0x161: {  	[tilespmem:s25], [sflag:$0x1] =	stream.indirect.gather [hbm4b:s5+s7], $0x10, s8, s7, $0xb8;
	[tilespmem:$0xAA00] =	vst v63  }
0x162: {  	s21 =	simm.s32 $0x280;
	s25 =	simm.s32 $0x3200  }
0x163: {  	[tilespmem:s25], [sflag:$0x1] =	stream.indirect.gather [hbm4b:s5+s7], $0x10, s21, s7, $0xb8;
	[tilespmem:$0xAA00] =	vst v63  }
0x164: {  	s21 =	simm.s32 $0x300;
	s25 =	simm.s32 $0x3A00  }
0x165: {  	[tilespmem:s25], [sflag:$0x1] =	stream.indirect.gather [hbm4b:s5+s7], $0x10, s21, s7, $0xb8;
	[tilespmem:$0xAA00] =	vst v63  }
0x166: {  	s30 =	simm.s32 $0x380;
	s21 =	simm.s32 $0x4200  }
0x167: {  	[tilespmem:s21], [sflag:$0x1] =	stream.indirect.gather [hbm4b:s5+s7], $0x10, s30, s7, $0xb8;
	[tilespmem:$0xAA00] =	vst v63  }
0x168: {  	s29 =	simm.s32 $0x400;
	s25 =	simm.s32 $0x4A00  }
0x169: {  	[tilespmem:s25], [sflag:$0x1] =	stream.indirect.gather [hbm4b:s5+s7], $0x10, s29, s7, $0xb8;
	[tilespmem:$0xAA00] =	vst v63  }
0x16a: {  	s12 =	simm.s32 $0x480;
	s19 =	simm.s32 $0x5200  }
0x16b: {  	[tilespmem:s19], [sflag:$0x1] =	stream.indirect.gather [hbm4b:s5+s7], $0x10, s12, s7, $0xb8;
	[tilespmem:$0xAA00] =	vst v63  }
0x16c: {  	s11 =	simm.s32 $0x5A00;
	s22 =	simm.s32 $0x500  }
0x16d: {  	[tilespmem:s11], [sflag:$0x1] =	stream.indirect.gather [hbm4b:s5+s7], $0x10, s22, s7, $0xb8;
	[tilespmem:$0xAA00] =	vst v63  }
0x16e: {  	s4 =	simm.s32 $0x580;
	s9 =	simm.s32 $0x6200  }
0x16f: {  	[tilespmem:s9], [sflag:$0x1] =	stream.indirect.gather [hbm4b:s5+s7], $0x10, s4, s7, $0xb8;
	[tilespmem:$0xAA00] =	vst v63  }
0x170: {  	s18 =	simm.s32 $0x6A00  }
0x171: {  	[tilespmem:s18], [sflag:$0x1] =	stream.indirect.gather [hbm4b:s5+s7], $0x10, s31, s7, $0xb8;
	[tilespmem:$0xAA00] =	vst v63  }
0x172: {  	s15 =	simm.s32 $0x7200;
	s26 =	simm.s32 $0x680  }
0x173: {  	[tilespmem:s15], [sflag:$0x1] =	stream.indirect.gather [hbm4b:s5+s7], $0x10, s26, s7, $0xb8;
	[tilespmem:$0xAA00] =	vst v63  }
0x174: {  	s23 =	simm.s32 $0x7A00;
	s26 =	simm.s32 $0x700  }
0x175: {  	[tilespmem:s23], [sflag:$0x1] =	stream.indirect.gather [hbm4b:s5+s7], $0x10, s26, s7, $0xb8;
	[tilespmem:$0xAA00] =	vst v63  }
0x176: {  	s10 =	simm.s32 $0x780;
	s24 =	simm.s32 $0x8200  }
0x177: {  	[tilespmem:s24], [sflag:$0x1] =	stream.indirect.gather [hbm4b:s5+s7], $0x10, s10, s7, $0xb8;
	[tilespmem:$0xAA00] =	vst v63  }
0x178: {  	s29 =	simm.s32 $0x800  }
0x179: {  	[tilespmem:s0], [sflag:$0x1] =	stream.indirect.gather [hbm4b:s5+s7], $0x10, s29, s7, $0xb8;
	[tilespmem:$0xAA00] =	vst v63  }
0x17a: {  	s28 =	simm.s32 $0x880  }
0x17b: {  	[tilespmem:s1], [sflag:$0x1] =	stream.indirect.gather [hbm4b:s5+s7], $0x10, s28, s7, $0xb8;
	[tilespmem:$0xAA00] =	vst v63  }
0x17c: {  	s17 =	simm.s32 $0x9A00;
	s16 =	simm.s32 $0x900  }
0x17d: {  	[tilespmem:s17], [sflag:$0x1] =	stream.indirect.gather [hbm4b:s5+s7], $0x10, s16, s7, $0xb8;
	[tilespmem:$0xAA00] =	vst v63  }
0x17e: {  	s13 =	simm.s32 $0x980;
	s14 =	simm.s32 $0xA200  }
0x17f: {  	[tilespmem:s14], [sflag:$0x1] =	stream.indirect.gather [hbm4b:s5+s7], $0x10, s13, s7, $0xb8;
	[tilespmem:$0xAA00] =	vst v63  }
0x180: {  	_ =	swait.ge [sflag:s6], $0x800  }
0x181: {  	[sflag:s6] =	ssyncset.done $0x0  }
0x182: {  	[sflag:s6] =	ssyncadd.s32 $0xFFFFF800  }
0x183: {  	_ =	swait.ge [sflag:s6], $0x800  }
0x184: {  	[sflag:s6] =	ssyncset.done $0x0  }
0x185: {  	[sflag:s6] =	ssyncadd.s32 $0xFFFFF800  }
0x186: {  	_ =	swait.ge [sflag:s6], $0x800  }
0x187: {  	[sflag:s6] =	ssyncset.done $0x0  }
0x188: {  	[sflag:s6] =	ssyncadd.s32 $0xFFFFF800  }
0x189: {  	_ =	swait.ge [sflag:s6], $0x800  }
0x18a: {  	[sflag:s6] =	ssyncset.done $0x0  }
0x18b: {  	[sflag:s6] =	ssyncadd.s32 $0xFFFFF800  }
0x18c: {  	_ =	swait.ge [sflag:s6], $0x800  }
0x18d: {  	[sflag:s6] =	ssyncset.done $0x0  }
0x18e: {  	[sflag:s6] =	ssyncadd.s32 $0xFFFFF800  }
0x18f: {  	_ =	swait.ge [sflag:s6], $0x800  }
0x190: {  	[sflag:s6] =	ssyncset.done $0x0  }
0x191: {  	[sflag:s6] =	ssyncadd.s32 $0xFFFFF800  }
0x192: {  	_ =	swait.ge [sflag:s6], $0x800  }
0x193: {  	[sflag:s6] =	ssyncset.done $0x0  }
0x194: {  	[sflag:s6] =	ssyncadd.s32 $0xFFFFF800  }
0x195: {  	_ =	swait.ge [sflag:s6], $0x800  }
0x196: {  	[sflag:s6] =	ssyncset.done $0x0  }
0x197: {  	[sflag:s6] =	ssyncadd.s32 $0xFFFFF800  }
0x198: {  	_ =	swait.ge [sflag:s6], $0x800  }
0x199: {  	[sflag:s6] =	ssyncset.done $0x0  }
0x19a: {  	[sflag:s6] =	ssyncadd.s32 $0xFFFFF800  }
0x19b: {  	_ =	swait.ge [sflag:s6], $0x800  }
0x19c: {  	[sflag:s6] =	ssyncset.done $0x0  }
0x19d: {  	[sflag:s6] =	ssyncadd.s32 $0xFFFFF800  }
0x19e: {  	_ =	swait.ge [sflag:s6], $0x800  }
0x19f: {  	[sflag:s6] =	ssyncset.done $0x0  }
0x1a0: {  	[sflag:s6] =	ssyncadd.s32 $0xFFFFF800  }
0x1a1: {  	_ =	swait.ge [sflag:s6], $0x800  }
0x1a2: {  	[sflag:s6] =	ssyncset.done $0x0  }
0x1a3: {  	[sflag:s6] =	ssyncadd.s32 $0xFFFFF800  }
0x1a4: {  	_ =	swait.ge [sflag:s6], $0x800  }
0x1a5: {  	[sflag:s6] =	ssyncset.done $0x0  }
0x1a6: {  	[sflag:s6] =	ssyncadd.s32 $0xFFFFF800  }
0x1a7: {  	_ =	swait.ge [sflag:s6], $0x800  }
0x1a8: {  	[sflag:s6] =	ssyncset.done $0x0  }
0x1a9: {  	[sflag:s6] =	ssyncadd.s32 $0xFFFFF800  }
0x1aa: {  	_ =	swait.ge [sflag:s6], $0x800  }
0x1ab: {  	[sflag:s6] =	ssyncset.done $0x0  }
0x1ac: {  	[sflag:s6] =	ssyncadd.s32 $0xFFFFF800  }
0x1ad: {  	_ =	swait.ge [sflag:s6], $0x800  }
0x1ae: {  	[sflag:s6] =	ssyncset.done $0x0  }
0x1af: {  	[sflag:s6] =	ssyncadd.s32 $0xFFFFF800  }
0x1b0: {  	_ =	swait.ge [sflag:s6], $0x800  }
0x1b1: {  	[sflag:s6] =	ssyncset.done $0x0  }
0x1b2: {  	[sflag:s6] =	ssyncadd.s32 $0xFFFFF800  }
0x1b3: {  	_ =	swait.ge [sflag:s6], $0x800  }
0x1b4: {  	[sflag:s6] =	ssyncset.done $0x0  }
0x1b5: {  	[sflag:s6] =	ssyncadd.s32 $0xFFFFF800  }
0x1b6: {  	_ =	swait.ge [sflag:s6], $0x800  }
0x1b7: {  	[sflag:s6] =	ssyncset.done $0x0  }
0x1b8: {  	[sflag:s6] =	ssyncadd.s32 $0xFFFFF800  }
0x1b9: {  	_ =	swait.ge [sflag:s6], $0x800  }
0x1ba: {  	s31 =	rddreg [dreg:$0xb]  }
0x1bb: {  	p1 =	sne.s32 s31, $0x1  }
.Ltmp1:
0x1bc: {  	s2 =	simm.s32 $0x0;
	[sflag:s6] =	ssyncset.done $0x0;
	(pc) =	sbr.rel @!p1 .LBB2_4-.Ltmp1, $4  }
0x1bd: {  	s4 =	simm.s32 $0xA00;
	s30 =	rddreg [dreg:$0xa];
	[sflag:s6] =	ssyncadd.s32 $0xFFFFF800  }
0x1be: {  	[hbm4b:s30+s2] =	stream.linear.scatter [tilespmem:s4], [sflag:$0x2], $0xA000, $0x38;
	[tilespmem:$0xAA00] =	vst v63  }
0x1bf: {  	p0 =	por $0x1, $0x1;
	_ =	swait.ge [sflag:s3], $0xA000  }
0x1c0: {  	s20 =	sadd.s32 $0xFFFFFFFF, s31;
	s21 =	rddreg [dreg:$0x3];
	[sflag:s3] =	ssyncset.done $0x0  }
0x1c1: {  	s23 =	simm.s32 $0xA00  }
.LBB2_3:
0x1c2: {  	[sflag:s3] =	ssyncadd.s32 $0xFFFF6000  }
0x1c3: {  	[tilespmem:s2], [sflag:$0x2] =	stream.linear.gather [hbm4b:s21+s2], $0xA00, $0x38;
	[tilespmem:$0xAA00] =	vst v63  }
0x1c4: {  	_ =	swait.ge [sflag:s3], $0xA00  }
0x1c5: {  	[sflag:s3] =	ssyncset.done $0x0  }
0x1c6: {  	[sflag:s3] =	ssyncadd.s32 $0xFFFFF600  }
0x1c7: {  	[tilespmem:s4], [sflag:$0x1] =	stream.indirect.gather [hbm4b:s5+s7], $0x10, s2, s7, $0xb8;
	[tilespmem:$0xAA00] =	vst v63  }
0x1c8: {  	s0 =	simm.s32 $0x1200  }
0x1c9: {  	[tilespmem:s0], [sflag:$0x1] =	stream.indirect.gather [hbm4b:s5+s7], $0x10, s7, s7, $0xb8;
	[tilespmem:$0xAA00] =	vst v63  }
0x1ca: {  	s9 =	simm.s32 $0x100;
	s1 =	simm.s32 $0x1A00  }
0x1cb: {  	[tilespmem:s1], [sflag:$0x1] =	stream.indirect.gather [hbm4b:s5+s7], $0x10, s9, s7, $0xb8;
	[tilespmem:$0xAA00] =	vst v63  }
0x1cc: {  	s10 =	simm.s32 $0x180;
	s11 =	simm.s32 $0x2200  }
0x1cd: {  	[tilespmem:s11], [sflag:$0x1] =	stream.indirect.gather [hbm4b:s5+s7], $0x10, s10, s7, $0xb8;
	[tilespmem:$0xAA00] =	vst v63  }
0x1ce: {  	s12 =	simm.s32 $0x200;
	s13 =	simm.s32 $0x2A00  }
0x1cf: {  	[tilespmem:s13], [sflag:$0x1] =	stream.indirect.gather [hbm4b:s5+s7], $0x10, s12, s7, $0xb8;
	[tilespmem:$0xAA00] =	vst v63  }
0x1d0: {  	s14 =	simm.s32 $0x280;
	s15 =	simm.s32 $0x3200  }
0x1d1: {  	[tilespmem:s15], [sflag:$0x1] =	stream.indirect.gather [hbm4b:s5+s7], $0x10, s14, s7, $0xb8;
	[tilespmem:$0xAA00] =	vst v63  }
0x1d2: {  	s16 =	simm.s32 $0x300;
	s17 =	simm.s32 $0x3A00  }
0x1d3: {  	[tilespmem:s17], [sflag:$0x1] =	stream.indirect.gather [hbm4b:s5+s7], $0x10, s16, s7, $0xb8;
	[tilespmem:$0xAA00] =	vst v63  }
0x1d4: {  	s24 =	simm.s32 $0x4200;
	s21 =	simm.s32 $0x380  }
0x1d5: {  	[tilespmem:s24], [sflag:$0x1] =	stream.indirect.gather [hbm4b:s5+s7], $0x10, s21, s7, $0xb8;
	[tilespmem:$0xAA00] =	vst v63  }
0x1d6: {  	s25 =	simm.s32 $0x400;
	s26 =	simm.s32 $0x4A00  }
0x1d7: {  	[tilespmem:s26], [sflag:$0x1] =	stream.indirect.gather [hbm4b:s5+s7], $0x10, s25, s7, $0xb8;
	[tilespmem:$0xAA00] =	vst v63  }
0x1d8: {  	s2 =	simm.s32 $0x5200;
	s1 =	simm.s32 $0x480  }
0x1d9: {  	[tilespmem:s2], [sflag:$0x1] =	stream.indirect.gather [hbm4b:s5+s7], $0x10, s1, s7, $0xb8;
	[tilespmem:$0xAA00] =	vst v63  }
0x1da: {  	s8 =	simm.s32 $0x5A00;
	s4 =	simm.s32 $0x500  }
0x1db: {  	[tilespmem:s8], [sflag:$0x1] =	stream.indirect.gather [hbm4b:s5+s7], $0x10, s4, s7, $0xb8;
	[tilespmem:$0xAA00] =	vst v63  }
0x1dc: {  	s9 =	simm.s32 $0x580;
	s10 =	simm.s32 $0x6200  }
0x1dd: {  	[tilespmem:s10], [sflag:$0x1] =	stream.indirect.gather [hbm4b:s5+s7], $0x10, s9, s7, $0xb8;
	[tilespmem:$0xAA00] =	vst v63  }
0x1de: {  	s11 =	simm.s32 $0x600;
	s14 =	simm.s32 $0x6A00  }
0x1df: {  	[tilespmem:s14], [sflag:$0x1] =	stream.indirect.gather [hbm4b:s5+s7], $0x10, s11, s7, $0xb8;
	[tilespmem:$0xAA00] =	vst v63  }
0x1e0: {  	s21 =	simm.s32 $0x680;
	s24 =	simm.s32 $0x7200  }
0x1e1: {  	[tilespmem:s24], [sflag:$0x1] =	stream.indirect.gather [hbm4b:s5+s7], $0x10, s21, s7, $0xb8;
	[tilespmem:$0xAA00] =	vst v63  }
0x1e2: {  	s25 =	simm.s32 $0x700;
	s10 =	simm.s32 $0x7A00  }
0x1e3: {  	[tilespmem:s10], [sflag:$0x1] =	stream.indirect.gather [hbm4b:s5+s7], $0x10, s25, s7, $0xb8;
	[tilespmem:$0xAA00] =	vst v63  }
0x1e4: {  	s26 =	simm.s32 $0x780;
	s1 =	simm.s32 $0x8200  }
0x1e5: {  	[tilespmem:s1], [sflag:$0x1] =	stream.indirect.gather [hbm4b:s5+s7], $0x10, s26, s7, $0xb8;
	[tilespmem:$0xAA00] =	vst v63  }
0x1e6: {  	s14 =	simm.s32 $0x8A00;
	s10 =	simm.s32 $0x800  }
0x1e7: {  	[tilespmem:s14], [sflag:$0x1] =	stream.indirect.gather [hbm4b:s5+s7], $0x10, s10, s7, $0xb8;
	[tilespmem:$0xAA00] =	vst v63  }
0x1e8: {  	s24 =	simm.s32 $0x880;
	s25 =	simm.s32 $0x9200  }
0x1e9: {  	[tilespmem:s25], [sflag:$0x1] =	stream.indirect.gather [hbm4b:s5+s7], $0x10, s24, s7, $0xb8;
	[tilespmem:$0xAA00] =	vst v63  }
0x1ea: {  	s26 =	simm.s32 $0x900;
	s1 =	simm.s32 $0x9A00  }
0x1eb: {  	[tilespmem:s1], [sflag:$0x1] =	stream.indirect.gather [hbm4b:s5+s7], $0x10, s26, s7, $0xb8;
	[tilespmem:$0xAA00] =	vst v63  }
0x1ec: {  	s24 =	simm.s32 $0x980;
	s25 =	simm.s32 $0xA200  }
0x1ed: {  	[tilespmem:s25], [sflag:$0x1] =	stream.indirect.gather [hbm4b:s5+s7], $0x10, s24, s7, $0xb8;
	[tilespmem:$0xAA00] =	vst v63  }
0x1ee: {  	_ =	swait.ge [sflag:s6], $0x800  }
0x1ef: {  	[sflag:s6] =	ssyncset.done $0x0  }
0x1f0: {  	[sflag:s6] =	ssyncadd.s32 $0xFFFFF800  }
0x1f1: {  	_ =	swait.ge [sflag:s6], $0x800  }
0x1f2: {  	[sflag:s6] =	ssyncset.done $0x0  }
0x1f3: {  	[sflag:s6] =	ssyncadd.s32 $0xFFFFF800  }
0x1f4: {  	_ =	swait.ge [sflag:s6], $0x800  }
0x1f5: {  	[sflag:s6] =	ssyncset.done $0x0  }
0x1f6: {  	[sflag:s6] =	ssyncadd.s32 $0xFFFFF800  }
0x1f7: {  	_ =	swait.ge [sflag:s6], $0x800  }
0x1f8: {  	[sflag:s6] =	ssyncset.done $0x0  }
0x1f9: {  	[sflag:s6] =	ssyncadd.s32 $0xFFFFF800  }
0x1fa: {  	_ =	swait.ge [sflag:s6], $0x800  }
0x1fb: {  	[sflag:s6] =	ssyncset.done $0x0  }
0x1fc: {  	[sflag:s6] =	ssyncadd.s32 $0xFFFFF800  }
0x1fd: {  	_ =	swait.ge [sflag:s6], $0x800  }
0x1fe: {  	[sflag:s6] =	ssyncset.done $0x0  }
0x1ff: {  	[sflag:s6] =	ssyncadd.s32 $0xFFFFF800  }
0x200: {  	_ =	swait.ge [sflag:s6], $0x800  }
0x201: {  	[sflag:s6] =	ssyncset.done $0x0  }
0x202: {  	[sflag:s6] =	ssyncadd.s32 $0xFFFFF800  }
0x203: {  	_ =	swait.ge [sflag:s6], $0x800  }
0x204: {  	[sflag:s6] =	ssyncset.done $0x0  }
0x205: {  	[sflag:s6] =	ssyncadd.s32 $0xFFFFF800  }
0x206: {  	_ =	swait.ge [sflag:s6], $0x800  }
0x207: {  	[sflag:s6] =	ssyncset.done $0x0  }
0x208: {  	[sflag:s6] =	ssyncadd.s32 $0xFFFFF800  }
0x209: {  	_ =	swait.ge [sflag:s6], $0x800  }
0x20a: {  	[sflag:s6] =	ssyncset.done $0x0  }
0x20b: {  	[sflag:s6] =	ssyncadd.s32 $0xFFFFF800  }
0x20c: {  	_ =	swait.ge [sflag:s6], $0x800  }
0x20d: {  	[sflag:s6] =	ssyncset.done $0x0  }
0x20e: {  	[sflag:s6] =	ssyncadd.s32 $0xFFFFF800  }
0x20f: {  	_ =	swait.ge [sflag:s6], $0x800  }
0x210: {  	[sflag:s6] =	ssyncset.done $0x0  }
0x211: {  	[sflag:s6] =	ssyncadd.s32 $0xFFFFF800  }
0x212: {  	_ =	swait.ge [sflag:s6], $0x800  }
0x213: {  	[sflag:s6] =	ssyncset.done $0x0  }
0x214: {  	[sflag:s6] =	ssyncadd.s32 $0xFFFFF800  }
0x215: {  	_ =	swait.ge [sflag:s6], $0x800  }
0x216: {  	[sflag:s6] =	ssyncset.done $0x0  }
0x217: {  	[sflag:s6] =	ssyncadd.s32 $0xFFFFF800  }
0x218: {  	_ =	swait.ge [sflag:s6], $0x800  }
0x219: {  	[sflag:s6] =	ssyncset.done $0x0  }
0x21a: {  	[sflag:s6] =	ssyncadd.s32 $0xFFFFF800  }
0x21b: {  	_ =	swait.ge [sflag:s6], $0x800  }
0x21c: {  	[sflag:s6] =	ssyncset.done $0x0  }
0x21d: {  	[sflag:s6] =	ssyncadd.s32 $0xFFFFF800  }
0x21e: {  	_ =	swait.ge [sflag:s6], $0x800  }
0x21f: {  	[sflag:s6] =	ssyncset.done $0x0  }
0x220: {  	[sflag:s6] =	ssyncadd.s32 $0xFFFFF800  }
0x221: {  	_ =	swait.ge [sflag:s6], $0x800  }
0x222: {  	[sflag:s6] =	ssyncset.done $0x0  }
0x223: {  	[sflag:s6] =	ssyncadd.s32 $0xFFFFF800  }
0x224: {  	_ =	swait.ge [sflag:s6], $0x800  }
0x225: {  	[sflag:s6] =	ssyncset.done $0x0  }
0x226: {  	[sflag:s6] =	ssyncadd.s32 $0xFFFFF800  }
0x227: {  	_ =	swait.ge [sflag:s6], $0x800  }
0x228: {  	[sflag:s6] =	ssyncset.done $0x0  }
0x229: {  	s0 =	simm.s32 $0x0;
	s1 =	rddreg [dreg:$0x4];
	[sflag:s6] =	ssyncadd.s32 $0xFFFFF800  }
0x22a: {  	[hbm4b:s1+s0] =	stream.linear.scatter [tilespmem:s23], [sflag:$0x2], $0xA000, $0x38;
	[tilespmem:$0xAA00] =	vst v63  }
0x22b: {  	_ =	swait.ge [sflag:s3], $0xA000  }
0x22c: {  	[sflag:s3] =	ssyncset.done $0x0  }
0x22d: {  	s10 =	rddreg [dreg:$0x5];
	[sflag:s3] =	ssyncadd.s32 $0xFFFF6000  }
0x22e: {  	[tilespmem:s0], [sflag:$0x2] =	stream.linear.gather [hbm4b:s10+s0], $0xA00, $0x38;
	[tilespmem:$0xAA00] =	vst v63  }
0x22f: {  	_ =	swait.ge [sflag:s3], $0xA00  }
0x230: {  	[sflag:s3] =	ssyncset.done $0x0  }
0x231: {  	[sflag:s3] =	ssyncadd.s32 $0xFFFFF600  }
0x232: {  	[tilespmem:s23], [sflag:$0x1] =	stream.indirect.gather [hbm4b:s5+s7], $0x10, s0, s7, $0xb8;
	[tilespmem:$0xAA00] =	vst v63  }
0x233: {  	s31 =	simm.s32 $0x1200  }
0x234: {  	[tilespmem:s31], [sflag:$0x1] =	stream.indirect.gather [hbm4b:s5+s7], $0x10, s7, s7, $0xb8;
	[tilespmem:$0xAA00] =	vst v63  }
0x235: {  	s30 =	simm.s32 $0x1A00;
	s29 =	simm.s32 $0x100  }
0x236: {  	[tilespmem:s30], [sflag:$0x1] =	stream.indirect.gather [hbm4b:s5+s7], $0x10, s29, s7, $0xb8;
	[tilespmem:$0xAA00] =	vst v63  }
0x237: {  	s28 =	simm.s32 $0x2200;
	s22 =	simm.s32 $0x180  }
0x238: {  	[tilespmem:s28], [sflag:$0x1] =	stream.indirect.gather [hbm4b:s5+s7], $0x10, s22, s7, $0xb8;
	[tilespmem:$0xAA00] =	vst v63  }
0x239: {  	s19 =	simm.s32 $0x200;
	s22 =	simm.s32 $0x2A00  }
0x23a: {  	[tilespmem:s22], [sflag:$0x1] =	stream.indirect.gather [hbm4b:s5+s7], $0x10, s19, s7, $0xb8;
	[tilespmem:$0xAA00] =	vst v63  }
0x23b: {  	s18 =	simm.s32 $0x280;
	s19 =	simm.s32 $0x3200  }
0x23c: {  	[tilespmem:s19], [sflag:$0x1] =	stream.indirect.gather [hbm4b:s5+s7], $0x10, s18, s7, $0xb8;
	[tilespmem:$0xAA00] =	vst v63  }
0x23d: {  	s17 =	simm.s32 $0x300;
	s18 =	simm.s32 $0x3A00  }
0x23e: {  	[tilespmem:s18], [sflag:$0x1] =	stream.indirect.gather [hbm4b:s5+s7], $0x10, s17, s7, $0xb8;
	[tilespmem:$0xAA00] =	vst v63  }
0x23f: {  	s16 =	simm.s32 $0x380;
	s17 =	simm.s32 $0x4200  }
0x240: {  	[tilespmem:s17], [sflag:$0x1] =	stream.indirect.gather [hbm4b:s5+s7], $0x10, s16, s7, $0xb8;
	[tilespmem:$0xAA00] =	vst v63  }
0x241: {  	s15 =	simm.s32 $0x400;
	s16 =	simm.s32 $0x4A00  }
0x242: {  	[tilespmem:s16], [sflag:$0x1] =	stream.indirect.gather [hbm4b:s5+s7], $0x10, s15, s7, $0xb8;
	[tilespmem:$0xAA00] =	vst v63  }
0x243: {  	s13 =	simm.s32 $0x480;
	s15 =	simm.s32 $0x5200  }
0x244: {  	[tilespmem:s15], [sflag:$0x1] =	stream.indirect.gather [hbm4b:s5+s7], $0x10, s13, s7, $0xb8;
	[tilespmem:$0xAA00] =	vst v63  }
0x245: {  	s12 =	simm.s32 $0x500;
	s13 =	simm.s32 $0x5A00  }
0x246: {  	[tilespmem:s13], [sflag:$0x1] =	stream.indirect.gather [hbm4b:s5+s7], $0x10, s12, s7, $0xb8;
	[tilespmem:$0xAA00] =	vst v63  }
0x247: {  	s8 =	simm.s32 $0x6200;
	s9 =	simm.s32 $0x580  }
0x248: {  	[tilespmem:s8], [sflag:$0x1] =	stream.indirect.gather [hbm4b:s5+s7], $0x10, s9, s7, $0xb8;
	[tilespmem:$0xAA00] =	vst v63  }
0x249: {  	s4 =	simm.s32 $0x600;
	s9 =	simm.s32 $0x6A00  }
0x24a: {  	[tilespmem:s9], [sflag:$0x1] =	stream.indirect.gather [hbm4b:s5+s7], $0x10, s4, s7, $0xb8;
	[tilespmem:$0xAA00] =	vst v63  }
0x24b: {  	s2 =	simm.s32 $0x680;
	s11 =	simm.s32 $0x7200  }
0x24c: {  	[tilespmem:s11], [sflag:$0x1] =	stream.indirect.gather [hbm4b:s5+s7], $0x10, s2, s7, $0xb8;
	[tilespmem:$0xAA00] =	vst v63  }
0x24d: {  	s1 =	simm.s32 $0x700;
	s8 =	simm.s32 $0x7A00  }
0x24e: {  	[tilespmem:s8], [sflag:$0x1] =	stream.indirect.gather [hbm4b:s5+s7], $0x10, s1, s7, $0xb8;
	[tilespmem:$0xAA00] =	vst v63  }
0x24f: {  	s10 =	simm.s32 $0x8200;
	s2 =	simm.s32 $0x780  }
0x250: {  	[tilespmem:s10], [sflag:$0x1] =	stream.indirect.gather [hbm4b:s5+s7], $0x10, s2, s7, $0xb8;
	[tilespmem:$0xAA00] =	vst v63  }
0x251: {  	s4 =	simm.s32 $0x800;
	s11 =	simm.s32 $0x8A00  }
0x252: {  	[tilespmem:s11], [sflag:$0x1] =	stream.indirect.gather [hbm4b:s5+s7], $0x10, s4, s7, $0xb8;
	[tilespmem:$0xAA00] =	vst v63  }
0x253: {  	s14 =	simm.s32 $0x9200;
	s12 =	simm.s32 $0x880  }
0x254: {  	[tilespmem:s14], [sflag:$0x1] =	stream.indirect.gather [hbm4b:s5+s7], $0x10, s12, s7, $0xb8;
	[tilespmem:$0xAA00] =	vst v63  }
0x255: {  	s26 =	simm.s32 $0x9A00;
	s14 =	simm.s32 $0x900  }
0x256: {  	[tilespmem:s26], [sflag:$0x1] =	stream.indirect.gather [hbm4b:s5+s7], $0x10, s14, s7, $0xb8;
	[tilespmem:$0xAA00] =	vst v63  }
0x257: {  	s21 =	simm.s32 $0xA200;
	s24 =	simm.s32 $0x980  }
0x258: {  	[tilespmem:s21], [sflag:$0x1] =	stream.indirect.gather [hbm4b:s5+s7], $0x10, s24, s7, $0xb8;
	[tilespmem:$0xAA00] =	vst v63  }
0x259: {  	_ =	swait.ge [sflag:s6], $0x800  }
0x25a: {  	[sflag:s6] =	ssyncset.done $0x0  }
0x25b: {  	[sflag:s6] =	ssyncadd.s32 $0xFFFFF800  }
0x25c: {  	_ =	swait.ge [sflag:s6], $0x800  }
0x25d: {  	[sflag:s6] =	ssyncset.done $0x0  }
0x25e: {  	[sflag:s6] =	ssyncadd.s32 $0xFFFFF800  }
0x25f: {  	_ =	swait.ge [sflag:s6], $0x800  }
0x260: {  	[sflag:s6] =	ssyncset.done $0x0  }
0x261: {  	[sflag:s6] =	ssyncadd.s32 $0xFFFFF800  }
0x262: {  	_ =	swait.ge [sflag:s6], $0x800  }
0x263: {  	[sflag:s6] =	ssyncset.done $0x0  }
0x264: {  	[sflag:s6] =	ssyncadd.s32 $0xFFFFF800  }
0x265: {  	_ =	swait.ge [sflag:s6], $0x800  }
0x266: {  	[sflag:s6] =	ssyncset.done $0x0  }
0x267: {  	[sflag:s6] =	ssyncadd.s32 $0xFFFFF800  }
0x268: {  	_ =	swait.ge [sflag:s6], $0x800  }
0x269: {  	[sflag:s6] =	ssyncset.done $0x0  }
0x26a: {  	[sflag:s6] =	ssyncadd.s32 $0xFFFFF800  }
0x26b: {  	_ =	swait.ge [sflag:s6], $0x800  }
0x26c: {  	[sflag:s6] =	ssyncset.done $0x0  }
0x26d: {  	[sflag:s6] =	ssyncadd.s32 $0xFFFFF800  }
0x26e: {  	_ =	swait.ge [sflag:s6], $0x800  }
0x26f: {  	[sflag:s6] =	ssyncset.done $0x0  }
0x270: {  	[sflag:s6] =	ssyncadd.s32 $0xFFFFF800  }
0x271: {  	_ =	swait.ge [sflag:s6], $0x800  }
0x272: {  	[sflag:s6] =	ssyncset.done $0x0  }
0x273: {  	[sflag:s6] =	ssyncadd.s32 $0xFFFFF800  }
0x274: {  	_ =	swait.ge [sflag:s6], $0x800  }
0x275: {  	[sflag:s6] =	ssyncset.done $0x0  }
0x276: {  	[sflag:s6] =	ssyncadd.s32 $0xFFFFF800  }
0x277: {  	_ =	swait.ge [sflag:s6], $0x800  }
0x278: {  	[sflag:s6] =	ssyncset.done $0x0  }
0x279: {  	[sflag:s6] =	ssyncadd.s32 $0xFFFFF800  }
0x27a: {  	_ =	swait.ge [sflag:s6], $0x800  }
0x27b: {  	[sflag:s6] =	ssyncset.done $0x0  }
0x27c: {  	[sflag:s6] =	ssyncadd.s32 $0xFFFFF800  }
0x27d: {  	_ =	swait.ge [sflag:s6], $0x800  }
0x27e: {  	[sflag:s6] =	ssyncset.done $0x0  }
0x27f: {  	[sflag:s6] =	ssyncadd.s32 $0xFFFFF800  }
0x280: {  	_ =	swait.ge [sflag:s6], $0x800  }
0x281: {  	[sflag:s6] =	ssyncset.done $0x0  }
0x282: {  	[sflag:s6] =	ssyncadd.s32 $0xFFFFF800  }
0x283: {  	_ =	swait.ge [sflag:s6], $0x800  }
0x284: {  	[sflag:s6] =	ssyncset.done $0x0  }
0x285: {  	[sflag:s6] =	ssyncadd.s32 $0xFFFFF800  }
0x286: {  	_ =	swait.ge [sflag:s6], $0x800  }
0x287: {  	[sflag:s6] =	ssyncset.done $0x0  }
0x288: {  	[sflag:s6] =	ssyncadd.s32 $0xFFFFF800  }
0x289: {  	_ =	swait.ge [sflag:s6], $0x800  }
0x28a: {  	[sflag:s6] =	ssyncset.done $0x0  }
0x28b: {  	[sflag:s6] =	ssyncadd.s32 $0xFFFFF800  }
0x28c: {  	_ =	swait.ge [sflag:s6], $0x800  }
0x28d: {  	[sflag:s6] =	ssyncset.done $0x0  }
0x28e: {  	[sflag:s6] =	ssyncadd.s32 $0xFFFFF800  }
0x28f: {  	_ =	swait.ge [sflag:s6], $0x800  }
0x290: {  	[sflag:s6] =	ssyncset.done $0x0  }
0x291: {  	[sflag:s6] =	ssyncadd.s32 $0xFFFFF800  }
0x292: {  	_ =	swait.ge [sflag:s6], $0x800  }
0x293: {  	[sflag:s6] =	ssyncset.done $0x0  }
0x294: {  	s24 =	rddreg [dreg:$0x6];
	[sflag:s6] =	ssyncadd.s32 $0xFFFFF800  }
0x295: {  	[hbm4b:s24+s0] =	stream.linear.scatter [tilespmem:s23], [sflag:$0x2], $0xA000, $0x38;
	[tilespmem:$0xAA00] =	vst v63  }
0x296: {  	_ =	swait.ge [sflag:s3], $0xA000  }
0x297: {  	[sflag:s3] =	ssyncset.done $0x0  }
0x298: {  	s24 =	rddreg [dreg:$0x7];
	[sflag:s3] =	ssyncadd.s32 $0xFFFF6000  }
0x299: {  	[tilespmem:s0], [sflag:$0x2] =	stream.linear.gather [hbm4b:s24+s0], $0xA00, $0x38;
	[tilespmem:$0xAA00] =	vst v63  }
0x29a: {  	_ =	swait.ge [sflag:s3], $0xA00  }
0x29b: {  	[sflag:s3] =	ssyncset.done $0x0  }
0x29c: {  	[sflag:s3] =	ssyncadd.s32 $0xFFFFF600  }
0x29d: {  	[tilespmem:s23], [sflag:$0x1] =	stream.indirect.gather [hbm4b:s5+s7], $0x10, s0, s7, $0xb8;
	[tilespmem:$0xAA00] =	vst v63  }
0x29e: {  	s24 =	simm.s32 $0x1200  }
0x29f: {  	[tilespmem:s24], [sflag:$0x1] =	stream.indirect.gather [hbm4b:s5+s7], $0x10, s7, s7, $0xb8;
	[tilespmem:$0xAA00] =	vst v63  }
0x2a0: {  	s31 =	simm.s32 $0x100;
	s24 =	simm.s32 $0x1A00  }
0x2a1: {  	[tilespmem:s24], [sflag:$0x1] =	stream.indirect.gather [hbm4b:s5+s7], $0x10, s31, s7, $0xb8;
	[tilespmem:$0xAA00] =	vst v63  }
0x2a2: {  	s30 =	simm.s32 $0x180;
	s24 =	simm.s32 $0x2200  }
0x2a3: {  	[tilespmem:s24], [sflag:$0x1] =	stream.indirect.gather [hbm4b:s5+s7], $0x10, s30, s7, $0xb8;
	[tilespmem:$0xAA00] =	vst v63  }
0x2a4: {  	s25 =	simm.s32 $0x200  }
0x2a5: {  	[tilespmem:s22], [sflag:$0x1] =	stream.indirect.gather [hbm4b:s5+s7], $0x10, s25, s7, $0xb8;
	[tilespmem:$0xAA00] =	vst v63  }
0x2a6: {  	s24 =	simm.s32 $0x280  }
0x2a7: {  	[tilespmem:s19], [sflag:$0x1] =	stream.indirect.gather [hbm4b:s5+s7], $0x10, s24, s7, $0xb8;
	[tilespmem:$0xAA00] =	vst v63  }
0x2a8: {  	s22 =	simm.s32 $0x300  }
0x2a9: {  	[tilespmem:s18], [sflag:$0x1] =	stream.indirect.gather [hbm4b:s5+s7], $0x10, s22, s7, $0xb8;
	[tilespmem:$0xAA00] =	vst v63  }
0x2aa: {  	s19 =	simm.s32 $0x380  }
0x2ab: {  	[tilespmem:s17], [sflag:$0x1] =	stream.indirect.gather [hbm4b:s5+s7], $0x10, s19, s7, $0xb8;
	[tilespmem:$0xAA00] =	vst v63  }
0x2ac: {  	s21 =	simm.s32 $0x400  }
0x2ad: {  	[tilespmem:s16], [sflag:$0x1] =	stream.indirect.gather [hbm4b:s5+s7], $0x10, s21, s7, $0xb8;
	[tilespmem:$0xAA00] =	vst v63  }
0x2ae: {  	s17 =	simm.s32 $0x480  }
0x2af: {  	[tilespmem:s15], [sflag:$0x1] =	stream.indirect.gather [hbm4b:s5+s7], $0x10, s17, s7, $0xb8;
	[tilespmem:$0xAA00] =	vst v63  }
0x2b0: {  	s21 =	simm.s32 $0x500  }
0x2b1: {  	[tilespmem:s13], [sflag:$0x1] =	stream.indirect.gather [hbm4b:s5+s7], $0x10, s21, s7, $0xb8;
	[tilespmem:$0xAA00] =	vst v63  }
0x2b2: {  	s28 =	simm.s32 $0x6200;
	s15 =	simm.s32 $0x580  }
0x2b3: {  	[tilespmem:s28], [sflag:$0x1] =	stream.indirect.gather [hbm4b:s5+s7], $0x10, s15, s7, $0xb8;
	[tilespmem:$0xAA00] =	vst v63  }
0x2b4: {  	s29 =	simm.s32 $0x600  }
0x2b5: {  	[tilespmem:s9], [sflag:$0x1] =	stream.indirect.gather [hbm4b:s5+s7], $0x10, s29, s7, $0xb8;
	[tilespmem:$0xAA00] =	vst v63  }
0x2b6: {  	s21 =	simm.s32 $0x7200;
	s29 =	simm.s32 $0x680  }
0x2b7: {  	[tilespmem:s21], [sflag:$0x1] =	stream.indirect.gather [hbm4b:s5+s7], $0x10, s29, s7, $0xb8;
	[tilespmem:$0xAA00] =	vst v63  }
0x2b8: {  	_ = 	snop  }
0x2b9: {  	[tilespmem:s8], [sflag:$0x1] =	stream.indirect.gather [hbm4b:s5+s7], $0x10, s1, s7, $0xb8;
	[tilespmem:$0xAA00] =	vst v63  }
0x2ba: {  	_ = 	snop  }
0x2bb: {  	[tilespmem:s10], [sflag:$0x1] =	stream.indirect.gather [hbm4b:s5+s7], $0x10, s2, s7, $0xb8;
	[tilespmem:$0xAA00] =	vst v63  }
0x2bc: {  	_ = 	snop  }
0x2bd: {  	[tilespmem:s11], [sflag:$0x1] =	stream.indirect.gather [hbm4b:s5+s7], $0x10, s4, s7, $0xb8;
	[tilespmem:$0xAA00] =	vst v63  }
0x2be: {  	s4 =	simm.s32 $0x9200  }
0x2bf: {  	[tilespmem:s4], [sflag:$0x1] =	stream.indirect.gather [hbm4b:s5+s7], $0x10, s12, s7, $0xb8;
	[tilespmem:$0xAA00] =	vst v63  }
0x2c0: {  	s26 =	simm.s32 $0x9A00  }
0x2c1: {  	[tilespmem:s26], [sflag:$0x1] =	stream.indirect.gather [hbm4b:s5+s7], $0x10, s14, s7, $0xb8;
	[tilespmem:$0xAA00] =	vst v63  }
0x2c2: {  	s21 =	simm.s32 $0xA200;
	s8 =	simm.s32 $0x980  }
0x2c3: {  	[tilespmem:s21], [sflag:$0x1] =	stream.indirect.gather [hbm4b:s5+s7], $0x10, s8, s7, $0xb8;
	[tilespmem:$0xAA00] =	vst v63  }
0x2c4: {  	_ =	swait.ge [sflag:s6], $0x800  }
0x2c5: {  	[sflag:s6] =	ssyncset.done $0x0  }
0x2c6: {  	[sflag:s6] =	ssyncadd.s32 $0xFFFFF800  }
0x2c7: {  	_ =	swait.ge [sflag:s6], $0x800  }
0x2c8: {  	[sflag:s6] =	ssyncset.done $0x0  }
0x2c9: {  	[sflag:s6] =	ssyncadd.s32 $0xFFFFF800  }
0x2ca: {  	_ =	swait.ge [sflag:s6], $0x800  }
0x2cb: {  	[sflag:s6] =	ssyncset.done $0x0  }
0x2cc: {  	[sflag:s6] =	ssyncadd.s32 $0xFFFFF800  }
0x2cd: {  	_ =	swait.ge [sflag:s6], $0x800  }
0x2ce: {  	[sflag:s6] =	ssyncset.done $0x0  }
0x2cf: {  	[sflag:s6] =	ssyncadd.s32 $0xFFFFF800  }
0x2d0: {  	_ =	swait.ge [sflag:s6], $0x800  }
0x2d1: {  	[sflag:s6] =	ssyncset.done $0x0  }
0x2d2: {  	[sflag:s6] =	ssyncadd.s32 $0xFFFFF800  }
0x2d3: {  	_ =	swait.ge [sflag:s6], $0x800  }
0x2d4: {  	[sflag:s6] =	ssyncset.done $0x0  }
0x2d5: {  	[sflag:s6] =	ssyncadd.s32 $0xFFFFF800  }
0x2d6: {  	_ =	swait.ge [sflag:s6], $0x800  }
0x2d7: {  	[sflag:s6] =	ssyncset.done $0x0  }
0x2d8: {  	[sflag:s6] =	ssyncadd.s32 $0xFFFFF800  }
0x2d9: {  	_ =	swait.ge [sflag:s6], $0x800  }
0x2da: {  	[sflag:s6] =	ssyncset.done $0x0  }
0x2db: {  	[sflag:s6] =	ssyncadd.s32 $0xFFFFF800  }
0x2dc: {  	_ =	swait.ge [sflag:s6], $0x800  }
0x2dd: {  	[sflag:s6] =	ssyncset.done $0x0  }
0x2de: {  	[sflag:s6] =	ssyncadd.s32 $0xFFFFF800  }
0x2df: {  	_ =	swait.ge [sflag:s6], $0x800  }
0x2e0: {  	[sflag:s6] =	ssyncset.done $0x0  }
0x2e1: {  	[sflag:s6] =	ssyncadd.s32 $0xFFFFF800  }
0x2e2: {  	_ =	swait.ge [sflag:s6], $0x800  }
0x2e3: {  	[sflag:s6] =	ssyncset.done $0x0  }
0x2e4: {  	[sflag:s6] =	ssyncadd.s32 $0xFFFFF800  }
0x2e5: {  	_ =	swait.ge [sflag:s6], $0x800  }
0x2e6: {  	[sflag:s6] =	ssyncset.done $0x0  }
0x2e7: {  	[sflag:s6] =	ssyncadd.s32 $0xFFFFF800  }
0x2e8: {  	_ =	swait.ge [sflag:s6], $0x800  }
0x2e9: {  	[sflag:s6] =	ssyncset.done $0x0  }
0x2ea: {  	[sflag:s6] =	ssyncadd.s32 $0xFFFFF800  }
0x2eb: {  	_ =	swait.ge [sflag:s6], $0x800  }
0x2ec: {  	[sflag:s6] =	ssyncset.done $0x0  }
0x2ed: {  	[sflag:s6] =	ssyncadd.s32 $0xFFFFF800  }
0x2ee: {  	_ =	swait.ge [sflag:s6], $0x800  }
0x2ef: {  	[sflag:s6] =	ssyncset.done $0x0  }
0x2f0: {  	[sflag:s6] =	ssyncadd.s32 $0xFFFFF800  }
0x2f1: {  	_ =	swait.ge [sflag:s6], $0x800  }
0x2f2: {  	[sflag:s6] =	ssyncset.done $0x0  }
0x2f3: {  	[sflag:s6] =	ssyncadd.s32 $0xFFFFF800  }
0x2f4: {  	_ =	swait.ge [sflag:s6], $0x800  }
0x2f5: {  	[sflag:s6] =	ssyncset.done $0x0  }
0x2f6: {  	[sflag:s6] =	ssyncadd.s32 $0xFFFFF800  }
0x2f7: {  	_ =	swait.ge [sflag:s6], $0x800  }
0x2f8: {  	[sflag:s6] =	ssyncset.done $0x0  }
0x2f9: {  	[sflag:s6] =	ssyncadd.s32 $0xFFFFF800  }
0x2fa: {  	_ =	swait.ge [sflag:s6], $0x800  }
0x2fb: {  	[sflag:s6] =	ssyncset.done $0x0  }
0x2fc: {  	[sflag:s6] =	ssyncadd.s32 $0xFFFFF800  }
0x2fd: {  	_ =	swait.ge [sflag:s6], $0x800  }
0x2fe: {  	[sflag:s6] =	ssyncset.done $0x0  }
0x2ff: {  	s4 =	rddreg [dreg:$0x8];
	[sflag:s6] =	ssyncadd.s32 $0xFFFFF800  }
0x300: {  	[hbm4b:s4+s0] =	stream.linear.scatter [tilespmem:s23], [sflag:$0x2], $0xA000, $0x38;
	[tilespmem:$0xAA00] =	vst v63  }
0x301: {  	_ =	swait.ge [sflag:s3], $0xA000  }
0x302: {  	[sflag:s3] =	ssyncset.done $0x0  }
0x303: {  	s2 =	rddreg [dreg:$0x9];
	[sflag:s3] =	ssyncadd.s32 $0xFFFF6000  }
0x304: {  	[tilespmem:s0], [sflag:$0x2] =	stream.linear.gather [hbm4b:s2+s0], $0xA00, $0x38;
	[tilespmem:$0xAA00] =	vst v63  }
0x305: {  	_ =	swait.ge [sflag:s3], $0xA00  }
0x306: {  	[sflag:s3] =	ssyncset.done $0x0  }
0x307: {  	[sflag:s3] =	ssyncadd.s32 $0xFFFFF600  }
0x308: {  	[tilespmem:s23], [sflag:$0x1] =	stream.indirect.gather [hbm4b:s5+s7], $0x10, s0, s7, $0xb8;
	[tilespmem:$0xAA00] =	vst v63  }
0x309: {  	s4 =	simm.s32 $0x1200  }
0x30a: {  	[tilespmem:s4], [sflag:$0x1] =	stream.indirect.gather [hbm4b:s5+s7], $0x10, s7, s7, $0xb8;
	[tilespmem:$0xAA00] =	vst v63  }
0x30b: {  	s31 =	simm.s32 $0x1A00;
	s21 =	simm.s32 $0x100  }
0x30c: {  	[tilespmem:s31], [sflag:$0x1] =	stream.indirect.gather [hbm4b:s5+s7], $0x10, s21, s7, $0xb8;
	[tilespmem:$0xAA00] =	vst v63  }
0x30d: {  	s30 =	simm.s32 $0x2200;
	s4 =	simm.s32 $0x180  }
0x30e: {  	[tilespmem:s30], [sflag:$0x1] =	stream.indirect.gather [hbm4b:s5+s7], $0x10, s4, s7, $0xb8;
	[tilespmem:$0xAA00] =	vst v63  }
0x30f: {  	s25 =	simm.s32 $0x2A00;
	s21 =	simm.s32 $0x200  }
0x310: {  	[tilespmem:s25], [sflag:$0x1] =	stream.indirect.gather [hbm4b:s5+s7], $0x10, s21, s7, $0xb8;
	[tilespmem:$0xAA00] =	vst v63  }
0x311: {  	s24 =	simm.s32 $0x3200;
	s25 =	simm.s32 $0x280  }
0x312: {  	[tilespmem:s24], [sflag:$0x1] =	stream.indirect.gather [hbm4b:s5+s7], $0x10, s25, s7, $0xb8;
	[tilespmem:$0xAA00] =	vst v63  }
0x313: {  	s22 =	simm.s32 $0x3A00;
	s30 =	simm.s32 $0x300  }
0x314: {  	[tilespmem:s22], [sflag:$0x1] =	stream.indirect.gather [hbm4b:s5+s7], $0x10, s30, s7, $0xb8;
	[tilespmem:$0xAA00] =	vst v63  }
0x315: {  	s19 =	simm.s32 $0x4200;
	s31 =	simm.s32 $0x380  }
0x316: {  	[tilespmem:s19], [sflag:$0x1] =	stream.indirect.gather [hbm4b:s5+s7], $0x10, s31, s7, $0xb8;
	[tilespmem:$0xAA00] =	vst v63  }
0x317: {  	s18 =	simm.s32 $0x4A00;
	s4 =	simm.s32 $0x400  }
0x318: {  	[tilespmem:s18], [sflag:$0x1] =	stream.indirect.gather [hbm4b:s5+s7], $0x10, s4, s7, $0xb8;
	[tilespmem:$0xAA00] =	vst v63  }
0x319: {  	s17 =	simm.s32 $0x5200;
	s19 =	simm.s32 $0x480  }
0x31a: {  	[tilespmem:s17], [sflag:$0x1] =	stream.indirect.gather [hbm4b:s5+s7], $0x10, s19, s7, $0xb8;
	[tilespmem:$0xAA00] =	vst v63  }
0x31b: {  	s16 =	simm.s32 $0x5A00;
	s21 =	simm.s32 $0x500  }
0x31c: {  	[tilespmem:s16], [sflag:$0x1] =	stream.indirect.gather [hbm4b:s5+s7], $0x10, s21, s7, $0xb8;
	[tilespmem:$0xAA00] =	vst v63  }
0x31d: {  	s28 =	simm.s32 $0x580;
	s22 =	simm.s32 $0x6200  }
0x31e: {  	[tilespmem:s22], [sflag:$0x1] =	stream.indirect.gather [hbm4b:s5+s7], $0x10, s28, s7, $0xb8;
	[tilespmem:$0xAA00] =	vst v63  }
0x31f: {  	s15 =	simm.s32 $0x6A00;
	s24 =	simm.s32 $0x600  }
0x320: {  	[tilespmem:s15], [sflag:$0x1] =	stream.indirect.gather [hbm4b:s5+s7], $0x10, s24, s7, $0xb8;
	[tilespmem:$0xAA00] =	vst v63  }
0x321: {  	s29 =	simm.s32 $0x7200;
	s25 =	simm.s32 $0x680  }
0x322: {  	[tilespmem:s29], [sflag:$0x1] =	stream.indirect.gather [hbm4b:s5+s7], $0x10, s25, s7, $0xb8;
	[tilespmem:$0xAA00] =	vst v63  }
0x323: {  	s1 =	simm.s32 $0x7A00;
	s28 =	simm.s32 $0x700  }
0x324: {  	[tilespmem:s1], [sflag:$0x1] =	stream.indirect.gather [hbm4b:s5+s7], $0x10, s28, s7, $0xb8;
	[tilespmem:$0xAA00] =	vst v63  }
0x325: {  	s13 =	simm.s32 $0x8200;
	s9 =	simm.s32 $0x780  }
0x326: {  	[tilespmem:s13], [sflag:$0x1] =	stream.indirect.gather [hbm4b:s5+s7], $0x10, s9, s7, $0xb8;
	[tilespmem:$0xAA00] =	vst v63  }
0x327: {  	s10 =	simm.s32 $0x8A00;
	s11 =	simm.s32 $0x800  }
0x328: {  	[tilespmem:s10], [sflag:$0x1] =	stream.indirect.gather [hbm4b:s5+s7], $0x10, s11, s7, $0xb8;
	[tilespmem:$0xAA00] =	vst v63  }
0x329: {  	s12 =	simm.s32 $0x880;
	s29 =	simm.s32 $0x9200  }
0x32a: {  	[tilespmem:s29], [sflag:$0x1] =	stream.indirect.gather [hbm4b:s5+s7], $0x10, s12, s7, $0xb8;
	[tilespmem:$0xAA00] =	vst v63  }
0x32b: {  	s26 =	simm.s32 $0x9A00;
	s14 =	simm.s32 $0x900  }
0x32c: {  	[tilespmem:s26], [sflag:$0x1] =	stream.indirect.gather [hbm4b:s5+s7], $0x10, s14, s7, $0xb8;
	[tilespmem:$0xAA00] =	vst v63  }
0x32d: {  	s8 =	simm.s32 $0x980;
	s30 =	simm.s32 $0xA200  }
0x32e: {  	[tilespmem:s30], [sflag:$0x1] =	stream.indirect.gather [hbm4b:s5+s7], $0x10, s8, s7, $0xb8;
	[tilespmem:$0xAA00] =	vst v63  }
0x32f: {  	_ =	swait.ge [sflag:s6], $0x800  }
0x330: {  	[sflag:s6] =	ssyncset.done $0x0  }
0x331: {  	[sflag:s6] =	ssyncadd.s32 $0xFFFFF800  }
0x332: {  	_ =	swait.ge [sflag:s6], $0x800  }
0x333: {  	[sflag:s6] =	ssyncset.done $0x0  }
0x334: {  	[sflag:s6] =	ssyncadd.s32 $0xFFFFF800  }
0x335: {  	_ =	swait.ge [sflag:s6], $0x800  }
0x336: {  	[sflag:s6] =	ssyncset.done $0x0  }
0x337: {  	[sflag:s6] =	ssyncadd.s32 $0xFFFFF800  }
0x338: {  	_ =	swait.ge [sflag:s6], $0x800  }
0x339: {  	[sflag:s6] =	ssyncset.done $0x0  }
0x33a: {  	[sflag:s6] =	ssyncadd.s32 $0xFFFFF800  }
0x33b: {  	_ =	swait.ge [sflag:s6], $0x800  }
0x33c: {  	[sflag:s6] =	ssyncset.done $0x0  }
0x33d: {  	[sflag:s6] =	ssyncadd.s32 $0xFFFFF800  }
0x33e: {  	_ =	swait.ge [sflag:s6], $0x800  }
0x33f: {  	[sflag:s6] =	ssyncset.done $0x0  }
0x340: {  	[sflag:s6] =	ssyncadd.s32 $0xFFFFF800  }
0x341: {  	_ =	swait.ge [sflag:s6], $0x800  }
0x342: {  	[sflag:s6] =	ssyncset.done $0x0  }
0x343: {  	[sflag:s6] =	ssyncadd.s32 $0xFFFFF800  }
0x344: {  	_ =	swait.ge [sflag:s6], $0x800  }
0x345: {  	[sflag:s6] =	ssyncset.done $0x0  }
0x346: {  	[sflag:s6] =	ssyncadd.s32 $0xFFFFF800  }
0x347: {  	_ =	swait.ge [sflag:s6], $0x800  }
0x348: {  	[sflag:s6] =	ssyncset.done $0x0  }
0x349: {  	[sflag:s6] =	ssyncadd.s32 $0xFFFFF800  }
0x34a: {  	_ =	swait.ge [sflag:s6], $0x800  }
0x34b: {  	[sflag:s6] =	ssyncset.done $0x0  }
0x34c: {  	[sflag:s6] =	ssyncadd.s32 $0xFFFFF800  }
0x34d: {  	_ =	swait.ge [sflag:s6], $0x800  }
0x34e: {  	[sflag:s6] =	ssyncset.done $0x0  }
0x34f: {  	[sflag:s6] =	ssyncadd.s32 $0xFFFFF800  }
0x350: {  	_ =	swait.ge [sflag:s6], $0x800  }
0x351: {  	[sflag:s6] =	ssyncset.done $0x0  }
0x352: {  	[sflag:s6] =	ssyncadd.s32 $0xFFFFF800  }
0x353: {  	_ =	swait.ge [sflag:s6], $0x800  }
0x354: {  	[sflag:s6] =	ssyncset.done $0x0  }
0x355: {  	[sflag:s6] =	ssyncadd.s32 $0xFFFFF800  }
0x356: {  	_ =	swait.ge [sflag:s6], $0x800  }
0x357: {  	[sflag:s6] =	ssyncset.done $0x0  }
0x358: {  	[sflag:s6] =	ssyncadd.s32 $0xFFFFF800  }
0x359: {  	_ =	swait.ge [sflag:s6], $0x800  }
0x35a: {  	[sflag:s6] =	ssyncset.done $0x0  }
0x35b: {  	[sflag:s6] =	ssyncadd.s32 $0xFFFFF800  }
0x35c: {  	_ =	swait.ge [sflag:s6], $0x800  }
0x35d: {  	[sflag:s6] =	ssyncset.done $0x0  }
0x35e: {  	[sflag:s6] =	ssyncadd.s32 $0xFFFFF800  }
0x35f: {  	_ =	swait.ge [sflag:s6], $0x800  }
0x360: {  	[sflag:s6] =	ssyncset.done $0x0  }
0x361: {  	[sflag:s6] =	ssyncadd.s32 $0xFFFFF800  }
0x362: {  	_ =	swait.ge [sflag:s6], $0x800  }
0x363: {  	[sflag:s6] =	ssyncset.done $0x0  }
0x364: {  	[sflag:s6] =	ssyncadd.s32 $0xFFFFF800  }
0x365: {  	_ =	swait.ge [sflag:s6], $0x800  }
0x366: {  	[sflag:s6] =	ssyncset.done $0x0  }
0x367: {  	[sflag:s6] =	ssyncadd.s32 $0xFFFFF800  }
0x368: {  	p1 =	sne.s32 s20, $0x1;
	_ =	swait.ge [sflag:s6], $0x800  }
.Ltmp2:
0x369: {  	s2 =	simm.s32 $0x0;
	[sflag:s6] =	ssyncset.done $0x0;
	(pc) =	sbr.rel @p1 .LBB2_3-.Ltmp2, $4  }
0x36a: {  	s4 =	simm.s32 $0xA00;
	s31 =	rddreg [dreg:$0xa];
	[sflag:s6] =	ssyncadd.s32 $0xFFFFF800  }
0x36b: {  	[hbm4b:s31+s2] =	stream.linear.scatter [tilespmem:s4], [sflag:$0x2], $0xA000, $0x38;
	[tilespmem:$0xAA00] =	vst v63  }
0x36c: {  	_ =	swait.ge [sflag:s3], $0xA000  }
0x36d: {  	s20 =	sadd.s32 $0xFFFFFFFF, s20;
	s21 =	rddreg [dreg:$0x3];
	[sflag:s3] =	ssyncset.done $0x0  }
.LBB2_4:
0x36e: {  	[sflag:s3] =	ssyncadd.s32 @p0 $0xFFFF6000  }
0x36f: {  	[tilespmem:s2], [sflag:$0x2] =	stream.linear.gather [hbm4b:s21+s2], $0xA00, $0x38;
	[tilespmem:$0xAA00] =	vst v63  }
0x370: {  	_ =	swait.ge [sflag:s3], $0xA00  }
0x371: {  	[sflag:s3] =	ssyncset.done $0x0  }
0x372: {  	[sflag:s3] =	ssyncadd.s32 $0xFFFFF600  }
0x373: {  	[tilespmem:s4], [sflag:$0x1] =	stream.indirect.gather [hbm4b:s5+s7], $0x10, s2, s7, $0xb8;
	[tilespmem:$0xAA00] =	vst v63  }
0x374: {  	s0 =	simm.s32 $0x1200  }
0x375: {  	[tilespmem:s0], [sflag:$0x1] =	stream.indirect.gather [hbm4b:s5+s7], $0x10, s7, s7, $0xb8;
	[tilespmem:$0xAA00] =	vst v63  }
0x376: {  	s24 =	simm.s32 $0x100;
	s1 =	simm.s32 $0x1A00  }
0x377: {  	[tilespmem:s1], [sflag:$0x1] =	stream.indirect.gather [hbm4b:s5+s7], $0x10, s24, s7, $0xb8;
	[tilespmem:$0xAA00] =	vst v63  }
0x378: {  	s25 =	simm.s32 $0x180;
	s26 =	simm.s32 $0x2200  }
0x379: {  	[tilespmem:s26], [sflag:$0x1] =	stream.indirect.gather [hbm4b:s5+s7], $0x10, s25, s7, $0xb8;
	[tilespmem:$0xAA00] =	vst v63  }
0x37a: {  	s28 =	simm.s32 $0x200;
	s29 =	simm.s32 $0x2A00  }
0x37b: {  	[tilespmem:s29], [sflag:$0x1] =	stream.indirect.gather [hbm4b:s5+s7], $0x10, s28, s7, $0xb8;
	[tilespmem:$0xAA00] =	vst v63  }
0x37c: {  	s30 =	simm.s32 $0x280;
	s31 =	simm.s32 $0x3200  }
0x37d: {  	[tilespmem:s31], [sflag:$0x1] =	stream.indirect.gather [hbm4b:s5+s7], $0x10, s30, s7, $0xb8;
	[tilespmem:$0xAA00] =	vst v63  }
0x37e: {  	s8 =	simm.s32 $0x300;
	s9 =	simm.s32 $0x3A00  }
0x37f: {  	[tilespmem:s9], [sflag:$0x1] =	stream.indirect.gather [hbm4b:s5+s7], $0x10, s8, s7, $0xb8;
	[tilespmem:$0xAA00] =	vst v63  }
0x380: {  	s10 =	simm.s32 $0x380;
	s11 =	simm.s32 $0x4200  }
0x381: {  	[tilespmem:s11], [sflag:$0x1] =	stream.indirect.gather [hbm4b:s5+s7], $0x10, s10, s7, $0xb8;
	[tilespmem:$0xAA00] =	vst v63  }
0x382: {  	s12 =	simm.s32 $0x400;
	s13 =	simm.s32 $0x4A00  }
0x383: {  	[tilespmem:s13], [sflag:$0x1] =	stream.indirect.gather [hbm4b:s5+s7], $0x10, s12, s7, $0xb8;
	[tilespmem:$0xAA00] =	vst v63  }
0x384: {  	s14 =	simm.s32 $0x480;
	s15 =	simm.s32 $0x5200  }
0x385: {  	[tilespmem:s15], [sflag:$0x1] =	stream.indirect.gather [hbm4b:s5+s7], $0x10, s14, s7, $0xb8;
	[tilespmem:$0xAA00] =	vst v63  }
0x386: {  	s16 =	simm.s32 $0x500;
	s17 =	simm.s32 $0x5A00  }
0x387: {  	[tilespmem:s17], [sflag:$0x1] =	stream.indirect.gather [hbm4b:s5+s7], $0x10, s16, s7, $0xb8;
	[tilespmem:$0xAA00] =	vst v63  }
0x388: {  	s18 =	simm.s32 $0x580;
	s19 =	simm.s32 $0x6200  }
0x389: {  	[tilespmem:s19], [sflag:$0x1] =	stream.indirect.gather [hbm4b:s5+s7], $0x10, s18, s7, $0xb8;
	[tilespmem:$0xAA00] =	vst v63  }
0x38a: {  	s20 =	simm.s32 $0x600;
	s21 =	simm.s32 $0x6A00  }
0x38b: {  	[tilespmem:s21], [sflag:$0x1] =	stream.indirect.gather [hbm4b:s5+s7], $0x10, s20, s7, $0xb8;
	[tilespmem:$0xAA00] =	vst v63  }
0x38c: {  	s1 =	simm.s32 $0x680;
	s8 =	simm.s32 $0x7200  }
0x38d: {  	[tilespmem:s8], [sflag:$0x1] =	stream.indirect.gather [hbm4b:s5+s7], $0x10, s1, s7, $0xb8;
	[tilespmem:$0xAA00] =	vst v63  }
0x38e: {  	s13 =	simm.s32 $0x700;
	s14 =	simm.s32 $0x7A00  }
0x38f: {  	[tilespmem:s14], [sflag:$0x1] =	stream.indirect.gather [hbm4b:s5+s7], $0x10, s13, s7, $0xb8;
	[tilespmem:$0xAA00] =	vst v63  }
0x390: {  	s16 =	simm.s32 $0x780;
	s20 =	simm.s32 $0x8200  }
0x391: {  	[tilespmem:s20], [sflag:$0x1] =	stream.indirect.gather [hbm4b:s5+s7], $0x10, s16, s7, $0xb8;
	[tilespmem:$0xAA00] =	vst v63  }
0x392: {  	s8 =	simm.s32 $0x800;
	s14 =	simm.s32 $0x8A00  }
0x393: {  	[tilespmem:s14], [sflag:$0x1] =	stream.indirect.gather [hbm4b:s5+s7], $0x10, s8, s7, $0xb8;
	[tilespmem:$0xAA00] =	vst v63  }
0x394: {  	s16 =	simm.s32 $0x880;
	s20 =	simm.s32 $0x9200  }
0x395: {  	[tilespmem:s20], [sflag:$0x1] =	stream.indirect.gather [hbm4b:s5+s7], $0x10, s16, s7, $0xb8;
	[tilespmem:$0xAA00] =	vst v63  }
0x396: {  	s8 =	simm.s32 $0x900;
	s14 =	simm.s32 $0x9A00  }
0x397: {  	[tilespmem:s14], [sflag:$0x1] =	stream.indirect.gather [hbm4b:s5+s7], $0x10, s8, s7, $0xb8;
	[tilespmem:$0xAA00] =	vst v63  }
0x398: {  	s16 =	simm.s32 $0x980;
	s20 =	simm.s32 $0xA200  }
0x399: {  	[tilespmem:s20], [sflag:$0x1] =	stream.indirect.gather [hbm4b:s5+s7], $0x10, s16, s7, $0xb8;
	[tilespmem:$0xAA00] =	vst v63  }
0x39a: {  	_ =	swait.ge [sflag:s6], $0x800  }
0x39b: {  	[sflag:s6] =	ssyncset.done $0x0  }
0x39c: {  	[sflag:s6] =	ssyncadd.s32 $0xFFFFF800  }
0x39d: {  	_ =	swait.ge [sflag:s6], $0x800  }
0x39e: {  	[sflag:s6] =	ssyncset.done $0x0  }
0x39f: {  	[sflag:s6] =	ssyncadd.s32 $0xFFFFF800  }
0x3a0: {  	_ =	swait.ge [sflag:s6], $0x800  }
0x3a1: {  	[sflag:s6] =	ssyncset.done $0x0  }
0x3a2: {  	[sflag:s6] =	ssyncadd.s32 $0xFFFFF800  }
0x3a3: {  	_ =	swait.ge [sflag:s6], $0x800  }
0x3a4: {  	[sflag:s6] =	ssyncset.done $0x0  }
0x3a5: {  	[sflag:s6] =	ssyncadd.s32 $0xFFFFF800  }
0x3a6: {  	_ =	swait.ge [sflag:s6], $0x800  }
0x3a7: {  	[sflag:s6] =	ssyncset.done $0x0  }
0x3a8: {  	[sflag:s6] =	ssyncadd.s32 $0xFFFFF800  }
0x3a9: {  	_ =	swait.ge [sflag:s6], $0x800  }
0x3aa: {  	[sflag:s6] =	ssyncset.done $0x0  }
0x3ab: {  	[sflag:s6] =	ssyncadd.s32 $0xFFFFF800  }
0x3ac: {  	_ =	swait.ge [sflag:s6], $0x800  }
0x3ad: {  	[sflag:s6] =	ssyncset.done $0x0  }
0x3ae: {  	[sflag:s6] =	ssyncadd.s32 $0xFFFFF800  }
0x3af: {  	_ =	swait.ge [sflag:s6], $0x800  }
0x3b0: {  	[sflag:s6] =	ssyncset.done $0x0  }
0x3b1: {  	[sflag:s6] =	ssyncadd.s32 $0xFFFFF800  }
0x3b2: {  	_ =	swait.ge [sflag:s6], $0x800  }
0x3b3: {  	[sflag:s6] =	ssyncset.done $0x0  }
0x3b4: {  	[sflag:s6] =	ssyncadd.s32 $0xFFFFF800  }
0x3b5: {  	_ =	swait.ge [sflag:s6], $0x800  }
0x3b6: {  	[sflag:s6] =	ssyncset.done $0x0  }
0x3b7: {  	[sflag:s6] =	ssyncadd.s32 $0xFFFFF800  }
0x3b8: {  	_ =	swait.ge [sflag:s6], $0x800  }
0x3b9: {  	[sflag:s6] =	ssyncset.done $0x0  }
0x3ba: {  	[sflag:s6] =	ssyncadd.s32 $0xFFFFF800  }
0x3bb: {  	_ =	swait.ge [sflag:s6], $0x800  }
0x3bc: {  	[sflag:s6] =	ssyncset.done $0x0  }
0x3bd: {  	[sflag:s6] =	ssyncadd.s32 $0xFFFFF800  }
0x3be: {  	_ =	swait.ge [sflag:s6], $0x800  }
0x3bf: {  	[sflag:s6] =	ssyncset.done $0x0  }
0x3c0: {  	[sflag:s6] =	ssyncadd.s32 $0xFFFFF800  }
0x3c1: {  	_ =	swait.ge [sflag:s6], $0x800  }
0x3c2: {  	[sflag:s6] =	ssyncset.done $0x0  }
0x3c3: {  	[sflag:s6] =	ssyncadd.s32 $0xFFFFF800  }
0x3c4: {  	_ =	swait.ge [sflag:s6], $0x800  }
0x3c5: {  	[sflag:s6] =	ssyncset.done $0x0  }
0x3c6: {  	[sflag:s6] =	ssyncadd.s32 $0xFFFFF800  }
0x3c7: {  	_ =	swait.ge [sflag:s6], $0x800  }
0x3c8: {  	[sflag:s6] =	ssyncset.done $0x0  }
0x3c9: {  	[sflag:s6] =	ssyncadd.s32 $0xFFFFF800  }
0x3ca: {  	_ =	swait.ge [sflag:s6], $0x800  }
0x3cb: {  	[sflag:s6] =	ssyncset.done $0x0  }
0x3cc: {  	[sflag:s6] =	ssyncadd.s32 $0xFFFFF800  }
0x3cd: {  	_ =	swait.ge [sflag:s6], $0x800  }
0x3ce: {  	[sflag:s6] =	ssyncset.done $0x0  }
0x3cf: {  	[sflag:s6] =	ssyncadd.s32 $0xFFFFF800  }
0x3d0: {  	_ =	swait.ge [sflag:s6], $0x800  }
0x3d1: {  	[sflag:s6] =	ssyncset.done $0x0  }
0x3d2: {  	[sflag:s6] =	ssyncadd.s32 $0xFFFFF800  }
0x3d3: {  	_ =	swait.ge [sflag:s6], $0x800  }
0x3d4: {  	[sflag:s6] =	ssyncset.done $0x0  }
0x3d5: {  	s20 =	rddreg [dreg:$0x4];
	[sflag:s6] =	ssyncadd.s32 $0xFFFFF800  }
0x3d6: {  	[hbm4b:s20+s2] =	stream.linear.scatter [tilespmem:s4], [sflag:$0x2], $0xA000, $0x38;
	[tilespmem:$0xAA00] =	vst v63  }
0x3d7: {  	_ =	swait.ge [sflag:s3], $0xA000  }
0x3d8: {  	[sflag:s3] =	ssyncset.done $0x0  }
0x3d9: {  	s8 =	rddreg [dreg:$0x5];
	[sflag:s3] =	ssyncadd.s32 $0xFFFF6000  }
0x3da: {  	[tilespmem:s2], [sflag:$0x2] =	stream.linear.gather [hbm4b:s8+s2], $0xA00, $0x38;
	[tilespmem:$0xAA00] =	vst v63  }
0x3db: {  	_ =	swait.ge [sflag:s3], $0xA00  }
0x3dc: {  	[sflag:s3] =	ssyncset.done $0x0  }
0x3dd: {  	[sflag:s3] =	ssyncadd.s32 $0xFFFFF600  }
0x3de: {  	[tilespmem:s4], [sflag:$0x1] =	stream.indirect.gather [hbm4b:s5+s7], $0x10, s2, s7, $0xb8;
	[tilespmem:$0xAA00] =	vst v63  }
0x3df: {  	s8 =	simm.s32 $0x1200  }
0x3e0: {  	[tilespmem:s8], [sflag:$0x1] =	stream.indirect.gather [hbm4b:s5+s7], $0x10, s7, s7, $0xb8;
	[tilespmem:$0xAA00] =	vst v63  }
0x3e1: {  	s1 =	simm.s32 $0x100;
	s20 =	simm.s32 $0x1A00  }
0x3e2: {  	[tilespmem:s20], [sflag:$0x1] =	stream.indirect.gather [hbm4b:s5+s7], $0x10, s1, s7, $0xb8;
	[tilespmem:$0xAA00] =	vst v63  }
0x3e3: {  	s0 =	simm.s32 $0x180;
	s20 =	simm.s32 $0x2200  }
0x3e4: {  	[tilespmem:s20], [sflag:$0x1] =	stream.indirect.gather [hbm4b:s5+s7], $0x10, s0, s7, $0xb8;
	[tilespmem:$0xAA00] =	vst v63  }
0x3e5: {  	s0 =	simm.s32 $0x200;
	s20 =	simm.s32 $0x2A00  }
0x3e6: {  	[tilespmem:s20], [sflag:$0x1] =	stream.indirect.gather [hbm4b:s5+s7], $0x10, s0, s7, $0xb8;
	[tilespmem:$0xAA00] =	vst v63  }
0x3e7: {  	s31 =	simm.s32 $0x280;
	s20 =	simm.s32 $0x3200  }
0x3e8: {  	[tilespmem:s20], [sflag:$0x1] =	stream.indirect.gather [hbm4b:s5+s7], $0x10, s31, s7, $0xb8;
	[tilespmem:$0xAA00] =	vst v63  }
0x3e9: {  	s29 =	simm.s32 $0x300;
	s30 =	simm.s32 $0x3A00  }
0x3ea: {  	[tilespmem:s30], [sflag:$0x1] =	stream.indirect.gather [hbm4b:s5+s7], $0x10, s29, s7, $0xb8;
	[tilespmem:$0xAA00] =	vst v63  }
0x3eb: {  	s26 =	simm.s32 $0x380;
	s28 =	simm.s32 $0x4200  }
0x3ec: {  	[tilespmem:s28], [sflag:$0x1] =	stream.indirect.gather [hbm4b:s5+s7], $0x10, s26, s7, $0xb8;
	[tilespmem:$0xAA00] =	vst v63  }
0x3ed: {  	s24 =	simm.s32 $0x400;
	s25 =	simm.s32 $0x4A00  }
0x3ee: {  	[tilespmem:s25], [sflag:$0x1] =	stream.indirect.gather [hbm4b:s5+s7], $0x10, s24, s7, $0xb8;
	[tilespmem:$0xAA00] =	vst v63  }
0x3ef: {  	s23 =	simm.s32 $0x5200;
	s22 =	simm.s32 $0x480  }
0x3f0: {  	[tilespmem:s23], [sflag:$0x1] =	stream.indirect.gather [hbm4b:s5+s7], $0x10, s22, s7, $0xb8;
	[tilespmem:$0xAA00] =	vst v63  }
0x3f1: {  	s15 =	simm.s32 $0x500;
	s17 =	simm.s32 $0x5A00  }
0x3f2: {  	[tilespmem:s17], [sflag:$0x1] =	stream.indirect.gather [hbm4b:s5+s7], $0x10, s15, s7, $0xb8;
	[tilespmem:$0xAA00] =	vst v63  }
0x3f3: {  	s11 =	simm.s32 $0x580;
	s12 =	simm.s32 $0x6200  }
0x3f4: {  	[tilespmem:s12], [sflag:$0x1] =	stream.indirect.gather [hbm4b:s5+s7], $0x10, s11, s7, $0xb8;
	[tilespmem:$0xAA00] =	vst v63  }
0x3f5: {  	s9 =	simm.s32 $0x600;
	s10 =	simm.s32 $0x6A00  }
0x3f6: {  	[tilespmem:s10], [sflag:$0x1] =	stream.indirect.gather [hbm4b:s5+s7], $0x10, s9, s7, $0xb8;
	[tilespmem:$0xAA00] =	vst v63  }
0x3f7: {  	s19 =	simm.s32 $0x680;
	s21 =	simm.s32 $0x7200  }
0x3f8: {  	[tilespmem:s21], [sflag:$0x1] =	stream.indirect.gather [hbm4b:s5+s7], $0x10, s19, s7, $0xb8;
	[tilespmem:$0xAA00] =	vst v63  }
0x3f9: {  	s18 =	simm.s32 $0x700;
	s15 =	simm.s32 $0x7A00  }
0x3fa: {  	[tilespmem:s15], [sflag:$0x1] =	stream.indirect.gather [hbm4b:s5+s7], $0x10, s18, s7, $0xb8;
	[tilespmem:$0xAA00] =	vst v63  }
0x3fb: {  	s13 =	simm.s32 $0x780;
	s18 =	simm.s32 $0x8200  }
0x3fc: {  	[tilespmem:s18], [sflag:$0x1] =	stream.indirect.gather [hbm4b:s5+s7], $0x10, s13, s7, $0xb8;
	[tilespmem:$0xAA00] =	vst v63  }
0x3fd: {  	s0 =	simm.s32 $0x8A00;
	s13 =	simm.s32 $0x800  }
0x3fe: {  	[tilespmem:s0], [sflag:$0x1] =	stream.indirect.gather [hbm4b:s5+s7], $0x10, s13, s7, $0xb8;
	[tilespmem:$0xAA00] =	vst v63  }
0x3ff: {  	s12 =	simm.s32 $0x9200;
	s10 =	simm.s32 $0x880  }
0x400: {  	[tilespmem:s12], [sflag:$0x1] =	stream.indirect.gather [hbm4b:s5+s7], $0x10, s10, s7, $0xb8;
	[tilespmem:$0xAA00] =	vst v63  }
0x401: {  	s25 =	simm.s32 $0x9A00;
	s17 =	simm.s32 $0x900  }
0x402: {  	[tilespmem:s25], [sflag:$0x1] =	stream.indirect.gather [hbm4b:s5+s7], $0x10, s17, s7, $0xb8;
	[tilespmem:$0xAA00] =	vst v63  }
0x403: {  	s14 =	simm.s32 $0x980;
	s16 =	simm.s32 $0xA200  }
0x404: {  	[tilespmem:s16], [sflag:$0x1] =	stream.indirect.gather [hbm4b:s5+s7], $0x10, s14, s7, $0xb8;
	[tilespmem:$0xAA00] =	vst v63  }
0x405: {  	_ =	swait.ge [sflag:s6], $0x800  }
0x406: {  	[sflag:s6] =	ssyncset.done $0x0  }
0x407: {  	[sflag:s6] =	ssyncadd.s32 $0xFFFFF800  }
0x408: {  	_ =	swait.ge [sflag:s6], $0x800  }
0x409: {  	[sflag:s6] =	ssyncset.done $0x0  }
0x40a: {  	[sflag:s6] =	ssyncadd.s32 $0xFFFFF800  }
0x40b: {  	_ =	swait.ge [sflag:s6], $0x800  }
0x40c: {  	[sflag:s6] =	ssyncset.done $0x0  }
0x40d: {  	[sflag:s6] =	ssyncadd.s32 $0xFFFFF800  }
0x40e: {  	_ =	swait.ge [sflag:s6], $0x800  }
0x40f: {  	[sflag:s6] =	ssyncset.done $0x0  }
0x410: {  	[sflag:s6] =	ssyncadd.s32 $0xFFFFF800  }
0x411: {  	_ =	swait.ge [sflag:s6], $0x800  }
0x412: {  	[sflag:s6] =	ssyncset.done $0x0  }
0x413: {  	[sflag:s6] =	ssyncadd.s32 $0xFFFFF800  }
0x414: {  	_ =	swait.ge [sflag:s6], $0x800  }
0x415: {  	[sflag:s6] =	ssyncset.done $0x0  }
0x416: {  	[sflag:s6] =	ssyncadd.s32 $0xFFFFF800  }
0x417: {  	_ =	swait.ge [sflag:s6], $0x800  }
0x418: {  	[sflag:s6] =	ssyncset.done $0x0  }
0x419: {  	[sflag:s6] =	ssyncadd.s32 $0xFFFFF800  }
0x41a: {  	_ =	swait.ge [sflag:s6], $0x800  }
0x41b: {  	[sflag:s6] =	ssyncset.done $0x0  }
0x41c: {  	[sflag:s6] =	ssyncadd.s32 $0xFFFFF800  }
0x41d: {  	_ =	swait.ge [sflag:s6], $0x800  }
0x41e: {  	[sflag:s6] =	ssyncset.done $0x0  }
0x41f: {  	[sflag:s6] =	ssyncadd.s32 $0xFFFFF800  }
0x420: {  	_ =	swait.ge [sflag:s6], $0x800  }
0x421: {  	[sflag:s6] =	ssyncset.done $0x0  }
0x422: {  	[sflag:s6] =	ssyncadd.s32 $0xFFFFF800  }
0x423: {  	_ =	swait.ge [sflag:s6], $0x800  }
0x424: {  	[sflag:s6] =	ssyncset.done $0x0  }
0x425: {  	[sflag:s6] =	ssyncadd.s32 $0xFFFFF800  }
0x426: {  	_ =	swait.ge [sflag:s6], $0x800  }
0x427: {  	[sflag:s6] =	ssyncset.done $0x0  }
0x428: {  	[sflag:s6] =	ssyncadd.s32 $0xFFFFF800  }
0x429: {  	_ =	swait.ge [sflag:s6], $0x800  }
0x42a: {  	[sflag:s6] =	ssyncset.done $0x0  }
0x42b: {  	[sflag:s6] =	ssyncadd.s32 $0xFFFFF800  }
0x42c: {  	_ =	swait.ge [sflag:s6], $0x800  }
0x42d: {  	[sflag:s6] =	ssyncset.done $0x0  }
0x42e: {  	[sflag:s6] =	ssyncadd.s32 $0xFFFFF800  }
0x42f: {  	_ =	swait.ge [sflag:s6], $0x800  }
0x430: {  	[sflag:s6] =	ssyncset.done $0x0  }
0x431: {  	[sflag:s6] =	ssyncadd.s32 $0xFFFFF800  }
0x432: {  	_ =	swait.ge [sflag:s6], $0x800  }
0x433: {  	[sflag:s6] =	ssyncset.done $0x0  }
0x434: {  	[sflag:s6] =	ssyncadd.s32 $0xFFFFF800  }
0x435: {  	_ =	swait.ge [sflag:s6], $0x800  }
0x436: {  	[sflag:s6] =	ssyncset.done $0x0  }
0x437: {  	[sflag:s6] =	ssyncadd.s32 $0xFFFFF800  }
0x438: {  	_ =	swait.ge [sflag:s6], $0x800  }
0x439: {  	[sflag:s6] =	ssyncset.done $0x0  }
0x43a: {  	[sflag:s6] =	ssyncadd.s32 $0xFFFFF800  }
0x43b: {  	_ =	swait.ge [sflag:s6], $0x800  }
0x43c: {  	[sflag:s6] =	ssyncset.done $0x0  }
0x43d: {  	[sflag:s6] =	ssyncadd.s32 $0xFFFFF800  }
0x43e: {  	_ =	swait.ge [sflag:s6], $0x800  }
0x43f: {  	[sflag:s6] =	ssyncset.done $0x0  }
0x440: {  	s9 =	rddreg [dreg:$0x6];
	[sflag:s6] =	ssyncadd.s32 $0xFFFFF800  }
0x441: {  	[hbm4b:s9+s2] =	stream.linear.scatter [tilespmem:s4], [sflag:$0x2], $0xA000, $0x38;
	[tilespmem:$0xAA00] =	vst v63  }
0x442: {  	_ =	swait.ge [sflag:s3], $0xA000  }
0x443: {  	[sflag:s3] =	ssyncset.done $0x0  }
0x444: {  	s14 =	rddreg [dreg:$0x7];
	[sflag:s3] =	ssyncadd.s32 $0xFFFF6000  }
0x445: {  	[tilespmem:s2], [sflag:$0x2] =	stream.linear.gather [hbm4b:s14+s2], $0xA00, $0x38;
	[tilespmem:$0xAA00] =	vst v63  }
0x446: {  	_ =	swait.ge [sflag:s3], $0xA00  }
0x447: {  	[sflag:s3] =	ssyncset.done $0x0  }
0x448: {  	[sflag:s3] =	ssyncadd.s32 $0xFFFFF600  }
0x449: {  	[tilespmem:s4], [sflag:$0x1] =	stream.indirect.gather [hbm4b:s5+s7], $0x10, s2, s7, $0xb8;
	[tilespmem:$0xAA00] =	vst v63  }
0x44a: {  	_ = 	snop  }
0x44b: {  	[tilespmem:s8], [sflag:$0x1] =	stream.indirect.gather [hbm4b:s5+s7], $0x10, s7, s7, $0xb8;
	[tilespmem:$0xAA00] =	vst v63  }
0x44c: {  	s30 =	simm.s32 $0x1A00  }
0x44d: {  	[tilespmem:s30], [sflag:$0x1] =	stream.indirect.gather [hbm4b:s5+s7], $0x10, s1, s7, $0xb8;
	[tilespmem:$0xAA00] =	vst v63  }
0x44e: {  	s8 =	simm.s32 $0x2200;
	s1 =	simm.s32 $0x180  }
0x44f: {  	[tilespmem:s8], [sflag:$0x1] =	stream.indirect.gather [hbm4b:s5+s7], $0x10, s1, s7, $0xb8;
	[tilespmem:$0xAA00] =	vst v63  }
0x450: {  	s14 =	simm.s32 $0x200;
	s30 =	simm.s32 $0x2A00  }
0x451: {  	[tilespmem:s30], [sflag:$0x1] =	stream.indirect.gather [hbm4b:s5+s7], $0x10, s14, s7, $0xb8;
	[tilespmem:$0xAA00] =	vst v63  }
0x452: {  	s20 =	simm.s32 $0x3200;
	s9 =	simm.s32 $0x280  }
0x453: {  	[tilespmem:s20], [sflag:$0x1] =	stream.indirect.gather [hbm4b:s5+s7], $0x10, s9, s7, $0xb8;
	[tilespmem:$0xAA00] =	vst v63  }
0x454: {  	s29 =	simm.s32 $0x300;
	s20 =	simm.s32 $0x3A00  }
0x455: {  	[tilespmem:s20], [sflag:$0x1] =	stream.indirect.gather [hbm4b:s5+s7], $0x10, s29, s7, $0xb8;
	[tilespmem:$0xAA00] =	vst v63  }
0x456: {  	s31 =	simm.s32 $0x4200;
	s26 =	simm.s32 $0x380  }
0x457: {  	[tilespmem:s31], [sflag:$0x1] =	stream.indirect.gather [hbm4b:s5+s7], $0x10, s26, s7, $0xb8;
	[tilespmem:$0xAA00] =	vst v63  }
0x458: {  	s28 =	simm.s32 $0x4A00;
	s24 =	simm.s32 $0x400  }
0x459: {  	[tilespmem:s28], [sflag:$0x1] =	stream.indirect.gather [hbm4b:s5+s7], $0x10, s24, s7, $0xb8;
	[tilespmem:$0xAA00] =	vst v63  }
0x45a: {  	s22 =	simm.s32 $0x5200;
	s9 =	simm.s32 $0x480  }
0x45b: {  	[tilespmem:s22], [sflag:$0x1] =	stream.indirect.gather [hbm4b:s5+s7], $0x10, s9, s7, $0xb8;
	[tilespmem:$0xAA00] =	vst v63  }
0x45c: {  	s23 =	simm.s32 $0x5A00;
	s20 =	simm.s32 $0x500  }
0x45d: {  	[tilespmem:s23], [sflag:$0x1] =	stream.indirect.gather [hbm4b:s5+s7], $0x10, s20, s7, $0xb8;
	[tilespmem:$0xAA00] =	vst v63  }
0x45e: {  	s22 =	simm.s32 $0x6200;
	s23 =	simm.s32 $0x580  }
0x45f: {  	[tilespmem:s22], [sflag:$0x1] =	stream.indirect.gather [hbm4b:s5+s7], $0x10, s23, s7, $0xb8;
	[tilespmem:$0xAA00] =	vst v63  }
0x460: {  	s11 =	simm.s32 $0x6A00;
	s9 =	simm.s32 $0x600  }
0x461: {  	[tilespmem:s11], [sflag:$0x1] =	stream.indirect.gather [hbm4b:s5+s7], $0x10, s9, s7, $0xb8;
	[tilespmem:$0xAA00] =	vst v63  }
0x462: {  	s21 =	simm.s32 $0x680;
	s11 =	simm.s32 $0x7200  }
0x463: {  	[tilespmem:s11], [sflag:$0x1] =	stream.indirect.gather [hbm4b:s5+s7], $0x10, s21, s7, $0xb8;
	[tilespmem:$0xAA00] =	vst v63  }
0x464: {  	s20 =	simm.s32 $0x700  }
0x465: {  	[tilespmem:s15], [sflag:$0x1] =	stream.indirect.gather [hbm4b:s5+s7], $0x10, s20, s7, $0xb8;
	[tilespmem:$0xAA00] =	vst v63  }
0x466: {  	s19 =	simm.s32 $0x780  }
0x467: {  	[tilespmem:s18], [sflag:$0x1] =	stream.indirect.gather [hbm4b:s5+s7], $0x10, s19, s7, $0xb8;
	[tilespmem:$0xAA00] =	vst v63  }
0x468: {  	_ = 	snop  }
0x469: {  	[tilespmem:s0], [sflag:$0x1] =	stream.indirect.gather [hbm4b:s5+s7], $0x10, s13, s7, $0xb8;
	[tilespmem:$0xAA00] =	vst v63  }
0x46a: {  	_ = 	snop  }
0x46b: {  	[tilespmem:s12], [sflag:$0x1] =	stream.indirect.gather [hbm4b:s5+s7], $0x10, s10, s7, $0xb8;
	[tilespmem:$0xAA00] =	vst v63  }
0x46c: {  	_ = 	snop  }
0x46d: {  	[tilespmem:s25], [sflag:$0x1] =	stream.indirect.gather [hbm4b:s5+s7], $0x10, s17, s7, $0xb8;
	[tilespmem:$0xAA00] =	vst v63  }
0x46e: {  	s16 =	simm.s32 $0x980;
	s25 =	simm.s32 $0xA200  }
0x46f: {  	[tilespmem:s25], [sflag:$0x1] =	stream.indirect.gather [hbm4b:s5+s7], $0x10, s16, s7, $0xb8;
	[tilespmem:$0xAA00] =	vst v63  }
0x470: {  	_ =	swait.ge [sflag:s6], $0x800  }
0x471: {  	[sflag:s6] =	ssyncset.done $0x0  }
0x472: {  	[sflag:s6] =	ssyncadd.s32 $0xFFFFF800  }
0x473: {  	_ =	swait.ge [sflag:s6], $0x800  }
0x474: {  	[sflag:s6] =	ssyncset.done $0x0  }
0x475: {  	[sflag:s6] =	ssyncadd.s32 $0xFFFFF800  }
0x476: {  	_ =	swait.ge [sflag:s6], $0x800  }
0x477: {  	[sflag:s6] =	ssyncset.done $0x0  }
0x478: {  	[sflag:s6] =	ssyncadd.s32 $0xFFFFF800  }
0x479: {  	_ =	swait.ge [sflag:s6], $0x800  }
0x47a: {  	[sflag:s6] =	ssyncset.done $0x0  }
0x47b: {  	[sflag:s6] =	ssyncadd.s32 $0xFFFFF800  }
0x47c: {  	_ =	swait.ge [sflag:s6], $0x800  }
0x47d: {  	[sflag:s6] =	ssyncset.done $0x0  }
0x47e: {  	[sflag:s6] =	ssyncadd.s32 $0xFFFFF800  }
0x47f: {  	_ =	swait.ge [sflag:s6], $0x800  }
0x480: {  	[sflag:s6] =	ssyncset.done $0x0  }
0x481: {  	[sflag:s6] =	ssyncadd.s32 $0xFFFFF800  }
0x482: {  	_ =	swait.ge [sflag:s6], $0x800  }
0x483: {  	[sflag:s6] =	ssyncset.done $0x0  }
0x484: {  	[sflag:s6] =	ssyncadd.s32 $0xFFFFF800  }
0x485: {  	_ =	swait.ge [sflag:s6], $0x800  }
0x486: {  	[sflag:s6] =	ssyncset.done $0x0  }
0x487: {  	[sflag:s6] =	ssyncadd.s32 $0xFFFFF800  }
0x488: {  	_ =	swait.ge [sflag:s6], $0x800  }
0x489: {  	[sflag:s6] =	ssyncset.done $0x0  }
0x48a: {  	[sflag:s6] =	ssyncadd.s32 $0xFFFFF800  }
0x48b: {  	_ =	swait.ge [sflag:s6], $0x800  }
0x48c: {  	[sflag:s6] =	ssyncset.done $0x0  }
0x48d: {  	[sflag:s6] =	ssyncadd.s32 $0xFFFFF800  }
0x48e: {  	_ =	swait.ge [sflag:s6], $0x800  }
0x48f: {  	[sflag:s6] =	ssyncset.done $0x0  }
0x490: {  	[sflag:s6] =	ssyncadd.s32 $0xFFFFF800  }
0x491: {  	_ =	swait.ge [sflag:s6], $0x800  }
0x492: {  	[sflag:s6] =	ssyncset.done $0x0  }
0x493: {  	[sflag:s6] =	ssyncadd.s32 $0xFFFFF800  }
0x494: {  	_ =	swait.ge [sflag:s6], $0x800  }
0x495: {  	[sflag:s6] =	ssyncset.done $0x0  }
0x496: {  	[sflag:s6] =	ssyncadd.s32 $0xFFFFF800  }
0x497: {  	_ =	swait.ge [sflag:s6], $0x800  }
0x498: {  	[sflag:s6] =	ssyncset.done $0x0  }
0x499: {  	[sflag:s6] =	ssyncadd.s32 $0xFFFFF800  }
0x49a: {  	_ =	swait.ge [sflag:s6], $0x800  }
0x49b: {  	[sflag:s6] =	ssyncset.done $0x0  }
0x49c: {  	[sflag:s6] =	ssyncadd.s32 $0xFFFFF800  }
0x49d: {  	_ =	swait.ge [sflag:s6], $0x800  }
0x49e: {  	[sflag:s6] =	ssyncset.done $0x0  }
0x49f: {  	[sflag:s6] =	ssyncadd.s32 $0xFFFFF800  }
0x4a0: {  	_ =	swait.ge [sflag:s6], $0x800  }
0x4a1: {  	[sflag:s6] =	ssyncset.done $0x0  }
0x4a2: {  	[sflag:s6] =	ssyncadd.s32 $0xFFFFF800  }
0x4a3: {  	_ =	swait.ge [sflag:s6], $0x800  }
0x4a4: {  	[sflag:s6] =	ssyncset.done $0x0  }
0x4a5: {  	[sflag:s6] =	ssyncadd.s32 $0xFFFFF800  }
0x4a6: {  	_ =	swait.ge [sflag:s6], $0x800  }
0x4a7: {  	[sflag:s6] =	ssyncset.done $0x0  }
0x4a8: {  	[sflag:s6] =	ssyncadd.s32 $0xFFFFF800  }
0x4a9: {  	_ =	swait.ge [sflag:s6], $0x800  }
0x4aa: {  	[sflag:s6] =	ssyncset.done $0x0  }
0x4ab: {  	s10 =	rddreg [dreg:$0x8];
	[sflag:s6] =	ssyncadd.s32 $0xFFFFF800  }
0x4ac: {  	[hbm4b:s10+s2] =	stream.linear.scatter [tilespmem:s4], [sflag:$0x2], $0xA000, $0x38;
	[tilespmem:$0xAA00] =	vst v63  }
0x4ad: {  	_ =	swait.ge [sflag:s3], $0xA000  }
0x4ae: {  	[sflag:s3] =	ssyncset.done $0x0  }
0x4af: {  	s10 =	rddreg [dreg:$0x9];
	[sflag:s3] =	ssyncadd.s32 $0xFFFF6000  }
0x4b0: {  	[tilespmem:s2], [sflag:$0x2] =	stream.linear.gather [hbm4b:s10+s2], $0xA00, $0x38;
	[tilespmem:$0xAA00] =	vst v63  }
0x4b1: {  	_ =	swait.ge [sflag:s3], $0xA00  }
0x4b2: {  	[sflag:s3] =	ssyncset.done $0x0  }
0x4b3: {  	[sflag:s3] =	ssyncadd.s32 $0xFFFFF600  }
0x4b4: {  	[tilespmem:s4], [sflag:$0x1] =	stream.indirect.gather [hbm4b:s5+s7], $0x10, s2, s7, $0xb8;
	[tilespmem:$0xAA00] =	vst v63  }
0x4b5: {  	s10 =	simm.s32 $0x1200  }
0x4b6: {  	[tilespmem:s10], [sflag:$0x1] =	stream.indirect.gather [hbm4b:s5+s7], $0x10, s7, s7, $0xb8;
	[tilespmem:$0xAA00] =	vst v63  }
0x4b7: {  	s20 =	simm.s32 $0x1A00;
	s10 =	simm.s32 $0x100  }
0x4b8: {  	[tilespmem:s20], [sflag:$0x1] =	stream.indirect.gather [hbm4b:s5+s7], $0x10, s10, s7, $0xb8;
	[tilespmem:$0xAA00] =	vst v63  }
0x4b9: {  	s20 =	simm.s32 $0x2200  }
0x4ba: {  	[tilespmem:s20], [sflag:$0x1] =	stream.indirect.gather [hbm4b:s5+s7], $0x10, s1, s7, $0xb8;
	[tilespmem:$0xAA00] =	vst v63  }
0x4bb: {  	_ = 	snop  }
0x4bc: {  	[tilespmem:s30], [sflag:$0x1] =	stream.indirect.gather [hbm4b:s5+s7], $0x10, s14, s7, $0xb8;
	[tilespmem:$0xAA00] =	vst v63  }
0x4bd: {  	s10 =	simm.s32 $0x3200;
	s14 =	simm.s32 $0x280  }
0x4be: {  	[tilespmem:s10], [sflag:$0x1] =	stream.indirect.gather [hbm4b:s5+s7], $0x10, s14, s7, $0xb8;
	[tilespmem:$0xAA00] =	vst v63  }
0x4bf: {  	s20 =	simm.s32 $0x300;
	s30 =	simm.s32 $0x3A00  }
0x4c0: {  	[tilespmem:s30], [sflag:$0x1] =	stream.indirect.gather [hbm4b:s5+s7], $0x10, s20, s7, $0xb8;
	[tilespmem:$0xAA00] =	vst v63  }
0x4c1: {  	s29 =	simm.s32 $0x4200;
	s10 =	simm.s32 $0x380  }
0x4c2: {  	[tilespmem:s29], [sflag:$0x1] =	stream.indirect.gather [hbm4b:s5+s7], $0x10, s10, s7, $0xb8;
	[tilespmem:$0xAA00] =	vst v63  }
0x4c3: {  	s31 =	simm.s32 $0x4A00;
	s14 =	simm.s32 $0x400  }
0x4c4: {  	[tilespmem:s31], [sflag:$0x1] =	stream.indirect.gather [hbm4b:s5+s7], $0x10, s14, s7, $0xb8;
	[tilespmem:$0xAA00] =	vst v63  }
0x4c5: {  	s26 =	simm.s32 $0x480;
	s20 =	simm.s32 $0x5200  }
0x4c6: {  	[tilespmem:s20], [sflag:$0x1] =	stream.indirect.gather [hbm4b:s5+s7], $0x10, s26, s7, $0xb8;
	[tilespmem:$0xAA00] =	vst v63  }
0x4c7: {  	s24 =	simm.s32 $0x500;
	s28 =	simm.s32 $0x5A00  }
0x4c8: {  	[tilespmem:s28], [sflag:$0x1] =	stream.indirect.gather [hbm4b:s5+s7], $0x10, s24, s7, $0xb8;
	[tilespmem:$0xAA00] =	vst v63  }
0x4c9: {  	s22 =	simm.s32 $0x580;
	s23 =	simm.s32 $0x6200  }
0x4ca: {  	[tilespmem:s23], [sflag:$0x1] =	stream.indirect.gather [hbm4b:s5+s7], $0x10, s22, s7, $0xb8;
	[tilespmem:$0xAA00] =	vst v63  }
0x4cb: {  	s9 =	simm.s32 $0x600;
	s26 =	simm.s32 $0x6A00  }
0x4cc: {  	[tilespmem:s26], [sflag:$0x1] =	stream.indirect.gather [hbm4b:s5+s7], $0x10, s9, s7, $0xb8;
	[tilespmem:$0xAA00] =	vst v63  }
0x4cd: {  	s21 =	simm.s32 $0x680;
	s11 =	simm.s32 $0x7200  }
0x4ce: {  	[tilespmem:s11], [sflag:$0x1] =	stream.indirect.gather [hbm4b:s5+s7], $0x10, s21, s7, $0xb8;
	[tilespmem:$0xAA00] =	vst v63  }
0x4cf: {  	s8 =	simm.s32 $0x700;
	s28 =	simm.s32 $0x7A00  }
0x4d0: {  	[tilespmem:s28], [sflag:$0x1] =	stream.indirect.gather [hbm4b:s5+s7], $0x10, s8, s7, $0xb8;
	[tilespmem:$0xAA00] =	vst v63  }
0x4d1: {  	s19 =	simm.s32 $0x780;
	s18 =	simm.s32 $0x8200  }
0x4d2: {  	[tilespmem:s18], [sflag:$0x1] =	stream.indirect.gather [hbm4b:s5+s7], $0x10, s19, s7, $0xb8;
	[tilespmem:$0xAA00] =	vst v63  }
0x4d3: {  	s15 =	simm.s32 $0x800;
	s13 =	simm.s32 $0x8A00  }
0x4d4: {  	[tilespmem:s13], [sflag:$0x1] =	stream.indirect.gather [hbm4b:s5+s7], $0x10, s15, s7, $0xb8;
	[tilespmem:$0xAA00] =	vst v63  }
0x4d5: {  	s0 =	simm.s32 $0x880;
	s29 =	simm.s32 $0x9200  }
0x4d6: {  	[tilespmem:s29], [sflag:$0x1] =	stream.indirect.gather [hbm4b:s5+s7], $0x10, s0, s7, $0xb8;
	[tilespmem:$0xAA00] =	vst v63  }
0x4d7: {  	s12 =	simm.s32 $0x900;
	s17 =	simm.s32 $0x9A00  }
0x4d8: {  	[tilespmem:s17], [sflag:$0x1] =	stream.indirect.gather [hbm4b:s5+s7], $0x10, s12, s7, $0xb8;
	[tilespmem:$0xAA00] =	vst v63  }
0x4d9: {  	s16 =	simm.s32 $0x980  }
0x4da: {  	[tilespmem:s25], [sflag:$0x1] =	stream.indirect.gather [hbm4b:s5+s7], $0x10, s16, s7, $0xb8;
	[tilespmem:$0xAA00] =	vst v63  }
0x4db: {  	_ =	swait.ge [sflag:s6], $0x800  }
0x4dc: {  	[sflag:s6] =	ssyncset.done $0x0  }
0x4dd: {  	[sflag:s6] =	ssyncadd.s32 $0xFFFFF800  }
0x4de: {  	_ =	swait.ge [sflag:s6], $0x800  }
0x4df: {  	[sflag:s6] =	ssyncset.done $0x0  }
0x4e0: {  	[sflag:s6] =	ssyncadd.s32 $0xFFFFF800  }
0x4e1: {  	_ =	swait.ge [sflag:s6], $0x800  }
0x4e2: {  	[sflag:s6] =	ssyncset.done $0x0  }
0x4e3: {  	[sflag:s6] =	ssyncadd.s32 $0xFFFFF800  }
0x4e4: {  	_ =	swait.ge [sflag:s6], $0x800  }
0x4e5: {  	[sflag:s6] =	ssyncset.done $0x0  }
0x4e6: {  	[sflag:s6] =	ssyncadd.s32 $0xFFFFF800  }
0x4e7: {  	_ =	swait.ge [sflag:s6], $0x800  }
0x4e8: {  	[sflag:s6] =	ssyncset.done $0x0  }
0x4e9: {  	[sflag:s6] =	ssyncadd.s32 $0xFFFFF800  }
0x4ea: {  	_ =	swait.ge [sflag:s6], $0x800  }
0x4eb: {  	[sflag:s6] =	ssyncset.done $0x0  }
0x4ec: {  	[sflag:s6] =	ssyncadd.s32 $0xFFFFF800  }
0x4ed: {  	_ =	swait.ge [sflag:s6], $0x800  }
0x4ee: {  	[sflag:s6] =	ssyncset.done $0x0  }
0x4ef: {  	[sflag:s6] =	ssyncadd.s32 $0xFFFFF800  }
0x4f0: {  	_ =	swait.ge [sflag:s6], $0x800  }
0x4f1: {  	[sflag:s6] =	ssyncset.done $0x0  }
0x4f2: {  	[sflag:s6] =	ssyncadd.s32 $0xFFFFF800  }
0x4f3: {  	_ =	swait.ge [sflag:s6], $0x800  }
0x4f4: {  	[sflag:s6] =	ssyncset.done $0x0  }
0x4f5: {  	[sflag:s6] =	ssyncadd.s32 $0xFFFFF800  }
0x4f6: {  	_ =	swait.ge [sflag:s6], $0x800  }
0x4f7: {  	[sflag:s6] =	ssyncset.done $0x0  }
0x4f8: {  	[sflag:s6] =	ssyncadd.s32 $0xFFFFF800  }
0x4f9: {  	_ =	swait.ge [sflag:s6], $0x800  }
0x4fa: {  	[sflag:s6] =	ssyncset.done $0x0  }
0x4fb: {  	[sflag:s6] =	ssyncadd.s32 $0xFFFFF800  }
0x4fc: {  	_ =	swait.ge [sflag:s6], $0x800  }
0x4fd: {  	[sflag:s6] =	ssyncset.done $0x0  }
0x4fe: {  	[sflag:s6] =	ssyncadd.s32 $0xFFFFF800  }
0x4ff: {  	_ =	swait.ge [sflag:s6], $0x800  }
0x500: {  	[sflag:s6] =	ssyncset.done $0x0  }
0x501: {  	[sflag:s6] =	ssyncadd.s32 $0xFFFFF800  }
0x502: {  	_ =	swait.ge [sflag:s6], $0x800  }
0x503: {  	[sflag:s6] =	ssyncset.done $0x0  }
0x504: {  	[sflag:s6] =	ssyncadd.s32 $0xFFFFF800  }
0x505: {  	_ =	swait.ge [sflag:s6], $0x800  }
0x506: {  	[sflag:s6] =	ssyncset.done $0x0  }
0x507: {  	[sflag:s6] =	ssyncadd.s32 $0xFFFFF800  }
0x508: {  	_ =	swait.ge [sflag:s6], $0x800  }
0x509: {  	[sflag:s6] =	ssyncset.done $0x0  }
0x50a: {  	[sflag:s6] =	ssyncadd.s32 $0xFFFFF800  }
0x50b: {  	_ =	swait.ge [sflag:s6], $0x800  }
0x50c: {  	[sflag:s6] =	ssyncset.done $0x0  }
0x50d: {  	[sflag:s6] =	ssyncadd.s32 $0xFFFFF800  }
0x50e: {  	_ =	swait.ge [sflag:s6], $0x800  }
0x50f: {  	[sflag:s6] =	ssyncset.done $0x0  }
0x510: {  	[sflag:s6] =	ssyncadd.s32 $0xFFFFF800  }
0x511: {  	_ =	swait.ge [sflag:s6], $0x800  }
0x512: {  	[sflag:s6] =	ssyncset.done $0x0  }
0x513: {  	[sflag:s6] =	ssyncadd.s32 $0xFFFFF800  }
0x514: {  	_ =	swait.ge [sflag:s6], $0x800  }
0x515: {  	[sflag:s6] =	ssyncset.done $0x0  }
0x516: {  	s30 =	rddreg [dreg:$0xa];
	[sflag:s6] =	ssyncadd.s32 $0xFFFFF800  }
0x517: {  	[hbm4b:s30+s2] =	stream.linear.scatter [tilespmem:s4], [sflag:$0x2], $0xA000, $0x38;
	[tilespmem:$0xAA00] =	vst v63  }
0x518: {  	_ =	swait.ge [sflag:s3], $0xA000  }
0x519: {  	[sflag:s3] =	ssyncset.done $0x0  }
0x51a: {  	[sflag:s3] =	ssyncadd.s32 $0xFFFF6000  }
0x51b: {  	_ =	sfence.sel $0x180000  }
0x51c: {  	[bflag:$0x0] =	sbarrier.arrive $0xFFFF  }
0x51d: {  	_ =	strace $0x90000047  }
0x51e: {  	s31 =	stileid.u32;
	[bflag:$0x2] =	sbarrier.arrive $0xFFFF  }
0x51f: {  	p0 =	sne.s32 s31, $0x0;
	s0 =	rddreg [dreg:$0x2]  }
0x520: {  	s0 =	sadd.s32 @!p0 $0x100000, s0  }
0x521: {  	[sflag:s0] =	ssyncadd.tile.s32 @!p0 $0x1;
	_ =	shalt  }
.Lfunc_end2:
_tile_overlayer_lowered:
.L_overlay_start_2:
0x522: {  	(tag) =	ssettag $0x2  }
0x523: {  	s0 =	rddreg [dreg:$0x0];
	s2 =	stileid.u32  }
0x524: {  	s1 =	rddreg [dreg:$0x1];
	p0 =	sne.s32 s2, $0x0  }
0x525: {  	s3 =	rddreg [dreg:$0x2];
	[bflag:$0x3] =	sbarrier.arrive $0xFFFF;
	s2 =	simm.s32 @!p0 $0x1C02  }
0x526: {  	[timem:s3], [sflag:s2] =	dma.local @!p0 [hbm:s0], s1  }
0x527: {  	s0 =	simm.s32 @!p0 $0x2  }
0x528: {  	_ =	swait.ge @!p0 [sflag:s0], s1  }
0x529: {  	s1 =	ssub.s32 @!p0 $0x0, s1;
	[sflag:s0] =	ssyncset.done @!p0 $0x0  }
0x52a: {  	[sflag:s0] =	ssyncadd.s32 @!p0 s1  }
0x52b: {  	[bflag:$0x3] =	sbarrier.arrive $0xFFFF  }
0x52c: {  	_ =	shalt  }

</sc_bundles>
